<compile_context>
chip_gen: v7x
topology: tpu7x:2x2x1
jax: 0.10.2.dev20260603
libtpu: 0.0.44.dev20260713+nightly
codegen_flags: <defaults>
</compile_context>

<pallas_src>
import jax
import jax.numpy as jnp
from jax import lax
from jax.experimental import pallas as pl
from jax.experimental.pallas import tpu as pltpu
from jax.experimental.pallas import tpu_sc as plsc

NBINS = 512
NCORES = 2
NSUB = 16
LANES = 16
NCLASS = 21
CPC = 11
HPP = 512 * 512
NIMG = 8
NPIX = NIMG * HPP
PIX_PER_TILE = NPIX // NSUB
CS = 16384
NCHUNK = PIX_PER_TILE // CS
HSZ = CPC * 2 * NBINS
CB = 2 * NBINS
NREP = 4


def _body(yp_hbm, lab_hbm, out_hbm, hist, labA, labB, pvA, pvB, comb, tmp,
          outv, shared, sem_l, sem_p):
    core = lax.axis_index("c")
    sub = lax.axis_index("s")

    zeros16 = jnp.zeros((LANES,), jnp.float32)
    ones16 = jnp.ones((LANES,), jnp.float32)
    iota16 = lax.iota(jnp.int32, LANES)

    def zero_hist(i, _):
        hist[pl.ds(i * LANES, LANES)] = zeros16
        return 0

    lax.fori_loop(0, NREP * HSZ // LANES, zero_hist, 0)

    laneoff = (iota16 & (NREP - 1)) * HSZ

    pixbase = sub * PIX_PER_TILE
    img = pixbase // HPP
    poff = pixbase - img * HPP

    def yp_off(j, c):
        return (img * NCLASS + c) * HPP + poff + j * CS

    pltpu.async_copy(lab_hbm.at[pl.ds(pixbase, CS)], labA, sem_l)
    c0 = core * CPC
    pltpu.async_copy(yp_hbm.at[pl.ds(yp_off(0, c0), CS)], pvA, sem_p)

    def chunk_pair(jj, _):
        j0 = jj * 2
        for dj in range(2):
            j = j0 + dj
            labcur, labnxt = (labA, labB) if dj == 0 else (labB, labA)
            pltpu.make_async_copy(
                lab_hbm.at[pl.ds(0, CS)], labcur, sem_l).wait()

            @pl.when(j + 1 < NCHUNK)
            def _issue_lab():
                pltpu.async_copy(
                    lab_hbm.at[pl.ds(pixbase + (j + 1) * CS, CS)],
                    labnxt, sem_l)

            for ci in range(CPC):
                cdyn = core * CPC + ci
                par = (dj * CPC + ci) % 2
                cur, nxt = (pvA, pvB) if par == 0 else (pvB, pvA)

                pltpu.make_async_copy(
                    yp_hbm.at[pl.ds(0, CS)], cur, sem_p).wait()

                if ci < CPC - 1:
                    cnxt = jnp.minimum(cdyn + 1, NCLASS - 1)
                    pltpu.async_copy(
                        yp_hbm.at[pl.ds(yp_off(j, cnxt), CS)], nxt, sem_p)
                else:
                    @pl.when(j + 1 < NCHUNK)
                    def _issue_yp():
                        pltpu.async_copy(
                            yp_hbm.at[pl.ds(yp_off(j + 1, c0), CS)],
                            nxt, sem_p)

                @pl.when(cdyn < NCLASS)
                def _process():
                    base_bg = ci * CB + laneoff
                    base_fg = base_bg + NBINS
                    scale = jnp.float32(NBINS - 1.0 / 64.0)

                    @plsc.parallel_loop(0, CS, LANES, unroll=16)
                    def _vbody(v):
                        p = cur[pl.ds(v, LANES)]
                        labs = labcur[pl.ds(v, LANES)]
                        k = (p * scale).astype(jnp.int32)
                        base = jnp.where(labs == cdyn, base_fg, base_bg)
                        plsc.addupdate_scatter(hist, [k + base], ones16)

        return 0

    lax.fori_loop(0, NCHUNK // 2, chunk_pair, 0)

    def fold_rep(i, _):
        s = i * LANES
        acc = hist[pl.ds(s, LANES)]
        for r in range(1, NREP):
            acc += hist[pl.ds(r * HSZ + s, LANES)]
        hist[pl.ds(s, LANES)] = acc
        return 0

    lax.fori_loop(0, HSZ // LANES, fold_rep, 0)

    pltpu.sync_copy(hist.at[pl.ds(0, HSZ)], shared.at[pl.ds(sub * HSZ, HSZ)])
    plsc.subcore_barrier()

    cmine = core * CPC + sub

    @pl.when(jnp.logical_and(sub < CPC, cmine < NCLASS))
    def _scan():
        def zero_comb(i, _):
            comb[pl.ds(i * LANES, LANES)] = zeros16
            return 0

        lax.fori_loop(0, CB // LANES, zero_comb, 0)

        def tile_sum(t, _):
            pltpu.sync_copy(shared.at[pl.ds(t * HSZ + sub * CB, CB)], tmp)

            def add1(i, _):
                comb[pl.ds(i * LANES, LANES)] += tmp[pl.ds(i * LANES, LANES)]
                return 0

            lax.fori_loop(0, CB // LANES, add1, 0)
            return 0

        lax.fori_loop(0, NSUB, tile_sum, 0)

        def gsum(i, acc):
            return acc + jnp.sum(comb[pl.ds(NBINS + i * LANES, LANES)])

        G = lax.fori_loop(0, NBINS // LANES, gsum, jnp.float32(0.0))

        lanes_f = iota16.astype(jnp.float32)

        def scan_body(i, carry):
            a0, b0, lv = carry
            base = i * LANES
            n1 = comb[pl.ds(NBINS + base, LANES)]
            rb = NBINS - base - LANES
            n0 = lax.rev(comb[pl.ds(rb, LANES)], (0,))
            a_incl = a0 + plsc.cumsum(n1)
            b_incl = b0 + plsc.cumsum(n0)
            a_excl = a_incl - n1
            b_excl = b_incl - n0
            j_incl = 1.0 - (G - a_incl) / jnp.maximum(G + b_incl, 1.0)
            j_excl = 1.0 - (G - a_excl) / jnp.maximum(G + b_excl, 1.0)
            kf = jnp.float32(base) + lanes_f
            center = 1.0 - (kf + 0.5) * jnp.float32(1.0 / NBINS)
            lv = lv + center * (j_incl - j_excl)
            return (a0 + jnp.sum(n1), b0 + jnp.sum(n0), lv)

        _, _, lv = lax.fori_loop(
            0, NBINS // LANES, scan_body,
            (jnp.float32(0.0), jnp.float32(0.0), zeros16))
        loss_c = jnp.sum(lv)
        outv[...] = jnp.where(iota16 == 0, loss_c,
                              jnp.where(iota16 == 1, G, 0.0))
        pltpu.sync_copy(outv, out_hbm.at[pl.ds(cmine * LANES, LANES)])


_sc_call = pl.kernel(
    _body,
    out_type=jax.ShapeDtypeStruct((NCLASS * LANES,), jnp.float32),
    mesh=plsc.VectorSubcoreMesh(core_axis_name="c", subcore_axis_name="s"),
    compiler_params=pltpu.CompilerParams(needs_layout_passes=False),
    scratch_types=[
        pltpu.VMEM((NREP * HSZ,), jnp.float32),
        pltpu.VMEM((CS,), jnp.int32),
        pltpu.VMEM((CS,), jnp.int32),
        pltpu.VMEM((CS,), jnp.float32),
        pltpu.VMEM((CS,), jnp.float32),
        pltpu.VMEM((CB,), jnp.float32),
        pltpu.VMEM((CB,), jnp.float32),
        pltpu.VMEM((LANES,), jnp.float32),
        pltpu.VMEM_SHARED((NSUB * HSZ,), jnp.float32),
        pltpu.SemaphoreType.DMA,
        pltpu.SemaphoreType.DMA,
    ],
)


def kernel(y_pred, targets):
    yp = y_pred.reshape(-1)
    lab = targets.reshape(-1)
    out = _sc_call(yp, lab).reshape(NCLASS, LANES)
    losses = out[:, 0]
    present = (out[:, 1] > 0).astype(jnp.float32)
    return jnp.sum(losses * present) / jnp.maximum(jnp.sum(present), 1.0)

# --- scband reference (transcript-rebuilt; emitter-appended) ---
"""Pipeline reference for scband-lovasz-softmax-89910845375215 (READ-ONLY COPY).

The authoritative reference and input builder live on the scoring server;
editing this copy changes nothing except your own understanding.
"""

import jax, jax.numpy as jnp
import numpy as np


def lovasz_grad(gt_sorted):
    # gt_sorted: float [P] of 0/1 ground-truth sorted by descending error
    gts = jnp.sum(gt_sorted)
    intersection = gts - jnp.cumsum(gt_sorted)
    union = gts + jnp.cumsum(1.0 - gt_sorted)
    jaccard = 1.0 - intersection / union
    # jaccard[1:p] = jaccard[1:p] - jaccard[0:-1]
    jaccard = jnp.concatenate([jaccard[:1], jaccard[1:] - jaccard[:-1]])
    return jaccard


def flatten_probas(probas, labels):
    # probas: [B, C, H, W] -> [B*H*W, C]; labels: [B, H, W] -> [B*H*W]
    B, C, H, W = probas.shape
    probas = jnp.transpose(probas, (0, 2, 3, 1)).reshape(-1, C)
    labels = labels.reshape(-1)
    return probas, labels


def lovasz_softmax_flat(probas, labels, classes='present'):
    C = probas.shape[1]
    losses = []
    present = []
    for c in range(C):
        fg = (labels == c).astype(probas.dtype)  # foreground for class c
        fg_sum = jnp.sum(fg)
        errors = jnp.abs(fg - probas[:, c])
        perm = jnp.argsort(-errors)  # descending sort of errors
        errors_sorted = errors[perm]
        fg_sorted = fg[perm]
        loss_c = jnp.dot(errors_sorted, lovasz_grad(fg_sorted))
        losses.append(loss_c)
        present.append((fg_sum > 0).astype(probas.dtype))
    losses = jnp.stack(losses)
    present = jnp.stack(present)
    if classes == 'present':
        # average only over classes present in the labels
        return jnp.sum(losses * present) / jnp.maximum(jnp.sum(present), 1.0)
    return jnp.mean(losses)


def setup_inputs(seed: int = 0) -> dict:
    key = jax.random.key(seed)
    k1, k2 = jax.random.split(key)
    B, C, H, W = 8, 21, 512, 512
    logits = jax.random.normal(k1, (B, C, H, W), dtype=jnp.float32)
    # lovasz_softmax expects class probabilities
    y_pred = jax.nn.softmax(logits, axis=1)
    targets = jax.random.randint(k2, (B, H, W), 0, C, dtype=jnp.int32)
    return {"y_pred": y_pred, "targets": targets}


def reference(y_pred, targets):
    probas, labels = flatten_probas(y_pred, targets)
    return lovasz_softmax_flat(probas, labels, classes='present')

if __name__ == "__main__":
    import jax
    _d = setup_inputs()
    print(jax.jit(kernel)(*tuple(_d.values())))

</pallas_src>

<mosaic_0001>
#map = affine_map<(d0, d1) -> (0)>
module attributes {stable_mosaic.version = 14 : i64} {
  func.func @_body(%arg0: i32, %arg1: i32, %arg2: memref<44040192xf32, #tpu.memory_space<hbm>>, %arg3: memref<2097152xi32, #tpu.memory_space<hbm>>, %arg4: memref<336xf32, #tpu.memory_space<hbm>>, %arg5: memref<45056xf32, #tpu.memory_space<vmem>>, %arg6: memref<16384xi32, #tpu.memory_space<vmem>>, %arg7: memref<16384xi32, #tpu.memory_space<vmem>>, %arg8: memref<16384xf32, #tpu.memory_space<vmem>>, %arg9: memref<16384xf32, #tpu.memory_space<vmem>>, %arg10: memref<1024xf32, #tpu.memory_space<vmem>>, %arg11: memref<1024xf32, #tpu.memory_space<vmem>>, %arg12: memref<16xf32, #tpu.memory_space<vmem>>, %arg13: memref<180224xf32, #tpu.memory_space<vmem_shared>>, %arg14: memref<!tpu.dma_semaphore, #tpu.memory_space<semaphore_mem>>, %arg15: memref<!tpu.dma_semaphore, #tpu.memory_space<semaphore_mem>>) attributes {dimension_semantics = [#tpu.dimension_semantics<core_parallel>, #tpu.dimension_semantics<subcore_parallel>], iteration_bounds = array<i64: 2, 16>, scalar_prefetch = 0 : i64, scratch_operands = 11 : i64, tpu.core_type = #tpu.core_type<sc_vector_subcore>, window_params = [{transform_indices = #map}, {transform_indices = #map}, {transform_indices = #map}]} {
    %broadcast_in_dim3A = arith.constant 0.000000e+00 : f32
    %broadcast_in_dim3A_0 = vector.broadcast %broadcast_in_dim3A : f32 to vector<16xf32>
    %broadcast_in_dim3A_1 = arith.constant 1.000000e+00 : f32
    %broadcast_in_dim3A_2 = vector.broadcast %broadcast_in_dim3A_1 : f32 to vector<16xf32>
    %iota3A = tpu.iota {dimensions = array<i32: 0>} : vector<16xi32>
    %scan3A = arith.constant 0 : i32
    %scan3A_3 = arith.constant 0 : i32
    %scan3A_4 = arith.constant 2816 : i32
    %scan3A_5 = arith.addi %scan3A_3, %scan3A_4 : i32
    %scan3A_6 = arith.constant 1 : i32
    %scan3A_7 = scf.for %scan3A_71 = %scan3A_3 to %scan3A_5 step %scan3A_6 iter_args(%scan3A_72 = %scan3A) -> (i32)  : i32 {
      %mul3A_73 = arith.constant 16 : i32
      %mul3A_74 = arith.muli %scan3A_71, %mul3A_73 : i32
      %swap3A = arith.index_cast %mul3A_74 : i32 to index
      %swap3A_75 = tpu.vector_load %arg5[%swap3A] {strides = array<i32>} : memref<45056xf32, #tpu.memory_space<vmem>>, vector<16xf32>,
      tpu.vector_store %arg5[%swap3A], %broadcast_in_dim3A_0 {strides = array<i32>} : memref<45056xf32, #tpu.memory_space<vmem>>, vector<16xf32>,
      %scan3A_76 = arith.constant 0 : i32
      scf.yield %scan3A_76 : i32
    }
    %scan3A_8 = arith.constant 2816 : i32
    %and3A = arith.constant 3 : i32
    %and3A_9 = vector.broadcast %and3A : i32 to vector<16xi32>
    %and3A_10 = arith.andi %iota3A, %and3A_9 : vector<16xi32>
    %mul3A = arith.constant 11264 : i32
    %mul3A_11 = vector.broadcast %mul3A : i32 to vector<16xi32>
    %mul3A_12 = arith.muli %and3A_10, %mul3A_11 : vector<16xi32>
    %mul3A_13 = arith.constant 131072 : i32
    %mul3A_14 = arith.muli %arg1, %mul3A_13 : i32
    %jit3A = arith.constant 262144 : i32
    %div3A = arith.divsi %mul3A_14, %jit3A : i32
    %sign3A = arith.constant 0 : i32
    %sign3A_15 = arith.cmpi sgt, %mul3A_14, %sign3A : i32
    %sign3A_16 = arith.extui %sign3A_15 : i1 to i32
    %sign3A_17 = arith.constant 0 : i32
    %sign3A_18 = arith.cmpi slt, %mul3A_14, %sign3A_17 : i32
    %sign3A_19 = arith.extui %sign3A_18 : i1 to i32
    %sign3A_20 = arith.subi %sign3A_16, %sign3A_19 : i32
    %sign3A_21 = arith.constant 0 : i32
    %sign3A_22 = arith.cmpi sgt, %jit3A, %sign3A_21 : i32
    %sign3A_23 = arith.extui %sign3A_22 : i1 to i32
    %sign3A_24 = arith.constant 0 : i32
    %sign3A_25 = arith.cmpi slt, %jit3A, %sign3A_24 : i32
    %sign3A_26 = arith.extui %sign3A_25 : i1 to i32
    %sign3A_27 = arith.subi %sign3A_23, %sign3A_26 : i32
    %ne3A = arith.cmpi ne, %sign3A_20, %sign3A_27 : i32
    %rem3A = arith.remsi %mul3A_14, %jit3A : i32
    %ne3A_28 = arith.constant 0 : i32
    %ne3A_29 = arith.cmpi ne, %rem3A, %ne3A_28 : i32
    %and3A_30 = arith.andi %ne3A, %ne3A_29 : i1
    %sub3A = arith.constant 1 : i32
    %sub3A_31 = arith.subi %div3A, %sub3A : i32
    %select_n3A = arith.select %and3A_30, %sub3A_31, %div3A : i32
    %mul3A_32 = arith.constant 262144 : i32
    %mul3A_33 = arith.muli %select_n3A, %mul3A_32 : i32
    %sub3A_34 = arith.subi %mul3A_14, %mul3A_33 : i32
    %dma_start3A = tpu.memref_slice %arg3[%mul3A_14] : memref<2097152xi32, #tpu.memory_space<hbm>> -> memref<16384xi32, #tpu.memory_space<hbm>>
    %dma_start3A_35 = tpu.memref_slice %arg3[%mul3A_14] : memref<2097152xi32, #tpu.memory_space<hbm>> -> memref<16384xi32, #tpu.memory_space<hbm>>
    tpu.enqueue_dma source(%dma_start3A_35 : memref<16384xi32, #tpu.memory_space<hbm>>) target(%arg6 : memref<16384xi32, #tpu.memory_space<vmem>>) target_semaphore(%arg14 : memref<!tpu.dma_semaphore, #tpu.memory_space<semaphore_mem>>)
    %mul3A_36 = arith.constant 11 : i32
    %mul3A_37 = arith.muli %arg0, %mul3A_36 : i32
    %mul3A_38 = arith.constant 21 : i32
    %mul3A_39 = arith.muli %select_n3A, %mul3A_38 : i32
    %add3A = arith.addi %mul3A_39, %mul3A_37 : i32
    %mul3A_40 = arith.constant 262144 : i32
    %mul3A_41 = arith.muli %add3A, %mul3A_40 : i32
    %add3A_42 = arith.addi %mul3A_41, %sub3A_34 : i32
    %add3A_43 = arith.constant 0 : i32
    %add3A_44 = arith.addi %add3A_42, %add3A_43 : i32
    %dma_start3A_45 = tpu.memref_slice %arg2[%add3A_44] : memref<44040192xf32, #tpu.memory_space<hbm>> -> memref<16384xf32, #tpu.memory_space<hbm>>
    %dma_start3A_46 = tpu.memref_slice %arg2[%add3A_44] : memref<44040192xf32, #tpu.memory_space<hbm>> -> memref<16384xf32, #tpu.memory_space<hbm>>
    tpu.enqueue_dma source(%dma_start3A_46 : memref<16384xf32, #tpu.memory_space<hbm>>) target(%arg8 : memref<16384xf32, #tpu.memory_space<vmem>>) target_semaphore(%arg15 : memref<!tpu.dma_semaphore, #tpu.memory_space<semaphore_mem>>)
    %scan3A_47 = arith.constant 0 : i32
    %scan3A_48 = arith.constant 0 : i32
    %scan3A_49 = arith.constant 4 : i32
    %scan3A_50 = arith.addi %scan3A_48, %scan3A_49 : i32
    %scan3A_51 = arith.constant 1 : i32
    %scan3A_52 = scf.for %scan3A_71 = %scan3A_48 to %scan3A_50 step %scan3A_51 iter_args(%scan3A_72 = %scan3A_47) -> (i32)  : i32 {
      %mul3A_73 = arith.constant 2 : i32
      %mul3A_74 = arith.muli %scan3A_71, %mul3A_73 : i32
      %add3A_75 = arith.constant 0 : i32
      %add3A_76 = arith.addi %mul3A_74, %add3A_75 : i32
      %dma_wait3A = arith.constant 0 : i32
      %dma_wait3A_77 = tpu.memref_slice %arg3[%dma_wait3A] : memref<2097152xi32, #tpu.memory_space<hbm>> -> memref<16384xi32, #tpu.memory_space<hbm>>
      %dma_wait3A_78 = arith.constant 0 : i32
      %dma_wait3A_79 = tpu.memref_slice %arg3[%dma_wait3A_78] : memref<2097152xi32, #tpu.memory_space<hbm>> -> memref<16384xi32, #tpu.memory_space<hbm>>
      tpu.wait_dma2 semaphore(%arg14 : memref<!tpu.dma_semaphore, #tpu.memory_space<semaphore_mem>>) src(%dma_wait3A_79 : memref<16384xi32, #tpu.memory_space<hbm>>) dst(%arg6 : memref<16384xi32, #tpu.memory_space<vmem>>)
      %add3A_80 = arith.constant 1 : i32
      %add3A_81 = arith.addi %add3A_76, %add3A_80 : i32
      %lt3A_82 = arith.constant 8 : i32
      %lt3A_83 = arith.cmpi slt, %add3A_81, %lt3A_82 : i32
      %convert_element_type3A_84 = arith.extui %lt3A_83 : i1 to i32
      %cond3A_85 = arith.constant 0 : i32
      %cond3A_86 = arith.cmpi ne, %convert_element_type3A_84, %cond3A_85 : i32
      scf.if %cond3A_86 {
        %add3A_700 = arith.constant 1 : i32
        %add3A_701 = arith.addi %add3A_76, %add3A_700 : i32
        %mul3A_702 = arith.constant 16384 : i32
        %mul3A_703 = arith.muli %add3A_701, %mul3A_702 : i32
        %add3A_704 = arith.addi %mul3A_14, %mul3A_703 : i32
        %dma_start3A_705 = tpu.memref_slice %arg3[%add3A_704] : memref<2097152xi32, #tpu.memory_space<hbm>> -> memref<16384xi32, #tpu.memory_space<hbm>>
        %dma_start3A_706 = tpu.memref_slice %arg3[%add3A_704] : memref<2097152xi32, #tpu.memory_space<hbm>> -> memref<16384xi32, #tpu.memory_space<hbm>>
        tpu.enqueue_dma source(%dma_start3A_706 : memref<16384xi32, #tpu.memory_space<hbm>>) target(%arg7 : memref<16384xi32, #tpu.memory_space<vmem>>) target_semaphore(%arg14 : memref<!tpu.dma_semaphore, #tpu.memory_space<semaphore_mem>>)
      } else {
      }
      %mul3A_87 = arith.constant 11 : i32
      %mul3A_88 = arith.muli %arg0, %mul3A_87 : i32
      %add3A_89 = arith.constant 0 : i32
      %add3A_90 = arith.addi %mul3A_88, %add3A_89 : i32
      %dma_wait3A_91 = arith.constant 0 : i32
      %dma_wait3A_92 = tpu.memref_slice %arg2[%dma_wait3A_91] : memref<44040192xf32, #tpu.memory_space<hbm>> -> memref<16384xf32, #tpu.memory_space<hbm>>
      %dma_wait3A_93 = arith.constant 0 : i32
      %dma_wait3A_94 = tpu.memref_slice %arg2[%dma_wait3A_93] : memref<44040192xf32, #tpu.memory_space<hbm>> -> memref<16384xf32, #tpu.memory_space<hbm>>
      tpu.wait_dma2 semaphore(%arg15 : memref<!tpu.dma_semaphore, #tpu.memory_space<semaphore_mem>>) src(%dma_wait3A_94 : memref<16384xf32, #tpu.memory_space<hbm>>) dst(%arg8 : memref<16384xf32, #tpu.memory_space<vmem>>)
      %add3A_95 = arith.constant 1 : i32
      %add3A_96 = arith.addi %add3A_90, %add3A_95 : i32
      %min3A = arith.constant 20 : i32
      %min3A_97 = arith.minsi %add3A_96, %min3A : i32
      %mul3A_98 = arith.constant 21 : i32
      %mul3A_99 = arith.muli %select_n3A, %mul3A_98 : i32
      %add3A_100 = arith.addi %mul3A_99, %min3A_97 : i32
      %mul3A_101 = arith.constant 262144 : i32
      %mul3A_102 = arith.muli %add3A_100, %mul3A_101 : i32
      %add3A_103 = arith.addi %mul3A_102, %sub3A_34 : i32
      %mul3A_104 = arith.constant 16384 : i32
      %mul3A_105 = arith.muli %add3A_76, %mul3A_104 : i32
      %add3A_106 = arith.addi %add3A_103, %mul3A_105 : i32
      %dma_start3A_107 = tpu.memref_slice %arg2[%add3A_106] : memref<44040192xf32, #tpu.memory_space<hbm>> -> memref<16384xf32, #tpu.memory_space<hbm>>
      %dma_start3A_108 = tpu.memref_slice %arg2[%add3A_106] : memref<44040192xf32, #tpu.memory_space<hbm>> -> memref<16384xf32, #tpu.memory_space<hbm>>
      tpu.enqueue_dma source(%dma_start3A_108 : memref<16384xf32, #tpu.memory_space<hbm>>) target(%arg9 : memref<16384xf32, #tpu.memory_space<vmem>>) target_semaphore(%arg15 : memref<!tpu.dma_semaphore, #tpu.memory_space<semaphore_mem>>)
      %lt3A_109 = arith.constant 21 : i32
      %lt3A_110 = arith.cmpi slt, %add3A_90, %lt3A_109 : i32
      %convert_element_type3A_111 = arith.extui %lt3A_110 : i1 to i32
      %cond3A_112 = arith.constant 0 : i32
      %cond3A_113 = arith.cmpi ne, %convert_element_type3A_111, %cond3A_112 : i32
      scf.if %cond3A_113 {
        %add3A_700 = arith.constant 0 : i32
        %add3A_701 = vector.broadcast %add3A_700 : i32 to vector<16xi32>
        %add3A_702 = arith.addi %add3A_701, %mul3A_12 : vector<16xi32>
        %add3A_703 = arith.constant 512 : i32
        %add3A_704 = vector.broadcast %add3A_703 : i32 to vector<16xi32>
        %add3A_705 = arith.addi %add3A_702, %add3A_704 : vector<16xi32>
        %parallel_loop3A = arith.constant 0 : i32
        %parallel_loop3A_706 = arith.constant 16384 : i32
        %parallel_loop3A_707 = arith.constant 16 : i32
        %parallel_loop3A_708 = arith.constant 511.984375 : f32
        scf.for %parallel_loop3A_709 = %parallel_loop3A to %parallel_loop3A_706 step %parallel_loop3A_707  : i32 {
          %parallel_loop3A_710 = arith.index_cast %parallel_loop3A_709 : i32 to index
          %parallel_loop3A_711 = tpu.vector_load %arg8[%parallel_loop3A_710] {strides = array<i32>} : memref<16384xf32, #tpu.memory_space<vmem>>, vector<16xf32>,
          %parallel_loop3A_712 = arith.index_cast %parallel_loop3A_709 : i32 to index
          %parallel_loop3A_713 = tpu.vector_load %arg6[%parallel_loop3A_712] {strides = array<i32>} : memref<16384xi32, #tpu.memory_space<vmem>>, vector<16xi32>,
          %parallel_loop3A_714 = vector.broadcast %parallel_loop3A_708 : f32 to vector<16xf32>
          %parallel_loop3A_715 = arith.mulf %parallel_loop3A_711, %parallel_loop3A_714 : vector<16xf32>
          %parallel_loop3A_716 = arith.fptosi %parallel_loop3A_715 : vector<16xf32> to vector<16xi32>
          %parallel_loop3A_717 = vector.broadcast %add3A_90 : i32 to vector<16xi32>
          %parallel_loop3A_718 = arith.cmpi eq, %parallel_loop3A_713, %parallel_loop3A_717 : vector<16xi32>
          %parallel_loop3A_719 = arith.select %parallel_loop3A_718, %add3A_705, %add3A_702 : vector<16xi1>, vector<16xi32>
          %parallel_loop3A_720 = arith.addi %parallel_loop3A_716, %parallel_loop3A_719 : vector<16xi32>
          tpu.vector_store_idx %arg5[%parallel_loop3A_720], %broadcast_in_dim3A_2 {add = true} : memref<45056xf32, #tpu.memory_space<vmem>>[vector<16xi32>], vector<16xf32>,
        } {sc.loop_unroll_factor = 16 : i64, sc.parallel_access}
      } else {
      }
      %mul3A_114 = arith.constant 11 : i32
      %mul3A_115 = arith.muli %arg0, %mul3A_114 : i32
      %add3A_116 = arith.constant 1 : i32
      %add3A_117 = arith.addi %mul3A_115, %add3A_116 : i32
      %dma_wait3A_118 = arith.constant 0 : i32
      %dma_wait3A_119 = tpu.memref_slice %arg2[%dma_wait3A_118] : memref<44040192xf32, #tpu.memory_space<hbm>> -> memref<16384xf32, #tpu.memory_space<hbm>>
      %dma_wait3A_120 = arith.constant 0 : i32
      %dma_wait3A_121 = tpu.memref_slice %arg2[%dma_wait3A_120] : memref<44040192xf32, #tpu.memory_space<hbm>> -> memref<16384xf32, #tpu.memory_space<hbm>>
      tpu.wait_dma2 semaphore(%arg15 : memref<!tpu.dma_semaphore, #tpu.memory_space<semaphore_mem>>) src(%dma_wait3A_121 : memref<16384xf32, #tpu.memory_space<hbm>>) dst(%arg9 : memref<16384xf32, #tpu.memory_space<vmem>>)
      %add3A_122 = arith.constant 1 : i32
      %add3A_123 = arith.addi %add3A_117, %add3A_122 : i32
      %min3A_124 = arith.constant 20 : i32
      %min3A_125 = arith.minsi %add3A_123, %min3A_124 : i32
      %mul3A_126 = arith.constant 21 : i32
      %mul3A_127 = arith.muli %select_n3A, %mul3A_126 : i32
      %add3A_128 = arith.addi %mul3A_127, %min3A_125 : i32
      %mul3A_129 = arith.constant 262144 : i32
      %mul3A_130 = arith.muli %add3A_128, %mul3A_129 : i32
      %add3A_131 = arith.addi %mul3A_130, %sub3A_34 : i32
      %mul3A_132 = arith.constant 16384 : i32
      %mul3A_133 = arith.muli %add3A_76, %mul3A_132 : i32
      %add3A_134 = arith.addi %add3A_131, %mul3A_133 : i32
      %dma_start3A_135 = tpu.memref_slice %arg2[%add3A_134] : memref<44040192xf32, #tpu.memory_space<hbm>> -> memref<16384xf32, #tpu.memory_space<hbm>>
      %dma_start3A_136 = tpu.memref_slice %arg2[%add3A_134] : memref<44040192xf32, #tpu.memory_space<hbm>> -> memref<16384xf32, #tpu.memory_space<hbm>>
      tpu.enqueue_dma source(%dma_start3A_136 : memref<16384xf32, #tpu.memory_space<hbm>>) target(%arg8 : memref<16384xf32, #tpu.memory_space<vmem>>) target_semaphore(%arg15 : memref<!tpu.dma_semaphore, #tpu.memory_space<semaphore_mem>>)
      %lt3A_137 = arith.constant 21 : i32
      %lt3A_138 = arith.cmpi slt, %add3A_117, %lt3A_137 : i32
      %convert_element_type3A_139 = arith.extui %lt3A_138 : i1 to i32
      %cond3A_140 = arith.constant 0 : i32
      %cond3A_141 = arith.cmpi ne, %convert_element_type3A_139, %cond3A_140 : i32
      scf.if %cond3A_141 {
        %add3A_700 = arith.constant 1024 : i32
        %add3A_701 = vector.broadcast %add3A_700 : i32 to vector<16xi32>
        %add3A_702 = arith.addi %add3A_701, %mul3A_12 : vector<16xi32>
        %add3A_703 = arith.constant 512 : i32
        %add3A_704 = vector.broadcast %add3A_703 : i32 to vector<16xi32>
        %add3A_705 = arith.addi %add3A_702, %add3A_704 : vector<16xi32>
        %parallel_loop3A = arith.constant 0 : i32
        %parallel_loop3A_706 = arith.constant 16384 : i32
        %parallel_loop3A_707 = arith.constant 16 : i32
        %parallel_loop3A_708 = arith.constant 511.984375 : f32
        scf.for %parallel_loop3A_709 = %parallel_loop3A to %parallel_loop3A_706 step %parallel_loop3A_707  : i32 {
          %parallel_loop3A_710 = arith.index_cast %parallel_loop3A_709 : i32 to index
          %parallel_loop3A_711 = tpu.vector_load %arg9[%parallel_loop3A_710] {strides = array<i32>} : memref<16384xf32, #tpu.memory_space<vmem>>, vector<16xf32>,
          %parallel_loop3A_712 = arith.index_cast %parallel_loop3A_709 : i32 to index
          %parallel_loop3A_713 = tpu.vector_load %arg6[%parallel_loop3A_712] {strides = array<i32>} : memref<16384xi32, #tpu.memory_space<vmem>>, vector<16xi32>,
          %parallel_loop3A_714 = vector.broadcast %parallel_loop3A_708 : f32 to vector<16xf32>
          %parallel_loop3A_715 = arith.mulf %parallel_loop3A_711, %parallel_loop3A_714 : vector<16xf32>
          %parallel_loop3A_716 = arith.fptosi %parallel_loop3A_715 : vector<16xf32> to vector<16xi32>
          %parallel_loop3A_717 = vector.broadcast %add3A_117 : i32 to vector<16xi32>
          %parallel_loop3A_718 = arith.cmpi eq, %parallel_loop3A_713, %parallel_loop3A_717 : vector<16xi32>
          %parallel_loop3A_719 = arith.select %parallel_loop3A_718, %add3A_705, %add3A_702 : vector<16xi1>, vector<16xi32>
          %parallel_loop3A_720 = arith.addi %parallel_loop3A_716, %parallel_loop3A_719 : vector<16xi32>
          tpu.vector_store_idx %arg5[%parallel_loop3A_720], %broadcast_in_dim3A_2 {add = true} : memref<45056xf32, #tpu.memory_space<vmem>>[vector<16xi32>], vector<16xf32>,
        } {sc.loop_unroll_factor = 16 : i64, sc.parallel_access}
      } else {
      }
      %mul3A_142 = arith.constant 11 : i32
      %mul3A_143 = arith.muli %arg0, %mul3A_142 : i32
      %add3A_144 = arith.constant 2 : i32
      %add3A_145 = arith.addi %mul3A_143, %add3A_144 : i32
      %dma_wait3A_146 = arith.constant 0 : i32
      %dma_wait3A_147 = tpu.memref_slice %arg2[%dma_wait3A_146] : memref<44040192xf32, #tpu.memory_space<hbm>> -> memref<16384xf32, #tpu.memory_space<hbm>>
      %dma_wait3A_148 = arith.constant 0 : i32
      %dma_wait3A_149 = tpu.memref_slice %arg2[%dma_wait3A_148] : memref<44040192xf32, #tpu.memory_space<hbm>> -> memref<16384xf32, #tpu.memory_space<hbm>>
      tpu.wait_dma2 semaphore(%arg15 : memref<!tpu.dma_semaphore, #tpu.memory_space<semaphore_mem>>) src(%dma_wait3A_149 : memref<16384xf32, #tpu.memory_space<hbm>>) dst(%arg8 : memref<16384xf32, #tpu.memory_space<vmem>>)
      %add3A_150 = arith.constant 1 : i32
      %add3A_151 = arith.addi %add3A_145, %add3A_150 : i32
      %min3A_152 = arith.constant 20 : i32
      %min3A_153 = arith.minsi %add3A_151, %min3A_152 : i32
      %mul3A_154 = arith.constant 21 : i32
      %mul3A_155 = arith.muli %select_n3A, %mul3A_154 : i32
      %add3A_156 = arith.addi %mul3A_155, %min3A_153 : i32
      %mul3A_157 = arith.constant 262144 : i32
      %mul3A_158 = arith.muli %add3A_156, %mul3A_157 : i32
      %add3A_159 = arith.addi %mul3A_158, %sub3A_34 : i32
      %mul3A_160 = arith.constant 16384 : i32
      %mul3A_161 = arith.muli %add3A_76, %mul3A_160 : i32
      %add3A_162 = arith.addi %add3A_159, %mul3A_161 : i32
      %dma_start3A_163 = tpu.memref_slice %arg2[%add3A_162] : memref<44040192xf32, #tpu.memory_space<hbm>> -> memref<16384xf32, #tpu.memory_space<hbm>>
      %dma_start3A_164 = tpu.memref_slice %arg2[%add3A_162] : memref<44040192xf32, #tpu.memory_space<hbm>> -> memref<16384xf32, #tpu.memory_space<hbm>>
      tpu.enqueue_dma source(%dma_start3A_164 : memref<16384xf32, #tpu.memory_space<hbm>>) target(%arg9 : memref<16384xf32, #tpu.memory_space<vmem>>) target_semaphore(%arg15 : memref<!tpu.dma_semaphore, #tpu.memory_space<semaphore_mem>>)
      %lt3A_165 = arith.constant 21 : i32
      %lt3A_166 = arith.cmpi slt, %add3A_145, %lt3A_165 : i32
      %convert_element_type3A_167 = arith.extui %lt3A_166 : i1 to i32
      %cond3A_168 = arith.constant 0 : i32
      %cond3A_169 = arith.cmpi ne, %convert_element_type3A_167, %cond3A_168 : i32
      scf.if %cond3A_169 {
        %add3A_700 = arith.constant 2048 : i32
        %add3A_701 = vector.broadcast %add3A_700 : i32 to vector<16xi32>
        %add3A_702 = arith.addi %add3A_701, %mul3A_12 : vector<16xi32>
        %add3A_703 = arith.constant 512 : i32
        %add3A_704 = vector.broadcast %add3A_703 : i32 to vector<16xi32>
        %add3A_705 = arith.addi %add3A_702, %add3A_704 : vector<16xi32>
        %parallel_loop3A = arith.constant 0 : i32
        %parallel_loop3A_706 = arith.constant 16384 : i32
        %parallel_loop3A_707 = arith.constant 16 : i32
        %parallel_loop3A_708 = arith.constant 511.984375 : f32
        scf.for %parallel_loop3A_709 = %parallel_loop3A to %parallel_loop3A_706 step %parallel_loop3A_707  : i32 {
          %parallel_loop3A_710 = arith.index_cast %parallel_loop3A_709 : i32 to index
          %parallel_loop3A_711 = tpu.vector_load %arg8[%parallel_loop3A_710] {strides = array<i32>} : memref<16384xf32, #tpu.memory_space<vmem>>, vector<16xf32>,
          %parallel_loop3A_712 = arith.index_cast %parallel_loop3A_709 : i32 to index
          %parallel_loop3A_713 = tpu.vector_load %arg6[%parallel_loop3A_712] {strides = array<i32>} : memref<16384xi32, #tpu.memory_space<vmem>>, vector<16xi32>,
          %parallel_loop3A_714 = vector.broadcast %parallel_loop3A_708 : f32 to vector<16xf32>
          %parallel_loop3A_715 = arith.mulf %parallel_loop3A_711, %parallel_loop3A_714 : vector<16xf32>
          %parallel_loop3A_716 = arith.fptosi %parallel_loop3A_715 : vector<16xf32> to vector<16xi32>
          %parallel_loop3A_717 = vector.broadcast %add3A_145 : i32 to vector<16xi32>
          %parallel_loop3A_718 = arith.cmpi eq, %parallel_loop3A_713, %parallel_loop3A_717 : vector<16xi32>
          %parallel_loop3A_719 = arith.select %parallel_loop3A_718, %add3A_705, %add3A_702 : vector<16xi1>, vector<16xi32>
          %parallel_loop3A_720 = arith.addi %parallel_loop3A_716, %parallel_loop3A_719 : vector<16xi32>
          tpu.vector_store_idx %arg5[%parallel_loop3A_720], %broadcast_in_dim3A_2 {add = true} : memref<45056xf32, #tpu.memory_space<vmem>>[vector<16xi32>], vector<16xf32>,
        } {sc.loop_unroll_factor = 16 : i64, sc.parallel_access}
      } else {
      }
      %mul3A_170 = arith.constant 11 : i32
      %mul3A_171 = arith.muli %arg0, %mul3A_170 : i32
      %add3A_172 = arith.constant 3 : i32
      %add3A_173 = arith.addi %mul3A_171, %add3A_172 : i32
      %dma_wait3A_174 = arith.constant 0 : i32
      %dma_wait3A_175 = tpu.memref_slice %arg2[%dma_wait3A_174] : memref<44040192xf32, #tpu.memory_space<hbm>> -> memref<16384xf32, #tpu.memory_space<hbm>>
      %dma_wait3A_176 = arith.constant 0 : i32
      %dma_wait3A_177 = tpu.memref_slice %arg2[%dma_wait3A_176] : memref<44040192xf32, #tpu.memory_space<hbm>> -> memref<16384xf32, #tpu.memory_space<hbm>>
      tpu.wait_dma2 semaphore(%arg15 : memref<!tpu.dma_semaphore, #tpu.memory_space<semaphore_mem>>) src(%dma_wait3A_177 : memref<16384xf32, #tpu.memory_space<hbm>>) dst(%arg9 : memref<16384xf32, #tpu.memory_space<vmem>>)
      %add3A_178 = arith.constant 1 : i32
      %add3A_179 = arith.addi %add3A_173, %add3A_178 : i32
      %min3A_180 = arith.constant 20 : i32
      %min3A_181 = arith.minsi %add3A_179, %min3A_180 : i32
      %mul3A_182 = arith.constant 21 : i32
      %mul3A_183 = arith.muli %select_n3A, %mul3A_182 : i32
      %add3A_184 = arith.addi %mul3A_183, %min3A_181 : i32
      %mul3A_185 = arith.constant 262144 : i32
      %mul3A_186 = arith.muli %add3A_184, %mul3A_185 : i32
      %add3A_187 = arith.addi %mul3A_186, %sub3A_34 : i32
      %mul3A_188 = arith.constant 16384 : i32
      %mul3A_189 = arith.muli %add3A_76, %mul3A_188 : i32
      %add3A_190 = arith.addi %add3A_187, %mul3A_189 : i32
      %dma_start3A_191 = tpu.memref_slice %arg2[%add3A_190] : memref<44040192xf32, #tpu.memory_space<hbm>> -> memref<16384xf32, #tpu.memory_space<hbm>>
      %dma_start3A_192 = tpu.memref_slice %arg2[%add3A_190] : memref<44040192xf32, #tpu.memory_space<hbm>> -> memref<16384xf32, #tpu.memory_space<hbm>>
      tpu.enqueue_dma source(%dma_start3A_192 : memref<16384xf32, #tpu.memory_space<hbm>>) target(%arg8 : memref<16384xf32, #tpu.memory_space<vmem>>) target_semaphore(%arg15 : memref<!tpu.dma_semaphore, #tpu.memory_space<semaphore_mem>>)
      %lt3A_193 = arith.constant 21 : i32
      %lt3A_194 = arith.cmpi slt, %add3A_173, %lt3A_193 : i32
      %convert_element_type3A_195 = arith.extui %lt3A_194 : i1 to i32
      %cond3A_196 = arith.constant 0 : i32
      %cond3A_197 = arith.cmpi ne, %convert_element_type3A_195, %cond3A_196 : i32
      scf.if %cond3A_197 {
        %add3A_700 = arith.constant 3072 : i32
        %add3A_701 = vector.broadcast %add3A_700 : i32 to vector<16xi32>
        %add3A_702 = arith.addi %add3A_701, %mul3A_12 : vector<16xi32>
        %add3A_703 = arith.constant 512 : i32
        %add3A_704 = vector.broadcast %add3A_703 : i32 to vector<16xi32>
        %add3A_705 = arith.addi %add3A_702, %add3A_704 : vector<16xi32>
        %parallel_loop3A = arith.constant 0 : i32
        %parallel_loop3A_706 = arith.constant 16384 : i32
        %parallel_loop3A_707 = arith.constant 16 : i32
        %parallel_loop3A_708 = arith.constant 511.984375 : f32
        scf.for %parallel_loop3A_709 = %parallel_loop3A to %parallel_loop3A_706 step %parallel_loop3A_707  : i32 {
          %parallel_loop3A_710 = arith.index_cast %parallel_loop3A_709 : i32 to index
          %parallel_loop3A_711 = tpu.vector_load %arg9[%parallel_loop3A_710] {strides = array<i32>} : memref<16384xf32, #tpu.memory_space<vmem>>, vector<16xf32>,
          %parallel_loop3A_712 = arith.index_cast %parallel_loop3A_709 : i32 to index
          %parallel_loop3A_713 = tpu.vector_load %arg6[%parallel_loop3A_712] {strides = array<i32>} : memref<16384xi32, #tpu.memory_space<vmem>>, vector<16xi32>,
          %parallel_loop3A_714 = vector.broadcast %parallel_loop3A_708 : f32 to vector<16xf32>
          %parallel_loop3A_715 = arith.mulf %parallel_loop3A_711, %parallel_loop3A_714 : vector<16xf32>
          %parallel_loop3A_716 = arith.fptosi %parallel_loop3A_715 : vector<16xf32> to vector<16xi32>
          %parallel_loop3A_717 = vector.broadcast %add3A_173 : i32 to vector<16xi32>
          %parallel_loop3A_718 = arith.cmpi eq, %parallel_loop3A_713, %parallel_loop3A_717 : vector<16xi32>
          %parallel_loop3A_719 = arith.select %parallel_loop3A_718, %add3A_705, %add3A_702 : vector<16xi1>, vector<16xi32>
          %parallel_loop3A_720 = arith.addi %parallel_loop3A_716, %parallel_loop3A_719 : vector<16xi32>
          tpu.vector_store_idx %arg5[%parallel_loop3A_720], %broadcast_in_dim3A_2 {add = true} : memref<45056xf32, #tpu.memory_space<vmem>>[vector<16xi32>], vector<16xf32>,
        } {sc.loop_unroll_factor = 16 : i64, sc.parallel_access}
      } else {
      }
      %mul3A_198 = arith.constant 11 : i32
      %mul3A_199 = arith.muli %arg0, %mul3A_198 : i32
      %add3A_200 = arith.constant 4 : i32
      %add3A_201 = arith.addi %mul3A_199, %add3A_200 : i32
      %dma_wait3A_202 = arith.constant 0 : i32
      %dma_wait3A_203 = tpu.memref_slice %arg2[%dma_wait3A_202] : memref<44040192xf32, #tpu.memory_space<hbm>> -> memref<16384xf32, #tpu.memory_space<hbm>>
      %dma_wait3A_204 = arith.constant 0 : i32
      %dma_wait3A_205 = tpu.memref_slice %arg2[%dma_wait3A_204] : memref<44040192xf32, #tpu.memory_space<hbm>> -> memref<16384xf32, #tpu.memory_space<hbm>>
      tpu.wait_dma2 semaphore(%arg15 : memref<!tpu.dma_semaphore, #tpu.memory_space<semaphore_mem>>) src(%dma_wait3A_205 : memref<16384xf32, #tpu.memory_space<hbm>>) dst(%arg8 : memref<16384xf32, #tpu.memory_space<vmem>>)
      %add3A_206 = arith.constant 1 : i32
      %add3A_207 = arith.addi %add3A_201, %add3A_206 : i32
      %min3A_208 = arith.constant 20 : i32
      %min3A_209 = arith.minsi %add3A_207, %min3A_208 : i32
      %mul3A_210 = arith.constant 21 : i32
      %mul3A_211 = arith.muli %select_n3A, %mul3A_210 : i32
      %add3A_212 = arith.addi %mul3A_211, %min3A_209 : i32
      %mul3A_213 = arith.constant 262144 : i32
      %mul3A_214 = arith.muli %add3A_212, %mul3A_213 : i32
      %add3A_215 = arith.addi %mul3A_214, %sub3A_34 : i32
      %mul3A_216 = arith.constant 16384 : i32
      %mul3A_217 = arith.muli %add3A_76, %mul3A_216 : i32
      %add3A_218 = arith.addi %add3A_215, %mul3A_217 : i32
      %dma_start3A_219 = tpu.memref_slice %arg2[%add3A_218] : memref<44040192xf32, #tpu.memory_space<hbm>> -> memref<16384xf32, #tpu.memory_space<hbm>>
      %dma_start3A_220 = tpu.memref_slice %arg2[%add3A_218] : memref<44040192xf32, #tpu.memory_space<hbm>> -> memref<16384xf32, #tpu.memory_space<hbm>>
      tpu.enqueue_dma source(%dma_start3A_220 : memref<16384xf32, #tpu.memory_space<hbm>>) target(%arg9 : memref<16384xf32, #tpu.memory_space<vmem>>) target_semaphore(%arg15 : memref<!tpu.dma_semaphore, #tpu.memory_space<semaphore_mem>>)
      %lt3A_221 = arith.constant 21 : i32
      %lt3A_222 = arith.cmpi slt, %add3A_201, %lt3A_221 : i32
      %convert_element_type3A_223 = arith.extui %lt3A_222 : i1 to i32
      %cond3A_224 = arith.constant 0 : i32
      %cond3A_225 = arith.cmpi ne, %convert_element_type3A_223, %cond3A_224 : i32
      scf.if %cond3A_225 {
        %add3A_700 = arith.constant 4096 : i32
        %add3A_701 = vector.broadcast %add3A_700 : i32 to vector<16xi32>
        %add3A_702 = arith.addi %add3A_701, %mul3A_12 : vector<16xi32>
        %add3A_703 = arith.constant 512 : i32
        %add3A_704 = vector.broadcast %add3A_703 : i32 to vector<16xi32>
        %add3A_705 = arith.addi %add3A_702, %add3A_704 : vector<16xi32>
        %parallel_loop3A = arith.constant 0 : i32
        %parallel_loop3A_706 = arith.constant 16384 : i32
        %parallel_loop3A_707 = arith.constant 16 : i32
        %parallel_loop3A_708 = arith.constant 511.984375 : f32
        scf.for %parallel_loop3A_709 = %parallel_loop3A to %parallel_loop3A_706 step %parallel_loop3A_707  : i32 {
          %parallel_loop3A_710 = arith.index_cast %parallel_loop3A_709 : i32 to index
          %parallel_loop3A_711 = tpu.vector_load %arg8[%parallel_loop3A_710] {strides = array<i32>} : memref<16384xf32, #tpu.memory_space<vmem>>, vector<16xf32>,
          %parallel_loop3A_712 = arith.index_cast %parallel_loop3A_709 : i32 to index
          %parallel_loop3A_713 = tpu.vector_load %arg6[%parallel_loop3A_712] {strides = array<i32>} : memref<16384xi32, #tpu.memory_space<vmem>>, vector<16xi32>,
          %parallel_loop3A_714 = vector.broadcast %parallel_loop3A_708 : f32 to vector<16xf32>
          %parallel_loop3A_715 = arith.mulf %parallel_loop3A_711, %parallel_loop3A_714 : vector<16xf32>
          %parallel_loop3A_716 = arith.fptosi %parallel_loop3A_715 : vector<16xf32> to vector<16xi32>
          %parallel_loop3A_717 = vector.broadcast %add3A_201 : i32 to vector<16xi32>
          %parallel_loop3A_718 = arith.cmpi eq, %parallel_loop3A_713, %parallel_loop3A_717 : vector<16xi32>
          %parallel_loop3A_719 = arith.select %parallel_loop3A_718, %add3A_705, %add3A_702 : vector<16xi1>, vector<16xi32>
          %parallel_loop3A_720 = arith.addi %parallel_loop3A_716, %parallel_loop3A_719 : vector<16xi32>
          tpu.vector_store_idx %arg5[%parallel_loop3A_720], %broadcast_in_dim3A_2 {add = true} : memref<45056xf32, #tpu.memory_space<vmem>>[vector<16xi32>], vector<16xf32>,
        } {sc.loop_unroll_factor = 16 : i64, sc.parallel_access}
      } else {
      }
      %mul3A_226 = arith.constant 11 : i32
      %mul3A_227 = arith.muli %arg0, %mul3A_226 : i32
      %add3A_228 = arith.constant 5 : i32
      %add3A_229 = arith.addi %mul3A_227, %add3A_228 : i32
      %dma_wait3A_230 = arith.constant 0 : i32
      %dma_wait3A_231 = tpu.memref_slice %arg2[%dma_wait3A_230] : memref<44040192xf32, #tpu.memory_space<hbm>> -> memref<16384xf32, #tpu.memory_space<hbm>>
      %dma_wait3A_232 = arith.constant 0 : i32
      %dma_wait3A_233 = tpu.memref_slice %arg2[%dma_wait3A_232] : memref<44040192xf32, #tpu.memory_space<hbm>> -> memref<16384xf32, #tpu.memory_space<hbm>>
      tpu.wait_dma2 semaphore(%arg15 : memref<!tpu.dma_semaphore, #tpu.memory_space<semaphore_mem>>) src(%dma_wait3A_233 : memref<16384xf32, #tpu.memory_space<hbm>>) dst(%arg9 : memref<16384xf32, #tpu.memory_space<vmem>>)
      %add3A_234 = arith.constant 1 : i32
      %add3A_235 = arith.addi %add3A_229, %add3A_234 : i32
      %min3A_236 = arith.constant 20 : i32
      %min3A_237 = arith.minsi %add3A_235, %min3A_236 : i32
      %mul3A_238 = arith.constant 21 : i32
      %mul3A_239 = arith.muli %select_n3A, %mul3A_238 : i32
      %add3A_240 = arith.addi %mul3A_239, %min3A_237 : i32
      %mul3A_241 = arith.constant 262144 : i32
      %mul3A_242 = arith.muli %add3A_240, %mul3A_241 : i32
      %add3A_243 = arith.addi %mul3A_242, %sub3A_34 : i32
      %mul3A_244 = arith.constant 16384 : i32
      %mul3A_245 = arith.muli %add3A_76, %mul3A_244 : i32
      %add3A_246 = arith.addi %add3A_243, %mul3A_245 : i32
      %dma_start3A_247 = tpu.memref_slice %arg2[%add3A_246] : memref<44040192xf32, #tpu.memory_space<hbm>> -> memref<16384xf32, #tpu.memory_space<hbm>>
      %dma_start3A_248 = tpu.memref_slice %arg2[%add3A_246] : memref<44040192xf32, #tpu.memory_space<hbm>> -> memref<16384xf32, #tpu.memory_space<hbm>>
      tpu.enqueue_dma source(%dma_start3A_248 : memref<16384xf32, #tpu.memory_space<hbm>>) target(%arg8 : memref<16384xf32, #tpu.memory_space<vmem>>) target_semaphore(%arg15 : memref<!tpu.dma_semaphore, #tpu.memory_space<semaphore_mem>>)
      %lt3A_249 = arith.constant 21 : i32
      %lt3A_250 = arith.cmpi slt, %add3A_229, %lt3A_249 : i32
      %convert_element_type3A_251 = arith.extui %lt3A_250 : i1 to i32
      %cond3A_252 = arith.constant 0 : i32
      %cond3A_253 = arith.cmpi ne, %convert_element_type3A_251, %cond3A_252 : i32
      scf.if %cond3A_253 {
        %add3A_700 = arith.constant 5120 : i32
        %add3A_701 = vector.broadcast %add3A_700 : i32 to vector<16xi32>
        %add3A_702 = arith.addi %add3A_701, %mul3A_12 : vector<16xi32>
        %add3A_703 = arith.constant 512 : i32
        %add3A_704 = vector.broadcast %add3A_703 : i32 to vector<16xi32>
        %add3A_705 = arith.addi %add3A_702, %add3A_704 : vector<16xi32>
        %parallel_loop3A = arith.constant 0 : i32
        %parallel_loop3A_706 = arith.constant 16384 : i32
        %parallel_loop3A_707 = arith.constant 16 : i32
        %parallel_loop3A_708 = arith.constant 511.984375 : f32
        scf.for %parallel_loop3A_709 = %parallel_loop3A to %parallel_loop3A_706 step %parallel_loop3A_707  : i32 {
          %parallel_loop3A_710 = arith.index_cast %parallel_loop3A_709 : i32 to index
          %parallel_loop3A_711 = tpu.vector_load %arg9[%parallel_loop3A_710] {strides = array<i32>} : memref<16384xf32, #tpu.memory_space<vmem>>, vector<16xf32>,
          %parallel_loop3A_712 = arith.index_cast %parallel_loop3A_709 : i32 to index
          %parallel_loop3A_713 = tpu.vector_load %arg6[%parallel_loop3A_712] {strides = array<i32>} : memref<16384xi32, #tpu.memory_space<vmem>>, vector<16xi32>,
          %parallel_loop3A_714 = vector.broadcast %parallel_loop3A_708 : f32 to vector<16xf32>
          %parallel_loop3A_715 = arith.mulf %parallel_loop3A_711, %parallel_loop3A_714 : vector<16xf32>
          %parallel_loop3A_716 = arith.fptosi %parallel_loop3A_715 : vector<16xf32> to vector<16xi32>
          %parallel_loop3A_717 = vector.broadcast %add3A_229 : i32 to vector<16xi32>
          %parallel_loop3A_718 = arith.cmpi eq, %parallel_loop3A_713, %parallel_loop3A_717 : vector<16xi32>
          %parallel_loop3A_719 = arith.select %parallel_loop3A_718, %add3A_705, %add3A_702 : vector<16xi1>, vector<16xi32>
          %parallel_loop3A_720 = arith.addi %parallel_loop3A_716, %parallel_loop3A_719 : vector<16xi32>
          tpu.vector_store_idx %arg5[%parallel_loop3A_720], %broadcast_in_dim3A_2 {add = true} : memref<45056xf32, #tpu.memory_space<vmem>>[vector<16xi32>], vector<16xf32>,
        } {sc.loop_unroll_factor = 16 : i64, sc.parallel_access}
      } else {
      }
      %mul3A_254 = arith.constant 11 : i32
      %mul3A_255 = arith.muli %arg0, %mul3A_254 : i32
      %add3A_256 = arith.constant 6 : i32
      %add3A_257 = arith.addi %mul3A_255, %add3A_256 : i32
      %dma_wait3A_258 = arith.constant 0 : i32
      %dma_wait3A_259 = tpu.memref_slice %arg2[%dma_wait3A_258] : memref<44040192xf32, #tpu.memory_space<hbm>> -> memref<16384xf32, #tpu.memory_space<hbm>>
      %dma_wait3A_260 = arith.constant 0 : i32
      %dma_wait3A_261 = tpu.memref_slice %arg2[%dma_wait3A_260] : memref<44040192xf32, #tpu.memory_space<hbm>> -> memref<16384xf32, #tpu.memory_space<hbm>>
      tpu.wait_dma2 semaphore(%arg15 : memref<!tpu.dma_semaphore, #tpu.memory_space<semaphore_mem>>) src(%dma_wait3A_261 : memref<16384xf32, #tpu.memory_space<hbm>>) dst(%arg8 : memref<16384xf32, #tpu.memory_space<vmem>>)
      %add3A_262 = arith.constant 1 : i32
      %add3A_263 = arith.addi %add3A_257, %add3A_262 : i32
      %min3A_264 = arith.constant 20 : i32
      %min3A_265 = arith.minsi %add3A_263, %min3A_264 : i32
      %mul3A_266 = arith.constant 21 : i32
      %mul3A_267 = arith.muli %select_n3A, %mul3A_266 : i32
      %add3A_268 = arith.addi %mul3A_267, %min3A_265 : i32
      %mul3A_269 = arith.constant 262144 : i32
      %mul3A_270 = arith.muli %add3A_268, %mul3A_269 : i32
      %add3A_271 = arith.addi %mul3A_270, %sub3A_34 : i32
      %mul3A_272 = arith.constant 16384 : i32
      %mul3A_273 = arith.muli %add3A_76, %mul3A_272 : i32
      %add3A_274 = arith.addi %add3A_271, %mul3A_273 : i32
      %dma_start3A_275 = tpu.memref_slice %arg2[%add3A_274] : memref<44040192xf32, #tpu.memory_space<hbm>> -> memref<16384xf32, #tpu.memory_space<hbm>>
      %dma_start3A_276 = tpu.memref_slice %arg2[%add3A_274] : memref<44040192xf32, #tpu.memory_space<hbm>> -> memref<16384xf32, #tpu.memory_space<hbm>>
      tpu.enqueue_dma source(%dma_start3A_276 : memref<16384xf32, #tpu.memory_space<hbm>>) target(%arg9 : memref<16384xf32, #tpu.memory_space<vmem>>) target_semaphore(%arg15 : memref<!tpu.dma_semaphore, #tpu.memory_space<semaphore_mem>>)
      %lt3A_277 = arith.constant 21 : i32
      %lt3A_278 = arith.cmpi slt, %add3A_257, %lt3A_277 : i32
      %convert_element_type3A_279 = arith.extui %lt3A_278 : i1 to i32
      %cond3A_280 = arith.constant 0 : i32
      %cond3A_281 = arith.cmpi ne, %convert_element_type3A_279, %cond3A_280 : i32
      scf.if %cond3A_281 {
        %add3A_700 = arith.constant 6144 : i32
        %add3A_701 = vector.broadcast %add3A_700 : i32 to vector<16xi32>
        %add3A_702 = arith.addi %add3A_701, %mul3A_12 : vector<16xi32>
        %add3A_703 = arith.constant 512 : i32
        %add3A_704 = vector.broadcast %add3A_703 : i32 to vector<16xi32>
        %add3A_705 = arith.addi %add3A_702, %add3A_704 : vector<16xi32>
        %parallel_loop3A = arith.constant 0 : i32
        %parallel_loop3A_706 = arith.constant 16384 : i32
        %parallel_loop3A_707 = arith.constant 16 : i32
        %parallel_loop3A_708 = arith.constant 511.984375 : f32
        scf.for %parallel_loop3A_709 = %parallel_loop3A to %parallel_loop3A_706 step %parallel_loop3A_707  : i32 {
          %parallel_loop3A_710 = arith.index_cast %parallel_loop3A_709 : i32 to index
          %parallel_loop3A_711 = tpu.vector_load %arg8[%parallel_loop3A_710] {strides = array<i32>} : memref<16384xf32, #tpu.memory_space<vmem>>, vector<16xf32>,
          %parallel_loop3A_712 = arith.index_cast %parallel_loop3A_709 : i32 to index
          %parallel_loop3A_713 = tpu.vector_load %arg6[%parallel_loop3A_712] {strides = array<i32>} : memref<16384xi32, #tpu.memory_space<vmem>>, vector<16xi32>,
          %parallel_loop3A_714 = vector.broadcast %parallel_loop3A_708 : f32 to vector<16xf32>
          %parallel_loop3A_715 = arith.mulf %parallel_loop3A_711, %parallel_loop3A_714 : vector<16xf32>
          %parallel_loop3A_716 = arith.fptosi %parallel_loop3A_715 : vector<16xf32> to vector<16xi32>
          %parallel_loop3A_717 = vector.broadcast %add3A_257 : i32 to vector<16xi32>
          %parallel_loop3A_718 = arith.cmpi eq, %parallel_loop3A_713, %parallel_loop3A_717 : vector<16xi32>
          %parallel_loop3A_719 = arith.select %parallel_loop3A_718, %add3A_705, %add3A_702 : vector<16xi1>, vector<16xi32>
          %parallel_loop3A_720 = arith.addi %parallel_loop3A_716, %parallel_loop3A_719 : vector<16xi32>
          tpu.vector_store_idx %arg5[%parallel_loop3A_720], %broadcast_in_dim3A_2 {add = true} : memref<45056xf32, #tpu.memory_space<vmem>>[vector<16xi32>], vector<16xf32>,
        } {sc.loop_unroll_factor = 16 : i64, sc.parallel_access}
      } else {
      }
      %mul3A_282 = arith.constant 11 : i32
      %mul3A_283 = arith.muli %arg0, %mul3A_282 : i32
      %add3A_284 = arith.constant 7 : i32
      %add3A_285 = arith.addi %mul3A_283, %add3A_284 : i32
      %dma_wait3A_286 = arith.constant 0 : i32
      %dma_wait3A_287 = tpu.memref_slice %arg2[%dma_wait3A_286] : memref<44040192xf32, #tpu.memory_space<hbm>> -> memref<16384xf32, #tpu.memory_space<hbm>>
      %dma_wait3A_288 = arith.constant 0 : i32
      %dma_wait3A_289 = tpu.memref_slice %arg2[%dma_wait3A_288] : memref<44040192xf32, #tpu.memory_space<hbm>> -> memref<16384xf32, #tpu.memory_space<hbm>>
      tpu.wait_dma2 semaphore(%arg15 : memref<!tpu.dma_semaphore, #tpu.memory_space<semaphore_mem>>) src(%dma_wait3A_289 : memref<16384xf32, #tpu.memory_space<hbm>>) dst(%arg9 : memref<16384xf32, #tpu.memory_space<vmem>>)
      %add3A_290 = arith.constant 1 : i32
      %add3A_291 = arith.addi %add3A_285, %add3A_290 : i32
      %min3A_292 = arith.constant 20 : i32
      %min3A_293 = arith.minsi %add3A_291, %min3A_292 : i32
      %mul3A_294 = arith.constant 21 : i32
      %mul3A_295 = arith.muli %select_n3A, %mul3A_294 : i32
      %add3A_296 = arith.addi %mul3A_295, %min3A_293 : i32
      %mul3A_297 = arith.constant 262144 : i32
      %mul3A_298 = arith.muli %add3A_296, %mul3A_297 : i32
      %add3A_299 = arith.addi %mul3A_298, %sub3A_34 : i32
      %mul3A_300 = arith.constant 16384 : i32
      %mul3A_301 = arith.muli %add3A_76, %mul3A_300 : i32
      %add3A_302 = arith.addi %add3A_299, %mul3A_301 : i32
      %dma_start3A_303 = tpu.memref_slice %arg2[%add3A_302] : memref<44040192xf32, #tpu.memory_space<hbm>> -> memref<16384xf32, #tpu.memory_space<hbm>>
      %dma_start3A_304 = tpu.memref_slice %arg2[%add3A_302] : memref<44040192xf32, #tpu.memory_space<hbm>> -> memref<16384xf32, #tpu.memory_space<hbm>>
      tpu.enqueue_dma source(%dma_start3A_304 : memref<16384xf32, #tpu.memory_space<hbm>>) target(%arg8 : memref<16384xf32, #tpu.memory_space<vmem>>) target_semaphore(%arg15 : memref<!tpu.dma_semaphore, #tpu.memory_space<semaphore_mem>>)
      %lt3A_305 = arith.constant 21 : i32
      %lt3A_306 = arith.cmpi slt, %add3A_285, %lt3A_305 : i32
      %convert_element_type3A_307 = arith.extui %lt3A_306 : i1 to i32
      %cond3A_308 = arith.constant 0 : i32
      %cond3A_309 = arith.cmpi ne, %convert_element_type3A_307, %cond3A_308 : i32
      scf.if %cond3A_309 {
        %add3A_700 = arith.constant 7168 : i32
        %add3A_701 = vector.broadcast %add3A_700 : i32 to vector<16xi32>
        %add3A_702 = arith.addi %add3A_701, %mul3A_12 : vector<16xi32>
        %add3A_703 = arith.constant 512 : i32
        %add3A_704 = vector.broadcast %add3A_703 : i32 to vector<16xi32>
        %add3A_705 = arith.addi %add3A_702, %add3A_704 : vector<16xi32>
        %parallel_loop3A = arith.constant 0 : i32
        %parallel_loop3A_706 = arith.constant 16384 : i32
        %parallel_loop3A_707 = arith.constant 16 : i32
        %parallel_loop3A_708 = arith.constant 511.984375 : f32
        scf.for %parallel_loop3A_709 = %parallel_loop3A to %parallel_loop3A_706 step %parallel_loop3A_707  : i32 {
          %parallel_loop3A_710 = arith.index_cast %parallel_loop3A_709 : i32 to index
          %parallel_loop3A_711 = tpu.vector_load %arg9[%parallel_loop3A_710] {strides = array<i32>} : memref<16384xf32, #tpu.memory_space<vmem>>, vector<16xf32>,
          %parallel_loop3A_712 = arith.index_cast %parallel_loop3A_709 : i32 to index
          %parallel_loop3A_713 = tpu.vector_load %arg6[%parallel_loop3A_712] {strides = array<i32>} : memref<16384xi32, #tpu.memory_space<vmem>>, vector<16xi32>,
          %parallel_loop3A_714 = vector.broadcast %parallel_loop3A_708 : f32 to vector<16xf32>
          %parallel_loop3A_715 = arith.mulf %parallel_loop3A_711, %parallel_loop3A_714 : vector<16xf32>
          %parallel_loop3A_716 = arith.fptosi %parallel_loop3A_715 : vector<16xf32> to vector<16xi32>
          %parallel_loop3A_717 = vector.broadcast %add3A_285 : i32 to vector<16xi32>
          %parallel_loop3A_718 = arith.cmpi eq, %parallel_loop3A_713, %parallel_loop3A_717 : vector<16xi32>
          %parallel_loop3A_719 = arith.select %parallel_loop3A_718, %add3A_705, %add3A_702 : vector<16xi1>, vector<16xi32>
          %parallel_loop3A_720 = arith.addi %parallel_loop3A_716, %parallel_loop3A_719 : vector<16xi32>
          tpu.vector_store_idx %arg5[%parallel_loop3A_720], %broadcast_in_dim3A_2 {add = true} : memref<45056xf32, #tpu.memory_space<vmem>>[vector<16xi32>], vector<16xf32>,
        } {sc.loop_unroll_factor = 16 : i64, sc.parallel_access}
      } else {
      }
      %mul3A_310 = arith.constant 11 : i32
      %mul3A_311 = arith.muli %arg0, %mul3A_310 : i32
      %add3A_312 = arith.constant 8 : i32
      %add3A_313 = arith.addi %mul3A_311, %add3A_312 : i32
      %dma_wait3A_314 = arith.constant 0 : i32
      %dma_wait3A_315 = tpu.memref_slice %arg2[%dma_wait3A_314] : memref<44040192xf32, #tpu.memory_space<hbm>> -> memref<16384xf32, #tpu.memory_space<hbm>>
      %dma_wait3A_316 = arith.constant 0 : i32
      %dma_wait3A_317 = tpu.memref_slice %arg2[%dma_wait3A_316] : memref<44040192xf32, #tpu.memory_space<hbm>> -> memref<16384xf32, #tpu.memory_space<hbm>>
      tpu.wait_dma2 semaphore(%arg15 : memref<!tpu.dma_semaphore, #tpu.memory_space<semaphore_mem>>) src(%dma_wait3A_317 : memref<16384xf32, #tpu.memory_space<hbm>>) dst(%arg8 : memref<16384xf32, #tpu.memory_space<vmem>>)
      %add3A_318 = arith.constant 1 : i32
      %add3A_319 = arith.addi %add3A_313, %add3A_318 : i32
      %min3A_320 = arith.constant 20 : i32
      %min3A_321 = arith.minsi %add3A_319, %min3A_320 : i32
      %mul3A_322 = arith.constant 21 : i32
      %mul3A_323 = arith.muli %select_n3A, %mul3A_322 : i32
      %add3A_324 = arith.addi %mul3A_323, %min3A_321 : i32
      %mul3A_325 = arith.constant 262144 : i32
      %mul3A_326 = arith.muli %add3A_324, %mul3A_325 : i32
      %add3A_327 = arith.addi %mul3A_326, %sub3A_34 : i32
      %mul3A_328 = arith.constant 16384 : i32
      %mul3A_329 = arith.muli %add3A_76, %mul3A_328 : i32
      %add3A_330 = arith.addi %add3A_327, %mul3A_329 : i32
      %dma_start3A_331 = tpu.memref_slice %arg2[%add3A_330] : memref<44040192xf32, #tpu.memory_space<hbm>> -> memref<16384xf32, #tpu.memory_space<hbm>>
      %dma_start3A_332 = tpu.memref_slice %arg2[%add3A_330] : memref<44040192xf32, #tpu.memory_space<hbm>> -> memref<16384xf32, #tpu.memory_space<hbm>>
      tpu.enqueue_dma source(%dma_start3A_332 : memref<16384xf32, #tpu.memory_space<hbm>>) target(%arg9 : memref<16384xf32, #tpu.memory_space<vmem>>) target_semaphore(%arg15 : memref<!tpu.dma_semaphore, #tpu.memory_space<semaphore_mem>>)
      %lt3A_333 = arith.constant 21 : i32
      %lt3A_334 = arith.cmpi slt, %add3A_313, %lt3A_333 : i32
      %convert_element_type3A_335 = arith.extui %lt3A_334 : i1 to i32
      %cond3A_336 = arith.constant 0 : i32
      %cond3A_337 = arith.cmpi ne, %convert_element_type3A_335, %cond3A_336 : i32
      scf.if %cond3A_337 {
        %add3A_700 = arith.constant 8192 : i32
        %add3A_701 = vector.broadcast %add3A_700 : i32 to vector<16xi32>
        %add3A_702 = arith.addi %add3A_701, %mul3A_12 : vector<16xi32>
        %add3A_703 = arith.constant 512 : i32
        %add3A_704 = vector.broadcast %add3A_703 : i32 to vector<16xi32>
        %add3A_705 = arith.addi %add3A_702, %add3A_704 : vector<16xi32>
        %parallel_loop3A = arith.constant 0 : i32
        %parallel_loop3A_706 = arith.constant 16384 : i32
        %parallel_loop3A_707 = arith.constant 16 : i32
        %parallel_loop3A_708 = arith.constant 511.984375 : f32
        scf.for %parallel_loop3A_709 = %parallel_loop3A to %parallel_loop3A_706 step %parallel_loop3A_707  : i32 {
          %parallel_loop3A_710 = arith.index_cast %parallel_loop3A_709 : i32 to index
          %parallel_loop3A_711 = tpu.vector_load %arg8[%parallel_loop3A_710] {strides = array<i32>} : memref<16384xf32, #tpu.memory_space<vmem>>, vector<16xf32>,
          %parallel_loop3A_712 = arith.index_cast %parallel_loop3A_709 : i32 to index
          %parallel_loop3A_713 = tpu.vector_load %arg6[%parallel_loop3A_712] {strides = array<i32>} : memref<16384xi32, #tpu.memory_space<vmem>>, vector<16xi32>,
          %parallel_loop3A_714 = vector.broadcast %parallel_loop3A_708 : f32 to vector<16xf32>
          %parallel_loop3A_715 = arith.mulf %parallel_loop3A_711, %parallel_loop3A_714 : vector<16xf32>
          %parallel_loop3A_716 = arith.fptosi %parallel_loop3A_715 : vector<16xf32> to vector<16xi32>
          %parallel_loop3A_717 = vector.broadcast %add3A_313 : i32 to vector<16xi32>
          %parallel_loop3A_718 = arith.cmpi eq, %parallel_loop3A_713, %parallel_loop3A_717 : vector<16xi32>
          %parallel_loop3A_719 = arith.select %parallel_loop3A_718, %add3A_705, %add3A_702 : vector<16xi1>, vector<16xi32>
          %parallel_loop3A_720 = arith.addi %parallel_loop3A_716, %parallel_loop3A_719 : vector<16xi32>
          tpu.vector_store_idx %arg5[%parallel_loop3A_720], %broadcast_in_dim3A_2 {add = true} : memref<45056xf32, #tpu.memory_space<vmem>>[vector<16xi32>], vector<16xf32>,
        } {sc.loop_unroll_factor = 16 : i64, sc.parallel_access}
      } else {
      }
      %mul3A_338 = arith.constant 11 : i32
      %mul3A_339 = arith.muli %arg0, %mul3A_338 : i32
      %add3A_340 = arith.constant 9 : i32
      %add3A_341 = arith.addi %mul3A_339, %add3A_340 : i32
      %dma_wait3A_342 = arith.constant 0 : i32
      %dma_wait3A_343 = tpu.memref_slice %arg2[%dma_wait3A_342] : memref<44040192xf32, #tpu.memory_space<hbm>> -> memref<16384xf32, #tpu.memory_space<hbm>>
      %dma_wait3A_344 = arith.constant 0 : i32
      %dma_wait3A_345 = tpu.memref_slice %arg2[%dma_wait3A_344] : memref<44040192xf32, #tpu.memory_space<hbm>> -> memref<16384xf32, #tpu.memory_space<hbm>>
      tpu.wait_dma2 semaphore(%arg15 : memref<!tpu.dma_semaphore, #tpu.memory_space<semaphore_mem>>) src(%dma_wait3A_345 : memref<16384xf32, #tpu.memory_space<hbm>>) dst(%arg9 : memref<16384xf32, #tpu.memory_space<vmem>>)
      %add3A_346 = arith.constant 1 : i32
      %add3A_347 = arith.addi %add3A_341, %add3A_346 : i32
      %min3A_348 = arith.constant 20 : i32
      %min3A_349 = arith.minsi %add3A_347, %min3A_348 : i32
      %mul3A_350 = arith.constant 21 : i32
      %mul3A_351 = arith.muli %select_n3A, %mul3A_350 : i32
      %add3A_352 = arith.addi %mul3A_351, %min3A_349 : i32
      %mul3A_353 = arith.constant 262144 : i32
      %mul3A_354 = arith.muli %add3A_352, %mul3A_353 : i32
      %add3A_355 = arith.addi %mul3A_354, %sub3A_34 : i32
      %mul3A_356 = arith.constant 16384 : i32
      %mul3A_357 = arith.muli %add3A_76, %mul3A_356 : i32
      %add3A_358 = arith.addi %add3A_355, %mul3A_357 : i32
      %dma_start3A_359 = tpu.memref_slice %arg2[%add3A_358] : memref<44040192xf32, #tpu.memory_space<hbm>> -> memref<16384xf32, #tpu.memory_space<hbm>>
      %dma_start3A_360 = tpu.memref_slice %arg2[%add3A_358] : memref<44040192xf32, #tpu.memory_space<hbm>> -> memref<16384xf32, #tpu.memory_space<hbm>>
      tpu.enqueue_dma source(%dma_start3A_360 : memref<16384xf32, #tpu.memory_space<hbm>>) target(%arg8 : memref<16384xf32, #tpu.memory_space<vmem>>) target_semaphore(%arg15 : memref<!tpu.dma_semaphore, #tpu.memory_space<semaphore_mem>>)
      %lt3A_361 = arith.constant 21 : i32
      %lt3A_362 = arith.cmpi slt, %add3A_341, %lt3A_361 : i32
      %convert_element_type3A_363 = arith.extui %lt3A_362 : i1 to i32
      %cond3A_364 = arith.constant 0 : i32
      %cond3A_365 = arith.cmpi ne, %convert_element_type3A_363, %cond3A_364 : i32
      scf.if %cond3A_365 {
        %add3A_700 = arith.constant 9216 : i32
        %add3A_701 = vector.broadcast %add3A_700 : i32 to vector<16xi32>
        %add3A_702 = arith.addi %add3A_701, %mul3A_12 : vector<16xi32>
        %add3A_703 = arith.constant 512 : i32
        %add3A_704 = vector.broadcast %add3A_703 : i32 to vector<16xi32>
        %add3A_705 = arith.addi %add3A_702, %add3A_704 : vector<16xi32>
        %parallel_loop3A = arith.constant 0 : i32
        %parallel_loop3A_706 = arith.constant 16384 : i32
        %parallel_loop3A_707 = arith.constant 16 : i32
        %parallel_loop3A_708 = arith.constant 511.984375 : f32
        scf.for %parallel_loop3A_709 = %parallel_loop3A to %parallel_loop3A_706 step %parallel_loop3A_707  : i32 {
          %parallel_loop3A_710 = arith.index_cast %parallel_loop3A_709 : i32 to index
          %parallel_loop3A_711 = tpu.vector_load %arg9[%parallel_loop3A_710] {strides = array<i32>} : memref<16384xf32, #tpu.memory_space<vmem>>, vector<16xf32>,
          %parallel_loop3A_712 = arith.index_cast %parallel_loop3A_709 : i32 to index
          %parallel_loop3A_713 = tpu.vector_load %arg6[%parallel_loop3A_712] {strides = array<i32>} : memref<16384xi32, #tpu.memory_space<vmem>>, vector<16xi32>,
          %parallel_loop3A_714 = vector.broadcast %parallel_loop3A_708 : f32 to vector<16xf32>
          %parallel_loop3A_715 = arith.mulf %parallel_loop3A_711, %parallel_loop3A_714 : vector<16xf32>
          %parallel_loop3A_716 = arith.fptosi %parallel_loop3A_715 : vector<16xf32> to vector<16xi32>
          %parallel_loop3A_717 = vector.broadcast %add3A_341 : i32 to vector<16xi32>
          %parallel_loop3A_718 = arith.cmpi eq, %parallel_loop3A_713, %parallel_loop3A_717 : vector<16xi32>
          %parallel_loop3A_719 = arith.select %parallel_loop3A_718, %add3A_705, %add3A_702 : vector<16xi1>, vector<16xi32>
          %parallel_loop3A_720 = arith.addi %parallel_loop3A_716, %parallel_loop3A_719 : vector<16xi32>
          tpu.vector_store_idx %arg5[%parallel_loop3A_720], %broadcast_in_dim3A_2 {add = true} : memref<45056xf32, #tpu.memory_space<vmem>>[vector<16xi32>], vector<16xf32>,
        } {sc.loop_unroll_factor = 16 : i64, sc.parallel_access}
      } else {
      }
      %mul3A_366 = arith.constant 11 : i32
      %mul3A_367 = arith.muli %arg0, %mul3A_366 : i32
      %add3A_368 = arith.constant 10 : i32
      %add3A_369 = arith.addi %mul3A_367, %add3A_368 : i32
      %dma_wait3A_370 = arith.constant 0 : i32
      %dma_wait3A_371 = tpu.memref_slice %arg2[%dma_wait3A_370] : memref<44040192xf32, #tpu.memory_space<hbm>> -> memref<16384xf32, #tpu.memory_space<hbm>>
      %dma_wait3A_372 = arith.constant 0 : i32
      %dma_wait3A_373 = tpu.memref_slice %arg2[%dma_wait3A_372] : memref<44040192xf32, #tpu.memory_space<hbm>> -> memref<16384xf32, #tpu.memory_space<hbm>>
      tpu.wait_dma2 semaphore(%arg15 : memref<!tpu.dma_semaphore, #tpu.memory_space<semaphore_mem>>) src(%dma_wait3A_373 : memref<16384xf32, #tpu.memory_space<hbm>>) dst(%arg8 : memref<16384xf32, #tpu.memory_space<vmem>>)
      %add3A_374 = arith.constant 1 : i32
      %add3A_375 = arith.addi %add3A_76, %add3A_374 : i32
      %lt3A_376 = arith.constant 8 : i32
      %lt3A_377 = arith.cmpi slt, %add3A_375, %lt3A_376 : i32
      %convert_element_type3A_378 = arith.extui %lt3A_377 : i1 to i32
      %cond3A_379 = arith.constant 0 : i32
      %cond3A_380 = arith.cmpi ne, %convert_element_type3A_378, %cond3A_379 : i32
      scf.if %cond3A_380 {
        %add3A_700 = arith.constant 1 : i32
        %add3A_701 = arith.addi %add3A_76, %add3A_700 : i32
        %mul3A_702 = arith.constant 21 : i32
        %mul3A_703 = arith.muli %select_n3A, %mul3A_702 : i32
        %add3A_704 = arith.addi %mul3A_703, %mul3A_37 : i32
        %mul3A_705 = arith.constant 262144 : i32
        %mul3A_706 = arith.muli %add3A_704, %mul3A_705 : i32
        %add3A_707 = arith.addi %mul3A_706, %sub3A_34 : i32
        %mul3A_708 = arith.constant 16384 : i32
        %mul3A_709 = arith.muli %add3A_701, %mul3A_708 : i32
        %add3A_710 = arith.addi %add3A_707, %mul3A_709 : i32
        %dma_start3A_711 = tpu.memref_slice %arg2[%add3A_710] : memref<44040192xf32, #tpu.memory_space<hbm>> -> memref<16384xf32, #tpu.memory_space<hbm>>
        %dma_start3A_712 = tpu.memref_slice %arg2[%add3A_710] : memref<44040192xf32, #tpu.memory_space<hbm>> -> memref<16384xf32, #tpu.memory_space<hbm>>
        tpu.enqueue_dma source(%dma_start3A_712 : memref<16384xf32, #tpu.memory_space<hbm>>) target(%arg9 : memref<16384xf32, #tpu.memory_space<vmem>>) target_semaphore(%arg15 : memref<!tpu.dma_semaphore, #tpu.memory_space<semaphore_mem>>)
      } else {
      }
      %lt3A_381 = arith.constant 21 : i32
      %lt3A_382 = arith.cmpi slt, %add3A_369, %lt3A_381 : i32
      %convert_element_type3A_383 = arith.extui %lt3A_382 : i1 to i32
      %cond3A_384 = arith.constant 0 : i32
      %cond3A_385 = arith.cmpi ne, %convert_element_type3A_383, %cond3A_384 : i32
      scf.if %cond3A_385 {
        %add3A_700 = arith.constant 10240 : i32
        %add3A_701 = vector.broadcast %add3A_700 : i32 to vector<16xi32>
        %add3A_702 = arith.addi %add3A_701, %mul3A_12 : vector<16xi32>
        %add3A_703 = arith.constant 512 : i32
        %add3A_704 = vector.broadcast %add3A_703 : i32 to vector<16xi32>
        %add3A_705 = arith.addi %add3A_702, %add3A_704 : vector<16xi32>
        %parallel_loop3A = arith.constant 0 : i32
        %parallel_loop3A_706 = arith.constant 16384 : i32
        %parallel_loop3A_707 = arith.constant 16 : i32
        %parallel_loop3A_708 = arith.constant 511.984375 : f32
        scf.for %parallel_loop3A_709 = %parallel_loop3A to %parallel_loop3A_706 step %parallel_loop3A_707  : i32 {
          %parallel_loop3A_710 = arith.index_cast %parallel_loop3A_709 : i32 to index
          %parallel_loop3A_711 = tpu.vector_load %arg8[%parallel_loop3A_710] {strides = array<i32>} : memref<16384xf32, #tpu.memory_space<vmem>>, vector<16xf32>,
          %parallel_loop3A_712 = arith.index_cast %parallel_loop3A_709 : i32 to index
          %parallel_loop3A_713 = tpu.vector_load %arg6[%parallel_loop3A_712] {strides = array<i32>} : memref<16384xi32, #tpu.memory_space<vmem>>, vector<16xi32>,
          %parallel_loop3A_714 = vector.broadcast %parallel_loop3A_708 : f32 to vector<16xf32>
          %parallel_loop3A_715 = arith.mulf %parallel_loop3A_711, %parallel_loop3A_714 : vector<16xf32>
          %parallel_loop3A_716 = arith.fptosi %parallel_loop3A_715 : vector<16xf32> to vector<16xi32>
          %parallel_loop3A_717 = vector.broadcast %add3A_369 : i32 to vector<16xi32>
          %parallel_loop3A_718 = arith.cmpi eq, %parallel_loop3A_713, %parallel_loop3A_717 : vector<16xi32>
          %parallel_loop3A_719 = arith.select %parallel_loop3A_718, %add3A_705, %add3A_702 : vector<16xi1>, vector<16xi32>
          %parallel_loop3A_720 = arith.addi %parallel_loop3A_716, %parallel_loop3A_719 : vector<16xi32>
          tpu.vector_store_idx %arg5[%parallel_loop3A_720], %broadcast_in_dim3A_2 {add = true} : memref<45056xf32, #tpu.memory_space<vmem>>[vector<16xi32>], vector<16xf32>,
        } {sc.loop_unroll_factor = 16 : i64, sc.parallel_access}
      } else {
      }
      %add3A_386 = arith.constant 1 : i32
      %add3A_387 = arith.addi %mul3A_74, %add3A_386 : i32
      %dma_wait3A_388 = arith.constant 0 : i32
      %dma_wait3A_389 = tpu.memref_slice %arg3[%dma_wait3A_388] : memref<2097152xi32, #tpu.memory_space<hbm>> -> memref<16384xi32, #tpu.memory_space<hbm>>
      %dma_wait3A_390 = arith.constant 0 : i32
      %dma_wait3A_391 = tpu.memref_slice %arg3[%dma_wait3A_390] : memref<2097152xi32, #tpu.memory_space<hbm>> -> memref<16384xi32, #tpu.memory_space<hbm>>
      tpu.wait_dma2 semaphore(%arg14 : memref<!tpu.dma_semaphore, #tpu.memory_space<semaphore_mem>>) src(%dma_wait3A_391 : memref<16384xi32, #tpu.memory_space<hbm>>) dst(%arg7 : memref<16384xi32, #tpu.memory_space<vmem>>)
      %add3A_392 = arith.constant 1 : i32
      %add3A_393 = arith.addi %add3A_387, %add3A_392 : i32
      %lt3A_394 = arith.constant 8 : i32
      %lt3A_395 = arith.cmpi slt, %add3A_393, %lt3A_394 : i32
      %convert_element_type3A_396 = arith.extui %lt3A_395 : i1 to i32
      %cond3A_397 = arith.constant 0 : i32
      %cond3A_398 = arith.cmpi ne, %convert_element_type3A_396, %cond3A_397 : i32
      scf.if %cond3A_398 {
        %add3A_700 = arith.constant 1 : i32
        %add3A_701 = arith.addi %add3A_387, %add3A_700 : i32
        %mul3A_702 = arith.constant 16384 : i32
        %mul3A_703 = arith.muli %add3A_701, %mul3A_702 : i32
        %add3A_704 = arith.addi %mul3A_14, %mul3A_703 : i32
        %dma_start3A_705 = tpu.memref_slice %arg3[%add3A_704] : memref<2097152xi32, #tpu.memory_space<hbm>> -> memref<16384xi32, #tpu.memory_space<hbm>>
        %dma_start3A_706 = tpu.memref_slice %arg3[%add3A_704] : memref<2097152xi32, #tpu.memory_space<hbm>> -> memref<16384xi32, #tpu.memory_space<hbm>>
        tpu.enqueue_dma source(%dma_start3A_706 : memref<16384xi32, #tpu.memory_space<hbm>>) target(%arg6 : memref<16384xi32, #tpu.memory_space<vmem>>) target_semaphore(%arg14 : memref<!tpu.dma_semaphore, #tpu.memory_space<semaphore_mem>>)
      } else {
      }
      %mul3A_399 = arith.constant 11 : i32
      %mul3A_400 = arith.muli %arg0, %mul3A_399 : i32
      %add3A_401 = arith.constant 0 : i32
      %add3A_402 = arith.addi %mul3A_400, %add3A_401 : i32
      %dma_wait3A_403 = arith.constant 0 : i32
      %dma_wait3A_404 = tpu.memref_slice %arg2[%dma_wait3A_403] : memref<44040192xf32, #tpu.memory_space<hbm>> -> memref<16384xf32, #tpu.memory_space<hbm>>
      %dma_wait3A_405 = arith.constant 0 : i32
      %dma_wait3A_406 = tpu.memref_slice %arg2[%dma_wait3A_405] : memref<44040192xf32, #tpu.memory_space<hbm>> -> memref<16384xf32, #tpu.memory_space<hbm>>
      tpu.wait_dma2 semaphore(%arg15 : memref<!tpu.dma_semaphore, #tpu.memory_space<semaphore_mem>>) src(%dma_wait3A_406 : memref<16384xf32, #tpu.memory_space<hbm>>) dst(%arg9 : memref<16384xf32, #tpu.memory_space<vmem>>)
      %add3A_407 = arith.constant 1 : i32
      %add3A_408 = arith.addi %add3A_402, %add3A_407 : i32
      %min3A_409 = arith.constant 20 : i32
      %min3A_410 = arith.minsi %add3A_408, %min3A_409 : i32
      %mul3A_411 = arith.constant 21 : i32
      %mul3A_412 = arith.muli %select_n3A, %mul3A_411 : i32
      %add3A_413 = arith.addi %mul3A_412, %min3A_410 : i32
      %mul3A_414 = arith.constant 262144 : i32
      %mul3A_415 = arith.muli %add3A_413, %mul3A_414 : i32
      %add3A_416 = arith.addi %mul3A_415, %sub3A_34 : i32
      %mul3A_417 = arith.constant 16384 : i32
      %mul3A_418 = arith.muli %add3A_387, %mul3A_417 : i32
      %add3A_419 = arith.addi %add3A_416, %mul3A_418 : i32
      %dma_start3A_420 = tpu.memref_slice %arg2[%add3A_419] : memref<44040192xf32, #tpu.memory_space<hbm>> -> memref<16384xf32, #tpu.memory_space<hbm>>
      %dma_start3A_421 = tpu.memref_slice %arg2[%add3A_419] : memref<44040192xf32, #tpu.memory_space<hbm>> -> memref<16384xf32, #tpu.memory_space<hbm>>
      tpu.enqueue_dma source(%dma_start3A_421 : memref<16384xf32, #tpu.memory_space<hbm>>) target(%arg8 : memref<16384xf32, #tpu.memory_space<vmem>>) target_semaphore(%arg15 : memref<!tpu.dma_semaphore, #tpu.memory_space<semaphore_mem>>)
      %lt3A_422 = arith.constant 21 : i32
      %lt3A_423 = arith.cmpi slt, %add3A_402, %lt3A_422 : i32
      %convert_element_type3A_424 = arith.extui %lt3A_423 : i1 to i32
      %cond3A_425 = arith.constant 0 : i32
      %cond3A_426 = arith.cmpi ne, %convert_element_type3A_424, %cond3A_425 : i32
      scf.if %cond3A_426 {
        %add3A_700 = arith.constant 0 : i32
        %add3A_701 = vector.broadcast %add3A_700 : i32 to vector<16xi32>
        %add3A_702 = arith.addi %add3A_701, %mul3A_12 : vector<16xi32>
        %add3A_703 = arith.constant 512 : i32
        %add3A_704 = vector.broadcast %add3A_703 : i32 to vector<16xi32>
        %add3A_705 = arith.addi %add3A_702, %add3A_704 : vector<16xi32>
        %parallel_loop3A = arith.constant 0 : i32
        %parallel_loop3A_706 = arith.constant 16384 : i32
        %parallel_loop3A_707 = arith.constant 16 : i32
        %parallel_loop3A_708 = arith.constant 511.984375 : f32
        scf.for %parallel_loop3A_709 = %parallel_loop3A to %parallel_loop3A_706 step %parallel_loop3A_707  : i32 {
          %parallel_loop3A_710 = arith.index_cast %parallel_loop3A_709 : i32 to index
          %parallel_loop3A_711 = tpu.vector_load %arg9[%parallel_loop3A_710] {strides = array<i32>} : memref<16384xf32, #tpu.memory_space<vmem>>, vector<16xf32>,
          %parallel_loop3A_712 = arith.index_cast %parallel_loop3A_709 : i32 to index
          %parallel_loop3A_713 = tpu.vector_load %arg7[%parallel_loop3A_712] {strides = array<i32>} : memref<16384xi32, #tpu.memory_space<vmem>>, vector<16xi32>,
          %parallel_loop3A_714 = vector.broadcast %parallel_loop3A_708 : f32 to vector<16xf32>
          %parallel_loop3A_715 = arith.mulf %parallel_loop3A_711, %parallel_loop3A_714 : vector<16xf32>
          %parallel_loop3A_716 = arith.fptosi %parallel_loop3A_715 : vector<16xf32> to vector<16xi32>
          %parallel_loop3A_717 = vector.broadcast %add3A_402 : i32 to vector<16xi32>
          %parallel_loop3A_718 = arith.cmpi eq, %parallel_loop3A_713, %parallel_loop3A_717 : vector<16xi32>
          %parallel_loop3A_719 = arith.select %parallel_loop3A_718, %add3A_705, %add3A_702 : vector<16xi1>, vector<16xi32>
          %parallel_loop3A_720 = arith.addi %parallel_loop3A_716, %parallel_loop3A_719 : vector<16xi32>
          tpu.vector_store_idx %arg5[%parallel_loop3A_720], %broadcast_in_dim3A_2 {add = true} : memref<45056xf32, #tpu.memory_space<vmem>>[vector<16xi32>], vector<16xf32>,
        } {sc.loop_unroll_factor = 16 : i64, sc.parallel_access}
      } else {
      }
      %mul3A_427 = arith.constant 11 : i32
      %mul3A_428 = arith.muli %arg0, %mul3A_427 : i32
      %add3A_429 = arith.constant 1 : i32
      %add3A_430 = arith.addi %mul3A_428, %add3A_429 : i32
      %dma_wait3A_431 = arith.constant 0 : i32
      %dma_wait3A_432 = tpu.memref_slice %arg2[%dma_wait3A_431] : memref<44040192xf32, #tpu.memory_space<hbm>> -> memref<16384xf32, #tpu.memory_space<hbm>>
      %dma_wait3A_433 = arith.constant 0 : i32
      %dma_wait3A_434 = tpu.memref_slice %arg2[%dma_wait3A_433] : memref<44040192xf32, #tpu.memory_space<hbm>> -> memref<16384xf32, #tpu.memory_space<hbm>>
      tpu.wait_dma2 semaphore(%arg15 : memref<!tpu.dma_semaphore, #tpu.memory_space<semaphore_mem>>) src(%dma_wait3A_434 : memref<16384xf32, #tpu.memory_space<hbm>>) dst(%arg8 : memref<16384xf32, #tpu.memory_space<vmem>>)
      %add3A_435 = arith.constant 1 : i32
      %add3A_436 = arith.addi %add3A_430, %add3A_435 : i32
      %min3A_437 = arith.constant 20 : i32
      %min3A_438 = arith.minsi %add3A_436, %min3A_437 : i32
      %mul3A_439 = arith.constant 21 : i32
      %mul3A_440 = arith.muli %select_n3A, %mul3A_439 : i32
      %add3A_441 = arith.addi %mul3A_440, %min3A_438 : i32
      %mul3A_442 = arith.constant 262144 : i32
      %mul3A_443 = arith.muli %add3A_441, %mul3A_442 : i32
      %add3A_444 = arith.addi %mul3A_443, %sub3A_34 : i32
      %mul3A_445 = arith.constant 16384 : i32
      %mul3A_446 = arith.muli %add3A_387, %mul3A_445 : i32
      %add3A_447 = arith.addi %add3A_444, %mul3A_446 : i32
      %dma_start3A_448 = tpu.memref_slice %arg2[%add3A_447] : memref<44040192xf32, #tpu.memory_space<hbm>> -> memref<16384xf32, #tpu.memory_space<hbm>>
      %dma_start3A_449 = tpu.memref_slice %arg2[%add3A_447] : memref<44040192xf32, #tpu.memory_space<hbm>> -> memref<16384xf32, #tpu.memory_space<hbm>>
      tpu.enqueue_dma source(%dma_start3A_449 : memref<16384xf32, #tpu.memory_space<hbm>>) target(%arg9 : memref<16384xf32, #tpu.memory_space<vmem>>) target_semaphore(%arg15 : memref<!tpu.dma_semaphore, #tpu.memory_space<semaphore_mem>>)
      %lt3A_450 = arith.constant 21 : i32
      %lt3A_451 = arith.cmpi slt, %add3A_430, %lt3A_450 : i32
      %convert_element_type3A_452 = arith.extui %lt3A_451 : i1 to i32
      %cond3A_453 = arith.constant 0 : i32
      %cond3A_454 = arith.cmpi ne, %convert_element_type3A_452, %cond3A_453 : i32
      scf.if %cond3A_454 {
        %add3A_700 = arith.constant 1024 : i32
        %add3A_701 = vector.broadcast %add3A_700 : i32 to vector<16xi32>
        %add3A_702 = arith.addi %add3A_701, %mul3A_12 : vector<16xi32>
        %add3A_703 = arith.constant 512 : i32
        %add3A_704 = vector.broadcast %add3A_703 : i32 to vector<16xi32>
        %add3A_705 = arith.addi %add3A_702, %add3A_704 : vector<16xi32>
        %parallel_loop3A = arith.constant 0 : i32
        %parallel_loop3A_706 = arith.constant 16384 : i32
        %parallel_loop3A_707 = arith.constant 16 : i32
        %parallel_loop3A_708 = arith.constant 511.984375 : f32
        scf.for %parallel_loop3A_709 = %parallel_loop3A to %parallel_loop3A_706 step %parallel_loop3A_707  : i32 {
          %parallel_loop3A_710 = arith.index_cast %parallel_loop3A_709 : i32 to index
          %parallel_loop3A_711 = tpu.vector_load %arg8[%parallel_loop3A_710] {strides = array<i32>} : memref<16384xf32, #tpu.memory_space<vmem>>, vector<16xf32>,
          %parallel_loop3A_712 = arith.index_cast %parallel_loop3A_709 : i32 to index
          %parallel_loop3A_713 = tpu.vector_load %arg7[%parallel_loop3A_712] {strides = array<i32>} : memref<16384xi32, #tpu.memory_space<vmem>>, vector<16xi32>,
          %parallel_loop3A_714 = vector.broadcast %parallel_loop3A_708 : f32 to vector<16xf32>
          %parallel_loop3A_715 = arith.mulf %parallel_loop3A_711, %parallel_loop3A_714 : vector<16xf32>
          %parallel_loop3A_716 = arith.fptosi %parallel_loop3A_715 : vector<16xf32> to vector<16xi32>
          %parallel_loop3A_717 = vector.broadcast %add3A_430 : i32 to vector<16xi32>
          %parallel_loop3A_718 = arith.cmpi eq, %parallel_loop3A_713, %parallel_loop3A_717 : vector<16xi32>
          %parallel_loop3A_719 = arith.select %parallel_loop3A_718, %add3A_705, %add3A_702 : vector<16xi1>, vector<16xi32>
          %parallel_loop3A_720 = arith.addi %parallel_loop3A_716, %parallel_loop3A_719 : vector<16xi32>
          tpu.vector_store_idx %arg5[%parallel_loop3A_720], %broadcast_in_dim3A_2 {add = true} : memref<45056xf32, #tpu.memory_space<vmem>>[vector<16xi32>], vector<16xf32>,
        } {sc.loop_unroll_factor = 16 : i64, sc.parallel_access}
      } else {
      }
      %mul3A_455 = arith.constant 11 : i32
      %mul3A_456 = arith.muli %arg0, %mul3A_455 : i32
      %add3A_457 = arith.constant 2 : i32
      %add3A_458 = arith.addi %mul3A_456, %add3A_457 : i32
      %dma_wait3A_459 = arith.constant 0 : i32
      %dma_wait3A_460 = tpu.memref_slice %arg2[%dma_wait3A_459] : memref<44040192xf32, #tpu.memory_space<hbm>> -> memref<16384xf32, #tpu.memory_space<hbm>>
      %dma_wait3A_461 = arith.constant 0 : i32
      %dma_wait3A_462 = tpu.memref_slice %arg2[%dma_wait3A_461] : memref<44040192xf32, #tpu.memory_space<hbm>> -> memref<16384xf32, #tpu.memory_space<hbm>>
      tpu.wait_dma2 semaphore(%arg15 : memref<!tpu.dma_semaphore, #tpu.memory_space<semaphore_mem>>) src(%dma_wait3A_462 : memref<16384xf32, #tpu.memory_space<hbm>>) dst(%arg9 : memref<16384xf32, #tpu.memory_space<vmem>>)
      %add3A_463 = arith.constant 1 : i32
      %add3A_464 = arith.addi %add3A_458, %add3A_463 : i32
      %min3A_465 = arith.constant 20 : i32
      %min3A_466 = arith.minsi %add3A_464, %min3A_465 : i32
      %mul3A_467 = arith.constant 21 : i32
      %mul3A_468 = arith.muli %select_n3A, %mul3A_467 : i32
      %add3A_469 = arith.addi %mul3A_468, %min3A_466 : i32
      %mul3A_470 = arith.constant 262144 : i32
      %mul3A_471 = arith.muli %add3A_469, %mul3A_470 : i32
      %add3A_472 = arith.addi %mul3A_471, %sub3A_34 : i32
      %mul3A_473 = arith.constant 16384 : i32
      %mul3A_474 = arith.muli %add3A_387, %mul3A_473 : i32
      %add3A_475 = arith.addi %add3A_472, %mul3A_474 : i32
      %dma_start3A_476 = tpu.memref_slice %arg2[%add3A_475] : memref<44040192xf32, #tpu.memory_space<hbm>> -> memref<16384xf32, #tpu.memory_space<hbm>>
      %dma_start3A_477 = tpu.memref_slice %arg2[%add3A_475] : memref<44040192xf32, #tpu.memory_space<hbm>> -> memref<16384xf32, #tpu.memory_space<hbm>>
      tpu.enqueue_dma source(%dma_start3A_477 : memref<16384xf32, #tpu.memory_space<hbm>>) target(%arg8 : memref<16384xf32, #tpu.memory_space<vmem>>) target_semaphore(%arg15 : memref<!tpu.dma_semaphore, #tpu.memory_space<semaphore_mem>>)
      %lt3A_478 = arith.constant 21 : i32
      %lt3A_479 = arith.cmpi slt, %add3A_458, %lt3A_478 : i32
      %convert_element_type3A_480 = arith.extui %lt3A_479 : i1 to i32
      %cond3A_481 = arith.constant 0 : i32
      %cond3A_482 = arith.cmpi ne, %convert_element_type3A_480, %cond3A_481 : i32
      scf.if %cond3A_482 {
        %add3A_700 = arith.constant 2048 : i32
        %add3A_701 = vector.broadcast %add3A_700 : i32 to vector<16xi32>
        %add3A_702 = arith.addi %add3A_701, %mul3A_12 : vector<16xi32>
        %add3A_703 = arith.constant 512 : i32
        %add3A_704 = vector.broadcast %add3A_703 : i32 to vector<16xi32>
        %add3A_705 = arith.addi %add3A_702, %add3A_704 : vector<16xi32>
        %parallel_loop3A = arith.constant 0 : i32
        %parallel_loop3A_706 = arith.constant 16384 : i32
        %parallel_loop3A_707 = arith.constant 16 : i32
        %parallel_loop3A_708 = arith.constant 511.984375 : f32
        scf.for %parallel_loop3A_709 = %parallel_loop3A to %parallel_loop3A_706 step %parallel_loop3A_707  : i32 {
          %parallel_loop3A_710 = arith.index_cast %parallel_loop3A_709 : i32 to index
          %parallel_loop3A_711 = tpu.vector_load %arg9[%parallel_loop3A_710] {strides = array<i32>} : memref<16384xf32, #tpu.memory_space<vmem>>, vector<16xf32>,
          %parallel_loop3A_712 = arith.index_cast %parallel_loop3A_709 : i32 to index
          %parallel_loop3A_713 = tpu.vector_load %arg7[%parallel_loop3A_712] {strides = array<i32>} : memref<16384xi32, #tpu.memory_space<vmem>>, vector<16xi32>,
          %parallel_loop3A_714 = vector.broadcast %parallel_loop3A_708 : f32 to vector<16xf32>
          %parallel_loop3A_715 = arith.mulf %parallel_loop3A_711, %parallel_loop3A_714 : vector<16xf32>
          %parallel_loop3A_716 = arith.fptosi %parallel_loop3A_715 : vector<16xf32> to vector<16xi32>
          %parallel_loop3A_717 = vector.broadcast %add3A_458 : i32 to vector<16xi32>
          %parallel_loop3A_718 = arith.cmpi eq, %parallel_loop3A_713, %parallel_loop3A_717 : vector<16xi32>
          %parallel_loop3A_719 = arith.select %parallel_loop3A_718, %add3A_705, %add3A_702 : vector<16xi1>, vector<16xi32>
          %parallel_loop3A_720 = arith.addi %parallel_loop3A_716, %parallel_loop3A_719 : vector<16xi32>
          tpu.vector_store_idx %arg5[%parallel_loop3A_720], %broadcast_in_dim3A_2 {add = true} : memref<45056xf32, #tpu.memory_space<vmem>>[vector<16xi32>], vector<16xf32>,
        } {sc.loop_unroll_factor = 16 : i64, sc.parallel_access}
      } else {
      }
      %mul3A_483 = arith.constant 11 : i32
      %mul3A_484 = arith.muli %arg0, %mul3A_483 : i32
      %add3A_485 = arith.constant 3 : i32
      %add3A_486 = arith.addi %mul3A_484, %add3A_485 : i32
      %dma_wait3A_487 = arith.constant 0 : i32
      %dma_wait3A_488 = tpu.memref_slice %arg2[%dma_wait3A_487] : memref<44040192xf32, #tpu.memory_space<hbm>> -> memref<16384xf32, #tpu.memory_space<hbm>>
      %dma_wait3A_489 = arith.constant 0 : i32
      %dma_wait3A_490 = tpu.memref_slice %arg2[%dma_wait3A_489] : memref<44040192xf32, #tpu.memory_space<hbm>> -> memref<16384xf32, #tpu.memory_space<hbm>>
      tpu.wait_dma2 semaphore(%arg15 : memref<!tpu.dma_semaphore, #tpu.memory_space<semaphore_mem>>) src(%dma_wait3A_490 : memref<16384xf32, #tpu.memory_space<hbm>>) dst(%arg8 : memref<16384xf32, #tpu.memory_space<vmem>>)
      %add3A_491 = arith.constant 1 : i32
      %add3A_492 = arith.addi %add3A_486, %add3A_491 : i32
      %min3A_493 = arith.constant 20 : i32
      %min3A_494 = arith.minsi %add3A_492, %min3A_493 : i32
      %mul3A_495 = arith.constant 21 : i32
      %mul3A_496 = arith.muli %select_n3A, %mul3A_495 : i32
      %add3A_497 = arith.addi %mul3A_496, %min3A_494 : i32
      %mul3A_498 = arith.constant 262144 : i32
      %mul3A_499 = arith.muli %add3A_497, %mul3A_498 : i32
      %add3A_500 = arith.addi %mul3A_499, %sub3A_34 : i32
      %mul3A_501 = arith.constant 16384 : i32
      %mul3A_502 = arith.muli %add3A_387, %mul3A_501 : i32
      %add3A_503 = arith.addi %add3A_500, %mul3A_502 : i32
      %dma_start3A_504 = tpu.memref_slice %arg2[%add3A_503] : memref<44040192xf32, #tpu.memory_space<hbm>> -> memref<16384xf32, #tpu.memory_space<hbm>>
      %dma_start3A_505 = tpu.memref_slice %arg2[%add3A_503] : memref<44040192xf32, #tpu.memory_space<hbm>> -> memref<16384xf32, #tpu.memory_space<hbm>>
      tpu.enqueue_dma source(%dma_start3A_505 : memref<16384xf32, #tpu.memory_space<hbm>>) target(%arg9 : memref<16384xf32, #tpu.memory_space<vmem>>) target_semaphore(%arg15 : memref<!tpu.dma_semaphore, #tpu.memory_space<semaphore_mem>>)
      %lt3A_506 = arith.constant 21 : i32
      %lt3A_507 = arith.cmpi slt, %add3A_486, %lt3A_506 : i32
      %convert_element_type3A_508 = arith.extui %lt3A_507 : i1 to i32
      %cond3A_509 = arith.constant 0 : i32
      %cond3A_510 = arith.cmpi ne, %convert_element_type3A_508, %cond3A_509 : i32
      scf.if %cond3A_510 {
        %add3A_700 = arith.constant 3072 : i32
        %add3A_701 = vector.broadcast %add3A_700 : i32 to vector<16xi32>
        %add3A_702 = arith.addi %add3A_701, %mul3A_12 : vector<16xi32>
        %add3A_703 = arith.constant 512 : i32
        %add3A_704 = vector.broadcast %add3A_703 : i32 to vector<16xi32>
        %add3A_705 = arith.addi %add3A_702, %add3A_704 : vector<16xi32>
        %parallel_loop3A = arith.constant 0 : i32
        %parallel_loop3A_706 = arith.constant 16384 : i32
        %parallel_loop3A_707 = arith.constant 16 : i32
        %parallel_loop3A_708 = arith.constant 511.984375 : f32
        scf.for %parallel_loop3A_709 = %parallel_loop3A to %parallel_loop3A_706 step %parallel_loop3A_707  : i32 {
          %parallel_loop3A_710 = arith.index_cast %parallel_loop3A_709 : i32 to index
          %parallel_loop3A_711 = tpu.vector_load %arg8[%parallel_loop3A_710] {strides = array<i32>} : memref<16384xf32, #tpu.memory_space<vmem>>, vector<16xf32>,
          %parallel_loop3A_712 = arith.index_cast %parallel_loop3A_709 : i32 to index
          %parallel_loop3A_713 = tpu.vector_load %arg7[%parallel_loop3A_712] {strides = array<i32>} : memref<16384xi32, #tpu.memory_space<vmem>>, vector<16xi32>,
          %parallel_loop3A_714 = vector.broadcast %parallel_loop3A_708 : f32 to vector<16xf32>
          %parallel_loop3A_715 = arith.mulf %parallel_loop3A_711, %parallel_loop3A_714 : vector<16xf32>
          %parallel_loop3A_716 = arith.fptosi %parallel_loop3A_715 : vector<16xf32> to vector<16xi32>
          %parallel_loop3A_717 = vector.broadcast %add3A_486 : i32 to vector<16xi32>
          %parallel_loop3A_718 = arith.cmpi eq, %parallel_loop3A_713, %parallel_loop3A_717 : vector<16xi32>
          %parallel_loop3A_719 = arith.select %parallel_loop3A_718, %add3A_705, %add3A_702 : vector<16xi1>, vector<16xi32>
          %parallel_loop3A_720 = arith.addi %parallel_loop3A_716, %parallel_loop3A_719 : vector<16xi32>
          tpu.vector_store_idx %arg5[%parallel_loop3A_720], %broadcast_in_dim3A_2 {add = true} : memref<45056xf32, #tpu.memory_space<vmem>>[vector<16xi32>], vector<16xf32>,
        } {sc.loop_unroll_factor = 16 : i64, sc.parallel_access}
      } else {
      }
      %mul3A_511 = arith.constant 11 : i32
      %mul3A_512 = arith.muli %arg0, %mul3A_511 : i32
      %add3A_513 = arith.constant 4 : i32
      %add3A_514 = arith.addi %mul3A_512, %add3A_513 : i32
      %dma_wait3A_515 = arith.constant 0 : i32
      %dma_wait3A_516 = tpu.memref_slice %arg2[%dma_wait3A_515] : memref<44040192xf32, #tpu.memory_space<hbm>> -> memref<16384xf32, #tpu.memory_space<hbm>>
      %dma_wait3A_517 = arith.constant 0 : i32
      %dma_wait3A_518 = tpu.memref_slice %arg2[%dma_wait3A_517] : memref<44040192xf32, #tpu.memory_space<hbm>> -> memref<16384xf32, #tpu.memory_space<hbm>>
      tpu.wait_dma2 semaphore(%arg15 : memref<!tpu.dma_semaphore, #tpu.memory_space<semaphore_mem>>) src(%dma_wait3A_518 : memref<16384xf32, #tpu.memory_space<hbm>>) dst(%arg9 : memref<16384xf32, #tpu.memory_space<vmem>>)
      %add3A_519 = arith.constant 1 : i32
      %add3A_520 = arith.addi %add3A_514, %add3A_519 : i32
      %min3A_521 = arith.constant 20 : i32
      %min3A_522 = arith.minsi %add3A_520, %min3A_521 : i32
      %mul3A_523 = arith.constant 21 : i32
      %mul3A_524 = arith.muli %select_n3A, %mul3A_523 : i32
      %add3A_525 = arith.addi %mul3A_524, %min3A_522 : i32
      %mul3A_526 = arith.constant 262144 : i32
      %mul3A_527 = arith.muli %add3A_525, %mul3A_526 : i32
      %add3A_528 = arith.addi %mul3A_527, %sub3A_34 : i32
      %mul3A_529 = arith.constant 16384 : i32
      %mul3A_530 = arith.muli %add3A_387, %mul3A_529 : i32
      %add3A_531 = arith.addi %add3A_528, %mul3A_530 : i32
      %dma_start3A_532 = tpu.memref_slice %arg2[%add3A_531] : memref<44040192xf32, #tpu.memory_space<hbm>> -> memref<16384xf32, #tpu.memory_space<hbm>>
      %dma_start3A_533 = tpu.memref_slice %arg2[%add3A_531] : memref<44040192xf32, #tpu.memory_space<hbm>> -> memref<16384xf32, #tpu.memory_space<hbm>>
      tpu.enqueue_dma source(%dma_start3A_533 : memref<16384xf32, #tpu.memory_space<hbm>>) target(%arg8 : memref<16384xf32, #tpu.memory_space<vmem>>) target_semaphore(%arg15 : memref<!tpu.dma_semaphore, #tpu.memory_space<semaphore_mem>>)
      %lt3A_534 = arith.constant 21 : i32
      %lt3A_535 = arith.cmpi slt, %add3A_514, %lt3A_534 : i32
      %convert_element_type3A_536 = arith.extui %lt3A_535 : i1 to i32
      %cond3A_537 = arith.constant 0 : i32
      %cond3A_538 = arith.cmpi ne, %convert_element_type3A_536, %cond3A_537 : i32
      scf.if %cond3A_538 {
        %add3A_700 = arith.constant 4096 : i32
        %add3A_701 = vector.broadcast %add3A_700 : i32 to vector<16xi32>
        %add3A_702 = arith.addi %add3A_701, %mul3A_12 : vector<16xi32>
        %add3A_703 = arith.constant 512 : i32
        %add3A_704 = vector.broadcast %add3A_703 : i32 to vector<16xi32>
        %add3A_705 = arith.addi %add3A_702, %add3A_704 : vector<16xi32>
        %parallel_loop3A = arith.constant 0 : i32
        %parallel_loop3A_706 = arith.constant 16384 : i32
        %parallel_loop3A_707 = arith.constant 16 : i32
        %parallel_loop3A_708 = arith.constant 511.984375 : f32
        scf.for %parallel_loop3A_709 = %parallel_loop3A to %parallel_loop3A_706 step %parallel_loop3A_707  : i32 {
          %parallel_loop3A_710 = arith.index_cast %parallel_loop3A_709 : i32 to index
          %parallel_loop3A_711 = tpu.vector_load %arg9[%parallel_loop3A_710] {strides = array<i32>} : memref<16384xf32, #tpu.memory_space<vmem>>, vector<16xf32>,
          %parallel_loop3A_712 = arith.index_cast %parallel_loop3A_709 : i32 to index
          %parallel_loop3A_713 = tpu.vector_load %arg7[%parallel_loop3A_712] {strides = array<i32>} : memref<16384xi32, #tpu.memory_space<vmem>>, vector<16xi32>,
          %parallel_loop3A_714 = vector.broadcast %parallel_loop3A_708 : f32 to vector<16xf32>
          %parallel_loop3A_715 = arith.mulf %parallel_loop3A_711, %parallel_loop3A_714 : vector<16xf32>
          %parallel_loop3A_716 = arith.fptosi %parallel_loop3A_715 : vector<16xf32> to vector<16xi32>
          %parallel_loop3A_717 = vector.broadcast %add3A_514 : i32 to vector<16xi32>
          %parallel_loop3A_718 = arith.cmpi eq, %parallel_loop3A_713, %parallel_loop3A_717 : vector<16xi32>
          %parallel_loop3A_719 = arith.select %parallel_loop3A_718, %add3A_705, %add3A_702 : vector<16xi1>, vector<16xi32>
          %parallel_loop3A_720 = arith.addi %parallel_loop3A_716, %parallel_loop3A_719 : vector<16xi32>
          tpu.vector_store_idx %arg5[%parallel_loop3A_720], %broadcast_in_dim3A_2 {add = true} : memref<45056xf32, #tpu.memory_space<vmem>>[vector<16xi32>], vector<16xf32>,
        } {sc.loop_unroll_factor = 16 : i64, sc.parallel_access}
      } else {
      }
      %mul3A_539 = arith.constant 11 : i32
      %mul3A_540 = arith.muli %arg0, %mul3A_539 : i32
      %add3A_541 = arith.constant 5 : i32
      %add3A_542 = arith.addi %mul3A_540, %add3A_541 : i32
      %dma_wait3A_543 = arith.constant 0 : i32
      %dma_wait3A_544 = tpu.memref_slice %arg2[%dma_wait3A_543] : memref<44040192xf32, #tpu.memory_space<hbm>> -> memref<16384xf32, #tpu.memory_space<hbm>>
      %dma_wait3A_545 = arith.constant 0 : i32
      %dma_wait3A_546 = tpu.memref_slice %arg2[%dma_wait3A_545] : memref<44040192xf32, #tpu.memory_space<hbm>> -> memref<16384xf32, #tpu.memory_space<hbm>>
      tpu.wait_dma2 semaphore(%arg15 : memref<!tpu.dma_semaphore, #tpu.memory_space<semaphore_mem>>) src(%dma_wait3A_546 : memref<16384xf32, #tpu.memory_space<hbm>>) dst(%arg8 : memref<16384xf32, #tpu.memory_space<vmem>>)
      %add3A_547 = arith.constant 1 : i32
      %add3A_548 = arith.addi %add3A_542, %add3A_547 : i32
      %min3A_549 = arith.constant 20 : i32
      %min3A_550 = arith.minsi %add3A_548, %min3A_549 : i32
      %mul3A_551 = arith.constant 21 : i32
      %mul3A_552 = arith.muli %select_n3A, %mul3A_551 : i32
      %add3A_553 = arith.addi %mul3A_552, %min3A_550 : i32
      %mul3A_554 = arith.constant 262144 : i32
      %mul3A_555 = arith.muli %add3A_553, %mul3A_554 : i32
      %add3A_556 = arith.addi %mul3A_555, %sub3A_34 : i32
      %mul3A_557 = arith.constant 16384 : i32
      %mul3A_558 = arith.muli %add3A_387, %mul3A_557 : i32
      %add3A_559 = arith.addi %add3A_556, %mul3A_558 : i32
      %dma_start3A_560 = tpu.memref_slice %arg2[%add3A_559] : memref<44040192xf32, #tpu.memory_space<hbm>> -> memref<16384xf32, #tpu.memory_space<hbm>>
      %dma_start3A_561 = tpu.memref_slice %arg2[%add3A_559] : memref<44040192xf32, #tpu.memory_space<hbm>> -> memref<16384xf32, #tpu.memory_space<hbm>>
      tpu.enqueue_dma source(%dma_start3A_561 : memref<16384xf32, #tpu.memory_space<hbm>>) target(%arg9 : memref<16384xf32, #tpu.memory_space<vmem>>) target_semaphore(%arg15 : memref<!tpu.dma_semaphore, #tpu.memory_space<semaphore_mem>>)
      %lt3A_562 = arith.constant 21 : i32
      %lt3A_563 = arith.cmpi slt, %add3A_542, %lt3A_562 : i32
      %convert_element_type3A_564 = arith.extui %lt3A_563 : i1 to i32
      %cond3A_565 = arith.constant 0 : i32
      %cond3A_566 = arith.cmpi ne, %convert_element_type3A_564, %cond3A_565 : i32
      scf.if %cond3A_566 {
        %add3A_700 = arith.constant 5120 : i32
        %add3A_701 = vector.broadcast %add3A_700 : i32 to vector<16xi32>
        %add3A_702 = arith.addi %add3A_701, %mul3A_12 : vector<16xi32>
        %add3A_703 = arith.constant 512 : i32
        %add3A_704 = vector.broadcast %add3A_703 : i32 to vector<16xi32>
        %add3A_705 = arith.addi %add3A_702, %add3A_704 : vector<16xi32>
        %parallel_loop3A = arith.constant 0 : i32
        %parallel_loop3A_706 = arith.constant 16384 : i32
        %parallel_loop3A_707 = arith.constant 16 : i32
        %parallel_loop3A_708 = arith.constant 511.984375 : f32
        scf.for %parallel_loop3A_709 = %parallel_loop3A to %parallel_loop3A_706 step %parallel_loop3A_707  : i32 {
          %parallel_loop3A_710 = arith.index_cast %parallel_loop3A_709 : i32 to index
          %parallel_loop3A_711 = tpu.vector_load %arg8[%parallel_loop3A_710] {strides = array<i32>} : memref<16384xf32, #tpu.memory_space<vmem>>, vector<16xf32>,
          %parallel_loop3A_712 = arith.index_cast %parallel_loop3A_709 : i32 to index
          %parallel_loop3A_713 = tpu.vector_load %arg7[%parallel_loop3A_712] {strides = array<i32>} : memref<16384xi32, #tpu.memory_space<vmem>>, vector<16xi32>,
          %parallel_loop3A_714 = vector.broadcast %parallel_loop3A_708 : f32 to vector<16xf32>
          %parallel_loop3A_715 = arith.mulf %parallel_loop3A_711, %parallel_loop3A_714 : vector<16xf32>
          %parallel_loop3A_716 = arith.fptosi %parallel_loop3A_715 : vector<16xf32> to vector<16xi32>
          %parallel_loop3A_717 = vector.broadcast %add3A_542 : i32 to vector<16xi32>
          %parallel_loop3A_718 = arith.cmpi eq, %parallel_loop3A_713, %parallel_loop3A_717 : vector<16xi32>
          %parallel_loop3A_719 = arith.select %parallel_loop3A_718, %add3A_705, %add3A_702 : vector<16xi1>, vector<16xi32>
          %parallel_loop3A_720 = arith.addi %parallel_loop3A_716, %parallel_loop3A_719 : vector<16xi32>
          tpu.vector_store_idx %arg5[%parallel_loop3A_720], %broadcast_in_dim3A_2 {add = true} : memref<45056xf32, #tpu.memory_space<vmem>>[vector<16xi32>], vector<16xf32>,
        } {sc.loop_unroll_factor = 16 : i64, sc.parallel_access}
      } else {
      }
      %mul3A_567 = arith.constant 11 : i32
      %mul3A_568 = arith.muli %arg0, %mul3A_567 : i32
      %add3A_569 = arith.constant 6 : i32
      %add3A_570 = arith.addi %mul3A_568, %add3A_569 : i32
      %dma_wait3A_571 = arith.constant 0 : i32
      %dma_wait3A_572 = tpu.memref_slice %arg2[%dma_wait3A_571] : memref<44040192xf32, #tpu.memory_space<hbm>> -> memref<16384xf32, #tpu.memory_space<hbm>>
      %dma_wait3A_573 = arith.constant 0 : i32
      %dma_wait3A_574 = tpu.memref_slice %arg2[%dma_wait3A_573] : memref<44040192xf32, #tpu.memory_space<hbm>> -> memref<16384xf32, #tpu.memory_space<hbm>>
      tpu.wait_dma2 semaphore(%arg15 : memref<!tpu.dma_semaphore, #tpu.memory_space<semaphore_mem>>) src(%dma_wait3A_574 : memref<16384xf32, #tpu.memory_space<hbm>>) dst(%arg9 : memref<16384xf32, #tpu.memory_space<vmem>>)
      %add3A_575 = arith.constant 1 : i32
      %add3A_576 = arith.addi %add3A_570, %add3A_575 : i32
      %min3A_577 = arith.constant 20 : i32
      %min3A_578 = arith.minsi %add3A_576, %min3A_577 : i32
      %mul3A_579 = arith.constant 21 : i32
      %mul3A_580 = arith.muli %select_n3A, %mul3A_579 : i32
      %add3A_581 = arith.addi %mul3A_580, %min3A_578 : i32
      %mul3A_582 = arith.constant 262144 : i32
      %mul3A_583 = arith.muli %add3A_581, %mul3A_582 : i32
      %add3A_584 = arith.addi %mul3A_583, %sub3A_34 : i32
      %mul3A_585 = arith.constant 16384 : i32
      %mul3A_586 = arith.muli %add3A_387, %mul3A_585 : i32
      %add3A_587 = arith.addi %add3A_584, %mul3A_586 : i32
      %dma_start3A_588 = tpu.memref_slice %arg2[%add3A_587] : memref<44040192xf32, #tpu.memory_space<hbm>> -> memref<16384xf32, #tpu.memory_space<hbm>>
      %dma_start3A_589 = tpu.memref_slice %arg2[%add3A_587] : memref<44040192xf32, #tpu.memory_space<hbm>> -> memref<16384xf32, #tpu.memory_space<hbm>>
      tpu.enqueue_dma source(%dma_start3A_589 : memref<16384xf32, #tpu.memory_space<hbm>>) target(%arg8 : memref<16384xf32, #tpu.memory_space<vmem>>) target_semaphore(%arg15 : memref<!tpu.dma_semaphore, #tpu.memory_space<semaphore_mem>>)
      %lt3A_590 = arith.constant 21 : i32
      %lt3A_591 = arith.cmpi slt, %add3A_570, %lt3A_590 : i32
      %convert_element_type3A_592 = arith.extui %lt3A_591 : i1 to i32
      %cond3A_593 = arith.constant 0 : i32
      %cond3A_594 = arith.cmpi ne, %convert_element_type3A_592, %cond3A_593 : i32
      scf.if %cond3A_594 {
        %add3A_700 = arith.constant 6144 : i32
        %add3A_701 = vector.broadcast %add3A_700 : i32 to vector<16xi32>
        %add3A_702 = arith.addi %add3A_701, %mul3A_12 : vector<16xi32>
        %add3A_703 = arith.constant 512 : i32
        %add3A_704 = vector.broadcast %add3A_703 : i32 to vector<16xi32>
        %add3A_705 = arith.addi %add3A_702, %add3A_704 : vector<16xi32>
        %parallel_loop3A = arith.constant 0 : i32
        %parallel_loop3A_706 = arith.constant 16384 : i32
        %parallel_loop3A_707 = arith.constant 16 : i32
        %parallel_loop3A_708 = arith.constant 511.984375 : f32
        scf.for %parallel_loop3A_709 = %parallel_loop3A to %parallel_loop3A_706 step %parallel_loop3A_707  : i32 {
          %parallel_loop3A_710 = arith.index_cast %parallel_loop3A_709 : i32 to index
          %parallel_loop3A_711 = tpu.vector_load %arg9[%parallel_loop3A_710] {strides = array<i32>} : memref<16384xf32, #tpu.memory_space<vmem>>, vector<16xf32>,
          %parallel_loop3A_712 = arith.index_cast %parallel_loop3A_709 : i32 to index
          %parallel_loop3A_713 = tpu.vector_load %arg7[%parallel_loop3A_712] {strides = array<i32>} : memref<16384xi32, #tpu.memory_space<vmem>>, vector<16xi32>,
          %parallel_loop3A_714 = vector.broadcast %parallel_loop3A_708 : f32 to vector<16xf32>
          %parallel_loop3A_715 = arith.mulf %parallel_loop3A_711, %parallel_loop3A_714 : vector<16xf32>
          %parallel_loop3A_716 = arith.fptosi %parallel_loop3A_715 : vector<16xf32> to vector<16xi32>
          %parallel_loop3A_717 = vector.broadcast %add3A_570 : i32 to vector<16xi32>
          %parallel_loop3A_718 = arith.cmpi eq, %parallel_loop3A_713, %parallel_loop3A_717 : vector<16xi32>
          %parallel_loop3A_719 = arith.select %parallel_loop3A_718, %add3A_705, %add3A_702 : vector<16xi1>, vector<16xi32>
          %parallel_loop3A_720 = arith.addi %parallel_loop3A_716, %parallel_loop3A_719 : vector<16xi32>
          tpu.vector_store_idx %arg5[%parallel_loop3A_720], %broadcast_in_dim3A_2 {add = true} : memref<45056xf32, #tpu.memory_space<vmem>>[vector<16xi32>], vector<16xf32>,
        } {sc.loop_unroll_factor = 16 : i64, sc.parallel_access}
      } else {
      }
      %mul3A_595 = arith.constant 11 : i32
      %mul3A_596 = arith.muli %arg0, %mul3A_595 : i32
      %add3A_597 = arith.constant 7 : i32
      %add3A_598 = arith.addi %mul3A_596, %add3A_597 : i32
      %dma_wait3A_599 = arith.constant 0 : i32
      %dma_wait3A_600 = tpu.memref_slice %arg2[%dma_wait3A_599] : memref<44040192xf32, #tpu.memory_space<hbm>> -> memref<16384xf32, #tpu.memory_space<hbm>>
      %dma_wait3A_601 = arith.constant 0 : i32
      %dma_wait3A_602 = tpu.memref_slice %arg2[%dma_wait3A_601] : memref<44040192xf32, #tpu.memory_space<hbm>> -> memref<16384xf32, #tpu.memory_space<hbm>>
      tpu.wait_dma2 semaphore(%arg15 : memref<!tpu.dma_semaphore, #tpu.memory_space<semaphore_mem>>) src(%dma_wait3A_602 : memref<16384xf32, #tpu.memory_space<hbm>>) dst(%arg8 : memref<16384xf32, #tpu.memory_space<vmem>>)
      %add3A_603 = arith.constant 1 : i32
      %add3A_604 = arith.addi %add3A_598, %add3A_603 : i32
      %min3A_605 = arith.constant 20 : i32
      %min3A_606 = arith.minsi %add3A_604, %min3A_605 : i32
      %mul3A_607 = arith.constant 21 : i32
      %mul3A_608 = arith.muli %select_n3A, %mul3A_607 : i32
      %add3A_609 = arith.addi %mul3A_608, %min3A_606 : i32
      %mul3A_610 = arith.constant 262144 : i32
      %mul3A_611 = arith.muli %add3A_609, %mul3A_610 : i32
      %add3A_612 = arith.addi %mul3A_611, %sub3A_34 : i32
      %mul3A_613 = arith.constant 16384 : i32
      %mul3A_614 = arith.muli %add3A_387, %mul3A_613 : i32
      %add3A_615 = arith.addi %add3A_612, %mul3A_614 : i32
      %dma_start3A_616 = tpu.memref_slice %arg2[%add3A_615] : memref<44040192xf32, #tpu.memory_space<hbm>> -> memref<16384xf32, #tpu.memory_space<hbm>>
      %dma_start3A_617 = tpu.memref_slice %arg2[%add3A_615] : memref<44040192xf32, #tpu.memory_space<hbm>> -> memref<16384xf32, #tpu.memory_space<hbm>>
      tpu.enqueue_dma source(%dma_start3A_617 : memref<16384xf32, #tpu.memory_space<hbm>>) target(%arg9 : memref<16384xf32, #tpu.memory_space<vmem>>) target_semaphore(%arg15 : memref<!tpu.dma_semaphore, #tpu.memory_space<semaphore_mem>>)
      %lt3A_618 = arith.constant 21 : i32
      %lt3A_619 = arith.cmpi slt, %add3A_598, %lt3A_618 : i32
      %convert_element_type3A_620 = arith.extui %lt3A_619 : i1 to i32
      %cond3A_621 = arith.constant 0 : i32
      %cond3A_622 = arith.cmpi ne, %convert_element_type3A_620, %cond3A_621 : i32
      scf.if %cond3A_622 {
        %add3A_700 = arith.constant 7168 : i32
        %add3A_701 = vector.broadcast %add3A_700 : i32 to vector<16xi32>
        %add3A_702 = arith.addi %add3A_701, %mul3A_12 : vector<16xi32>
        %add3A_703 = arith.constant 512 : i32
        %add3A_704 = vector.broadcast %add3A_703 : i32 to vector<16xi32>
        %add3A_705 = arith.addi %add3A_702, %add3A_704 : vector<16xi32>
        %parallel_loop3A = arith.constant 0 : i32
        %parallel_loop3A_706 = arith.constant 16384 : i32
        %parallel_loop3A_707 = arith.constant 16 : i32
        %parallel_loop3A_708 = arith.constant 511.984375 : f32
        scf.for %parallel_loop3A_709 = %parallel_loop3A to %parallel_loop3A_706 step %parallel_loop3A_707  : i32 {
          %parallel_loop3A_710 = arith.index_cast %parallel_loop3A_709 : i32 to index
          %parallel_loop3A_711 = tpu.vector_load %arg8[%parallel_loop3A_710] {strides = array<i32>} : memref<16384xf32, #tpu.memory_space<vmem>>, vector<16xf32>,
          %parallel_loop3A_712 = arith.index_cast %parallel_loop3A_709 : i32 to index
          %parallel_loop3A_713 = tpu.vector_load %arg7[%parallel_loop3A_712] {strides = array<i32>} : memref<16384xi32, #tpu.memory_space<vmem>>, vector<16xi32>,
          %parallel_loop3A_714 = vector.broadcast %parallel_loop3A_708 : f32 to vector<16xf32>
          %parallel_loop3A_715 = arith.mulf %parallel_loop3A_711, %parallel_loop3A_714 : vector<16xf32>
          %parallel_loop3A_716 = arith.fptosi %parallel_loop3A_715 : vector<16xf32> to vector<16xi32>
          %parallel_loop3A_717 = vector.broadcast %add3A_598 : i32 to vector<16xi32>
          %parallel_loop3A_718 = arith.cmpi eq, %parallel_loop3A_713, %parallel_loop3A_717 : vector<16xi32>
          %parallel_loop3A_719 = arith.select %parallel_loop3A_718, %add3A_705, %add3A_702 : vector<16xi1>, vector<16xi32>
          %parallel_loop3A_720 = arith.addi %parallel_loop3A_716, %parallel_loop3A_719 : vector<16xi32>
          tpu.vector_store_idx %arg5[%parallel_loop3A_720], %broadcast_in_dim3A_2 {add = true} : memref<45056xf32, #tpu.memory_space<vmem>>[vector<16xi32>], vector<16xf32>,
        } {sc.loop_unroll_factor = 16 : i64, sc.parallel_access}
      } else {
      }
      %mul3A_623 = arith.constant 11 : i32
      %mul3A_624 = arith.muli %arg0, %mul3A_623 : i32
      %add3A_625 = arith.constant 8 : i32
      %add3A_626 = arith.addi %mul3A_624, %add3A_625 : i32
      %dma_wait3A_627 = arith.constant 0 : i32
      %dma_wait3A_628 = tpu.memref_slice %arg2[%dma_wait3A_627] : memref<44040192xf32, #tpu.memory_space<hbm>> -> memref<16384xf32, #tpu.memory_space<hbm>>
      %dma_wait3A_629 = arith.constant 0 : i32
      %dma_wait3A_630 = tpu.memref_slice %arg2[%dma_wait3A_629] : memref<44040192xf32, #tpu.memory_space<hbm>> -> memref<16384xf32, #tpu.memory_space<hbm>>
      tpu.wait_dma2 semaphore(%arg15 : memref<!tpu.dma_semaphore, #tpu.memory_space<semaphore_mem>>) src(%dma_wait3A_630 : memref<16384xf32, #tpu.memory_space<hbm>>) dst(%arg9 : memref<16384xf32, #tpu.memory_space<vmem>>)
      %add3A_631 = arith.constant 1 : i32
      %add3A_632 = arith.addi %add3A_626, %add3A_631 : i32
      %min3A_633 = arith.constant 20 : i32
      %min3A_634 = arith.minsi %add3A_632, %min3A_633 : i32
      %mul3A_635 = arith.constant 21 : i32
      %mul3A_636 = arith.muli %select_n3A, %mul3A_635 : i32
      %add3A_637 = arith.addi %mul3A_636, %min3A_634 : i32
      %mul3A_638 = arith.constant 262144 : i32
      %mul3A_639 = arith.muli %add3A_637, %mul3A_638 : i32
      %add3A_640 = arith.addi %mul3A_639, %sub3A_34 : i32
      %mul3A_641 = arith.constant 16384 : i32
      %mul3A_642 = arith.muli %add3A_387, %mul3A_641 : i32
      %add3A_643 = arith.addi %add3A_640, %mul3A_642 : i32
      %dma_start3A_644 = tpu.memref_slice %arg2[%add3A_643] : memref<44040192xf32, #tpu.memory_space<hbm>> -> memref<16384xf32, #tpu.memory_space<hbm>>
      %dma_start3A_645 = tpu.memref_slice %arg2[%add3A_643] : memref<44040192xf32, #tpu.memory_space<hbm>> -> memref<16384xf32, #tpu.memory_space<hbm>>
      tpu.enqueue_dma source(%dma_start3A_645 : memref<16384xf32, #tpu.memory_space<hbm>>) target(%arg8 : memref<16384xf32, #tpu.memory_space<vmem>>) target_semaphore(%arg15 : memref<!tpu.dma_semaphore, #tpu.memory_space<semaphore_mem>>)
      %lt3A_646 = arith.constant 21 : i32
      %lt3A_647 = arith.cmpi slt, %add3A_626, %lt3A_646 : i32
      %convert_element_type3A_648 = arith.extui %lt3A_647 : i1 to i32
      %cond3A_649 = arith.constant 0 : i32
      %cond3A_650 = arith.cmpi ne, %convert_element_type3A_648, %cond3A_649 : i32
      scf.if %cond3A_650 {
        %add3A_700 = arith.constant 8192 : i32
        %add3A_701 = vector.broadcast %add3A_700 : i32 to vector<16xi32>
        %add3A_702 = arith.addi %add3A_701, %mul3A_12 : vector<16xi32>
        %add3A_703 = arith.constant 512 : i32
        %add3A_704 = vector.broadcast %add3A_703 : i32 to vector<16xi32>
        %add3A_705 = arith.addi %add3A_702, %add3A_704 : vector<16xi32>
        %parallel_loop3A = arith.constant 0 : i32
        %parallel_loop3A_706 = arith.constant 16384 : i32
        %parallel_loop3A_707 = arith.constant 16 : i32
        %parallel_loop3A_708 = arith.constant 511.984375 : f32
        scf.for %parallel_loop3A_709 = %parallel_loop3A to %parallel_loop3A_706 step %parallel_loop3A_707  : i32 {
          %parallel_loop3A_710 = arith.index_cast %parallel_loop3A_709 : i32 to index
          %parallel_loop3A_711 = tpu.vector_load %arg9[%parallel_loop3A_710] {strides = array<i32>} : memref<16384xf32, #tpu.memory_space<vmem>>, vector<16xf32>,
          %parallel_loop3A_712 = arith.index_cast %parallel_loop3A_709 : i32 to index
          %parallel_loop3A_713 = tpu.vector_load %arg7[%parallel_loop3A_712] {strides = array<i32>} : memref<16384xi32, #tpu.memory_space<vmem>>, vector<16xi32>,
          %parallel_loop3A_714 = vector.broadcast %parallel_loop3A_708 : f32 to vector<16xf32>
          %parallel_loop3A_715 = arith.mulf %parallel_loop3A_711, %parallel_loop3A_714 : vector<16xf32>
          %parallel_loop3A_716 = arith.fptosi %parallel_loop3A_715 : vector<16xf32> to vector<16xi32>
          %parallel_loop3A_717 = vector.broadcast %add3A_626 : i32 to vector<16xi32>
          %parallel_loop3A_718 = arith.cmpi eq, %parallel_loop3A_713, %parallel_loop3A_717 : vector<16xi32>
          %parallel_loop3A_719 = arith.select %parallel_loop3A_718, %add3A_705, %add3A_702 : vector<16xi1>, vector<16xi32>
          %parallel_loop3A_720 = arith.addi %parallel_loop3A_716, %parallel_loop3A_719 : vector<16xi32>
          tpu.vector_store_idx %arg5[%parallel_loop3A_720], %broadcast_in_dim3A_2 {add = true} : memref<45056xf32, #tpu.memory_space<vmem>>[vector<16xi32>], vector<16xf32>,
        } {sc.loop_unroll_factor = 16 : i64, sc.parallel_access}
      } else {
      }
      %mul3A_651 = arith.constant 11 : i32
      %mul3A_652 = arith.muli %arg0, %mul3A_651 : i32
      %add3A_653 = arith.constant 9 : i32
      %add3A_654 = arith.addi %mul3A_652, %add3A_653 : i32
      %dma_wait3A_655 = arith.constant 0 : i32
      %dma_wait3A_656 = tpu.memref_slice %arg2[%dma_wait3A_655] : memref<44040192xf32, #tpu.memory_space<hbm>> -> memref<16384xf32, #tpu.memory_space<hbm>>
      %dma_wait3A_657 = arith.constant 0 : i32
      %dma_wait3A_658 = tpu.memref_slice %arg2[%dma_wait3A_657] : memref<44040192xf32, #tpu.memory_space<hbm>> -> memref<16384xf32, #tpu.memory_space<hbm>>
      tpu.wait_dma2 semaphore(%arg15 : memref<!tpu.dma_semaphore, #tpu.memory_space<semaphore_mem>>) src(%dma_wait3A_658 : memref<16384xf32, #tpu.memory_space<hbm>>) dst(%arg8 : memref<16384xf32, #tpu.memory_space<vmem>>)
      %add3A_659 = arith.constant 1 : i32
      %add3A_660 = arith.addi %add3A_654, %add3A_659 : i32
      %min3A_661 = arith.constant 20 : i32
      %min3A_662 = arith.minsi %add3A_660, %min3A_661 : i32
      %mul3A_663 = arith.constant 21 : i32
      %mul3A_664 = arith.muli %select_n3A, %mul3A_663 : i32
      %add3A_665 = arith.addi %mul3A_664, %min3A_662 : i32
      %mul3A_666 = arith.constant 262144 : i32
      %mul3A_667 = arith.muli %add3A_665, %mul3A_666 : i32
      %add3A_668 = arith.addi %mul3A_667, %sub3A_34 : i32
      %mul3A_669 = arith.constant 16384 : i32
      %mul3A_670 = arith.muli %add3A_387, %mul3A_669 : i32
      %add3A_671 = arith.addi %add3A_668, %mul3A_670 : i32
      %dma_start3A_672 = tpu.memref_slice %arg2[%add3A_671] : memref<44040192xf32, #tpu.memory_space<hbm>> -> memref<16384xf32, #tpu.memory_space<hbm>>
      %dma_start3A_673 = tpu.memref_slice %arg2[%add3A_671] : memref<44040192xf32, #tpu.memory_space<hbm>> -> memref<16384xf32, #tpu.memory_space<hbm>>
      tpu.enqueue_dma source(%dma_start3A_673 : memref<16384xf32, #tpu.memory_space<hbm>>) target(%arg9 : memref<16384xf32, #tpu.memory_space<vmem>>) target_semaphore(%arg15 : memref<!tpu.dma_semaphore, #tpu.memory_space<semaphore_mem>>)
      %lt3A_674 = arith.constant 21 : i32
      %lt3A_675 = arith.cmpi slt, %add3A_654, %lt3A_674 : i32
      %convert_element_type3A_676 = arith.extui %lt3A_675 : i1 to i32
      %cond3A_677 = arith.constant 0 : i32
      %cond3A_678 = arith.cmpi ne, %convert_element_type3A_676, %cond3A_677 : i32
      scf.if %cond3A_678 {
        %add3A_700 = arith.constant 9216 : i32
        %add3A_701 = vector.broadcast %add3A_700 : i32 to vector<16xi32>
        %add3A_702 = arith.addi %add3A_701, %mul3A_12 : vector<16xi32>
        %add3A_703 = arith.constant 512 : i32
        %add3A_704 = vector.broadcast %add3A_703 : i32 to vector<16xi32>
        %add3A_705 = arith.addi %add3A_702, %add3A_704 : vector<16xi32>
        %parallel_loop3A = arith.constant 0 : i32
        %parallel_loop3A_706 = arith.constant 16384 : i32
        %parallel_loop3A_707 = arith.constant 16 : i32
        %parallel_loop3A_708 = arith.constant 511.984375 : f32
        scf.for %parallel_loop3A_709 = %parallel_loop3A to %parallel_loop3A_706 step %parallel_loop3A_707  : i32 {
          %parallel_loop3A_710 = arith.index_cast %parallel_loop3A_709 : i32 to index
          %parallel_loop3A_711 = tpu.vector_load %arg8[%parallel_loop3A_710] {strides = array<i32>} : memref<16384xf32, #tpu.memory_space<vmem>>, vector<16xf32>,
          %parallel_loop3A_712 = arith.index_cast %parallel_loop3A_709 : i32 to index
          %parallel_loop3A_713 = tpu.vector_load %arg7[%parallel_loop3A_712] {strides = array<i32>} : memref<16384xi32, #tpu.memory_space<vmem>>, vector<16xi32>,
          %parallel_loop3A_714 = vector.broadcast %parallel_loop3A_708 : f32 to vector<16xf32>
          %parallel_loop3A_715 = arith.mulf %parallel_loop3A_711, %parallel_loop3A_714 : vector<16xf32>
          %parallel_loop3A_716 = arith.fptosi %parallel_loop3A_715 : vector<16xf32> to vector<16xi32>
          %parallel_loop3A_717 = vector.broadcast %add3A_654 : i32 to vector<16xi32>
          %parallel_loop3A_718 = arith.cmpi eq, %parallel_loop3A_713, %parallel_loop3A_717 : vector<16xi32>
          %parallel_loop3A_719 = arith.select %parallel_loop3A_718, %add3A_705, %add3A_702 : vector<16xi1>, vector<16xi32>
          %parallel_loop3A_720 = arith.addi %parallel_loop3A_716, %parallel_loop3A_719 : vector<16xi32>
          tpu.vector_store_idx %arg5[%parallel_loop3A_720], %broadcast_in_dim3A_2 {add = true} : memref<45056xf32, #tpu.memory_space<vmem>>[vector<16xi32>], vector<16xf32>,
        } {sc.loop_unroll_factor = 16 : i64, sc.parallel_access}
      } else {
      }
      %mul3A_679 = arith.constant 11 : i32
      %mul3A_680 = arith.muli %arg0, %mul3A_679 : i32
      %add3A_681 = arith.constant 10 : i32
      %add3A_682 = arith.addi %mul3A_680, %add3A_681 : i32
      %dma_wait3A_683 = arith.constant 0 : i32
      %dma_wait3A_684 = tpu.memref_slice %arg2[%dma_wait3A_683] : memref<44040192xf32, #tpu.memory_space<hbm>> -> memref<16384xf32, #tpu.memory_space<hbm>>
      %dma_wait3A_685 = arith.constant 0 : i32
      %dma_wait3A_686 = tpu.memref_slice %arg2[%dma_wait3A_685] : memref<44040192xf32, #tpu.memory_space<hbm>> -> memref<16384xf32, #tpu.memory_space<hbm>>
      tpu.wait_dma2 semaphore(%arg15 : memref<!tpu.dma_semaphore, #tpu.memory_space<semaphore_mem>>) src(%dma_wait3A_686 : memref<16384xf32, #tpu.memory_space<hbm>>) dst(%arg9 : memref<16384xf32, #tpu.memory_space<vmem>>)
      %add3A_687 = arith.constant 1 : i32
      %add3A_688 = arith.addi %add3A_387, %add3A_687 : i32
      %lt3A_689 = arith.constant 8 : i32
      %lt3A_690 = arith.cmpi slt, %add3A_688, %lt3A_689 : i32
      %convert_element_type3A_691 = arith.extui %lt3A_690 : i1 to i32
      %cond3A_692 = arith.constant 0 : i32
      %cond3A_693 = arith.cmpi ne, %convert_element_type3A_691, %cond3A_692 : i32
      scf.if %cond3A_693 {
        %add3A_700 = arith.constant 1 : i32
        %add3A_701 = arith.addi %add3A_387, %add3A_700 : i32
        %mul3A_702 = arith.constant 21 : i32
        %mul3A_703 = arith.muli %select_n3A, %mul3A_702 : i32
        %add3A_704 = arith.addi %mul3A_703, %mul3A_37 : i32
        %mul3A_705 = arith.constant 262144 : i32
        %mul3A_706 = arith.muli %add3A_704, %mul3A_705 : i32
        %add3A_707 = arith.addi %mul3A_706, %sub3A_34 : i32
        %mul3A_708 = arith.constant 16384 : i32
        %mul3A_709 = arith.muli %add3A_701, %mul3A_708 : i32
        %add3A_710 = arith.addi %add3A_707, %mul3A_709 : i32
        %dma_start3A_711 = tpu.memref_slice %arg2[%add3A_710] : memref<44040192xf32, #tpu.memory_space<hbm>> -> memref<16384xf32, #tpu.memory_space<hbm>>
        %dma_start3A_712 = tpu.memref_slice %arg2[%add3A_710] : memref<44040192xf32, #tpu.memory_space<hbm>> -> memref<16384xf32, #tpu.memory_space<hbm>>
        tpu.enqueue_dma source(%dma_start3A_712 : memref<16384xf32, #tpu.memory_space<hbm>>) target(%arg8 : memref<16384xf32, #tpu.memory_space<vmem>>) target_semaphore(%arg15 : memref<!tpu.dma_semaphore, #tpu.memory_space<semaphore_mem>>)
      } else {
      }
      %lt3A_694 = arith.constant 21 : i32
      %lt3A_695 = arith.cmpi slt, %add3A_682, %lt3A_694 : i32
      %convert_element_type3A_696 = arith.extui %lt3A_695 : i1 to i32
      %cond3A_697 = arith.constant 0 : i32
      %cond3A_698 = arith.cmpi ne, %convert_element_type3A_696, %cond3A_697 : i32
      scf.if %cond3A_698 {
        %add3A_700 = arith.constant 10240 : i32
        %add3A_701 = vector.broadcast %add3A_700 : i32 to vector<16xi32>
        %add3A_702 = arith.addi %add3A_701, %mul3A_12 : vector<16xi32>
        %add3A_703 = arith.constant 512 : i32
        %add3A_704 = vector.broadcast %add3A_703 : i32 to vector<16xi32>
        %add3A_705 = arith.addi %add3A_702, %add3A_704 : vector<16xi32>
        %parallel_loop3A = arith.constant 0 : i32
        %parallel_loop3A_706 = arith.constant 16384 : i32
        %parallel_loop3A_707 = arith.constant 16 : i32
        %parallel_loop3A_708 = arith.constant 511.984375 : f32
        scf.for %parallel_loop3A_709 = %parallel_loop3A to %parallel_loop3A_706 step %parallel_loop3A_707  : i32 {
          %parallel_loop3A_710 = arith.index_cast %parallel_loop3A_709 : i32 to index
          %parallel_loop3A_711 = tpu.vector_load %arg9[%parallel_loop3A_710] {strides = array<i32>} : memref<16384xf32, #tpu.memory_space<vmem>>, vector<16xf32>,
          %parallel_loop3A_712 = arith.index_cast %parallel_loop3A_709 : i32 to index
          %parallel_loop3A_713 = tpu.vector_load %arg7[%parallel_loop3A_712] {strides = array<i32>} : memref<16384xi32, #tpu.memory_space<vmem>>, vector<16xi32>,
          %parallel_loop3A_714 = vector.broadcast %parallel_loop3A_708 : f32 to vector<16xf32>
          %parallel_loop3A_715 = arith.mulf %parallel_loop3A_711, %parallel_loop3A_714 : vector<16xf32>
          %parallel_loop3A_716 = arith.fptosi %parallel_loop3A_715 : vector<16xf32> to vector<16xi32>
          %parallel_loop3A_717 = vector.broadcast %add3A_682 : i32 to vector<16xi32>
          %parallel_loop3A_718 = arith.cmpi eq, %parallel_loop3A_713, %parallel_loop3A_717 : vector<16xi32>
          %parallel_loop3A_719 = arith.select %parallel_loop3A_718, %add3A_705, %add3A_702 : vector<16xi1>, vector<16xi32>
          %parallel_loop3A_720 = arith.addi %parallel_loop3A_716, %parallel_loop3A_719 : vector<16xi32>
          tpu.vector_store_idx %arg5[%parallel_loop3A_720], %broadcast_in_dim3A_2 {add = true} : memref<45056xf32, #tpu.memory_space<vmem>>[vector<16xi32>], vector<16xf32>,
        } {sc.loop_unroll_factor = 16 : i64, sc.parallel_access}
      } else {
      }
      %scan3A_699 = arith.constant 0 : i32
      scf.yield %scan3A_699 : i32
    }
    %scan3A_53 = arith.constant 4 : i32
    %scan3A_54 = arith.constant 0 : i32
    %scan3A_55 = arith.constant 0 : i32
    %scan3A_56 = arith.constant 704 : i32
    %scan3A_57 = arith.addi %scan3A_55, %scan3A_56 : i32
    %scan3A_58 = arith.constant 1 : i32
    %scan3A_59 = scf.for %scan3A_71 = %scan3A_55 to %scan3A_57 step %scan3A_58 iter_args(%scan3A_72 = %scan3A_54) -> (i32)  : i32 {
      %mul3A_73 = arith.constant 16 : i32
      %mul3A_74 = arith.muli %scan3A_71, %mul3A_73 : i32
      %get3A = arith.index_cast %mul3A_74 : i32 to index
      %get3A_75 = tpu.vector_load %arg5[%get3A] {strides = array<i32>} : memref<45056xf32, #tpu.memory_space<vmem>>, vector<16xf32>,
      %add3A_76 = arith.constant 11264 : i32
      %add3A_77 = arith.addi %add3A_76, %mul3A_74 : i32
      %get3A_78 = arith.index_cast %add3A_77 : i32 to index
      %get3A_79 = tpu.vector_load %arg5[%get3A_78] {strides = array<i32>} : memref<45056xf32, #tpu.memory_space<vmem>>, vector<16xf32>,
      %add3A_80 = arith.addf %get3A_75, %get3A_79 : vector<16xf32>
      %add3A_81 = arith.constant 22528 : i32
      %add3A_82 = arith.addi %add3A_81, %mul3A_74 : i32
      %get3A_83 = arith.index_cast %add3A_82 : i32 to index
      %get3A_84 = tpu.vector_load %arg5[%get3A_83] {strides = array<i32>} : memref<45056xf32, #tpu.memory_space<vmem>>, vector<16xf32>,
      %add3A_85 = arith.addf %add3A_80, %get3A_84 : vector<16xf32>
      %add3A_86 = arith.constant 33792 : i32
      %add3A_87 = arith.addi %add3A_86, %mul3A_74 : i32
      %get3A_88 = arith.index_cast %add3A_87 : i32 to index
      %get3A_89 = tpu.vector_load %arg5[%get3A_88] {strides = array<i32>} : memref<45056xf32, #tpu.memory_space<vmem>>, vector<16xf32>,
      %add3A_90 = arith.addf %add3A_85, %get3A_89 : vector<16xf32>
      %swap3A = arith.index_cast %mul3A_74 : i32 to index
      %swap3A_91 = tpu.vector_load %arg5[%swap3A] {strides = array<i32>} : memref<45056xf32, #tpu.memory_space<vmem>>, vector<16xf32>,
      tpu.vector_store %arg5[%swap3A], %add3A_90 {strides = array<i32>} : memref<45056xf32, #tpu.memory_space<vmem>>, vector<16xf32>,
      %scan3A_92 = arith.constant 0 : i32
      scf.yield %scan3A_92 : i32
    }
    %scan3A_60 = arith.constant 704 : i32
    %mul3A_61 = arith.constant 11264 : i32
    %mul3A_62 = arith.muli %arg1, %mul3A_61 : i32
    "tpu.region"() ({
      %run_scoped3A = tpu.sem_alloc : memref<!tpu.dma_semaphore, #tpu.memory_space<semaphore_mem>>
      %dma_start3A_71 = arith.constant 0 : i32
      %dma_start3A_72 = tpu.memref_slice %arg5[%dma_start3A_71] : memref<45056xf32, #tpu.memory_space<vmem>> -> memref<11264xf32, #tpu.memory_space<vmem>>
      %dma_start3A_73 = tpu.memref_slice %arg13[%mul3A_62] : memref<180224xf32, #tpu.memory_space<vmem_shared>> -> memref<11264xf32, #tpu.memory_space<vmem_shared>>
      %dma_start3A_74 = tpu.memref_slice %arg13[%mul3A_62] : memref<180224xf32, #tpu.memory_space<vmem_shared>> -> memref<11264xf32, #tpu.memory_space<vmem_shared>>
      %dma_start3A_75 = arith.constant 0 : i32
      %dma_start3A_76 = tpu.memref_slice %arg5[%dma_start3A_75] : memref<45056xf32, #tpu.memory_space<vmem>> -> memref<11264xf32, #tpu.memory_space<vmem>>
      tpu.enqueue_dma source(%dma_start3A_76 : memref<11264xf32, #tpu.memory_space<vmem>>) target(%dma_start3A_74 : memref<11264xf32, #tpu.memory_space<vmem_shared>>) target_semaphore(%run_scoped3A : memref<!tpu.dma_semaphore, #tpu.memory_space<semaphore_mem>>)
      %dma_wait3A = arith.constant 0 : i32
      %dma_wait3A_77 = tpu.memref_slice %arg5[%dma_wait3A] : memref<45056xf32, #tpu.memory_space<vmem>> -> memref<11264xf32, #tpu.memory_space<vmem>>
      %dma_wait3A_78 = tpu.memref_slice %arg13[%mul3A_62] : memref<180224xf32, #tpu.memory_space<vmem_shared>> -> memref<11264xf32, #tpu.memory_space<vmem_shared>>
      %dma_wait3A_79 = tpu.memref_slice %arg13[%mul3A_62] : memref<180224xf32, #tpu.memory_space<vmem_shared>> -> memref<11264xf32, #tpu.memory_space<vmem_shared>>
      %dma_wait3A_80 = arith.constant 0 : i32
      %dma_wait3A_81 = tpu.memref_slice %arg5[%dma_wait3A_80] : memref<45056xf32, #tpu.memory_space<vmem>> -> memref<11264xf32, #tpu.memory_space<vmem>>
      tpu.wait_dma2 semaphore(%run_scoped3A : memref<!tpu.dma_semaphore, #tpu.memory_space<semaphore_mem>>) src(%dma_wait3A_81 : memref<11264xf32, #tpu.memory_space<vmem>>) dst(%dma_wait3A_79 : memref<11264xf32, #tpu.memory_space<vmem_shared>>)
      tpu.yield
    }) : () -> ()
    %barrier3A = arith.constant 0 : index
    tpu.barrier barrier_id(%barrier3A)
    %mul3A_63 = arith.constant 11 : i32
    %mul3A_64 = arith.muli %arg0, %mul3A_63 : i32
    %add3A_65 = arith.addi %mul3A_64, %arg1 : i32
    %lt3A = arith.constant 11 : i32
    %lt3A_66 = arith.cmpi slt, %arg1, %lt3A : i32
    %lt3A_67 = arith.constant 21 : i32
    %lt3A_68 = arith.cmpi slt, %add3A_65, %lt3A_67 : i32
    %and3A_69 = arith.andi %lt3A_66, %lt3A_68 : i1
    %convert_element_type3A = arith.extui %and3A_69 : i1 to i32
    %cond3A = arith.constant 0 : i32
    %cond3A_70 = arith.cmpi ne, %convert_element_type3A, %cond3A : i32
    scf.if %cond3A_70 {
      %scan3A_71 = arith.constant 0 : i32
      %scan3A_72 = arith.constant 0 : i32
      %scan3A_73 = arith.constant 64 : i32
      %scan3A_74 = arith.addi %scan3A_72, %scan3A_73 : i32
      %scan3A_75 = arith.constant 1 : i32
      %scan3A_76 = scf.for %scan3A_118 = %scan3A_72 to %scan3A_74 step %scan3A_75 iter_args(%scan3A_119 = %scan3A_71) -> (i32)  : i32 {
        %mul3A_120 = arith.constant 16 : i32
        %mul3A_121 = arith.muli %scan3A_118, %mul3A_120 : i32
        %swap3A_122 = arith.index_cast %mul3A_121 : i32 to index
        %swap3A_123 = tpu.vector_load %arg10[%swap3A_122] {strides = array<i32>} : memref<1024xf32, #tpu.memory_space<vmem>>, vector<16xf32>,
        tpu.vector_store %arg10[%swap3A_122], %broadcast_in_dim3A_0 {strides = array<i32>} : memref<1024xf32, #tpu.memory_space<vmem>>, vector<16xf32>,
        %scan3A_124 = arith.constant 0 : i32
        scf.yield %scan3A_124 : i32
      }
      %scan3A_77 = arith.constant 64 : i32
      %scan3A_78 = arith.constant 0 : i32
      %scan3A_79 = arith.constant 0 : i32
      %scan3A_80 = arith.constant 16 : i32
      %scan3A_81 = arith.addi %scan3A_79, %scan3A_80 : i32
      %scan3A_82 = arith.constant 1 : i32
      %scan3A_83 = scf.for %scan3A_118 = %scan3A_79 to %scan3A_81 step %scan3A_82 iter_args(%scan3A_119 = %scan3A_78) -> (i32)  : i32 {
        %mul3A_120 = arith.constant 11264 : i32
        %mul3A_121 = arith.muli %scan3A_118, %mul3A_120 : i32
        %mul3A_122 = arith.constant 1024 : i32
        %mul3A_123 = arith.muli %arg1, %mul3A_122 : i32
        %add3A_124 = arith.addi %mul3A_121, %mul3A_123 : i32
        "tpu.region"() ({
          %run_scoped3A = tpu.sem_alloc : memref<!tpu.dma_semaphore, #tpu.memory_space<semaphore_mem>>
          %dma_start3A_133 = tpu.memref_slice %arg13[%add3A_124] : memref<180224xf32, #tpu.memory_space<vmem_shared>> -> memref<1024xf32, #tpu.memory_space<vmem_shared>>
          %dma_start3A_134 = tpu.memref_slice %arg13[%add3A_124] : memref<180224xf32, #tpu.memory_space<vmem_shared>> -> memref<1024xf32, #tpu.memory_space<vmem_shared>>
          tpu.enqueue_dma source(%dma_start3A_134 : memref<1024xf32, #tpu.memory_space<vmem_shared>>) target(%arg11 : memref<1024xf32, #tpu.memory_space<vmem>>) target_semaphore(%run_scoped3A : memref<!tpu.dma_semaphore, #tpu.memory_space<semaphore_mem>>)
          %dma_wait3A = tpu.memref_slice %arg13[%add3A_124] : memref<180224xf32, #tpu.memory_space<vmem_shared>> -> memref<1024xf32, #tpu.memory_space<vmem_shared>>
          %dma_wait3A_135 = tpu.memref_slice %arg13[%add3A_124] : memref<180224xf32, #tpu.memory_space<vmem_shared>> -> memref<1024xf32, #tpu.memory_space<vmem_shared>>
          tpu.wait_dma2 semaphore(%run_scoped3A : memref<!tpu.dma_semaphore, #tpu.memory_space<semaphore_mem>>) src(%dma_wait3A_135 : memref<1024xf32, #tpu.memory_space<vmem_shared>>) dst(%arg11 : memref<1024xf32, #tpu.memory_space<vmem>>)
          tpu.yield
        }) : () -> ()
        %scan3A_125 = arith.constant 0 : i32
        %scan3A_126 = arith.constant 0 : i32
        %scan3A_127 = arith.constant 64 : i32
        %scan3A_128 = arith.addi %scan3A_126, %scan3A_127 : i32
        %scan3A_129 = arith.constant 1 : i32
        %scan3A_130 = scf.for %scan3A_133 = %scan3A_126 to %scan3A_128 step %scan3A_129 iter_args(%scan3A_134 = %scan3A_125) -> (i32)  : i32 {
          %mul3A_135 = arith.constant 16 : i32
          %mul3A_136 = arith.muli %scan3A_133, %mul3A_135 : i32
          %get3A = arith.index_cast %mul3A_136 : i32 to index
          %get3A_137 = tpu.vector_load %arg10[%get3A] {strides = array<i32>} : memref<1024xf32, #tpu.memory_space<vmem>>, vector<16xf32>,
          %mul3A_138 = arith.constant 16 : i32
          %mul3A_139 = arith.muli %scan3A_133, %mul3A_138 : i32
          %get3A_140 = arith.index_cast %mul3A_139 : i32 to index
          %get3A_141 = tpu.vector_load %arg11[%get3A_140] {strides = array<i32>} : memref<1024xf32, #tpu.memory_space<vmem>>, vector<16xf32>,
          %add3A_142 = arith.addf %get3A_137, %get3A_141 : vector<16xf32>
          %swap3A_143 = arith.index_cast %mul3A_136 : i32 to index
          %swap3A_144 = tpu.vector_load %arg10[%swap3A_143] {strides = array<i32>} : memref<1024xf32, #tpu.memory_space<vmem>>, vector<16xf32>,
          tpu.vector_store %arg10[%swap3A_143], %add3A_142 {strides = array<i32>} : memref<1024xf32, #tpu.memory_space<vmem>>, vector<16xf32>,
          %scan3A_145 = arith.constant 0 : i32
          scf.yield %scan3A_145 : i32
        }
        %scan3A_131 = arith.constant 64 : i32
        %scan3A_132 = arith.constant 0 : i32
        scf.yield %scan3A_132 : i32
      }
      %scan3A_84 = arith.constant 16 : i32
      %scan3A_85 = arith.constant 0.000000e+00 : f32
      %scan3A_86 = arith.constant 0 : i32
      %scan3A_87 = arith.constant 32 : i32
      %scan3A_88 = arith.addi %scan3A_86, %scan3A_87 : i32
      %scan3A_89 = arith.constant 1 : i32
      %scan3A_90 = scf.for %scan3A_118 = %scan3A_86 to %scan3A_88 step %scan3A_89 iter_args(%scan3A_119 = %scan3A_85) -> (f32)  : i32 {
        %mul3A_120 = arith.constant 16 : i32
        %mul3A_121 = arith.muli %scan3A_118, %mul3A_120 : i32
        %add3A_122 = arith.constant 512 : i32
        %add3A_123 = arith.addi %add3A_122, %mul3A_121 : i32
        %get3A = arith.index_cast %add3A_123 : i32 to index
        %get3A_124 = tpu.vector_load %arg10[%get3A] {strides = array<i32>} : memref<1024xf32, #tpu.memory_space<vmem>>, vector<16xf32>,
        %reduce_sum3A_125 = arith.constant true
        %reduce_sum3A_126 = vector.broadcast %reduce_sum3A_125 : i1 to vector<16xi1>
        %reduce_sum3A_127 = tpu.scan <sum>, %get3A_124 masked %reduce_sum3A_126 : vector<16xf32>, vector<16xi1> -> vector<16xf32>
        %reduce_sum3A_128 = vector.extract %reduce_sum3A_127[15] : f32 from vector<16xf32>
        %add3A_129 = arith.addf %scan3A_119, %reduce_sum3A_128 : f32
        scf.yield %add3A_129 : f32
      }
      %scan3A_91 = arith.constant 32 : i32
      %convert_element_type3A_92 = arith.sitofp %iota3A : vector<16xi32> to vector<16xf32>
      %scan3A_93 = arith.constant 0.000000e+00 : f32
      %scan3A_94 = arith.constant 0.000000e+00 : f32
      %scan3A_95 = arith.constant 0 : i32
      %scan3A_96 = arith.constant 32 : i32
      %scan3A_97 = arith.addi %scan3A_95, %scan3A_96 : i32
      %scan3A_98 = arith.constant 1 : i32
      %scan3A_99:3 = scf.for %scan3A_118 = %scan3A_95 to %scan3A_97 step %scan3A_98 iter_args(%scan3A_119 = %scan3A_93, %scan3A_120 = %scan3A_94, %scan3A_121 = %broadcast_in_dim3A_0) -> (f32, f32, vector<16xf32>)  : i32 {
        %mul3A_122 = arith.constant 16 : i32
        %mul3A_123 = arith.muli %scan3A_118, %mul3A_122 : i32
        %add3A_124 = arith.constant 512 : i32
        %add3A_125 = arith.addi %add3A_124, %mul3A_123 : i32
        %get3A = arith.index_cast %add3A_125 : i32 to index
        %get3A_126 = tpu.vector_load %arg10[%get3A] {strides = array<i32>} : memref<1024xf32, #tpu.memory_space<vmem>>, vector<16xf32>,
        %sub3A_127 = arith.constant 512 : i32
        %sub3A_128 = arith.subi %sub3A_127, %mul3A_123 : i32
        %sub3A_129 = arith.constant 16 : i32
        %sub3A_130 = arith.subi %sub3A_128, %sub3A_129 : i32
        %get3A_131 = arith.index_cast %sub3A_130 : i32 to index
        %get3A_132 = tpu.vector_load %arg10[%get3A_131] {strides = array<i32>} : memref<1024xf32, #tpu.memory_space<vmem>>, vector<16xf32>,
        %rev3A = arith.constant 15 : i32
        %rev3A_133 = vector.broadcast %rev3A : i32 to vector<16xi32>
        %rev3A_134 = tpu.iota {dimensions = array<i32: 0>} : vector<16xi32>
        %rev3A_135 = arith.subi %rev3A_133, %rev3A_134 : vector<16xi32>
        %rev3A_136 = tpu.dynamic_gather %get3A_132[%rev3A_135] in [0] : vector<16xf32>, vector<16xi32> -> vector<16xf32>
        %broadcast_in_dim3A_137 = arith.constant true
        %broadcast_in_dim3A_138 = vector.broadcast %broadcast_in_dim3A_137 : i1 to vector<16xi1>
        %masked_cumsum3A = tpu.scan <sum>, %get3A_126 masked %broadcast_in_dim3A_138 : vector<16xf32>, vector<16xi1> -> vector<16xf32>
        %add3A_139 = vector.broadcast %scan3A_119 : f32 to vector<16xf32>
        %add3A_140 = arith.addf %add3A_139, %masked_cumsum3A : vector<16xf32>
        %broadcast_in_dim3A_141 = arith.constant true
        %broadcast_in_dim3A_142 = vector.broadcast %broadcast_in_dim3A_141 : i1 to vector<16xi1>
        %masked_cumsum3A_143 = tpu.scan <sum>, %rev3A_136 masked %broadcast_in_dim3A_142 : vector<16xf32>, vector<16xi1> -> vector<16xf32>
        %add3A_144 = vector.broadcast %scan3A_120 : f32 to vector<16xf32>
        %add3A_145 = arith.addf %add3A_144, %masked_cumsum3A_143 : vector<16xf32>
        %sub3A_146 = arith.subf %add3A_140, %get3A_126 : vector<16xf32>
        %sub3A_147 = arith.subf %add3A_145, %rev3A_136 : vector<16xf32>
        %sub3A_148 = vector.broadcast %scan3A_90 : f32 to vector<16xf32>
        %sub3A_149 = arith.subf %sub3A_148, %add3A_140 : vector<16xf32>
        %add3A_150 = vector.broadcast %scan3A_90 : f32 to vector<16xf32>
        %add3A_151 = arith.addf %add3A_150, %add3A_145 : vector<16xf32>
        %max3A = arith.constant 1.000000e+00 : f32
        %max3A_152 = vector.broadcast %max3A : f32 to vector<16xf32>
        %max3A_153 = arith.maximumf %add3A_151, %max3A_152 : vector<16xf32>
        %div3A_154 = arith.divf %sub3A_149, %max3A_153 : vector<16xf32>
        %sub3A_155 = arith.constant 1.000000e+00 : f32
        %sub3A_156 = vector.broadcast %sub3A_155 : f32 to vector<16xf32>
        %sub3A_157 = arith.subf %sub3A_156, %div3A_154 : vector<16xf32>
        %sub3A_158 = vector.broadcast %scan3A_90 : f32 to vector<16xf32>
        %sub3A_159 = arith.subf %sub3A_158, %sub3A_146 : vector<16xf32>
        %add3A_160 = vector.broadcast %scan3A_90 : f32 to vector<16xf32>
        %add3A_161 = arith.addf %add3A_160, %sub3A_147 : vector<16xf32>
        %max3A_162 = arith.constant 1.000000e+00 : f32
        %max3A_163 = vector.broadcast %max3A_162 : f32 to vector<16xf32>
        %max3A_164 = arith.maximumf %add3A_161, %max3A_163 : vector<16xf32>
        %div3A_165 = arith.divf %sub3A_159, %max3A_164 : vector<16xf32>
        %sub3A_166 = arith.constant 1.000000e+00 : f32
        %sub3A_167 = vector.broadcast %sub3A_166 : f32 to vector<16xf32>
        %sub3A_168 = arith.subf %sub3A_167, %div3A_165 : vector<16xf32>
        %convert_element_type3A_169 = arith.sitofp %mul3A_123 : i32 to f32
        %add3A_170 = vector.broadcast %convert_element_type3A_169 : f32 to vector<16xf32>
        %add3A_171 = arith.addf %add3A_170, %convert_element_type3A_92 : vector<16xf32>
        %add3A_172 = arith.constant 5.000000e-01 : f32
        %add3A_173 = vector.broadcast %add3A_172 : f32 to vector<16xf32>
        %add3A_174 = arith.addf %add3A_171, %add3A_173 : vector<16xf32>
        %mul3A_175 = arith.constant 0.001953125 : f32
        %mul3A_176 = vector.broadcast %mul3A_175 : f32 to vector<16xf32>
        %mul3A_177 = arith.mulf %add3A_174, %mul3A_176 : vector<16xf32>
        %sub3A_178 = arith.constant 1.000000e+00 : f32
        %sub3A_179 = vector.broadcast %sub3A_178 : f32 to vector<16xf32>
        %sub3A_180 = arith.subf %sub3A_179, %mul3A_177 : vector<16xf32>
        %sub3A_181 = arith.subf %sub3A_157, %sub3A_168 : vector<16xf32>
        %mul3A_182 = arith.mulf %sub3A_180, %sub3A_181 : vector<16xf32>
        %add3A_183 = arith.addf %scan3A_121, %mul3A_182 : vector<16xf32>
        %reduce_sum3A_184 = arith.constant true
        %reduce_sum3A_185 = vector.broadcast %reduce_sum3A_184 : i1 to vector<16xi1>
        %reduce_sum3A_186 = tpu.scan <sum>, %get3A_126 masked %reduce_sum3A_185 : vector<16xf32>, vector<16xi1> -> vector<16xf32>
        %reduce_sum3A_187 = vector.extract %reduce_sum3A_186[15] : f32 from vector<16xf32>
        %add3A_188 = arith.addf %scan3A_119, %reduce_sum3A_187 : f32
        %reduce_sum3A_189 = arith.constant true
        %reduce_sum3A_190 = vector.broadcast %reduce_sum3A_189 : i1 to vector<16xi1>
        %reduce_sum3A_191 = tpu.scan <sum>, %rev3A_136 masked %reduce_sum3A_190 : vector<16xf32>, vector<16xi1> -> vector<16xf32>
        %reduce_sum3A_192 = vector.extract %reduce_sum3A_191[15] : f32 from vector<16xf32>
        %add3A_193 = arith.addf %scan3A_120, %reduce_sum3A_192 : f32
        scf.yield %add3A_188, %add3A_193, %add3A_183 : f32, f32, vector<16xf32>
      }
      %scan3A_100 = arith.constant 32 : i32
      %reduce_sum3A = arith.constant true
      %reduce_sum3A_101 = vector.broadcast %reduce_sum3A : i1 to vector<16xi1>
      %reduce_sum3A_102 = tpu.scan <sum>, %scan3A_99#2 masked %reduce_sum3A_101 : vector<16xf32>, vector<16xi1> -> vector<16xf32>
      %reduce_sum3A_103 = vector.extract %reduce_sum3A_102[15] : f32 from vector<16xf32>
      %eq3A = arith.constant 0 : i32
      %eq3A_104 = vector.broadcast %eq3A : i32 to vector<16xi32>
      %eq3A_105 = arith.cmpi eq, %iota3A, %eq3A_104 : vector<16xi32>
      %eq3A_106 = arith.constant 1 : i32
      %eq3A_107 = vector.broadcast %eq3A_106 : i32 to vector<16xi32>
      %eq3A_108 = arith.cmpi eq, %iota3A, %eq3A_107 : vector<16xi32>
      %jit3A_109 = arith.constant 0.000000e+00 : f32
      %broadcast_in_dim3A_110 = vector.broadcast %scan3A_90 : f32 to vector<16xf32>
      %broadcast_in_dim3A_111 = vector.broadcast %jit3A_109 : f32 to vector<16xf32>
      %select_n3A_112 = arith.select %eq3A_108, %broadcast_in_dim3A_110, %broadcast_in_dim3A_111 : vector<16xi1>, vector<16xf32>
      %broadcast_in_dim3A_113 = vector.broadcast %reduce_sum3A_103 : f32 to vector<16xf32>
      %select_n3A_114 = arith.select %eq3A_105, %broadcast_in_dim3A_113, %select_n3A_112 : vector<16xi1>, vector<16xf32>
      %swap3A = arith.constant 0 : index
      %swap3A_115 = tpu.vector_load %arg12[%swap3A] {strides = array<i32>} : memref<16xf32, #tpu.memory_space<vmem>>, vector<16xf32>,
      tpu.vector_store %arg12[%swap3A], %select_n3A_114 {strides = array<i32>} : memref<16xf32, #tpu.memory_space<vmem>>, vector<16xf32>,
      %mul3A_116 = arith.constant 16 : i32
      %mul3A_117 = arith.muli %add3A_65, %mul3A_116 : i32
      "tpu.region"() ({
        %run_scoped3A = tpu.sem_alloc : memref<!tpu.dma_semaphore, #tpu.memory_space<semaphore_mem>>
        %dma_start3A_118 = tpu.memref_slice %arg4[%mul3A_117] : memref<336xf32, #tpu.memory_space<hbm>> -> memref<16xf32, #tpu.memory_space<hbm>>
        %dma_start3A_119 = tpu.memref_slice %arg4[%mul3A_117] : memref<336xf32, #tpu.memory_space<hbm>> -> memref<16xf32, #tpu.memory_space<hbm>>
        tpu.enqueue_dma source(%arg12 : memref<16xf32, #tpu.memory_space<vmem>>) target(%dma_start3A_119 : memref<16xf32, #tpu.memory_space<hbm>>) target_semaphore(%run_scoped3A : memref<!tpu.dma_semaphore, #tpu.memory_space<semaphore_mem>>)
        %dma_wait3A = tpu.memref_slice %arg4[%mul3A_117] : memref<336xf32, #tpu.memory_space<hbm>> -> memref<16xf32, #tpu.memory_space<hbm>>
        %dma_wait3A_120 = tpu.memref_slice %arg4[%mul3A_117] : memref<336xf32, #tpu.memory_space<hbm>> -> memref<16xf32, #tpu.memory_space<hbm>>
        tpu.wait_dma2 semaphore(%run_scoped3A : memref<!tpu.dma_semaphore, #tpu.memory_space<semaphore_mem>>) src(%arg12 : memref<16xf32, #tpu.memory_space<vmem>>) dst(%dma_wait3A_120 : memref<16xf32, #tpu.memory_space<hbm>>)
        tpu.yield
      }) : () -> ()
    } else {
    }
    return
  }
}

</mosaic_0001>

<sc_bundles>
// kernel: kernel.3.cloned.1.call-start
scs
__scs_entry_jumppad:
0x0: {  	(pc) =	sbr.rel $0x88, $3  }
0x1: {  	(tag) =	ssettag $0x0;
	lr =	simm.s32 $0x1  }
0x2: {  	[smem:$0x3F9F] =	sst lr;
	_ =	strace $0xD0000000  }
0x3: {  	_ = 	snop  }
0x4: {  	_ = 	snop  }
0x5: {  	_ = 	snop  }
0x6: {  	_ = 	snop  }
0x7: {  	_ = 	snop  }
__scs_overlays_trampoline_lowered:
0x8: {  	[smem:$0x3FAE] =	sst s0  }
0x9: {  	[smem:$0x3FAF] =	sst s1  }
0xa: {  	[smem:$0x3FB0] =	sst s2  }
0xb: {  	[smem:$0x3FB1] =	sst s3  }
0xc: {  	[smem:$0x3FB2] =	sst s4  }
0xd: {  	[smem:$0x3FB3] =	sst s5  }
0xe: {  	[smem:$0x3FB4] =	sst s6  }
0xf: {  	[smem:$0x3FB5] =	sst s7  }
0x10: {  	[smem:$0x3FB6] =	sst s8  }
0x11: {  	[smem:$0x3FB7] =	sst s9;
	s0 =	simm.s32 @!p0 $0x0  }
0x12: {  	s1 =	sld [smem:$0x3F9D];
	s0 =	simm.s32 @p0 $0x1  }
0x13: {  	[smem:$0x3FB8] =	sst s0;
	s0 =	simm.s32 @!p1 $0x0  }
0x14: {  	s2 =	sld [smem:$0x3F9C];
	s0 =	simm.s32 @p1 $0x1  }
0x15: {  	[smem:$0x3FB9] =	sst s0;
	s0 =	simm.s32 @!p2 $0x0  }
0x16: {  	s3 =	sld [smem:$0x3FDB];
	s0 =	simm.s32 @p2 $0x1  }
0x17: {  	s4 =	simm.s32 $0x1BF5;
	[smem:$0x3FBB] =	sst s0  }
0x18: {  	s0 =	sld [smem:$0x3F9E];
	_ =	swait.ge [sflag:s4], $0x0  }
0x19: {  	s7 =	sld [smem:$0x3F9F]  }
0x1a: {  	s8 =	sadd.s32 $0xFFFFE003, lr  }
0x1b: {  	s9 =	sadd.s32 $0xFFFFFEF7, lr;
	s5 =	simm.s32 $0xFFFFFFFF;
	p2 =	slt.u32 s8, $0xFFFFF086  }
0x1c: {  	p1 =	slt.u32 s9, $0xF7A;
	s5 =	simm.s32 @!p2 $0x0  }
0x1d: {  	s5 =	simm.s32 @p1 $0x1;
	p0 =	seq.s32 s7, s2  }
0x1e: {  	s7 =	smul.u32 @!p0 $0xF7A, s2;
	p2 =	seq.s32 @!p0 s5, $0x0  }
0x1f: {  	s9 =	smul.u32 $0xF7A, s1;
	s8 =	simm.s32 @!p0 $0x1BF5;
	p2 =	por !p2, p0  }
0x20: {  	[sflag:s8] =	ssyncset.s32 @!p0 $0xFFFFF086;
	s6 =	sadd.s32 @!p0 s3, s7;
	s7 =	simm.s32 @!p0 $0x108  }
0x21: {  	s3 =	sadd.s32 s3, s9;
	s6 =	sadd.s32 @!p0 $0x88, s6;
	s7 =	simm.s32 @p2 $0x1082  }
0x22: {  	[simem:s7], [sflag:s8] =	dma.local @!p0 [hbm:s6], $0xF7A  }
0x23: {  	s9 =	sor.u32 $0xD0000000, s2;
	s6 =	simm.s32 $0x108;
	_ =	swait.ge @!p0 [sflag:s8], $0x0  }
0x24: {  	s3 =	sadd.s32 $0x88, s3;
	s6 =	simm.s32 @!p1 $0x1082;
	[sflag:s4] =	ssyncset.s32 $0xFFFFF086  }
0x25: {  	[simem:s6], [sflag:s4] =	dma.local [hbm:s3], $0xF7A  }
0x26: {  	[smem:$0x3F9F] =	sst s1;
	(tag) =	ssettag s2;
	_ =	strace s9  }
0x27: {  	s1 =	sld [smem:$0x3FAF]  }
0x28: {  	s2 =	sld [smem:$0x3FB0]  }
0x29: {  	s4 =	sld [smem:$0x3FB2]  }
0x2a: {  	p0 =	seq.s32 s5, $0x0;
	s5 =	sld [smem:$0x3FB3]  }
0x2b: {  	s6 =	sld [smem:$0x3FB4]  }
0x2c: {  	s7 =	sld [smem:$0x3FB5]  }
0x2d: {  	s3 =	simm.s32 $0x108;
	s8 =	sld [smem:$0x3FB6]  }
0x2e: {  	s3 =	simm.s32 @!p0 $0x1082;
	s9 =	sld [smem:$0x3FB7]  }
0x2f: {  	lr =	sadd.s32 s0, s3;
	s0 =	sld [smem:$0x3FAE]  }
0x30: {  	s3 =	sld [smem:$0x3FB1]  }
0x31: {  	[smem:$0x3FBA] =	sst s10  }
0x32: {  	s10 =	sld [smem:$0x3FB8];
	_ =	sdelay $0x3  }
0x33: {  	p0 =	seq.s32 s10, $0x1;
	s10 =	sld [smem:$0x3FBA];
	_ =	sdelay $0x3  }
0x34: {  	[smem:$0x3FBA] =	sst s10  }
0x35: {  	s10 =	sld [smem:$0x3FB9];
	_ =	sdelay $0x3  }
0x36: {  	p1 =	seq.s32 s10, $0x1;
	s10 =	sld [smem:$0x3FBA];
	_ =	sdelay $0x3  }
0x37: {  	[smem:$0x3FBA] =	sst s10  }
0x38: {  	s10 =	sld [smem:$0x3FBB]  }
0x39: {  	_ = 	snop;
	(pc) =	sbr.ind lr, $3  }
0x3a: {  	_ = 	snop  }
0x3b: {  	_ = 	snop  }
0x3c: {  	p2 =	seq.s32 s10, $0x1;
	s10 =	sld [smem:$0x3FBA]  }
0x3d: {  	_ =	shalt  }
0x3e: {  	_ =	shalt  }
0x3f: {  	_ =	shalt  }
0x40: {  	_ =	shalt  }
0x41: {  	_ =	shalt  }
0x42: {  	_ =	shalt  }
0x43: {  	_ =	shalt  }
0x44: {  	_ =	shalt  }
0x45: {  	_ =	shalt  }
0x46: {  	_ =	shalt  }
0x47: {  	_ =	shalt  }
0x48: {  	_ =	shalt  }
0x49: {  	_ =	shalt  }
0x4a: {  	_ =	shalt  }
0x4b: {  	_ =	shalt  }
0x4c: {  	_ =	shalt  }
0x4d: {  	_ =	shalt  }
0x4e: {  	_ =	shalt  }
0x4f: {  	_ =	shalt  }
0x50: {  	_ =	shalt  }
0x51: {  	_ =	shalt  }
0x52: {  	_ =	shalt  }
0x53: {  	_ =	shalt  }
0x54: {  	_ =	shalt  }
0x55: {  	_ =	shalt  }
0x56: {  	_ =	shalt  }
0x57: {  	_ =	shalt  }
0x58: {  	_ =	shalt  }
0x59: {  	_ =	shalt  }
0x5a: {  	_ =	shalt  }
0x5b: {  	_ =	shalt  }
0x5c: {  	_ =	shalt  }
0x5d: {  	_ =	shalt  }
0x5e: {  	_ =	shalt  }
0x5f: {  	_ =	shalt  }
0x60: {  	_ =	shalt  }
0x61: {  	_ =	shalt  }
0x62: {  	_ =	shalt  }
0x63: {  	_ =	shalt  }
0x64: {  	_ =	shalt  }
0x65: {  	_ =	shalt  }
0x66: {  	_ =	shalt  }
0x67: {  	_ =	shalt  }
0x68: {  	_ =	shalt  }
0x69: {  	_ =	shalt  }
0x6a: {  	_ =	shalt  }
0x6b: {  	_ =	shalt  }
0x6c: {  	_ =	shalt  }
0x6d: {  	_ =	shalt  }
0x6e: {  	_ =	shalt  }
0x6f: {  	_ =	shalt  }
0x70: {  	_ =	shalt  }
0x71: {  	_ =	shalt  }
0x72: {  	_ =	shalt  }
0x73: {  	_ =	shalt  }
0x74: {  	_ =	shalt  }
0x75: {  	_ =	shalt  }
0x76: {  	_ =	shalt  }
0x77: {  	_ =	shalt  }
0x78: {  	_ =	shalt  }
0x79: {  	_ =	shalt  }
0x7a: {  	_ =	shalt  }
0x7b: {  	_ =	shalt  }
0x7c: {  	_ =	shalt  }
0x7d: {  	_ =	shalt  }
0x7e: {  	_ =	shalt  }
0x7f: {  	_ =	shalt  }
0x80: {  	_ =	shalt  }
0x81: {  	_ =	shalt  }
0x82: {  	_ =	shalt  }
0x83: {  	_ =	shalt  }
0x84: {  	_ =	shalt  }
0x85: {  	_ =	shalt  }
0x86: {  	_ =	shalt  }
0x87: {  	_ =	shalt  }
.Lfunc_end0:
.L_simem_size_0:
called_computation.1_lowered:
.L_overlay_start_0:
0x88: {  	s2 =	sld [smem:$0x3FD9]  }
0x89: {  	s3 =	sld [smem:$0x3FFE];
	_ =	sdelay $0x1  }
0x8a: {  	s1 =	srdreg.scid  }
0x8b: {  	s0 =	sand.u32 $0x1, s1  }
0x8c: {  	s16 =	sshll.u32 s0, $0xA;
	s2 =	sadd.s32 s3, s2  }
0x8d: {  	s2 =	sadd.s32 s2, s16  }
0x8e: {  	[smem:$0x3FC6] =	sst s2  }
0x8f: {  	_ = 	snop  }
0x90: {  	(tm) =	ssettm $0x1  }
0x91: {  	s17 =	sld [smem:$0x3FFB];
	_ =	sdelay $0x3  }
0x92: {  	_ =	strace s17  }
0x93: {  	s2 =	sld [smem:$0x3FFC];
	_ =	sdelay $0x3  }
0x94: {  	_ =	strace s2  }
0x95: {  	s2 =	sld [smem:$0x3FFD];
	_ =	sdelay $0x3  }
0x96: {  	_ =	strace s2  }
0x97: {  	_ =	strace $0x8FFFFFFF  }
0x98: {  	s18 =	sld [smem:$0x3FDB];
	_ =	sdelay $0x1  }
0x99: {  	s19 =	simm.s32 $_scs_section_size  }
0x9a: {  	s4 =	simm.s32 $_size__tile_overlayer_lowered;
	s5 =	simm.s32 $_tile_overlayer_lowered  }
0x9b: {  	s22 =	simm.s32 $0x1BFF;
	s21 =	sshll.u32 s5, $0x1;
	s2 =	sadd.s32 s19, s18  }
0x9c: {  	s6 =	simm.s32 $0x0;
	s20 =	sshll.u32 s4, $0x1;
	s4 =	sadd.s32 s21, s2  }
0x9d: {  	[timem:s6], [sflag:s22] =	dma.local [hbm:s4], s20  }
0x9e: {  	_ =	swait.ge [sflag:s22], s20  }
0x9f: {  	s3 =	ssub.s32 $0x0, s20;
	[sflag:s22] =	ssyncset.done $0x0  }
0xa0: {  	[sflag:s22] =	ssyncadd.s32 s3;
	_ =	sdelay $0x1  }
0xa1: {  	s23 =	simm.s32 $0x1B8B  }
0xa2: {  	_ =	swait.ge [sflag:s23], $0x1  }
0xa3: {  	[sflag:s23] =	ssyncset.done $0x0  }
0xa4: {  	s25 =	simm.s32 $0x1B8E;
	s24 =	sld [smem:$0x3FFE];
	[sflag:s23] =	ssyncadd.s32 $0xFFFFFFFF  }
0xa5: {  	s26 =	simm.s32 $execute0_lowered;
	[smem:$0x3FD2] =	sst s25  }
0xa6: {  	s4 =	sshll.u32 s26, $0x1;
	_ =	strace $0x80000049;
	[dreg:$0x1] =	wrdreg $0xFFFFFFFF  }
0xa7: {  	s28 =	simm.s32 $_size_execute0_lowered;
	s2 =	sadd.s32 s2, s4;
	[dreg:$0x0] =	wrdreg $0x0  }
0xa8: {  	s4 =	sshll.u32 s28, $0x1;
	[dreg:$0x2] =	wrdreg s2  }
0xa9: {  	[dreg:$0x3] =	wrdreg s4  }
0xaa: {  	[dreg:$0x4] =	wrdreg $0xC0  }
0xab: {  	_ =	task [dreg:s6], $0x5FFFF  }
0xac: {  	[dreg:$0x1] =	wrdreg $0xFFFFFFFF  }
0xad: {  	[dreg:$0x0] =	wrdreg $0x60  }
0xae: {  	[dreg:$0x2] =	wrdreg s24  }
0xaf: {  	[dreg:$0x3] =	wrdreg $0x1B8800  }
0xb0: {  	[dreg:$0x4] =	wrdreg $0x9  }
0xb1: {  	_ =	task.clear_ibuf [dreg:s6], $0x5FFFF;
	_ =	strace $0x90000049  }
0xb2: {  	s29 =	simm.s32 $0x9;
	_ =	strace $0x8000004B  }
0xb3: {  	_ =	swait.ge [sflag:s29], $0x1  }
0xb4: {  	[sflag:s29] =	ssyncadd.s32 $0xFFFFFFFF  }
0xb5: {  	_ =	strace $0x9000004B  }
0xb6: {  	_ =	sfence  }
0xb7: {  	s30 =	sld [smem:$0x0];
	_ =	sdelay $0x2  }
0xb8: {  	s31 =	sshll.u32 s1, $0xD;
	s1 =	sshrl.u32 s1, $0x2  }
0xb9: {  	s3 =	sand.u32 $0x4000, s31;
	s1 =	sadd.s32 s1, s30  }
0xba: {  	s0 =	sor.u32 s3, s0;
	s1 =	sshll.u32 s1, $0x11  }
0xbb: {  	s0 =	sor.u32 s1, s0  }
0xbc: {  	s0 =	sadd.s32 $0x8F2B, s0  }
0xbd: {  	[sflag:s0] =	ssyncadd.remote.s32 $0x1  }
0xbe: {  	_ =	sfence.sel $0xFFFF  }
0xbf: {  	[dreg:$0x0] =	wrdreg $0xFFFFFFFF;
	(pc) =	sbr.abs _section_cstart, $3  }
0xc0: {  	[dreg:$0x1] =	wrdreg $0xFFFFFFFF  }
0xc1: {  	_ =	task.clear_ibuf [dreg:s6], $0x2FFFF;
	_ =	strace $0x9FFFFFFF  }
0xc2: {  	(tm) =	ssettm $0x7FFFFFFF  }
0xc3: {  	_ =	shalt  }
tec
execute0_lowered:
.L_overlay_start_1:
0x0: {  	(tag) =	ssettag $0x1  }
0x1: {  	s6 =	rddreg [dreg:$0x0]  }
0x2: {  	s0 =	srdreg.scid;
	s1 =	rddreg [dreg:$0x1];
	s2 =	simm.s32 $0x0  }
0x3: {  	s28 =	stileid.u32;
	s31 =	simm.s32 $0xB000;
	s29 =	simm.s32 $0x17000  }
0x4: {  	s30 =	simm.s32 $0x3;
	s0 =	sand.u32 $0x1, s0;
	[smem:$0x7FF] =	sst s2  }
0x5: {  	s3 =	sadd.s32 $0x200, s6;
	s4 =	sadd.s32 $0x540200, s6;
	s5 =	sshll.u32 s28, $0x11  }
0x6: {  	s8 =	sshrl.u32 s28, $0x1;
	p0 =	slt.u32 s28, $0xB;
	s9 =	smul.u32 $0xB, s0  }
0x7: {  	_ =	strace $0x8000004A;
	s11 =	ssub.s32 $0x2, s0;
	s13 =	sshll.u32 s8, $0x12  }
0x8: {  	s16 =	smul.u32 $0x15, s8;
	s12 =	sshrl.u32 s11, $0x1;
	s8 =	ssub.s32 s5, s13  }
0x9: {  	v34 =	vlaneseq.u32;
	v12 =	vimm.f32 $0.0e+00;
	s7 =	sadd.s32 s28, s9;
	s14 =	sadd.s32 $0x1, s9;
	s13 =	sadd.s32 $0x2, s9  }
0xa: {  	v14 =	vimm.f32 $1.000000000e+00;
	v23 =	vimm.f32 $1.500000000e+01;
	vm0 =	vcmask $0x300;
	s15 =	sadd.s32 $0x3, s9;
	s17 =	sadd.s32 s9, s16;
	s18 =	sadd.s32 $0x4, s9  }
0xb: {  	v8 =	vand.u32 $0x3, v34;
	v24 =	vsel vm0, $0x0, v23;
	vm0 =	vcmask $0x704;
	s20 =	sadd.s32 $0x5, s9;
	s23 =	sadd.s32 $0x6, s9;
	s24 =	sadd.s32 $0x7, s9  }
0xc: {  	vm1 =	vcmask $0xB08;
	v8 =	vmul.u32 $0x2C00, v8;
	v25 =	vsel vm0, $0x3F800000, v24;
	s25 =	sadd.s32 $0x8, s9;
	s26 =	sadd.s32 $0xA, s9;
	s19 =	ssub.s32 s11, s12  }
0xd: {  	v36 =	vmul.u32 $0xFFFFFFFF, v34;
	v26 =	vsel vm1, $0x40000000, v25;
	vm1 =	vcmask $0xF0C;
	s11 =	sshll.u32 s28, $0xE;
	s10 =	sshll.u32 s7, $0x1;
	s22 =	sshll.u32 s17, $0x12  }
0xe: {  	v0 =	vmov s9;
	v13 =	vor.u32 $0x200, v8;
	v1 =	vmov s14;
	s17 =	sadd.s32 $0x9, s9;
	s14 =	sadd.s32 s16, s14;
	s9 =	sadd.s32 s4, s11  }
0xf: {  	v15 =	vadd.s32 $0x400, v8;
	v2 =	vmov s13;
	v4 =	vmov s18;
	s11 =	sadd.s32 s16, s13;
	s13 =	sadd.s32 s16, s18;
	s18 =	sadd.s32 s16, s24  }
0x10: {  	v16 =	vadd.s32 $0x600, v8;
	v17 =	vadd.s32 $0x800, v8;
	v18 =	vadd.s32 $0xA00, v8;
	p1 =	slt.u32 s7, $0x15;
	s7 =	simm.s32 $0x0;
	s21 =	sadd.s32 s10, s6  }
0x11: {  	v19 =	vadd.s32 $0xC00, v8;
	v20 =	vadd.s32 $0xE00, v8;
	v21 =	vadd.s32 $0x1000, v8;
	s6 =	sadd.s32 s8, s22;
	[dreg:$0x3] =	wrdreg s9;
	s10 =	sshll.u32 s14, $0x12  }
0x12: {  	v22 =	vadd.s32 $0x1200, v8;
	v5 =	vmov s20;
	v10 =	vmov s17;
	s14 =	sadd.s32 s16, s20;
	s20 =	sadd.s32 s16, s25;
	s17 =	sadd.s32 s16, s17  }
0x13: {  	v23 =	vadd.s32 $0x1400, v8;
	v24 =	vadd.s32 $0x1600, v8;
	v9 =	vmov s25;
	p0 =	por !p0, !p1;
	s25 =	sshll.u32 s28, $0xA;
	p1 =	sne.s32 s0, $0x0  }
0x14: {  	v25 =	vadd.s32 $0x1800, v8;
	v27 =	vsel vm1, $0x40400000, v26;
	vm1 =	vcmask $0x1310;
	s12 =	sshrl.u32 s6, $0x3;
	s9 =	sadd.s32 s8, s10;
	s10 =	sshll.u32 s11, $0x12  }
0x15: {  	v26 =	vadd.s32 $0x1A00, v8;
	v34 =	vadd.s32 $0x2A00, v8;
	v3 =	vmov s15;
	s17 =	sshll.u32 s17, $0x12;
	p0 =	por !p0, !p0;
	s22 =	sadd.s32 s3, s12  }
0x16: {  	v6 =	vmov s23;
	v28 =	vsel vm1, $0x40800000, v27;
	vm1 =	vcmask $0x1714;
	s12 =	sadd.s32 s16, s15;
	s10 =	sadd.s32 s8, s10;
	s15 =	sadd.s32 s16, s23  }
0x17: {  	v7 =	vmov s24;
	v29 =	vsel vm1, $0x40A00000, v28;
	vm1 =	vcmask $0x1B18;
	s23 =	smul.u32 $0xB000, s28;
	s17 =	sadd.s32 s8, s17;
	s28 =	simm.s32 $0x2  }
0x18: {  	v27 =	vadd.s32 $0x1C00, v8;
	v30 =	vsel vm1, $0x40C00000, v29;
	vm1 =	vcmask $0x1F1C;
	[dreg:$0x4] =	wrdreg s22;
	s11 =	sshll.u32 s12, $0x12;
	s12 =	sshll.u32 s13, $0x12  }
0x19: {  	v28 =	vadd.s32 $0x1E00, v8;
	v31 =	vsel vm1, $0x40E00000, v30;
	vm1 =	vcmask $0x2320;
	s13 =	sshll.u32 s14, $0x12;
	s14 =	sshll.u32 s15, $0x12;
	s15 =	sshll.u32 s18, $0x12  }
0x1a: {  	v11 =	vmov s26;
	s22 =	smin.u32 s26, $0x14;
	s18 =	sshll.u32 s20, $0x12;
	v32 =	vsel vm1, $0x41000000, v31;
	vm1 =	vcmask $0x2724;
	s26 =	sadd.s32 $0x580200, s21  }
0x1b: {  	v29 =	vadd.s32 $0x2000, v8;
	s11 =	sadd.s32 s8, s11;
	s12 =	sadd.s32 s8, s12;
	s13 =	sadd.s32 s8, s13;
	v33 =	vsel vm1, $0x41100000, v32;
	vm1 =	vcmask $0x2B28  }
.Ltmp0:
0x1c: {  	v30 =	vadd.s32 $0x2200, v8;
	s14 =	sadd.s32 s8, s14;
	s15 =	sadd.s32 s8, s15;
	v35 =	vsel vm1, $0x41200000, v33;
	vm1 =	vcmask $0x2F2C;
	(pc) =	sbr.rel .LBB2_1-.Ltmp0, $4  }
0x1d: {  	v31 =	vadd.s32 $0x2400, v8;
	s16 =	sadd.s32 s16, s22;
	s24 =	sshrl.u32 s23, $0x2;
	[dreg:$0x5] =	wrdreg s26;
	v35 =	vsel vm1, $0x41300000, v35;
	vm1 =	vcmask $0x3330  }
0x1e: {  	v32 =	vadd.s32 $0x2600, v8;
	s26 =	simm.s32 $0xF000;
	s20 =	sshll.u32 s16, $0x12;
	s16 =	sadd.s32 s8, s18;
	v35 =	vsel vm1, $0x41400000, v35;
	vm1 =	vcmask $0x3734  }
0x1f: {  	s22 =	sadd.s32 s24, s1;
	s24 =	simm.s32 $0x13000;
	v33 =	vadd.s32 $0x2800, v8;
	s18 =	sadd.s32 s8, s20;
	v37 =	vsel vm1, $0x41500000, v35;
	vm1 =	vcmask $0x3B38  }
0x20: {  	s20 =	sadd.s32 s25, s1;
	s1 =	smax.u32 s19, $0x1;
	s25 =	simm.s32 $0x1;
	v35 =	vadd.s32 $0xF, v36;
	v36 =	vsel vm1, $0x41600000, v37;
	vm1 =	vmmov $0x1  }
.LBB2_67:
0x21: {  	s7 =	sadd.s32 $0x1, s7  }
0x22: {  	p2 =	sne.s32 s7, s1  }
.Ltmp1:
0x23: {  	_ = 	snop;
	(pc) =	sbr.rel @!p2 .LBB2_68-.Ltmp1, $1  }
0x24: {  	_ =	sdelay $0x3  }
.LBB2_1:
0x25: {  	[dreg:$0x6] =	wrdreg s7;
	s0 =	simm.s32 $0x40;
	s7 =	simm.s32 $0x0  }
.LBB2_2:
0x26: {  	p2 =	sne.s32 s0, $0x2BFC0;
	[tilespmem:s7+$0x0] =	vst v12;
	s7 =	smov.u32 s0;
	s0 =	sadd.s32 $0x40, s0  }
.Ltmp2:
0x27: {  	(pc) =	sbr.rel @p2 .LBB2_2-.Ltmp2, $2  }
0x28: {  	_ =	sdelay $0x2  }
0x29: {  	s7 =	sshra.s32 s7, $0x2  }
.Ltmp3:
0x2a: {  	(pc) =	sbr.rel .LBB2_4-.Ltmp3, $4  }
0x2b: {  	[tilespmem:s7+$0x0] =	vst v12;
	s0 =	simm.s32 $0x0;
	s21 =	rddreg [dreg:$0x3]  }
0x2c: {  	[tilespmem:s31], [sflag:$0x1] =	stream.linear.gather [hbm4b:s21+s0], $0x4000, $0x38;
	[tilespmem:$0x1E480] =	vst v63  }
0x2d: {  	s23 =	rddreg [dreg:$0x4]  }
0x2e: {  	[tilespmem:s24], [sflag:$0x2] =	stream.linear.gather [hbm4b:s23+s0], $0x4000, $0x38;
	[tilespmem:$0x1E480] =	vst v63  }
.LBB2_52:
0x2f: {  	s0 =	sadd.s32 $0x1, s0  }
0x30: {  	p2 =	sne.s32 s0, $0x4  }
.Ltmp4:
0x31: {  	_ = 	snop;
	(pc) =	sbr.rel @!p2 .LBB2_53-.Ltmp4, $1  }
0x32: {  	_ =	sdelay $0x3  }
.LBB2_4:
0x33: {  	s21 =	sshll.u32 s0, $0xF  }
0x34: {  	s23 =	sor.u32 $0x4000, s21  }
0x35: {  	_ =	swait.ge [sflag:s25], $0x4000;
	s7 =	sor.u32 s5, s23  }
0x36: {  	[sflag:s25] =	ssyncset.done $0x0;
	s7 =	sshrl.u32 s7, $0x3  }
0x37: {  	[sflag:s25] =	ssyncadd.s32 $0xFFFFC000;
	s7 =	sadd.s32 s4, s7  }
0x38: {  	[tilespmem:s26], [sflag:$0x1] =	stream.linear.gather [hbm4b:s7+s2], $0x4000, $0x38;
	[tilespmem:$0x1E480] =	vst v63  }
0x39: {  	s19 =	sor.u32 s9, s21;
	_ =	swait.ge [sflag:s28], $0x4000  }
0x3a: {  	s7 =	sshrl.u32 s19, $0x3;
	[sflag:s28] =	ssyncset.done $0x0  }
0x3b: {  	s8 =	simm.s32 $0xB080;
	s7 =	sadd.s32 s3, s7;
	[sflag:s28] =	ssyncadd.s32 $0xFFFFC000  }
0x3c: {  	[tilespmem:s29], [sflag:$0x2] =	stream.linear.gather [hbm4b:s7+s2], $0x4000, $0x38;
	[tilespmem:$0x1E480] =	vst v63  }
0x3d: {  	v37 =	vld [tilespmem:s8+$0x30]  }
0x3e: {  	v38 =	vld [tilespmem:s8+$0xFFFFFF90]  }
0x3f: {  	s7 =	simm.s32 $0x13080;
	v39 =	vld [tilespmem:s8+$0x20]  }
0x40: {  	v40 =	vld [tilespmem:s7+$0x50]  }
0x41: {  	v41 =	vld [tilespmem:s7+$0x60]  }
0x42: {  	v42 =	vld [tilespmem:s7+$0xFFFFFF80]  }
0x43: {  	v43 =	vld [tilespmem:s8+$0x50]  }
0x44: {  	v44 =	vld [tilespmem:s8+$0x60]  }
0x45: {  	v45 =	vld [tilespmem:s8+$0xFFFFFFB0]  }
0x46: {  	v46 =	vld [tilespmem:s8+$0x0]  }
0x47: {  	v47 =	vld [tilespmem:s7+$0x70]  }
0x48: {  	v58 =	vld [tilespmem:s8+$0xFFFFFF80]  }
0x49: {  	v49 =	vld [tilespmem:s8+$0x70]  }
0x4a: {  	v59 =	vld [tilespmem:s8+$0xFFFFFFD0]  }
0x4b: {  	v60 =	vld [tilespmem:s8+$0x10]  }
0x4c: {  	v63 =	vld [tilespmem:s8+$0x40]  }
0x4d: {  	v50 =	vld [tilespmem:s7+$0x40]  }
0x4e: {  	v52 =	vld [tilespmem:s7+$0x30]  }
0x4f: {  	v56 =	vld [tilespmem:s7+$0x20];
	vm2 =	veq.s32 v38, v0;
	vm3 =	veq.s32 v39, v0;
	vm4 =	veq.s32 v43, v0  }
0x50: {  	v54 =	vld [tilespmem:s7+$0xFFFFFFC0];
	vm5 =	veq.s32 v44, v0;
	v42 =	vmul.f32 $5.119843750e+02, v42;
	v47 =	vmul.f32 $5.119843750e+02, v47  }
0x51: {  	vm13 =	veq.s32 v46, v0;
	v41 =	vmul.f32 $5.119843750e+02, v41;
	v40 =	vmul.f32 $5.119843750e+02, v40  }
0x52: {  	vm14 =	veq.s32 v49, v0;
	vm15 =	veq.s32 v59, v0;
	vm6 =	veq.s32 v58, v0  }
0x53: {  	vm7 =	veq.s32 v60, v0;
	vm8 =	veq.s32 v63, v0;
	v58 =	vmul.f32 $5.119843750e+02, v50  }
0x54: {  	vm9 =	veq.s32 v37, v0;
	v59 =	vmul.f32 $5.119843750e+02, v52;
	v38 =	vmul.f32 $5.119843750e+02, v56  }
0x55: {  	v52 =	vmul.f32 $5.119843750e+02, v54;
	v48 =	vsel vm2, v13, v8;
	vm2 =	veq.s32 v45, v0  }
0x56: {  	v61 =	vsel vm4, v13, v8;
	v42 =	vtrunc.f32 v42;
	v47 =	vtrunc.f32 v47  }
0x57: {  	v43 =	vld [tilespmem:s7+$0x0];
	v46 =	vsel vm5, v13, v8;
	v55 =	vtrunc.f32 v41;
	v40 =	vtrunc.f32 v40  }
0x58: {  	v63 =	vld [tilespmem:s7+$0xFFFFFFF0];
	v51 =	vsel vm13, v13, v8;
	v49 =	vtrunc.f32 v58;
	v45 =	vtrunc.f32 v59  }
0x59: {  	v44 =	vld [tilespmem:s7+$0xFFFFFFE0];
	v62 =	vsel vm6, v13, v8;
	v38 =	vtrunc.f32 v38;
	v42 =	vcvt.f32.s32 v42  }
0x5a: {  	v60 =	vsel vm8, v13, v8;
	v41 =	vld [tilespmem:s7+$0x10];
	v39 =	vcvt.f32.s32 v55;
	v40 =	vcvt.f32.s32 v40  }
0x5b: {  	v56 =	vld [tilespmem:s7+$0xFFFFFFA0];
	v53 =	vsel vm14, v13, v8;
	v57 =	vcvt.f32.s32 v47;
	v45 =	vcvt.f32.s32 v45  }
0x5c: {  	v50 =	vld [tilespmem:s8+$0xFFFFFFF0];
	v49 =	vcvt.f32.s32 v49;
	v38 =	vcvt.f32.s32 v38;
	v40 =	vadd.s32 v40, v61  }
0x5d: {  	v42 =	vadd.s32 v42, v62;
	v37 =	vadd.s32 v57, v53;
	v62 =	vld [tilespmem:s7+$0xFFFFFFB0];
	v57 =	vsel vm9, v13, v8  }
0x5e: {  	v61 =	vld [tilespmem:s7+$0xFFFFFFD0];
	v43 =	vmul.f32 $5.119843750e+02, v43;
	v47 =	vmul.f32 $5.119843750e+02, v63;
	v49 =	vadd.s32 v49, v60  }
0x5f: {  	v60 =	vld [tilespmem:s8+$0xFFFFFFA0];
	v39 =	vadd.s32 v39, v46;
	v46 =	vmul.f32 $5.119843750e+02, v44;
	v41 =	vmul.f32 $5.119843750e+02, v41  }
0x60: {  	v45 =	vadd.s32 v45, v57;
	v57 =	vld [tilespmem:s7+$0xFFFFFF90];
	v43 =	vtrunc.f32 v43;
	v53 =	vtrunc.f32 v47  }
0x61: {  	v59 =	vsel vm3, v13, v8;
	v44 =	vld [tilespmem:s8+$0xFFFFFFC0];
	v43 =	vcvt.f32.s32 v43;
	v41 =	vtrunc.f32 v41  }
0x62: {  	v38 =	vadd.s32 v38, v59;
	v41 =	vcvt.f32.s32 v41;
	[tilespmem:v40+s2+$0x0] =	vst.idx.add.f32.msk $0xffff, v14;
	v58 =	vmul.f32 $5.119843750e+02, v62  }
0x63: {  	v55 =	vsel vm7, v13, v8;
	v63 =	vmul.f32 $5.119843750e+02, v61;
	[tilespmem:v42+s2+$0x0] =	vst.idx.add.f32.msk $0xffff, v14;
	v61 =	vmul.f32 $5.119843750e+02, v56  }
0x64: {  	[tilespmem:v49+s2+$0x0] =	vst.idx.add.f32.msk $0xffff, v14;
	v62 =	vsel vm2, v13, v8;
	vm2 =	veq.s32 v50, v0;
	v42 =	vtrunc.f32 v58  }
0x65: {  	[tilespmem:v37+s2+$0x0] =	vst.idx.add.f32.msk $0xffff, v14;
	v56 =	vmul.f32 $5.119843750e+02, v57;
	v57 =	vadd.s32 v43, v51;
	v42 =	vcvt.f32.s32 v42  }
0x66: {  	v59 =	vcvt.f32.s32 v53;
	[tilespmem:v45+s2+$0x0] =	vst.idx.add.f32.msk $0xffff, v14;
	v45 =	vsel vm15, v13, v8;
	v41 =	vadd.s32 v41, v55  }
0x67: {  	[tilespmem:v38+s2+$0x0] =	vst.idx.add.f32.msk $0xffff, v14;
	v40 =	vtrunc.f32 v63;
	v63 =	vtrunc.f32 v61;
	v47 =	vadd.s32 v42, v62  }
0x68: {  	[tilespmem:v39+s2+$0x0] =	vst.idx.add.f32.msk $0xffff, v14;
	v50 =	vsel vm2, v13, v8;
	v55 =	vcvt.f32.s32 v63;
	v40 =	vcvt.f32.s32 v40  }
0x69: {  	vm2 =	veq.s32 v60, v0;
	v60 =	vtrunc.f32 v56;
	v63 =	vtrunc.f32 v46;
	v42 =	vld [tilespmem:s8+$0xFFFFFFE0]  }
0x6a: {  	v58 =	vsel vm2, v13, v8;
	v61 =	vcvt.f32.s32 v60;
	v43 =	vcvt.f32.s32 v63;
	[tilespmem:v57+s2+$0x0] =	vst.idx.add.f32.msk $0xffff, v14  }
0x6b: {  	v38 =	vadd.s32 v55, v58;
	v62 =	vtrunc.f32 v52;
	v39 =	vadd.s32 v40, v45;
	[tilespmem:v41+s2+$0x0] =	vst.idx.add.f32.msk $0xffff, v14  }
0x6c: {  	s19 =	simm.s32 $0xB180;
	s8 =	simm.s32 $0x0;
	v45 =	vadd.s32 v59, v50;
	v40 =	vadd.s32 v61, v48;
	v41 =	vcvt.f32.s32 v62;
	[tilespmem:v47+s2+$0x0] =	vst.idx.add.f32.msk $0xffff, v14  }
.LBB2_5:
0x6d: {  	v46 =	vld [tilespmem:s19+$0x30];
	s8 =	sadd.s32 $0x100, s8;
	s7 =	sadd.s32 $0x100, s7  }
0x6e: {  	v47 =	vld [tilespmem:s7+$0x30];
	p2 =	slt.u32 s8, $0x3F00;
	vm2 =	veq.s32 v44, v0  }
0x6f: {  	v44 =	vld [tilespmem:s7+$0x40]  }
0x70: {  	v37 =	vld [tilespmem:s19+$0xFFFFFF90]  }
0x71: {  	[tilespmem:v45+s2+$0x0] =	vst.idx.add.f32.msk $0xffff, v14  }
0x72: {  	v45 =	vld [tilespmem:s19+$0x40]  }
0x73: {  	v48 =	vld [tilespmem:s19+$0x10]  }
0x74: {  	v49 =	vld [tilespmem:s19+$0x20]  }
0x75: {  	vm3 =	veq.s32 v37, v0;
	v50 =	vld [tilespmem:s7+$0x50]  }
0x76: {  	v51 =	vld [tilespmem:s7+$0x60]  }
0x77: {  	v52 =	vld [tilespmem:s7+$0x70]  }
0x78: {  	v53 =	vld [tilespmem:s7+$0xFFFFFF80]  }
0x79: {  	vm4 =	veq.s32 v42, v0;
	v54 =	vld [tilespmem:s19+$0x50]  }
0x7a: {  	v37 =	vsel vm4, v13, v8;
	v42 =	vld [tilespmem:s19+$0x60]  }
0x7b: {  	v43 =	vadd.s32 v43, v37;
	v55 =	vld [tilespmem:s19+$0xFFFFFFB0]  }
0x7c: {  	v37 =	vsel vm2, v13, v8;
	v56 =	vld [tilespmem:s19+$0x0]  }
0x7d: {  	v41 =	vadd.s32 v41, v37;
	v57 =	vld [tilespmem:s19+$0xFFFFFF80]  }
0x7e: {  	v37 =	vsel vm3, v13, v8;
	v58 =	vld [tilespmem:s19+$0x70]  }
0x7f: {  	vm3 =	veq.s32 v49, v0;
	vm4 =	veq.s32 v54, v0;
	v59 =	vld [tilespmem:s19+$0xFFFFFFD0];
	vm5 =	veq.s32 v42, v0  }
0x80: {  	v42 =	vmul.f32 $5.119843750e+02, v53;
	v49 =	vsel vm4, v13, v8;
	vm2 =	veq.s32 v55, v0;
	[tilespmem:v38+s2+$0x0] =	vst.idx.add.f32.msk $0xffff, v14  }
0x81: {  	v52 =	vmul.f32 $5.119843750e+02, v52;
	v38 =	vsel vm5, v13, v8;
	vm4 =	veq.s32 v56, v0;
	[tilespmem:v39+s2+$0x0] =	vst.idx.add.f32.msk $0xffff, v14  }
0x82: {  	v51 =	vmul.f32 $5.119843750e+02, v51;
	v39 =	vtrunc.f32 v42;
	v42 =	vsel vm4, v13, v8;
	[tilespmem:v43+s2+$0x0] =	vst.idx.add.f32.msk $0xffff, v14  }
0x83: {  	v43 =	vmul.f32 $5.119843750e+02, v50;
	v50 =	vtrunc.f32 v52;
	vm5 =	veq.s32 v58, v0;
	[tilespmem:v40+s2+$0x0] =	vst.idx.add.f32.msk $0xffff, v14  }
0x84: {  	v39 =	vcvt.f32.s32 v39;
	v40 =	vtrunc.f32 v51;
	vm4 =	veq.s32 v59, v0;
	[tilespmem:v41+s2+$0x0] =	vst.idx.add.f32.msk $0xffff, v14  }
0x85: {  	vm6 =	veq.s32 v57, v0;
	v43 =	vtrunc.f32 v43;
	v40 =	vcvt.f32.s32 v40;
	v41 =	vld [tilespmem:s7+$0x20]  }
0x86: {  	vm8 =	veq.s32 v45, v0;
	vm7 =	veq.s32 v48, v0;
	v43 =	vcvt.f32.s32 v43;
	v51 =	vld [tilespmem:s7+$0x10]  }
0x87: {  	vm9 =	veq.s32 v46, v0;
	v38 =	vadd.s32 v40, v38;
	v40 =	vcvt.f32.s32 v50;
	v45 =	vld [tilespmem:s7+$0x0]  }
0x88: {  	v44 =	vmul.f32 $5.119843750e+02, v44;
	v46 =	vsel vm6, v13, v8;
	v43 =	vadd.s32 v43, v49;
	v48 =	vld [tilespmem:s7+$0xFFFFFFF0]  }
0x89: {  	v47 =	vmul.f32 $5.119843750e+02, v47;
	v39 =	vadd.s32 v39, v46;
	v49 =	vsel vm8, v13, v8;
	v46 =	vld [tilespmem:s7+$0xFFFFFFE0]  }
0x8a: {  	v44 =	vtrunc.f32 v44;
	v52 =	vsel vm5, v13, v8;
	v50 =	vld [tilespmem:s7+$0xFFFFFFD0];
	v41 =	vmul.f32 $5.119843750e+02, v41  }
0x8b: {  	v47 =	vtrunc.f32 v47;
	v40 =	vadd.s32 v40, v52;
	v53 =	vld [tilespmem:s7+$0xFFFFFFC0];
	v51 =	vmul.f32 $5.119843750e+02, v51  }
0x8c: {  	v47 =	vcvt.f32.s32 v47;
	v44 =	vcvt.f32.s32 v44;
	v54 =	vsel vm7, v13, v8;
	v52 =	vld [tilespmem:s7+$0xFFFFFFB0]  }
0x8d: {  	v56 =	vsel vm9, v13, v8;
	v45 =	vmul.f32 $5.119843750e+02, v45;
	v55 =	vld [tilespmem:s7+$0xFFFFFFA0];
	v51 =	vtrunc.f32 v51  }
0x8e: {  	v47 =	vadd.s32 v47, v56;
	v48 =	vmul.f32 $5.119843750e+02, v48;
	v57 =	vld [tilespmem:s7+$0xFFFFFF90];
	v51 =	vcvt.f32.s32 v51  }
0x8f: {  	v44 =	vadd.s32 v44, v49;
	v41 =	vtrunc.f32 v41;
	v50 =	vmul.f32 $5.119843750e+02, v50;
	[tilespmem:v43+s2+$0x0] =	vst.idx.add.f32.msk $0xffff, v14  }
0x90: {  	v41 =	vcvt.f32.s32 v41;
	v43 =	vmul.f32 $5.119843750e+02, v53;
	v49 =	vld [tilespmem:s19+$0xFFFFFFF0];
	v51 =	vadd.s32 v51, v54  }
0x91: {  	v45 =	vtrunc.f32 v45;
	[tilespmem:v39+s2+$0x0] =	vst.idx.add.f32.msk $0xffff, v14;
	v39 =	vmul.f32 $5.119843750e+02, v52;
	v52 =	vsel vm3, v13, v8  }
0x92: {  	v46 =	vmul.f32 $5.119843750e+02, v46;
	v53 =	vld [tilespmem:s19+$0xFFFFFFA0];
	v54 =	vmul.f32 $5.119843750e+02, v55;
	v41 =	vadd.s32 v41, v52  }
0x93: {  	v50 =	vtrunc.f32 v50;
	v52 =	vsel vm4, v13, v8;
	v39 =	vtrunc.f32 v39;
	[tilespmem:v47+s2+$0x0] =	vst.idx.add.f32.msk $0xffff, v14  }
0x94: {  	v45 =	vcvt.f32.s32 v45;
	v47 =	vsel vm2, v13, v8;
	v39 =	vcvt.f32.s32 v39;
	[tilespmem:v44+s2+$0x0] =	vst.idx.add.f32.msk $0xffff, v14  }
0x95: {  	v48 =	vtrunc.f32 v48;
	v44 =	vtrunc.f32 v54;
	vm2 =	veq.s32 v49, v0;
	[tilespmem:v51+s2+$0x0] =	vst.idx.add.f32.msk $0xffff, v14  }
0x96: {  	v44 =	vcvt.f32.s32 v44;
	v47 =	vadd.s32 v39, v47;
	v49 =	vsel vm2, v13, v8;
	[tilespmem:v40+s2+$0x0] =	vst.idx.add.f32.msk $0xffff, v14  }
0x97: {  	v51 =	vadd.s32 v45, v42;
	v39 =	vmul.f32 $5.119843750e+02, v57;
	vm2 =	veq.s32 v53, v0;
	[tilespmem:v41+s2+$0x0] =	vst.idx.add.f32.msk $0xffff, v14  }
.Ltmp5:
0x98: {  	v45 =	vcvt.f32.s32 v48;
	v41 =	vcvt.f32.s32 v50;
	v40 =	vsel vm2, v13, v8;
	[tilespmem:v38+s2+$0x0] =	vst.idx.add.f32.msk $0xffff, v14;
	(pc) =	sbr.rel @p2 .LBB2_5-.Ltmp5, $4  }
0x99: {  	v39 =	vtrunc.f32 v39;
	v38 =	vadd.s32 v44, v40;
	v44 =	vld [tilespmem:s19+$0xFFFFFFC0];
	v40 =	vtrunc.f32 v46  }
0x9a: {  	v43 =	vtrunc.f32 v43;
	v46 =	vcvt.f32.s32 v39;
	v39 =	vadd.s32 v41, v52;
	v42 =	vld [tilespmem:s19+$0xFFFFFFE0]  }
0x9b: {  	v45 =	vadd.s32 v45, v49;
	v41 =	vcvt.f32.s32 v43;
	v43 =	vcvt.f32.s32 v40;
	[tilespmem:v47+s2+$0x0] =	vst.idx.add.f32.msk $0xffff, v14  }
0x9c: {  	s19 =	sadd.s32 $0x100, s19;
	v40 =	vadd.s32 v46, v37;
	[tilespmem:v51+s2+$0x0] =	vst.idx.add.f32.msk $0xffff, v14  }
0x9d: {  	_ =	sdelay $0x1  }
0x9e: {  	vm2 =	veq.s32 v42, v0  }
0x9f: {  	v37 =	vsel vm2, v13, v8;
	vm2 =	veq.s32 v44, v0  }
0xa0: {  	v37 =	vadd.s32 v43, v37;
	v59 =	vsel vm2, v13, v8  }
0xa1: {  	[tilespmem:v45+s2+$0x0] =	vst.idx.add.f32.msk $0xffff, v14;
	v41 =	vadd.s32 v41, v59  }
0xa2: {  	[tilespmem:v38+s2+$0x0] =	vst.idx.add.f32.msk $0xffff, v14  }
0xa3: {  	[tilespmem:v39+s2+$0x0] =	vst.idx.add.f32.msk $0xffff, v14  }
0xa4: {  	[tilespmem:v40+s2+$0x0] =	vst.idx.add.f32.msk $0xffff, v14  }
0xa5: {  	[tilespmem:v37+s2+$0x0] =	vst.idx.add.f32.msk $0xffff, v14  }
0xa6: {  	[tilespmem:v41+s2+$0x0] =	vst.idx.add.f32.msk $0xffff, v14  }
0xa7: {  	s7 =	sor.u32 s10, s21;
	_ =	swait.ge [sflag:s28], $0x4000  }
0xa8: {  	s7 =	sshrl.u32 s7, $0x3;
	[sflag:s28] =	ssyncset.done $0x0  }
0xa9: {  	s8 =	simm.s32 $0xB080;
	s7 =	sadd.s32 s3, s7;
	[sflag:s28] =	ssyncadd.s32 $0xFFFFC000  }
0xaa: {  	[tilespmem:s24], [sflag:$0x2] =	stream.linear.gather [hbm4b:s7+s2], $0x4000, $0x38;
	[tilespmem:$0x1E480] =	vst v63  }
0xab: {  	v37 =	vld [tilespmem:s8+$0x30]  }
0xac: {  	v60 =	vld [tilespmem:s8+$0xFFFFFF90]  }
0xad: {  	s7 =	simm.s32 $0x17080;
	v61 =	vld [tilespmem:s8+$0x20]  }
0xae: {  	v40 =	vld [tilespmem:s7+$0x50]  }
0xaf: {  	v62 =	vld [tilespmem:s7+$0x60]  }
0xb0: {  	v54 =	vld [tilespmem:s7+$0xFFFFFF80]  }
0xb1: {  	v55 =	vld [tilespmem:s8+$0x50]  }
0xb2: {  	v56 =	vld [tilespmem:s8+$0x60]  }
0xb3: {  	v46 =	vld [tilespmem:s8+$0x0]  }
0xb4: {  	v47 =	vld [tilespmem:s7+$0x70]  }
0xb5: {  	v58 =	vld [tilespmem:s8+$0xFFFFFF80]  }
0xb6: {  	v49 =	vld [tilespmem:s8+$0x70]  }
0xb7: {  	v59 =	vld [tilespmem:s8+$0xFFFFFFD0]  }
0xb8: {  	v63 =	vld [tilespmem:s8+$0x40]  }
0xb9: {  	v50 =	vld [tilespmem:s7+$0x40]  }
0xba: {  	v52 =	vld [tilespmem:s7+$0x30]  }
0xbb: {  	v43 =	vld [tilespmem:s7+$0x0];
	vm2 =	veq.s32 v60, v1;
	vm3 =	veq.s32 v61, v1;
	vm4 =	veq.s32 v55, v1  }
0xbc: {  	v57 =	vld [tilespmem:s8+$0xFFFFFFB0];
	vm5 =	veq.s32 v56, v1;
	v42 =	vmul.f32 $5.119843750e+02, v54;
	v47 =	vmul.f32 $5.119843750e+02, v47  }
0xbd: {  	vm13 =	veq.s32 v46, v1;
	v41 =	vmul.f32 $5.119843750e+02, v62;
	v40 =	vmul.f32 $5.119843750e+02, v40  }
0xbe: {  	vm14 =	veq.s32 v49, v1;
	vm15 =	veq.s32 v59, v1;
	vm6 =	veq.s32 v58, v1  }
0xbf: {  	vm8 =	veq.s32 v63, v1;
	vm9 =	veq.s32 v37, v1;
	v58 =	vmul.f32 $5.119843750e+02, v50  }
0xc0: {  	v59 =	vmul.f32 $5.119843750e+02, v52;
	v43 =	vmul.f32 $5.119843750e+02, v43;
	v48 =	vsel vm2, v16, v15  }
0xc1: {  	v44 =	vld [tilespmem:s7+$0xFFFFFFE0];
	vm2 =	veq.s32 v57, v1;
	v42 =	vtrunc.f32 v42;
	v47 =	vtrunc.f32 v47  }
0xc2: {  	v60 =	vld [tilespmem:s8+$0x10];
	v61 =	vsel vm4, v16, v15;
	v55 =	vtrunc.f32 v41;
	v40 =	vtrunc.f32 v40  }
0xc3: {  	v56 =	vld [tilespmem:s7+$0x20];
	v46 =	vsel vm5, v16, v15;
	v49 =	vtrunc.f32 v58;
	v45 =	vtrunc.f32 v59  }
0xc4: {  	v63 =	vld [tilespmem:s7+$0xFFFFFFF0];
	v51 =	vsel vm13, v16, v15;
	v43 =	vtrunc.f32 v43;
	v42 =	vcvt.f32.s32 v42  }
0xc5: {  	v54 =	vld [tilespmem:s7+$0xFFFFFFC0];
	v62 =	vsel vm6, v16, v15;
	v39 =	vcvt.f32.s32 v55;
	v40 =	vcvt.f32.s32 v40  }
0xc6: {  	v53 =	vsel vm14, v16, v15;
	v41 =	vld [tilespmem:s7+$0x10];
	v57 =	vcvt.f32.s32 v47;
	v45 =	vcvt.f32.s32 v45  }
0xc7: {  	v50 =	vld [tilespmem:s8+$0xFFFFFFF0];
	v59 =	vsel vm3, v16, v15;
	v49 =	vcvt.f32.s32 v49;
	v43 =	vcvt.f32.s32 v43  }
0xc8: {  	vm7 =	veq.s32 v60, v1;
	v40 =	vadd.s32 v40, v61;
	v42 =	vadd.s32 v42, v62;
	v61 =	vld [tilespmem:s7+$0xFFFFFFD0]  }
0xc9: {  	v60 =	vsel vm8, v16, v15;
	v38 =	vmul.f32 $5.119843750e+02, v56;
	v37 =	vadd.s32 v57, v53;
	v62 =	vld [tilespmem:s7+$0xFFFFFFB0]  }
0xca: {  	v56 =	vld [tilespmem:s7+$0xFFFFFFA0];
	v57 =	vsel vm9, v16, v15;
	v47 =	vmul.f32 $5.119843750e+02, v63;
	v52 =	vmul.f32 $5.119843750e+02, v54  }
0xcb: {  	v39 =	vadd.s32 v39, v46;
	v46 =	vmul.f32 $5.119843750e+02, v44;
	v44 =	vld [tilespmem:s8+$0xFFFFFFC0];
	v41 =	vmul.f32 $5.119843750e+02, v41  }
0xcc: {  	v45 =	vadd.s32 v45, v57;
	v57 =	vld [tilespmem:s7+$0xFFFFFF90];
	v38 =	vtrunc.f32 v38;
	v53 =	vtrunc.f32 v47  }
0xcd: {  	v49 =	vadd.s32 v49, v60;
	v60 =	vld [tilespmem:s8+$0xFFFFFFA0];
	v38 =	vcvt.f32.s32 v38;
	v41 =	vtrunc.f32 v41  }
0xce: {  	v55 =	vsel vm7, v16, v15;
	v41 =	vcvt.f32.s32 v41;
	[tilespmem:v40+s2+$0x0] =	vst.idx.add.f32.msk $0xffff, v14;
	v58 =	vmul.f32 $5.119843750e+02, v62  }
0xcf: {  	v63 =	vmul.f32 $5.119843750e+02, v61;
	[tilespmem:v42+s2+$0x0] =	vst.idx.add.f32.msk $0xffff, v14;
	v61 =	vmul.f32 $5.119843750e+02, v56;
	v38 =	vadd.s32 v38, v59  }
0xd0: {  	v62 =	vsel vm2, v16, v15;
	vm2 =	veq.s32 v50, v1;
	[tilespmem:v37+s2+$0x0] =	vst.idx.add.f32.msk $0xffff, v14;
	v42 =	vtrunc.f32 v58  }
0xd1: {  	[tilespmem:v39+s2+$0x0] =	vst.idx.add.f32.msk $0xffff, v14;
	v56 =	vmul.f32 $5.119843750e+02, v57;
	v57 =	vadd.s32 v43, v51;
	v42 =	vcvt.f32.s32 v42  }
0xd2: {  	v59 =	vcvt.f32.s32 v53;
	[tilespmem:v45+s2+$0x0] =	vst.idx.add.f32.msk $0xffff, v14;
	v45 =	vsel vm15, v16, v15;
	v41 =	vadd.s32 v41, v55  }
0xd3: {  	[tilespmem:v49+s2+$0x0] =	vst.idx.add.f32.msk $0xffff, v14;
	v40 =	vtrunc.f32 v63;
	v63 =	vtrunc.f32 v61;
	v47 =	vadd.s32 v42, v62  }
0xd4: {  	v50 =	vsel vm2, v16, v15;
	v55 =	vcvt.f32.s32 v63;
	v40 =	vcvt.f32.s32 v40;
	[tilespmem:v38+s2+$0x0] =	vst.idx.add.f32.msk $0xffff, v14  }
0xd5: {  	vm2 =	veq.s32 v60, v1;
	v60 =	vtrunc.f32 v56;
	v63 =	vtrunc.f32 v46;
	v42 =	vld [tilespmem:s8+$0xFFFFFFE0]  }
0xd6: {  	v58 =	vsel vm2, v16, v15;
	v61 =	vcvt.f32.s32 v60;
	v43 =	vcvt.f32.s32 v63;
	[tilespmem:v57+s2+$0x0] =	vst.idx.add.f32.msk $0xffff, v14  }
0xd7: {  	v38 =	vadd.s32 v55, v58;
	v62 =	vtrunc.f32 v52;
	v39 =	vadd.s32 v40, v45;
	[tilespmem:v41+s2+$0x0] =	vst.idx.add.f32.msk $0xffff, v14  }
0xd8: {  	s19 =	simm.s32 $0xB180;
	s8 =	simm.s32 $0x0;
	v45 =	vadd.s32 v59, v50;
	v40 =	vadd.s32 v61, v48;
	v41 =	vcvt.f32.s32 v62;
	[tilespmem:v47+s2+$0x0] =	vst.idx.add.f32.msk $0xffff, v14  }
.LBB2_7:
0xd9: {  	v46 =	vld [tilespmem:s19+$0x30];
	s8 =	sadd.s32 $0x100, s8;
	s7 =	sadd.s32 $0x100, s7  }
0xda: {  	v47 =	vld [tilespmem:s7+$0x30];
	p2 =	slt.u32 s8, $0x3F00;
	vm2 =	veq.s32 v44, v1  }
0xdb: {  	v44 =	vld [tilespmem:s7+$0x40]  }
0xdc: {  	v37 =	vld [tilespmem:s19+$0xFFFFFF90]  }
0xdd: {  	[tilespmem:v45+s2+$0x0] =	vst.idx.add.f32.msk $0xffff, v14  }
0xde: {  	v45 =	vld [tilespmem:s19+$0x40]  }
0xdf: {  	v48 =	vld [tilespmem:s19+$0x10]  }
0xe0: {  	v49 =	vld [tilespmem:s19+$0x20]  }
0xe1: {  	vm3 =	veq.s32 v37, v1;
	v50 =	vld [tilespmem:s7+$0x50]  }
0xe2: {  	v51 =	vld [tilespmem:s7+$0x60]  }
0xe3: {  	v52 =	vld [tilespmem:s7+$0x70]  }
0xe4: {  	v53 =	vld [tilespmem:s7+$0xFFFFFF80]  }
0xe5: {  	vm4 =	veq.s32 v42, v1;
	v54 =	vld [tilespmem:s19+$0x50]  }
0xe6: {  	v37 =	vsel vm4, v16, v15;
	v42 =	vld [tilespmem:s19+$0x60]  }
0xe7: {  	v43 =	vadd.s32 v43, v37;
	v55 =	vld [tilespmem:s19+$0xFFFFFFB0]  }
0xe8: {  	v37 =	vsel vm2, v16, v15;
	v56 =	vld [tilespmem:s19+$0x0]  }
0xe9: {  	v41 =	vadd.s32 v41, v37;
	v57 =	vld [tilespmem:s19+$0xFFFFFF80]  }
0xea: {  	v37 =	vsel vm3, v16, v15;
	v58 =	vld [tilespmem:s19+$0x70]  }
0xeb: {  	vm3 =	veq.s32 v49, v1;
	vm4 =	veq.s32 v54, v1;
	v59 =	vld [tilespmem:s19+$0xFFFFFFD0];
	vm5 =	veq.s32 v42, v1  }
0xec: {  	v42 =	vmul.f32 $5.119843750e+02, v53;
	v49 =	vsel vm4, v16, v15;
	vm2 =	veq.s32 v55, v1;
	[tilespmem:v38+s2+$0x0] =	vst.idx.add.f32.msk $0xffff, v14  }
0xed: {  	v52 =	vmul.f32 $5.119843750e+02, v52;
	v38 =	vsel vm5, v16, v15;
	vm4 =	veq.s32 v56, v1;
	[tilespmem:v39+s2+$0x0] =	vst.idx.add.f32.msk $0xffff, v14  }
0xee: {  	v51 =	vmul.f32 $5.119843750e+02, v51;
	v39 =	vtrunc.f32 v42;
	v42 =	vsel vm4, v16, v15;
	[tilespmem:v43+s2+$0x0] =	vst.idx.add.f32.msk $0xffff, v14  }
0xef: {  	v43 =	vmul.f32 $5.119843750e+02, v50;
	v50 =	vtrunc.f32 v52;
	vm5 =	veq.s32 v58, v1;
	[tilespmem:v40+s2+$0x0] =	vst.idx.add.f32.msk $0xffff, v14  }
0xf0: {  	v39 =	vcvt.f32.s32 v39;
	v40 =	vtrunc.f32 v51;
	vm4 =	veq.s32 v59, v1;
	[tilespmem:v41+s2+$0x0] =	vst.idx.add.f32.msk $0xffff, v14  }
0xf1: {  	vm6 =	veq.s32 v57, v1;
	v43 =	vtrunc.f32 v43;
	v40 =	vcvt.f32.s32 v40;
	v41 =	vld [tilespmem:s7+$0x20]  }
0xf2: {  	vm8 =	veq.s32 v45, v1;
	vm7 =	veq.s32 v48, v1;
	v43 =	vcvt.f32.s32 v43;
	v51 =	vld [tilespmem:s7+$0x10]  }
0xf3: {  	vm9 =	veq.s32 v46, v1;
	v38 =	vadd.s32 v40, v38;
	v40 =	vcvt.f32.s32 v50;
	v45 =	vld [tilespmem:s7+$0x0]  }
0xf4: {  	v44 =	vmul.f32 $5.119843750e+02, v44;
	v46 =	vsel vm6, v16, v15;
	v43 =	vadd.s32 v43, v49;
	v48 =	vld [tilespmem:s7+$0xFFFFFFF0]  }
0xf5: {  	v47 =	vmul.f32 $5.119843750e+02, v47;
	v39 =	vadd.s32 v39, v46;
	v49 =	vsel vm8, v16, v15;
	v46 =	vld [tilespmem:s7+$0xFFFFFFE0]  }
0xf6: {  	v44 =	vtrunc.f32 v44;
	v52 =	vsel vm5, v16, v15;
	v50 =	vld [tilespmem:s7+$0xFFFFFFD0];
	v41 =	vmul.f32 $5.119843750e+02, v41  }
0xf7: {  	v47 =	vtrunc.f32 v47;
	v40 =	vadd.s32 v40, v52;
	v53 =	vld [tilespmem:s7+$0xFFFFFFC0];
	v51 =	vmul.f32 $5.119843750e+02, v51  }
0xf8: {  	v47 =	vcvt.f32.s32 v47;
	v44 =	vcvt.f32.s32 v44;
	v54 =	vsel vm7, v16, v15;
	v52 =	vld [tilespmem:s7+$0xFFFFFFB0]  }
0xf9: {  	v56 =	vsel vm9, v16, v15;
	v45 =	vmul.f32 $5.119843750e+02, v45;
	v55 =	vld [tilespmem:s7+$0xFFFFFFA0];
	v51 =	vtrunc.f32 v51  }
0xfa: {  	v47 =	vadd.s32 v47, v56;
	v48 =	vmul.f32 $5.119843750e+02, v48;
	v57 =	vld [tilespmem:s7+$0xFFFFFF90];
	v51 =	vcvt.f32.s32 v51  }
0xfb: {  	v44 =	vadd.s32 v44, v49;
	v41 =	vtrunc.f32 v41;
	v50 =	vmul.f32 $5.119843750e+02, v50;
	[tilespmem:v43+s2+$0x0] =	vst.idx.add.f32.msk $0xffff, v14  }
0xfc: {  	v41 =	vcvt.f32.s32 v41;
	v43 =	vmul.f32 $5.119843750e+02, v53;
	v49 =	vld [tilespmem:s19+$0xFFFFFFF0];
	v51 =	vadd.s32 v51, v54  }
0xfd: {  	v45 =	vtrunc.f32 v45;
	[tilespmem:v39+s2+$0x0] =	vst.idx.add.f32.msk $0xffff, v14;
	v39 =	vmul.f32 $5.119843750e+02, v52;
	v52 =	vsel vm3, v16, v15  }
0xfe: {  	v46 =	vmul.f32 $5.119843750e+02, v46;
	v53 =	vld [tilespmem:s19+$0xFFFFFFA0];
	v54 =	vmul.f32 $5.119843750e+02, v55;
	v41 =	vadd.s32 v41, v52  }
0xff: {  	v50 =	vtrunc.f32 v50;
	v52 =	vsel vm4, v16, v15;
	v39 =	vtrunc.f32 v39;
	[tilespmem:v47+s2+$0x0] =	vst.idx.add.f32.msk $0xffff, v14  }
0x100: {  	v45 =	vcvt.f32.s32 v45;
	v47 =	vsel vm2, v16, v15;
	v39 =	vcvt.f32.s32 v39;
	[tilespmem:v44+s2+$0x0] =	vst.idx.add.f32.msk $0xffff, v14  }
0x101: {  	v48 =	vtrunc.f32 v48;
	v44 =	vtrunc.f32 v54;
	vm2 =	veq.s32 v49, v1;
	[tilespmem:v51+s2+$0x0] =	vst.idx.add.f32.msk $0xffff, v14  }
0x102: {  	v44 =	vcvt.f32.s32 v44;
	v47 =	vadd.s32 v39, v47;
	v49 =	vsel vm2, v16, v15;
	[tilespmem:v40+s2+$0x0] =	vst.idx.add.f32.msk $0xffff, v14  }
0x103: {  	v51 =	vadd.s32 v45, v42;
	v39 =	vmul.f32 $5.119843750e+02, v57;
	vm2 =	veq.s32 v53, v1;
	[tilespmem:v41+s2+$0x0] =	vst.idx.add.f32.msk $0xffff, v14  }
.Ltmp6:
0x104: {  	v45 =	vcvt.f32.s32 v48;
	v41 =	vcvt.f32.s32 v50;
	v40 =	vsel vm2, v16, v15;
	[tilespmem:v38+s2+$0x0] =	vst.idx.add.f32.msk $0xffff, v14;
	(pc) =	sbr.rel @p2 .LBB2_7-.Ltmp6, $4  }
0x105: {  	v39 =	vtrunc.f32 v39;
	v38 =	vadd.s32 v44, v40;
	v44 =	vld [tilespmem:s19+$0xFFFFFFC0];
	v40 =	vtrunc.f32 v46  }
0x106: {  	v43 =	vtrunc.f32 v43;
	v46 =	vcvt.f32.s32 v39;
	v39 =	vadd.s32 v41, v52;
	v42 =	vld [tilespmem:s19+$0xFFFFFFE0]  }
0x107: {  	v45 =	vadd.s32 v45, v49;
	v41 =	vcvt.f32.s32 v43;
	v43 =	vcvt.f32.s32 v40;
	[tilespmem:v47+s2+$0x0] =	vst.idx.add.f32.msk $0xffff, v14  }
0x108: {  	s19 =	sadd.s32 $0x100, s19;
	v40 =	vadd.s32 v46, v37;
	[tilespmem:v51+s2+$0x0] =	vst.idx.add.f32.msk $0xffff, v14  }
0x109: {  	_ =	sdelay $0x1  }
0x10a: {  	vm2 =	veq.s32 v42, v1  }
0x10b: {  	v37 =	vsel vm2, v16, v15;
	vm2 =	veq.s32 v44, v1  }
0x10c: {  	v37 =	vadd.s32 v43, v37;
	v59 =	vsel vm2, v16, v15  }
0x10d: {  	[tilespmem:v45+s2+$0x0] =	vst.idx.add.f32.msk $0xffff, v14;
	v41 =	vadd.s32 v41, v59  }
0x10e: {  	[tilespmem:v38+s2+$0x0] =	vst.idx.add.f32.msk $0xffff, v14  }
0x10f: {  	[tilespmem:v39+s2+$0x0] =	vst.idx.add.f32.msk $0xffff, v14  }
0x110: {  	[tilespmem:v40+s2+$0x0] =	vst.idx.add.f32.msk $0xffff, v14  }
0x111: {  	[tilespmem:v37+s2+$0x0] =	vst.idx.add.f32.msk $0xffff, v14  }
0x112: {  	[tilespmem:v41+s2+$0x0] =	vst.idx.add.f32.msk $0xffff, v14  }
0x113: {  	s7 =	sor.u32 s11, s21;
	_ =	swait.ge [sflag:s28], $0x4000  }
0x114: {  	s7 =	sshrl.u32 s7, $0x3;
	[sflag:s28] =	ssyncset.done $0x0  }
0x115: {  	s8 =	simm.s32 $0xB080;
	s7 =	sadd.s32 s3, s7;
	[sflag:s28] =	ssyncadd.s32 $0xFFFFC000  }
0x116: {  	[tilespmem:s29], [sflag:$0x2] =	stream.linear.gather [hbm4b:s7+s2], $0x4000, $0x38;
	[tilespmem:$0x1E480] =	vst v63  }
0x117: {  	v37 =	vld [tilespmem:s8+$0x30]  }
0x118: {  	v60 =	vld [tilespmem:s8+$0xFFFFFF90]  }
0x119: {  	s7 =	simm.s32 $0x13080;
	v61 =	vld [tilespmem:s8+$0x20]  }
0x11a: {  	v40 =	vld [tilespmem:s7+$0x50]  }
0x11b: {  	v62 =	vld [tilespmem:s7+$0x60]  }
0x11c: {  	v54 =	vld [tilespmem:s7+$0xFFFFFF80]  }
0x11d: {  	v55 =	vld [tilespmem:s8+$0x50]  }
0x11e: {  	v56 =	vld [tilespmem:s8+$0x60]  }
0x11f: {  	v46 =	vld [tilespmem:s8+$0x0]  }
0x120: {  	v47 =	vld [tilespmem:s7+$0x70]  }
0x121: {  	v58 =	vld [tilespmem:s8+$0xFFFFFF80]  }
0x122: {  	v49 =	vld [tilespmem:s8+$0x70]  }
0x123: {  	v59 =	vld [tilespmem:s8+$0xFFFFFFD0]  }
0x124: {  	v63 =	vld [tilespmem:s8+$0x40]  }
0x125: {  	v50 =	vld [tilespmem:s7+$0x40]  }
0x126: {  	v52 =	vld [tilespmem:s7+$0x30]  }
0x127: {  	v43 =	vld [tilespmem:s7+$0x0];
	vm2 =	veq.s32 v60, v2;
	vm3 =	veq.s32 v61, v2;
	vm4 =	veq.s32 v55, v2  }
0x128: {  	v57 =	vld [tilespmem:s8+$0xFFFFFFB0];
	vm5 =	veq.s32 v56, v2;
	v42 =	vmul.f32 $5.119843750e+02, v54;
	v47 =	vmul.f32 $5.119843750e+02, v47  }
0x129: {  	vm13 =	veq.s32 v46, v2;
	v41 =	vmul.f32 $5.119843750e+02, v62;
	v40 =	vmul.f32 $5.119843750e+02, v40  }
0x12a: {  	vm14 =	veq.s32 v49, v2;
	vm15 =	veq.s32 v59, v2;
	vm6 =	veq.s32 v58, v2  }
0x12b: {  	vm8 =	veq.s32 v63, v2;
	vm9 =	veq.s32 v37, v2;
	v58 =	vmul.f32 $5.119843750e+02, v50  }
0x12c: {  	v59 =	vmul.f32 $5.119843750e+02, v52;
	v43 =	vmul.f32 $5.119843750e+02, v43;
	v48 =	vsel vm2, v18, v17  }
0x12d: {  	v44 =	vld [tilespmem:s7+$0xFFFFFFE0];
	vm2 =	veq.s32 v57, v2;
	v42 =	vtrunc.f32 v42;
	v47 =	vtrunc.f32 v47  }
0x12e: {  	v60 =	vld [tilespmem:s8+$0x10];
	v61 =	vsel vm4, v18, v17;
	v55 =	vtrunc.f32 v41;
	v40 =	vtrunc.f32 v40  }
0x12f: {  	v56 =	vld [tilespmem:s7+$0x20];
	v46 =	vsel vm5, v18, v17;
	v49 =	vtrunc.f32 v58;
	v45 =	vtrunc.f32 v59  }
0x130: {  	v63 =	vld [tilespmem:s7+$0xFFFFFFF0];
	v51 =	vsel vm13, v18, v17;
	v43 =	vtrunc.f32 v43;
	v42 =	vcvt.f32.s32 v42  }
0x131: {  	v54 =	vld [tilespmem:s7+$0xFFFFFFC0];
	v62 =	vsel vm6, v18, v17;
	v39 =	vcvt.f32.s32 v55;
	v40 =	vcvt.f32.s32 v40  }
0x132: {  	v53 =	vsel vm14, v18, v17;
	v41 =	vld [tilespmem:s7+$0x10];
	v57 =	vcvt.f32.s32 v47;
	v45 =	vcvt.f32.s32 v45  }
0x133: {  	v50 =	vld [tilespmem:s8+$0xFFFFFFF0];
	v59 =	vsel vm3, v18, v17;
	v49 =	vcvt.f32.s32 v49;
	v43 =	vcvt.f32.s32 v43  }
0x134: {  	vm7 =	veq.s32 v60, v2;
	v40 =	vadd.s32 v40, v61;
	v42 =	vadd.s32 v42, v62;
	v61 =	vld [tilespmem:s7+$0xFFFFFFD0]  }
0x135: {  	v60 =	vsel vm8, v18, v17;
	v38 =	vmul.f32 $5.119843750e+02, v56;
	v37 =	vadd.s32 v57, v53;
	v62 =	vld [tilespmem:s7+$0xFFFFFFB0]  }
0x136: {  	v56 =	vld [tilespmem:s7+$0xFFFFFFA0];
	v57 =	vsel vm9, v18, v17;
	v47 =	vmul.f32 $5.119843750e+02, v63;
	v52 =	vmul.f32 $5.119843750e+02, v54  }
0x137: {  	v39 =	vadd.s32 v39, v46;
	v46 =	vmul.f32 $5.119843750e+02, v44;
	v44 =	vld [tilespmem:s8+$0xFFFFFFC0];
	v41 =	vmul.f32 $5.119843750e+02, v41  }
0x138: {  	v45 =	vadd.s32 v45, v57;
	v57 =	vld [tilespmem:s7+$0xFFFFFF90];
	v38 =	vtrunc.f32 v38;
	v53 =	vtrunc.f32 v47  }
0x139: {  	v49 =	vadd.s32 v49, v60;
	v60 =	vld [tilespmem:s8+$0xFFFFFFA0];
	v38 =	vcvt.f32.s32 v38;
	v41 =	vtrunc.f32 v41  }
0x13a: {  	v55 =	vsel vm7, v18, v17;
	v41 =	vcvt.f32.s32 v41;
	[tilespmem:v40+s2+$0x0] =	vst.idx.add.f32.msk $0xffff, v14;
	v58 =	vmul.f32 $5.119843750e+02, v62  }
0x13b: {  	v63 =	vmul.f32 $5.119843750e+02, v61;
	[tilespmem:v42+s2+$0x0] =	vst.idx.add.f32.msk $0xffff, v14;
	v61 =	vmul.f32 $5.119843750e+02, v56;
	v38 =	vadd.s32 v38, v59  }
0x13c: {  	v62 =	vsel vm2, v18, v17;
	vm2 =	veq.s32 v50, v2;
	[tilespmem:v37+s2+$0x0] =	vst.idx.add.f32.msk $0xffff, v14;
	v42 =	vtrunc.f32 v58  }
0x13d: {  	[tilespmem:v39+s2+$0x0] =	vst.idx.add.f32.msk $0xffff, v14;
	v56 =	vmul.f32 $5.119843750e+02, v57;
	v57 =	vadd.s32 v43, v51;
	v42 =	vcvt.f32.s32 v42  }
0x13e: {  	v59 =	vcvt.f32.s32 v53;
	[tilespmem:v45+s2+$0x0] =	vst.idx.add.f32.msk $0xffff, v14;
	v45 =	vsel vm15, v18, v17;
	v41 =	vadd.s32 v41, v55  }
0x13f: {  	[tilespmem:v49+s2+$0x0] =	vst.idx.add.f32.msk $0xffff, v14;
	v40 =	vtrunc.f32 v63;
	v63 =	vtrunc.f32 v61;
	v47 =	vadd.s32 v42, v62  }
0x140: {  	v50 =	vsel vm2, v18, v17;
	v55 =	vcvt.f32.s32 v63;
	v40 =	vcvt.f32.s32 v40;
	[tilespmem:v38+s2+$0x0] =	vst.idx.add.f32.msk $0xffff, v14  }
0x141: {  	vm2 =	veq.s32 v60, v2;
	v60 =	vtrunc.f32 v56;
	v63 =	vtrunc.f32 v46;
	v42 =	vld [tilespmem:s8+$0xFFFFFFE0]  }
0x142: {  	v58 =	vsel vm2, v18, v17;
	v61 =	vcvt.f32.s32 v60;
	v43 =	vcvt.f32.s32 v63;
	[tilespmem:v57+s2+$0x0] =	vst.idx.add.f32.msk $0xffff, v14  }
0x143: {  	v38 =	vadd.s32 v55, v58;
	v62 =	vtrunc.f32 v52;
	v39 =	vadd.s32 v40, v45;
	[tilespmem:v41+s2+$0x0] =	vst.idx.add.f32.msk $0xffff, v14  }
0x144: {  	s19 =	simm.s32 $0xB180;
	s8 =	simm.s32 $0x0;
	v45 =	vadd.s32 v59, v50;
	v40 =	vadd.s32 v61, v48;
	v41 =	vcvt.f32.s32 v62;
	[tilespmem:v47+s2+$0x0] =	vst.idx.add.f32.msk $0xffff, v14  }
.LBB2_9:
0x145: {  	v46 =	vld [tilespmem:s19+$0x30];
	s8 =	sadd.s32 $0x100, s8;
	s7 =	sadd.s32 $0x100, s7  }
0x146: {  	v47 =	vld [tilespmem:s7+$0x30];
	p2 =	slt.u32 s8, $0x3F00;
	vm2 =	veq.s32 v44, v2  }
0x147: {  	v44 =	vld [tilespmem:s7+$0x40]  }
0x148: {  	v37 =	vld [tilespmem:s19+$0xFFFFFF90]  }
0x149: {  	[tilespmem:v45+s2+$0x0] =	vst.idx.add.f32.msk $0xffff, v14  }
0x14a: {  	v45 =	vld [tilespmem:s19+$0x40]  }
0x14b: {  	v48 =	vld [tilespmem:s19+$0x10]  }
0x14c: {  	v49 =	vld [tilespmem:s19+$0x20]  }
0x14d: {  	vm3 =	veq.s32 v37, v2;
	v50 =	vld [tilespmem:s7+$0x50]  }
0x14e: {  	v51 =	vld [tilespmem:s7+$0x60]  }
0x14f: {  	v52 =	vld [tilespmem:s7+$0x70]  }
0x150: {  	v53 =	vld [tilespmem:s7+$0xFFFFFF80]  }
0x151: {  	vm4 =	veq.s32 v42, v2;
	v54 =	vld [tilespmem:s19+$0x50]  }
0x152: {  	v37 =	vsel vm4, v18, v17;
	v42 =	vld [tilespmem:s19+$0x60]  }
0x153: {  	v43 =	vadd.s32 v43, v37;
	v55 =	vld [tilespmem:s19+$0xFFFFFFB0]  }
0x154: {  	v37 =	vsel vm2, v18, v17;
	v56 =	vld [tilespmem:s19+$0x0]  }
0x155: {  	v41 =	vadd.s32 v41, v37;
	v57 =	vld [tilespmem:s19+$0xFFFFFF80]  }
0x156: {  	v37 =	vsel vm3, v18, v17;
	v58 =	vld [tilespmem:s19+$0x70]  }
0x157: {  	vm3 =	veq.s32 v49, v2;
	vm4 =	veq.s32 v54, v2;
	v59 =	vld [tilespmem:s19+$0xFFFFFFD0];
	vm5 =	veq.s32 v42, v2  }
0x158: {  	v42 =	vmul.f32 $5.119843750e+02, v53;
	v49 =	vsel vm4, v18, v17;
	vm2 =	veq.s32 v55, v2;
	[tilespmem:v38+s2+$0x0] =	vst.idx.add.f32.msk $0xffff, v14  }
0x159: {  	v52 =	vmul.f32 $5.119843750e+02, v52;
	v38 =	vsel vm5, v18, v17;
	vm4 =	veq.s32 v56, v2;
	[tilespmem:v39+s2+$0x0] =	vst.idx.add.f32.msk $0xffff, v14  }
0x15a: {  	v51 =	vmul.f32 $5.119843750e+02, v51;
	v39 =	vtrunc.f32 v42;
	v42 =	vsel vm4, v18, v17;
	[tilespmem:v43+s2+$0x0] =	vst.idx.add.f32.msk $0xffff, v14  }
0x15b: {  	v43 =	vmul.f32 $5.119843750e+02, v50;
	v50 =	vtrunc.f32 v52;
	vm5 =	veq.s32 v58, v2;
	[tilespmem:v40+s2+$0x0] =	vst.idx.add.f32.msk $0xffff, v14  }
0x15c: {  	v39 =	vcvt.f32.s32 v39;
	v40 =	vtrunc.f32 v51;
	vm4 =	veq.s32 v59, v2;
	[tilespmem:v41+s2+$0x0] =	vst.idx.add.f32.msk $0xffff, v14  }
0x15d: {  	vm6 =	veq.s32 v57, v2;
	v43 =	vtrunc.f32 v43;
	v40 =	vcvt.f32.s32 v40;
	v41 =	vld [tilespmem:s7+$0x20]  }
0x15e: {  	vm8 =	veq.s32 v45, v2;
	vm7 =	veq.s32 v48, v2;
	v43 =	vcvt.f32.s32 v43;
	v51 =	vld [tilespmem:s7+$0x10]  }
0x15f: {  	vm9 =	veq.s32 v46, v2;
	v38 =	vadd.s32 v40, v38;
	v40 =	vcvt.f32.s32 v50;
	v45 =	vld [tilespmem:s7+$0x0]  }
0x160: {  	v44 =	vmul.f32 $5.119843750e+02, v44;
	v46 =	vsel vm6, v18, v17;
	v43 =	vadd.s32 v43, v49;
	v48 =	vld [tilespmem:s7+$0xFFFFFFF0]  }
0x161: {  	v47 =	vmul.f32 $5.119843750e+02, v47;
	v39 =	vadd.s32 v39, v46;
	v49 =	vsel vm8, v18, v17;
	v46 =	vld [tilespmem:s7+$0xFFFFFFE0]  }
0x162: {  	v44 =	vtrunc.f32 v44;
	v52 =	vsel vm5, v18, v17;
	v50 =	vld [tilespmem:s7+$0xFFFFFFD0];
	v41 =	vmul.f32 $5.119843750e+02, v41  }
0x163: {  	v47 =	vtrunc.f32 v47;
	v40 =	vadd.s32 v40, v52;
	v53 =	vld [tilespmem:s7+$0xFFFFFFC0];
	v51 =	vmul.f32 $5.119843750e+02, v51  }
0x164: {  	v47 =	vcvt.f32.s32 v47;
	v44 =	vcvt.f32.s32 v44;
	v54 =	vsel vm7, v18, v17;
	v52 =	vld [tilespmem:s7+$0xFFFFFFB0]  }
0x165: {  	v56 =	vsel vm9, v18, v17;
	v45 =	vmul.f32 $5.119843750e+02, v45;
	v55 =	vld [tilespmem:s7+$0xFFFFFFA0];
	v51 =	vtrunc.f32 v51  }
0x166: {  	v47 =	vadd.s32 v47, v56;
	v48 =	vmul.f32 $5.119843750e+02, v48;
	v57 =	vld [tilespmem:s7+$0xFFFFFF90];
	v51 =	vcvt.f32.s32 v51  }
0x167: {  	v44 =	vadd.s32 v44, v49;
	v41 =	vtrunc.f32 v41;
	v50 =	vmul.f32 $5.119843750e+02, v50;
	[tilespmem:v43+s2+$0x0] =	vst.idx.add.f32.msk $0xffff, v14  }
0x168: {  	v41 =	vcvt.f32.s32 v41;
	v43 =	vmul.f32 $5.119843750e+02, v53;
	v49 =	vld [tilespmem:s19+$0xFFFFFFF0];
	v51 =	vadd.s32 v51, v54  }
0x169: {  	v45 =	vtrunc.f32 v45;
	[tilespmem:v39+s2+$0x0] =	vst.idx.add.f32.msk $0xffff, v14;
	v39 =	vmul.f32 $5.119843750e+02, v52;
	v52 =	vsel vm3, v18, v17  }
0x16a: {  	v46 =	vmul.f32 $5.119843750e+02, v46;
	v53 =	vld [tilespmem:s19+$0xFFFFFFA0];
	v54 =	vmul.f32 $5.119843750e+02, v55;
	v41 =	vadd.s32 v41, v52  }
0x16b: {  	v50 =	vtrunc.f32 v50;
	v52 =	vsel vm4, v18, v17;
	v39 =	vtrunc.f32 v39;
	[tilespmem:v47+s2+$0x0] =	vst.idx.add.f32.msk $0xffff, v14  }
0x16c: {  	v45 =	vcvt.f32.s32 v45;
	v47 =	vsel vm2, v18, v17;
	v39 =	vcvt.f32.s32 v39;
	[tilespmem:v44+s2+$0x0] =	vst.idx.add.f32.msk $0xffff, v14  }
0x16d: {  	v48 =	vtrunc.f32 v48;
	v44 =	vtrunc.f32 v54;
	vm2 =	veq.s32 v49, v2;
	[tilespmem:v51+s2+$0x0] =	vst.idx.add.f32.msk $0xffff, v14  }
0x16e: {  	v44 =	vcvt.f32.s32 v44;
	v47 =	vadd.s32 v39, v47;
	v49 =	vsel vm2, v18, v17;
	[tilespmem:v40+s2+$0x0] =	vst.idx.add.f32.msk $0xffff, v14  }
0x16f: {  	v51 =	vadd.s32 v45, v42;
	v39 =	vmul.f32 $5.119843750e+02, v57;
	vm2 =	veq.s32 v53, v2;
	[tilespmem:v41+s2+$0x0] =	vst.idx.add.f32.msk $0xffff, v14  }
.Ltmp7:
0x170: {  	v45 =	vcvt.f32.s32 v48;
	v41 =	vcvt.f32.s32 v50;
	v40 =	vsel vm2, v18, v17;
	[tilespmem:v38+s2+$0x0] =	vst.idx.add.f32.msk $0xffff, v14;
	(pc) =	sbr.rel @p2 .LBB2_9-.Ltmp7, $4  }
0x171: {  	v39 =	vtrunc.f32 v39;
	v38 =	vadd.s32 v44, v40;
	v44 =	vld [tilespmem:s19+$0xFFFFFFC0];
	v40 =	vtrunc.f32 v46  }
0x172: {  	v43 =	vtrunc.f32 v43;
	v46 =	vcvt.f32.s32 v39;
	v39 =	vadd.s32 v41, v52;
	v42 =	vld [tilespmem:s19+$0xFFFFFFE0]  }
0x173: {  	v45 =	vadd.s32 v45, v49;
	v41 =	vcvt.f32.s32 v43;
	v43 =	vcvt.f32.s32 v40;
	[tilespmem:v47+s2+$0x0] =	vst.idx.add.f32.msk $0xffff, v14  }
0x174: {  	s19 =	sadd.s32 $0x100, s19;
	v40 =	vadd.s32 v46, v37;
	[tilespmem:v51+s2+$0x0] =	vst.idx.add.f32.msk $0xffff, v14  }
0x175: {  	_ =	sdelay $0x1  }
0x176: {  	vm2 =	veq.s32 v42, v2  }
0x177: {  	v37 =	vsel vm2, v18, v17;
	vm2 =	veq.s32 v44, v2  }
0x178: {  	v37 =	vadd.s32 v43, v37;
	v59 =	vsel vm2, v18, v17  }
0x179: {  	[tilespmem:v45+s2+$0x0] =	vst.idx.add.f32.msk $0xffff, v14;
	v41 =	vadd.s32 v41, v59  }
0x17a: {  	[tilespmem:v38+s2+$0x0] =	vst.idx.add.f32.msk $0xffff, v14  }
0x17b: {  	[tilespmem:v39+s2+$0x0] =	vst.idx.add.f32.msk $0xffff, v14  }
0x17c: {  	[tilespmem:v40+s2+$0x0] =	vst.idx.add.f32.msk $0xffff, v14  }
0x17d: {  	[tilespmem:v37+s2+$0x0] =	vst.idx.add.f32.msk $0xffff, v14  }
0x17e: {  	[tilespmem:v41+s2+$0x0] =	vst.idx.add.f32.msk $0xffff, v14  }
0x17f: {  	s7 =	sor.u32 s12, s21;
	_ =	swait.ge [sflag:s28], $0x4000  }
0x180: {  	s7 =	sshrl.u32 s7, $0x3;
	[sflag:s28] =	ssyncset.done $0x0  }
0x181: {  	s8 =	simm.s32 $0xB080;
	s7 =	sadd.s32 s3, s7;
	[sflag:s28] =	ssyncadd.s32 $0xFFFFC000  }
0x182: {  	[tilespmem:s24], [sflag:$0x2] =	stream.linear.gather [hbm4b:s7+s2], $0x4000, $0x38;
	[tilespmem:$0x1E480] =	vst v63  }
0x183: {  	v37 =	vld [tilespmem:s8+$0x30]  }
0x184: {  	v60 =	vld [tilespmem:s8+$0xFFFFFF90]  }
0x185: {  	s7 =	simm.s32 $0x17080;
	v61 =	vld [tilespmem:s8+$0x20]  }
0x186: {  	v40 =	vld [tilespmem:s7+$0x50]  }
0x187: {  	v62 =	vld [tilespmem:s7+$0x60]  }
0x188: {  	v54 =	vld [tilespmem:s7+$0xFFFFFF80]  }
0x189: {  	v55 =	vld [tilespmem:s8+$0x50]  }
0x18a: {  	v56 =	vld [tilespmem:s8+$0x60]  }
0x18b: {  	v46 =	vld [tilespmem:s8+$0x0]  }
0x18c: {  	v47 =	vld [tilespmem:s7+$0x70]  }
0x18d: {  	v58 =	vld [tilespmem:s8+$0xFFFFFF80]  }
0x18e: {  	v49 =	vld [tilespmem:s8+$0x70]  }
0x18f: {  	v59 =	vld [tilespmem:s8+$0xFFFFFFD0]  }
0x190: {  	v63 =	vld [tilespmem:s8+$0x40]  }
0x191: {  	v50 =	vld [tilespmem:s7+$0x40]  }
0x192: {  	v52 =	vld [tilespmem:s7+$0x30]  }
0x193: {  	v43 =	vld [tilespmem:s7+$0x0];
	vm2 =	veq.s32 v60, v3;
	vm3 =	veq.s32 v61, v3;
	vm4 =	veq.s32 v55, v3  }
0x194: {  	v57 =	vld [tilespmem:s8+$0xFFFFFFB0];
	vm5 =	veq.s32 v56, v3;
	v42 =	vmul.f32 $5.119843750e+02, v54;
	v47 =	vmul.f32 $5.119843750e+02, v47  }
0x195: {  	vm13 =	veq.s32 v46, v3;
	v41 =	vmul.f32 $5.119843750e+02, v62;
	v40 =	vmul.f32 $5.119843750e+02, v40  }
0x196: {  	vm14 =	veq.s32 v49, v3;
	vm15 =	veq.s32 v59, v3;
	vm6 =	veq.s32 v58, v3  }
0x197: {  	vm8 =	veq.s32 v63, v3;
	vm9 =	veq.s32 v37, v3;
	v58 =	vmul.f32 $5.119843750e+02, v50  }
0x198: {  	v59 =	vmul.f32 $5.119843750e+02, v52;
	v43 =	vmul.f32 $5.119843750e+02, v43;
	v48 =	vsel vm2, v20, v19  }
0x199: {  	v44 =	vld [tilespmem:s7+$0xFFFFFFE0];
	vm2 =	veq.s32 v57, v3;
	v42 =	vtrunc.f32 v42;
	v47 =	vtrunc.f32 v47  }
0x19a: {  	v60 =	vld [tilespmem:s8+$0x10];
	v61 =	vsel vm4, v20, v19;
	v55 =	vtrunc.f32 v41;
	v40 =	vtrunc.f32 v40  }
0x19b: {  	v56 =	vld [tilespmem:s7+$0x20];
	v46 =	vsel vm5, v20, v19;
	v49 =	vtrunc.f32 v58;
	v45 =	vtrunc.f32 v59  }
0x19c: {  	v63 =	vld [tilespmem:s7+$0xFFFFFFF0];
	v51 =	vsel vm13, v20, v19;
	v43 =	vtrunc.f32 v43;
	v42 =	vcvt.f32.s32 v42  }
0x19d: {  	v54 =	vld [tilespmem:s7+$0xFFFFFFC0];
	v62 =	vsel vm6, v20, v19;
	v39 =	vcvt.f32.s32 v55;
	v40 =	vcvt.f32.s32 v40  }
0x19e: {  	v53 =	vsel vm14, v20, v19;
	v41 =	vld [tilespmem:s7+$0x10];
	v57 =	vcvt.f32.s32 v47;
	v45 =	vcvt.f32.s32 v45  }
0x19f: {  	v50 =	vld [tilespmem:s8+$0xFFFFFFF0];
	v59 =	vsel vm3, v20, v19;
	v49 =	vcvt.f32.s32 v49;
	v43 =	vcvt.f32.s32 v43  }
0x1a0: {  	vm7 =	veq.s32 v60, v3;
	v40 =	vadd.s32 v40, v61;
	v42 =	vadd.s32 v42, v62;
	v61 =	vld [tilespmem:s7+$0xFFFFFFD0]  }
0x1a1: {  	v60 =	vsel vm8, v20, v19;
	v38 =	vmul.f32 $5.119843750e+02, v56;
	v37 =	vadd.s32 v57, v53;
	v62 =	vld [tilespmem:s7+$0xFFFFFFB0]  }
0x1a2: {  	v56 =	vld [tilespmem:s7+$0xFFFFFFA0];
	v57 =	vsel vm9, v20, v19;
	v47 =	vmul.f32 $5.119843750e+02, v63;
	v52 =	vmul.f32 $5.119843750e+02, v54  }
0x1a3: {  	v39 =	vadd.s32 v39, v46;
	v46 =	vmul.f32 $5.119843750e+02, v44;
	v44 =	vld [tilespmem:s8+$0xFFFFFFC0];
	v41 =	vmul.f32 $5.119843750e+02, v41  }
0x1a4: {  	v45 =	vadd.s32 v45, v57;
	v57 =	vld [tilespmem:s7+$0xFFFFFF90];
	v38 =	vtrunc.f32 v38;
	v53 =	vtrunc.f32 v47  }
0x1a5: {  	v49 =	vadd.s32 v49, v60;
	v60 =	vld [tilespmem:s8+$0xFFFFFFA0];
	v38 =	vcvt.f32.s32 v38;
	v41 =	vtrunc.f32 v41  }
0x1a6: {  	v55 =	vsel vm7, v20, v19;
	v41 =	vcvt.f32.s32 v41;
	[tilespmem:v40+s2+$0x0] =	vst.idx.add.f32.msk $0xffff, v14;
	v58 =	vmul.f32 $5.119843750e+02, v62  }
0x1a7: {  	v63 =	vmul.f32 $5.119843750e+02, v61;
	[tilespmem:v42+s2+$0x0] =	vst.idx.add.f32.msk $0xffff, v14;
	v61 =	vmul.f32 $5.119843750e+02, v56;
	v38 =	vadd.s32 v38, v59  }
0x1a8: {  	v62 =	vsel vm2, v20, v19;
	vm2 =	veq.s32 v50, v3;
	[tilespmem:v37+s2+$0x0] =	vst.idx.add.f32.msk $0xffff, v14;
	v42 =	vtrunc.f32 v58  }
0x1a9: {  	[tilespmem:v39+s2+$0x0] =	vst.idx.add.f32.msk $0xffff, v14;
	v56 =	vmul.f32 $5.119843750e+02, v57;
	v57 =	vadd.s32 v43, v51;
	v42 =	vcvt.f32.s32 v42  }
0x1aa: {  	v59 =	vcvt.f32.s32 v53;
	[tilespmem:v45+s2+$0x0] =	vst.idx.add.f32.msk $0xffff, v14;
	v45 =	vsel vm15, v20, v19;
	v41 =	vadd.s32 v41, v55  }
0x1ab: {  	[tilespmem:v49+s2+$0x0] =	vst.idx.add.f32.msk $0xffff, v14;
	v40 =	vtrunc.f32 v63;
	v63 =	vtrunc.f32 v61;
	v47 =	vadd.s32 v42, v62  }
0x1ac: {  	v50 =	vsel vm2, v20, v19;
	v55 =	vcvt.f32.s32 v63;
	v40 =	vcvt.f32.s32 v40;
	[tilespmem:v38+s2+$0x0] =	vst.idx.add.f32.msk $0xffff, v14  }
0x1ad: {  	vm2 =	veq.s32 v60, v3;
	v60 =	vtrunc.f32 v56;
	v63 =	vtrunc.f32 v46;
	v42 =	vld [tilespmem:s8+$0xFFFFFFE0]  }
0x1ae: {  	v58 =	vsel vm2, v20, v19;
	v61 =	vcvt.f32.s32 v60;
	v43 =	vcvt.f32.s32 v63;
	[tilespmem:v57+s2+$0x0] =	vst.idx.add.f32.msk $0xffff, v14  }
0x1af: {  	v38 =	vadd.s32 v55, v58;
	v62 =	vtrunc.f32 v52;
	v39 =	vadd.s32 v40, v45;
	[tilespmem:v41+s2+$0x0] =	vst.idx.add.f32.msk $0xffff, v14  }
0x1b0: {  	s19 =	simm.s32 $0xB180;
	s8 =	simm.s32 $0x0;
	v45 =	vadd.s32 v59, v50;
	v40 =	vadd.s32 v61, v48;
	v41 =	vcvt.f32.s32 v62;
	[tilespmem:v47+s2+$0x0] =	vst.idx.add.f32.msk $0xffff, v14  }
.LBB2_11:
0x1b1: {  	v46 =	vld [tilespmem:s19+$0x30];
	s8 =	sadd.s32 $0x100, s8;
	s7 =	sadd.s32 $0x100, s7  }
0x1b2: {  	v47 =	vld [tilespmem:s7+$0x30];
	p2 =	slt.u32 s8, $0x3F00;
	vm2 =	veq.s32 v44, v3  }
0x1b3: {  	v44 =	vld [tilespmem:s7+$0x40]  }
0x1b4: {  	v37 =	vld [tilespmem:s19+$0xFFFFFF90]  }
0x1b5: {  	[tilespmem:v45+s2+$0x0] =	vst.idx.add.f32.msk $0xffff, v14  }
0x1b6: {  	v45 =	vld [tilespmem:s19+$0x40]  }
0x1b7: {  	v48 =	vld [tilespmem:s19+$0x10]  }
0x1b8: {  	v49 =	vld [tilespmem:s19+$0x20]  }
0x1b9: {  	vm3 =	veq.s32 v37, v3;
	v50 =	vld [tilespmem:s7+$0x50]  }
0x1ba: {  	v51 =	vld [tilespmem:s7+$0x60]  }
0x1bb: {  	v52 =	vld [tilespmem:s7+$0x70]  }
0x1bc: {  	v53 =	vld [tilespmem:s7+$0xFFFFFF80]  }
0x1bd: {  	vm4 =	veq.s32 v42, v3;
	v54 =	vld [tilespmem:s19+$0x50]  }
0x1be: {  	v37 =	vsel vm4, v20, v19;
	v42 =	vld [tilespmem:s19+$0x60]  }
0x1bf: {  	v43 =	vadd.s32 v43, v37;
	v55 =	vld [tilespmem:s19+$0xFFFFFFB0]  }
0x1c0: {  	v37 =	vsel vm2, v20, v19;
	v56 =	vld [tilespmem:s19+$0x0]  }
0x1c1: {  	v41 =	vadd.s32 v41, v37;
	v57 =	vld [tilespmem:s19+$0xFFFFFF80]  }
0x1c2: {  	v37 =	vsel vm3, v20, v19;
	v58 =	vld [tilespmem:s19+$0x70]  }
0x1c3: {  	vm3 =	veq.s32 v49, v3;
	vm4 =	veq.s32 v54, v3;
	v59 =	vld [tilespmem:s19+$0xFFFFFFD0];
	vm5 =	veq.s32 v42, v3  }
0x1c4: {  	v42 =	vmul.f32 $5.119843750e+02, v53;
	v49 =	vsel vm4, v20, v19;
	vm2 =	veq.s32 v55, v3;
	[tilespmem:v38+s2+$0x0] =	vst.idx.add.f32.msk $0xffff, v14  }
0x1c5: {  	v52 =	vmul.f32 $5.119843750e+02, v52;
	v38 =	vsel vm5, v20, v19;
	vm4 =	veq.s32 v56, v3;
	[tilespmem:v39+s2+$0x0] =	vst.idx.add.f32.msk $0xffff, v14  }
0x1c6: {  	v51 =	vmul.f32 $5.119843750e+02, v51;
	v39 =	vtrunc.f32 v42;
	v42 =	vsel vm4, v20, v19;
	[tilespmem:v43+s2+$0x0] =	vst.idx.add.f32.msk $0xffff, v14  }
0x1c7: {  	v43 =	vmul.f32 $5.119843750e+02, v50;
	v50 =	vtrunc.f32 v52;
	vm5 =	veq.s32 v58, v3;
	[tilespmem:v40+s2+$0x0] =	vst.idx.add.f32.msk $0xffff, v14  }
0x1c8: {  	v39 =	vcvt.f32.s32 v39;
	v40 =	vtrunc.f32 v51;
	vm4 =	veq.s32 v59, v3;
	[tilespmem:v41+s2+$0x0] =	vst.idx.add.f32.msk $0xffff, v14  }
0x1c9: {  	vm6 =	veq.s32 v57, v3;
	v43 =	vtrunc.f32 v43;
	v40 =	vcvt.f32.s32 v40;
	v41 =	vld [tilespmem:s7+$0x20]  }
0x1ca: {  	vm8 =	veq.s32 v45, v3;
	vm7 =	veq.s32 v48, v3;
	v43 =	vcvt.f32.s32 v43;
	v51 =	vld [tilespmem:s7+$0x10]  }
0x1cb: {  	vm9 =	veq.s32 v46, v3;
	v38 =	vadd.s32 v40, v38;
	v40 =	vcvt.f32.s32 v50;
	v45 =	vld [tilespmem:s7+$0x0]  }
0x1cc: {  	v44 =	vmul.f32 $5.119843750e+02, v44;
	v46 =	vsel vm6, v20, v19;
	v43 =	vadd.s32 v43, v49;
	v48 =	vld [tilespmem:s7+$0xFFFFFFF0]  }
0x1cd: {  	v47 =	vmul.f32 $5.119843750e+02, v47;
	v39 =	vadd.s32 v39, v46;
	v49 =	vsel vm8, v20, v19;
	v46 =	vld [tilespmem:s7+$0xFFFFFFE0]  }
0x1ce: {  	v44 =	vtrunc.f32 v44;
	v52 =	vsel vm5, v20, v19;
	v50 =	vld [tilespmem:s7+$0xFFFFFFD0];
	v41 =	vmul.f32 $5.119843750e+02, v41  }
0x1cf: {  	v47 =	vtrunc.f32 v47;
	v40 =	vadd.s32 v40, v52;
	v53 =	vld [tilespmem:s7+$0xFFFFFFC0];
	v51 =	vmul.f32 $5.119843750e+02, v51  }
0x1d0: {  	v47 =	vcvt.f32.s32 v47;
	v44 =	vcvt.f32.s32 v44;
	v54 =	vsel vm7, v20, v19;
	v52 =	vld [tilespmem:s7+$0xFFFFFFB0]  }
0x1d1: {  	v56 =	vsel vm9, v20, v19;
	v45 =	vmul.f32 $5.119843750e+02, v45;
	v55 =	vld [tilespmem:s7+$0xFFFFFFA0];
	v51 =	vtrunc.f32 v51  }
0x1d2: {  	v47 =	vadd.s32 v47, v56;
	v48 =	vmul.f32 $5.119843750e+02, v48;
	v57 =	vld [tilespmem:s7+$0xFFFFFF90];
	v51 =	vcvt.f32.s32 v51  }
0x1d3: {  	v44 =	vadd.s32 v44, v49;
	v41 =	vtrunc.f32 v41;
	v50 =	vmul.f32 $5.119843750e+02, v50;
	[tilespmem:v43+s2+$0x0] =	vst.idx.add.f32.msk $0xffff, v14  }
0x1d4: {  	v41 =	vcvt.f32.s32 v41;
	v43 =	vmul.f32 $5.119843750e+02, v53;
	v49 =	vld [tilespmem:s19+$0xFFFFFFF0];
	v51 =	vadd.s32 v51, v54  }
0x1d5: {  	v45 =	vtrunc.f32 v45;
	[tilespmem:v39+s2+$0x0] =	vst.idx.add.f32.msk $0xffff, v14;
	v39 =	vmul.f32 $5.119843750e+02, v52;
	v52 =	vsel vm3, v20, v19  }
0x1d6: {  	v46 =	vmul.f32 $5.119843750e+02, v46;
	v53 =	vld [tilespmem:s19+$0xFFFFFFA0];
	v54 =	vmul.f32 $5.119843750e+02, v55;
	v41 =	vadd.s32 v41, v52  }
0x1d7: {  	v50 =	vtrunc.f32 v50;
	v52 =	vsel vm4, v20, v19;
	v39 =	vtrunc.f32 v39;
	[tilespmem:v47+s2+$0x0] =	vst.idx.add.f32.msk $0xffff, v14  }
0x1d8: {  	v45 =	vcvt.f32.s32 v45;
	v47 =	vsel vm2, v20, v19;
	v39 =	vcvt.f32.s32 v39;
	[tilespmem:v44+s2+$0x0] =	vst.idx.add.f32.msk $0xffff, v14  }
0x1d9: {  	v48 =	vtrunc.f32 v48;
	v44 =	vtrunc.f32 v54;
	vm2 =	veq.s32 v49, v3;
	[tilespmem:v51+s2+$0x0] =	vst.idx.add.f32.msk $0xffff, v14  }
0x1da: {  	v44 =	vcvt.f32.s32 v44;
	v47 =	vadd.s32 v39, v47;
	v49 =	vsel vm2, v20, v19;
	[tilespmem:v40+s2+$0x0] =	vst.idx.add.f32.msk $0xffff, v14  }
0x1db: {  	v51 =	vadd.s32 v45, v42;
	v39 =	vmul.f32 $5.119843750e+02, v57;
	vm2 =	veq.s32 v53, v3;
	[tilespmem:v41+s2+$0x0] =	vst.idx.add.f32.msk $0xffff, v14  }
.Ltmp8:
0x1dc: {  	v45 =	vcvt.f32.s32 v48;
	v41 =	vcvt.f32.s32 v50;
	v40 =	vsel vm2, v20, v19;
	[tilespmem:v38+s2+$0x0] =	vst.idx.add.f32.msk $0xffff, v14;
	(pc) =	sbr.rel @p2 .LBB2_11-.Ltmp8, $4  }
0x1dd: {  	v39 =	vtrunc.f32 v39;
	v38 =	vadd.s32 v44, v40;
	v44 =	vld [tilespmem:s19+$0xFFFFFFC0];
	v40 =	vtrunc.f32 v46  }
0x1de: {  	v43 =	vtrunc.f32 v43;
	v46 =	vcvt.f32.s32 v39;
	v39 =	vadd.s32 v41, v52;
	v42 =	vld [tilespmem:s19+$0xFFFFFFE0]  }
0x1df: {  	v45 =	vadd.s32 v45, v49;
	v41 =	vcvt.f32.s32 v43;
	v43 =	vcvt.f32.s32 v40;
	[tilespmem:v47+s2+$0x0] =	vst.idx.add.f32.msk $0xffff, v14  }
0x1e0: {  	s19 =	sadd.s32 $0x100, s19;
	v40 =	vadd.s32 v46, v37;
	[tilespmem:v51+s2+$0x0] =	vst.idx.add.f32.msk $0xffff, v14  }
0x1e1: {  	_ =	sdelay $0x1  }
0x1e2: {  	vm2 =	veq.s32 v42, v3  }
0x1e3: {  	v37 =	vsel vm2, v20, v19;
	vm2 =	veq.s32 v44, v3  }
0x1e4: {  	v37 =	vadd.s32 v43, v37;
	v59 =	vsel vm2, v20, v19  }
0x1e5: {  	[tilespmem:v45+s2+$0x0] =	vst.idx.add.f32.msk $0xffff, v14;
	v41 =	vadd.s32 v41, v59  }
0x1e6: {  	[tilespmem:v38+s2+$0x0] =	vst.idx.add.f32.msk $0xffff, v14  }
0x1e7: {  	[tilespmem:v39+s2+$0x0] =	vst.idx.add.f32.msk $0xffff, v14  }
0x1e8: {  	[tilespmem:v40+s2+$0x0] =	vst.idx.add.f32.msk $0xffff, v14  }
0x1e9: {  	[tilespmem:v37+s2+$0x0] =	vst.idx.add.f32.msk $0xffff, v14  }
0x1ea: {  	[tilespmem:v41+s2+$0x0] =	vst.idx.add.f32.msk $0xffff, v14  }
0x1eb: {  	s7 =	sor.u32 s13, s21;
	_ =	swait.ge [sflag:s28], $0x4000  }
0x1ec: {  	s7 =	sshrl.u32 s7, $0x3;
	[sflag:s28] =	ssyncset.done $0x0  }
0x1ed: {  	s8 =	simm.s32 $0xB080;
	s7 =	sadd.s32 s3, s7;
	[sflag:s28] =	ssyncadd.s32 $0xFFFFC000  }
0x1ee: {  	[tilespmem:s29], [sflag:$0x2] =	stream.linear.gather [hbm4b:s7+s2], $0x4000, $0x38;
	[tilespmem:$0x1E480] =	vst v63  }
0x1ef: {  	v37 =	vld [tilespmem:s8+$0x30]  }
0x1f0: {  	v60 =	vld [tilespmem:s8+$0xFFFFFF90]  }
0x1f1: {  	s7 =	simm.s32 $0x13080;
	v61 =	vld [tilespmem:s8+$0x20]  }
0x1f2: {  	v40 =	vld [tilespmem:s7+$0x50]  }
0x1f3: {  	v62 =	vld [tilespmem:s7+$0x60]  }
0x1f4: {  	v54 =	vld [tilespmem:s7+$0xFFFFFF80]  }
0x1f5: {  	v55 =	vld [tilespmem:s8+$0x50]  }
0x1f6: {  	v56 =	vld [tilespmem:s8+$0x60]  }
0x1f7: {  	v46 =	vld [tilespmem:s8+$0x0]  }
0x1f8: {  	v47 =	vld [tilespmem:s7+$0x70]  }
0x1f9: {  	v58 =	vld [tilespmem:s8+$0xFFFFFF80]  }
0x1fa: {  	v49 =	vld [tilespmem:s8+$0x70]  }
0x1fb: {  	v59 =	vld [tilespmem:s8+$0xFFFFFFD0]  }
0x1fc: {  	v63 =	vld [tilespmem:s8+$0x40]  }
0x1fd: {  	v50 =	vld [tilespmem:s7+$0x40]  }
0x1fe: {  	v52 =	vld [tilespmem:s7+$0x30]  }
0x1ff: {  	v43 =	vld [tilespmem:s7+$0x0];
	vm2 =	veq.s32 v60, v4;
	vm3 =	veq.s32 v61, v4;
	vm4 =	veq.s32 v55, v4  }
0x200: {  	v57 =	vld [tilespmem:s8+$0xFFFFFFB0];
	vm5 =	veq.s32 v56, v4;
	v42 =	vmul.f32 $5.119843750e+02, v54;
	v47 =	vmul.f32 $5.119843750e+02, v47  }
0x201: {  	vm13 =	veq.s32 v46, v4;
	v41 =	vmul.f32 $5.119843750e+02, v62;
	v40 =	vmul.f32 $5.119843750e+02, v40  }
0x202: {  	vm14 =	veq.s32 v49, v4;
	vm15 =	veq.s32 v59, v4;
	vm6 =	veq.s32 v58, v4  }
0x203: {  	vm8 =	veq.s32 v63, v4;
	vm9 =	veq.s32 v37, v4;
	v58 =	vmul.f32 $5.119843750e+02, v50  }
0x204: {  	v59 =	vmul.f32 $5.119843750e+02, v52;
	v43 =	vmul.f32 $5.119843750e+02, v43;
	v48 =	vsel vm2, v22, v21  }
0x205: {  	v44 =	vld [tilespmem:s7+$0xFFFFFFE0];
	vm2 =	veq.s32 v57, v4;
	v42 =	vtrunc.f32 v42;
	v47 =	vtrunc.f32 v47  }
0x206: {  	v60 =	vld [tilespmem:s8+$0x10];
	v61 =	vsel vm4, v22, v21;
	v55 =	vtrunc.f32 v41;
	v40 =	vtrunc.f32 v40  }
0x207: {  	v56 =	vld [tilespmem:s7+$0x20];
	v46 =	vsel vm5, v22, v21;
	v49 =	vtrunc.f32 v58;
	v45 =	vtrunc.f32 v59  }
0x208: {  	v63 =	vld [tilespmem:s7+$0xFFFFFFF0];
	v51 =	vsel vm13, v22, v21;
	v43 =	vtrunc.f32 v43;
	v42 =	vcvt.f32.s32 v42  }
0x209: {  	v54 =	vld [tilespmem:s7+$0xFFFFFFC0];
	v62 =	vsel vm6, v22, v21;
	v39 =	vcvt.f32.s32 v55;
	v40 =	vcvt.f32.s32 v40  }
0x20a: {  	v53 =	vsel vm14, v22, v21;
	v41 =	vld [tilespmem:s7+$0x10];
	v57 =	vcvt.f32.s32 v47;
	v45 =	vcvt.f32.s32 v45  }
0x20b: {  	v50 =	vld [tilespmem:s8+$0xFFFFFFF0];
	v59 =	vsel vm3, v22, v21;
	v49 =	vcvt.f32.s32 v49;
	v43 =	vcvt.f32.s32 v43  }
0x20c: {  	vm7 =	veq.s32 v60, v4;
	v40 =	vadd.s32 v40, v61;
	v42 =	vadd.s32 v42, v62;
	v61 =	vld [tilespmem:s7+$0xFFFFFFD0]  }
0x20d: {  	v60 =	vsel vm8, v22, v21;
	v38 =	vmul.f32 $5.119843750e+02, v56;
	v37 =	vadd.s32 v57, v53;
	v62 =	vld [tilespmem:s7+$0xFFFFFFB0]  }
0x20e: {  	v56 =	vld [tilespmem:s7+$0xFFFFFFA0];
	v57 =	vsel vm9, v22, v21;
	v47 =	vmul.f32 $5.119843750e+02, v63;
	v52 =	vmul.f32 $5.119843750e+02, v54  }
0x20f: {  	v39 =	vadd.s32 v39, v46;
	v46 =	vmul.f32 $5.119843750e+02, v44;
	v44 =	vld [tilespmem:s8+$0xFFFFFFC0];
	v41 =	vmul.f32 $5.119843750e+02, v41  }
0x210: {  	v45 =	vadd.s32 v45, v57;
	v57 =	vld [tilespmem:s7+$0xFFFFFF90];
	v38 =	vtrunc.f32 v38;
	v53 =	vtrunc.f32 v47  }
0x211: {  	v49 =	vadd.s32 v49, v60;
	v60 =	vld [tilespmem:s8+$0xFFFFFFA0];
	v38 =	vcvt.f32.s32 v38;
	v41 =	vtrunc.f32 v41  }
0x212: {  	v55 =	vsel vm7, v22, v21;
	v41 =	vcvt.f32.s32 v41;
	[tilespmem:v40+s2+$0x0] =	vst.idx.add.f32.msk $0xffff, v14;
	v58 =	vmul.f32 $5.119843750e+02, v62  }
0x213: {  	v63 =	vmul.f32 $5.119843750e+02, v61;
	[tilespmem:v42+s2+$0x0] =	vst.idx.add.f32.msk $0xffff, v14;
	v61 =	vmul.f32 $5.119843750e+02, v56;
	v38 =	vadd.s32 v38, v59  }
0x214: {  	v62 =	vsel vm2, v22, v21;
	vm2 =	veq.s32 v50, v4;
	[tilespmem:v37+s2+$0x0] =	vst.idx.add.f32.msk $0xffff, v14;
	v42 =	vtrunc.f32 v58  }
0x215: {  	[tilespmem:v39+s2+$0x0] =	vst.idx.add.f32.msk $0xffff, v14;
	v56 =	vmul.f32 $5.119843750e+02, v57;
	v57 =	vadd.s32 v43, v51;
	v42 =	vcvt.f32.s32 v42  }
0x216: {  	v59 =	vcvt.f32.s32 v53;
	[tilespmem:v45+s2+$0x0] =	vst.idx.add.f32.msk $0xffff, v14;
	v45 =	vsel vm15, v22, v21;
	v41 =	vadd.s32 v41, v55  }
0x217: {  	[tilespmem:v49+s2+$0x0] =	vst.idx.add.f32.msk $0xffff, v14;
	v40 =	vtrunc.f32 v63;
	v63 =	vtrunc.f32 v61;
	v47 =	vadd.s32 v42, v62  }
0x218: {  	v50 =	vsel vm2, v22, v21;
	v55 =	vcvt.f32.s32 v63;
	v40 =	vcvt.f32.s32 v40;
	[tilespmem:v38+s2+$0x0] =	vst.idx.add.f32.msk $0xffff, v14  }
0x219: {  	vm2 =	veq.s32 v60, v4;
	v60 =	vtrunc.f32 v56;
	v63 =	vtrunc.f32 v46;
	v42 =	vld [tilespmem:s8+$0xFFFFFFE0]  }
0x21a: {  	v58 =	vsel vm2, v22, v21;
	v61 =	vcvt.f32.s32 v60;
	v43 =	vcvt.f32.s32 v63;
	[tilespmem:v57+s2+$0x0] =	vst.idx.add.f32.msk $0xffff, v14  }
0x21b: {  	v38 =	vadd.s32 v55, v58;
	v62 =	vtrunc.f32 v52;
	v39 =	vadd.s32 v40, v45;
	[tilespmem:v41+s2+$0x0] =	vst.idx.add.f32.msk $0xffff, v14  }
0x21c: {  	s19 =	simm.s32 $0xB180;
	s8 =	simm.s32 $0x0;
	v45 =	vadd.s32 v59, v50;
	v40 =	vadd.s32 v61, v48;
	v41 =	vcvt.f32.s32 v62;
	[tilespmem:v47+s2+$0x0] =	vst.idx.add.f32.msk $0xffff, v14  }
.LBB2_13:
0x21d: {  	v46 =	vld [tilespmem:s19+$0x30];
	s8 =	sadd.s32 $0x100, s8;
	s7 =	sadd.s32 $0x100, s7  }
0x21e: {  	v47 =	vld [tilespmem:s7+$0x30];
	p2 =	slt.u32 s8, $0x3F00;
	vm2 =	veq.s32 v44, v4  }
0x21f: {  	v44 =	vld [tilespmem:s7+$0x40]  }
0x220: {  	v37 =	vld [tilespmem:s19+$0xFFFFFF90]  }
0x221: {  	[tilespmem:v45+s2+$0x0] =	vst.idx.add.f32.msk $0xffff, v14  }
0x222: {  	v45 =	vld [tilespmem:s19+$0x40]  }
0x223: {  	v48 =	vld [tilespmem:s19+$0x10]  }
0x224: {  	v49 =	vld [tilespmem:s19+$0x20]  }
0x225: {  	vm3 =	veq.s32 v37, v4;
	v50 =	vld [tilespmem:s7+$0x50]  }
0x226: {  	v51 =	vld [tilespmem:s7+$0x60]  }
0x227: {  	v52 =	vld [tilespmem:s7+$0x70]  }
0x228: {  	v53 =	vld [tilespmem:s7+$0xFFFFFF80]  }
0x229: {  	vm4 =	veq.s32 v42, v4;
	v54 =	vld [tilespmem:s19+$0x50]  }
0x22a: {  	v37 =	vsel vm4, v22, v21;
	v42 =	vld [tilespmem:s19+$0x60]  }
0x22b: {  	v43 =	vadd.s32 v43, v37;
	v55 =	vld [tilespmem:s19+$0xFFFFFFB0]  }
0x22c: {  	v37 =	vsel vm2, v22, v21;
	v56 =	vld [tilespmem:s19+$0x0]  }
0x22d: {  	v41 =	vadd.s32 v41, v37;
	v57 =	vld [tilespmem:s19+$0xFFFFFF80]  }
0x22e: {  	v37 =	vsel vm3, v22, v21;
	v58 =	vld [tilespmem:s19+$0x70]  }
0x22f: {  	vm3 =	veq.s32 v49, v4;
	vm4 =	veq.s32 v54, v4;
	v59 =	vld [tilespmem:s19+$0xFFFFFFD0];
	vm5 =	veq.s32 v42, v4  }
0x230: {  	v42 =	vmul.f32 $5.119843750e+02, v53;
	v49 =	vsel vm4, v22, v21;
	vm2 =	veq.s32 v55, v4;
	[tilespmem:v38+s2+$0x0] =	vst.idx.add.f32.msk $0xffff, v14  }
0x231: {  	v52 =	vmul.f32 $5.119843750e+02, v52;
	v38 =	vsel vm5, v22, v21;
	vm4 =	veq.s32 v56, v4;
	[tilespmem:v39+s2+$0x0] =	vst.idx.add.f32.msk $0xffff, v14  }
0x232: {  	v51 =	vmul.f32 $5.119843750e+02, v51;
	v39 =	vtrunc.f32 v42;
	v42 =	vsel vm4, v22, v21;
	[tilespmem:v43+s2+$0x0] =	vst.idx.add.f32.msk $0xffff, v14  }
0x233: {  	v43 =	vmul.f32 $5.119843750e+02, v50;
	v50 =	vtrunc.f32 v52;
	vm5 =	veq.s32 v58, v4;
	[tilespmem:v40+s2+$0x0] =	vst.idx.add.f32.msk $0xffff, v14  }
0x234: {  	v39 =	vcvt.f32.s32 v39;
	v40 =	vtrunc.f32 v51;
	vm4 =	veq.s32 v59, v4;
	[tilespmem:v41+s2+$0x0] =	vst.idx.add.f32.msk $0xffff, v14  }
0x235: {  	vm6 =	veq.s32 v57, v4;
	v43 =	vtrunc.f32 v43;
	v40 =	vcvt.f32.s32 v40;
	v41 =	vld [tilespmem:s7+$0x20]  }
0x236: {  	vm8 =	veq.s32 v45, v4;
	vm7 =	veq.s32 v48, v4;
	v43 =	vcvt.f32.s32 v43;
	v51 =	vld [tilespmem:s7+$0x10]  }
0x237: {  	vm9 =	veq.s32 v46, v4;
	v38 =	vadd.s32 v40, v38;
	v40 =	vcvt.f32.s32 v50;
	v45 =	vld [tilespmem:s7+$0x0]  }
0x238: {  	v44 =	vmul.f32 $5.119843750e+02, v44;
	v46 =	vsel vm6, v22, v21;
	v43 =	vadd.s32 v43, v49;
	v48 =	vld [tilespmem:s7+$0xFFFFFFF0]  }
0x239: {  	v47 =	vmul.f32 $5.119843750e+02, v47;
	v39 =	vadd.s32 v39, v46;
	v49 =	vsel vm8, v22, v21;
	v46 =	vld [tilespmem:s7+$0xFFFFFFE0]  }
0x23a: {  	v44 =	vtrunc.f32 v44;
	v52 =	vsel vm5, v22, v21;
	v50 =	vld [tilespmem:s7+$0xFFFFFFD0];
	v41 =	vmul.f32 $5.119843750e+02, v41  }
0x23b: {  	v47 =	vtrunc.f32 v47;
	v40 =	vadd.s32 v40, v52;
	v53 =	vld [tilespmem:s7+$0xFFFFFFC0];
	v51 =	vmul.f32 $5.119843750e+02, v51  }
0x23c: {  	v47 =	vcvt.f32.s32 v47;
	v44 =	vcvt.f32.s32 v44;
	v54 =	vsel vm7, v22, v21;
	v52 =	vld [tilespmem:s7+$0xFFFFFFB0]  }
0x23d: {  	v56 =	vsel vm9, v22, v21;
	v45 =	vmul.f32 $5.119843750e+02, v45;
	v55 =	vld [tilespmem:s7+$0xFFFFFFA0];
	v51 =	vtrunc.f32 v51  }
0x23e: {  	v47 =	vadd.s32 v47, v56;
	v48 =	vmul.f32 $5.119843750e+02, v48;
	v57 =	vld [tilespmem:s7+$0xFFFFFF90];
	v51 =	vcvt.f32.s32 v51  }
0x23f: {  	v44 =	vadd.s32 v44, v49;
	v41 =	vtrunc.f32 v41;
	v50 =	vmul.f32 $5.119843750e+02, v50;
	[tilespmem:v43+s2+$0x0] =	vst.idx.add.f32.msk $0xffff, v14  }
0x240: {  	v41 =	vcvt.f32.s32 v41;
	v43 =	vmul.f32 $5.119843750e+02, v53;
	v49 =	vld [tilespmem:s19+$0xFFFFFFF0];
	v51 =	vadd.s32 v51, v54  }
0x241: {  	v45 =	vtrunc.f32 v45;
	[tilespmem:v39+s2+$0x0] =	vst.idx.add.f32.msk $0xffff, v14;
	v39 =	vmul.f32 $5.119843750e+02, v52;
	v52 =	vsel vm3, v22, v21  }
0x242: {  	v46 =	vmul.f32 $5.119843750e+02, v46;
	v53 =	vld [tilespmem:s19+$0xFFFFFFA0];
	v54 =	vmul.f32 $5.119843750e+02, v55;
	v41 =	vadd.s32 v41, v52  }
0x243: {  	v50 =	vtrunc.f32 v50;
	v52 =	vsel vm4, v22, v21;
	v39 =	vtrunc.f32 v39;
	[tilespmem:v47+s2+$0x0] =	vst.idx.add.f32.msk $0xffff, v14  }
0x244: {  	v45 =	vcvt.f32.s32 v45;
	v47 =	vsel vm2, v22, v21;
	v39 =	vcvt.f32.s32 v39;
	[tilespmem:v44+s2+$0x0] =	vst.idx.add.f32.msk $0xffff, v14  }
0x245: {  	v48 =	vtrunc.f32 v48;
	v44 =	vtrunc.f32 v54;
	vm2 =	veq.s32 v49, v4;
	[tilespmem:v51+s2+$0x0] =	vst.idx.add.f32.msk $0xffff, v14  }
0x246: {  	v44 =	vcvt.f32.s32 v44;
	v47 =	vadd.s32 v39, v47;
	v49 =	vsel vm2, v22, v21;
	[tilespmem:v40+s2+$0x0] =	vst.idx.add.f32.msk $0xffff, v14  }
0x247: {  	v51 =	vadd.s32 v45, v42;
	v39 =	vmul.f32 $5.119843750e+02, v57;
	vm2 =	veq.s32 v53, v4;
	[tilespmem:v41+s2+$0x0] =	vst.idx.add.f32.msk $0xffff, v14  }
.Ltmp9:
0x248: {  	v45 =	vcvt.f32.s32 v48;
	v41 =	vcvt.f32.s32 v50;
	v40 =	vsel vm2, v22, v21;
	[tilespmem:v38+s2+$0x0] =	vst.idx.add.f32.msk $0xffff, v14;
	(pc) =	sbr.rel @p2 .LBB2_13-.Ltmp9, $4  }
0x249: {  	v39 =	vtrunc.f32 v39;
	v38 =	vadd.s32 v44, v40;
	v44 =	vld [tilespmem:s19+$0xFFFFFFC0];
	v40 =	vtrunc.f32 v46  }
0x24a: {  	v43 =	vtrunc.f32 v43;
	v46 =	vcvt.f32.s32 v39;
	v39 =	vadd.s32 v41, v52;
	v42 =	vld [tilespmem:s19+$0xFFFFFFE0]  }
0x24b: {  	v45 =	vadd.s32 v45, v49;
	v41 =	vcvt.f32.s32 v43;
	v43 =	vcvt.f32.s32 v40;
	[tilespmem:v47+s2+$0x0] =	vst.idx.add.f32.msk $0xffff, v14  }
0x24c: {  	s19 =	sadd.s32 $0x100, s19;
	v40 =	vadd.s32 v46, v37;
	[tilespmem:v51+s2+$0x0] =	vst.idx.add.f32.msk $0xffff, v14  }
0x24d: {  	_ =	sdelay $0x1  }
0x24e: {  	vm2 =	veq.s32 v42, v4  }
0x24f: {  	v37 =	vsel vm2, v22, v21;
	vm2 =	veq.s32 v44, v4  }
0x250: {  	v37 =	vadd.s32 v43, v37;
	v59 =	vsel vm2, v22, v21  }
0x251: {  	[tilespmem:v45+s2+$0x0] =	vst.idx.add.f32.msk $0xffff, v14;
	v41 =	vadd.s32 v41, v59  }
0x252: {  	[tilespmem:v38+s2+$0x0] =	vst.idx.add.f32.msk $0xffff, v14  }
0x253: {  	[tilespmem:v39+s2+$0x0] =	vst.idx.add.f32.msk $0xffff, v14  }
0x254: {  	[tilespmem:v40+s2+$0x0] =	vst.idx.add.f32.msk $0xffff, v14  }
0x255: {  	[tilespmem:v37+s2+$0x0] =	vst.idx.add.f32.msk $0xffff, v14  }
0x256: {  	[tilespmem:v41+s2+$0x0] =	vst.idx.add.f32.msk $0xffff, v14  }
0x257: {  	s7 =	sor.u32 s14, s21;
	_ =	swait.ge [sflag:s28], $0x4000  }
0x258: {  	s7 =	sshrl.u32 s7, $0x3;
	[sflag:s28] =	ssyncset.done $0x0  }
0x259: {  	s8 =	simm.s32 $0xB080;
	s7 =	sadd.s32 s3, s7;
	[sflag:s28] =	ssyncadd.s32 $0xFFFFC000  }
0x25a: {  	[tilespmem:s24], [sflag:$0x2] =	stream.linear.gather [hbm4b:s7+s2], $0x4000, $0x38;
	[tilespmem:$0x1E480] =	vst v63  }
0x25b: {  	v37 =	vld [tilespmem:s8+$0x30]  }
0x25c: {  	v60 =	vld [tilespmem:s8+$0xFFFFFF90]  }
0x25d: {  	s7 =	simm.s32 $0x17080;
	v61 =	vld [tilespmem:s8+$0x20]  }
0x25e: {  	v40 =	vld [tilespmem:s7+$0x50]  }
0x25f: {  	v62 =	vld [tilespmem:s7+$0x60]  }
0x260: {  	v54 =	vld [tilespmem:s7+$0xFFFFFF80]  }
0x261: {  	v55 =	vld [tilespmem:s8+$0x50]  }
0x262: {  	v56 =	vld [tilespmem:s8+$0x60]  }
0x263: {  	v46 =	vld [tilespmem:s8+$0x0]  }
0x264: {  	v47 =	vld [tilespmem:s7+$0x70]  }
0x265: {  	v58 =	vld [tilespmem:s8+$0xFFFFFF80]  }
0x266: {  	v49 =	vld [tilespmem:s8+$0x70]  }
0x267: {  	v59 =	vld [tilespmem:s8+$0xFFFFFFD0]  }
0x268: {  	v63 =	vld [tilespmem:s8+$0x40]  }
0x269: {  	v50 =	vld [tilespmem:s7+$0x40]  }
0x26a: {  	v52 =	vld [tilespmem:s7+$0x30]  }
0x26b: {  	v43 =	vld [tilespmem:s7+$0x0];
	vm2 =	veq.s32 v60, v5;
	vm3 =	veq.s32 v61, v5;
	vm4 =	veq.s32 v55, v5  }
0x26c: {  	v57 =	vld [tilespmem:s8+$0xFFFFFFB0];
	vm5 =	veq.s32 v56, v5;
	v42 =	vmul.f32 $5.119843750e+02, v54;
	v47 =	vmul.f32 $5.119843750e+02, v47  }
0x26d: {  	vm13 =	veq.s32 v46, v5;
	v41 =	vmul.f32 $5.119843750e+02, v62;
	v40 =	vmul.f32 $5.119843750e+02, v40  }
0x26e: {  	vm14 =	veq.s32 v49, v5;
	vm15 =	veq.s32 v59, v5;
	vm6 =	veq.s32 v58, v5  }
0x26f: {  	vm8 =	veq.s32 v63, v5;
	vm9 =	veq.s32 v37, v5;
	v58 =	vmul.f32 $5.119843750e+02, v50  }
0x270: {  	v59 =	vmul.f32 $5.119843750e+02, v52;
	v43 =	vmul.f32 $5.119843750e+02, v43;
	v48 =	vsel vm2, v24, v23  }
0x271: {  	v44 =	vld [tilespmem:s7+$0xFFFFFFE0];
	vm2 =	veq.s32 v57, v5;
	v42 =	vtrunc.f32 v42;
	v47 =	vtrunc.f32 v47  }
0x272: {  	v60 =	vld [tilespmem:s8+$0x10];
	v61 =	vsel vm4, v24, v23;
	v55 =	vtrunc.f32 v41;
	v40 =	vtrunc.f32 v40  }
0x273: {  	v56 =	vld [tilespmem:s7+$0x20];
	v46 =	vsel vm5, v24, v23;
	v49 =	vtrunc.f32 v58;
	v45 =	vtrunc.f32 v59  }
0x274: {  	v63 =	vld [tilespmem:s7+$0xFFFFFFF0];
	v51 =	vsel vm13, v24, v23;
	v43 =	vtrunc.f32 v43;
	v42 =	vcvt.f32.s32 v42  }
0x275: {  	v54 =	vld [tilespmem:s7+$0xFFFFFFC0];
	v62 =	vsel vm6, v24, v23;
	v39 =	vcvt.f32.s32 v55;
	v40 =	vcvt.f32.s32 v40  }
0x276: {  	v53 =	vsel vm14, v24, v23;
	v41 =	vld [tilespmem:s7+$0x10];
	v57 =	vcvt.f32.s32 v47;
	v45 =	vcvt.f32.s32 v45  }
0x277: {  	v50 =	vld [tilespmem:s8+$0xFFFFFFF0];
	v59 =	vsel vm3, v24, v23;
	v49 =	vcvt.f32.s32 v49;
	v43 =	vcvt.f32.s32 v43  }
0x278: {  	vm7 =	veq.s32 v60, v5;
	v40 =	vadd.s32 v40, v61;
	v42 =	vadd.s32 v42, v62;
	v61 =	vld [tilespmem:s7+$0xFFFFFFD0]  }
0x279: {  	v60 =	vsel vm8, v24, v23;
	v38 =	vmul.f32 $5.119843750e+02, v56;
	v37 =	vadd.s32 v57, v53;
	v62 =	vld [tilespmem:s7+$0xFFFFFFB0]  }
0x27a: {  	v56 =	vld [tilespmem:s7+$0xFFFFFFA0];
	v57 =	vsel vm9, v24, v23;
	v47 =	vmul.f32 $5.119843750e+02, v63;
	v52 =	vmul.f32 $5.119843750e+02, v54  }
0x27b: {  	v39 =	vadd.s32 v39, v46;
	v46 =	vmul.f32 $5.119843750e+02, v44;
	v44 =	vld [tilespmem:s8+$0xFFFFFFC0];
	v41 =	vmul.f32 $5.119843750e+02, v41  }
0x27c: {  	v45 =	vadd.s32 v45, v57;
	v57 =	vld [tilespmem:s7+$0xFFFFFF90];
	v38 =	vtrunc.f32 v38;
	v53 =	vtrunc.f32 v47  }
0x27d: {  	v49 =	vadd.s32 v49, v60;
	v60 =	vld [tilespmem:s8+$0xFFFFFFA0];
	v38 =	vcvt.f32.s32 v38;
	v41 =	vtrunc.f32 v41  }
0x27e: {  	v55 =	vsel vm7, v24, v23;
	v41 =	vcvt.f32.s32 v41;
	[tilespmem:v40+s2+$0x0] =	vst.idx.add.f32.msk $0xffff, v14;
	v58 =	vmul.f32 $5.119843750e+02, v62  }
0x27f: {  	v63 =	vmul.f32 $5.119843750e+02, v61;
	[tilespmem:v42+s2+$0x0] =	vst.idx.add.f32.msk $0xffff, v14;
	v61 =	vmul.f32 $5.119843750e+02, v56;
	v38 =	vadd.s32 v38, v59  }
0x280: {  	v62 =	vsel vm2, v24, v23;
	vm2 =	veq.s32 v50, v5;
	[tilespmem:v37+s2+$0x0] =	vst.idx.add.f32.msk $0xffff, v14;
	v42 =	vtrunc.f32 v58  }
0x281: {  	[tilespmem:v39+s2+$0x0] =	vst.idx.add.f32.msk $0xffff, v14;
	v56 =	vmul.f32 $5.119843750e+02, v57;
	v57 =	vadd.s32 v43, v51;
	v42 =	vcvt.f32.s32 v42  }
0x282: {  	v59 =	vcvt.f32.s32 v53;
	[tilespmem:v45+s2+$0x0] =	vst.idx.add.f32.msk $0xffff, v14;
	v45 =	vsel vm15, v24, v23;
	v41 =	vadd.s32 v41, v55  }
0x283: {  	[tilespmem:v49+s2+$0x0] =	vst.idx.add.f32.msk $0xffff, v14;
	v40 =	vtrunc.f32 v63;
	v63 =	vtrunc.f32 v61;
	v47 =	vadd.s32 v42, v62  }
0x284: {  	v50 =	vsel vm2, v24, v23;
	v55 =	vcvt.f32.s32 v63;
	v40 =	vcvt.f32.s32 v40;
	[tilespmem:v38+s2+$0x0] =	vst.idx.add.f32.msk $0xffff, v14  }
0x285: {  	vm2 =	veq.s32 v60, v5;
	v60 =	vtrunc.f32 v56;
	v63 =	vtrunc.f32 v46;
	v42 =	vld [tilespmem:s8+$0xFFFFFFE0]  }
0x286: {  	v58 =	vsel vm2, v24, v23;
	v61 =	vcvt.f32.s32 v60;
	v43 =	vcvt.f32.s32 v63;
	[tilespmem:v57+s2+$0x0] =	vst.idx.add.f32.msk $0xffff, v14  }
0x287: {  	v38 =	vadd.s32 v55, v58;
	v62 =	vtrunc.f32 v52;
	v39 =	vadd.s32 v40, v45;
	[tilespmem:v41+s2+$0x0] =	vst.idx.add.f32.msk $0xffff, v14  }
0x288: {  	s19 =	simm.s32 $0xB180;
	s8 =	simm.s32 $0x0;
	v45 =	vadd.s32 v59, v50;
	v40 =	vadd.s32 v61, v48;
	v41 =	vcvt.f32.s32 v62;
	[tilespmem:v47+s2+$0x0] =	vst.idx.add.f32.msk $0xffff, v14  }
.LBB2_15:
0x289: {  	v46 =	vld [tilespmem:s19+$0x30];
	s8 =	sadd.s32 $0x100, s8;
	s7 =	sadd.s32 $0x100, s7  }
0x28a: {  	v47 =	vld [tilespmem:s7+$0x30];
	p2 =	slt.u32 s8, $0x3F00;
	vm2 =	veq.s32 v44, v5  }
0x28b: {  	v44 =	vld [tilespmem:s7+$0x40]  }
0x28c: {  	v37 =	vld [tilespmem:s19+$0xFFFFFF90]  }
0x28d: {  	[tilespmem:v45+s2+$0x0] =	vst.idx.add.f32.msk $0xffff, v14  }
0x28e: {  	v45 =	vld [tilespmem:s19+$0x40]  }
0x28f: {  	v48 =	vld [tilespmem:s19+$0x10]  }
0x290: {  	v49 =	vld [tilespmem:s19+$0x20]  }
0x291: {  	vm3 =	veq.s32 v37, v5;
	v50 =	vld [tilespmem:s7+$0x50]  }
0x292: {  	v51 =	vld [tilespmem:s7+$0x60]  }
0x293: {  	v52 =	vld [tilespmem:s7+$0x70]  }
0x294: {  	v53 =	vld [tilespmem:s7+$0xFFFFFF80]  }
0x295: {  	vm4 =	veq.s32 v42, v5;
	v54 =	vld [tilespmem:s19+$0x50]  }
0x296: {  	v37 =	vsel vm4, v24, v23;
	v42 =	vld [tilespmem:s19+$0x60]  }
0x297: {  	v43 =	vadd.s32 v43, v37;
	v55 =	vld [tilespmem:s19+$0xFFFFFFB0]  }
0x298: {  	v37 =	vsel vm2, v24, v23;
	v56 =	vld [tilespmem:s19+$0x0]  }
0x299: {  	v41 =	vadd.s32 v41, v37;
	v57 =	vld [tilespmem:s19+$0xFFFFFF80]  }
0x29a: {  	v37 =	vsel vm3, v24, v23;
	v58 =	vld [tilespmem:s19+$0x70]  }
0x29b: {  	vm3 =	veq.s32 v49, v5;
	vm4 =	veq.s32 v54, v5;
	v59 =	vld [tilespmem:s19+$0xFFFFFFD0];
	vm5 =	veq.s32 v42, v5  }
0x29c: {  	v42 =	vmul.f32 $5.119843750e+02, v53;
	v49 =	vsel vm4, v24, v23;
	vm2 =	veq.s32 v55, v5;
	[tilespmem:v38+s2+$0x0] =	vst.idx.add.f32.msk $0xffff, v14  }
0x29d: {  	v52 =	vmul.f32 $5.119843750e+02, v52;
	v38 =	vsel vm5, v24, v23;
	vm4 =	veq.s32 v56, v5;
	[tilespmem:v39+s2+$0x0] =	vst.idx.add.f32.msk $0xffff, v14  }
0x29e: {  	v51 =	vmul.f32 $5.119843750e+02, v51;
	v39 =	vtrunc.f32 v42;
	v42 =	vsel vm4, v24, v23;
	[tilespmem:v43+s2+$0x0] =	vst.idx.add.f32.msk $0xffff, v14  }
0x29f: {  	v43 =	vmul.f32 $5.119843750e+02, v50;
	v50 =	vtrunc.f32 v52;
	vm5 =	veq.s32 v58, v5;
	[tilespmem:v40+s2+$0x0] =	vst.idx.add.f32.msk $0xffff, v14  }
0x2a0: {  	v39 =	vcvt.f32.s32 v39;
	v40 =	vtrunc.f32 v51;
	vm4 =	veq.s32 v59, v5;
	[tilespmem:v41+s2+$0x0] =	vst.idx.add.f32.msk $0xffff, v14  }
0x2a1: {  	vm6 =	veq.s32 v57, v5;
	v43 =	vtrunc.f32 v43;
	v40 =	vcvt.f32.s32 v40;
	v41 =	vld [tilespmem:s7+$0x20]  }
0x2a2: {  	vm8 =	veq.s32 v45, v5;
	vm7 =	veq.s32 v48, v5;
	v43 =	vcvt.f32.s32 v43;
	v51 =	vld [tilespmem:s7+$0x10]  }
0x2a3: {  	vm9 =	veq.s32 v46, v5;
	v38 =	vadd.s32 v40, v38;
	v40 =	vcvt.f32.s32 v50;
	v45 =	vld [tilespmem:s7+$0x0]  }
0x2a4: {  	v44 =	vmul.f32 $5.119843750e+02, v44;
	v46 =	vsel vm6, v24, v23;
	v43 =	vadd.s32 v43, v49;
	v48 =	vld [tilespmem:s7+$0xFFFFFFF0]  }
0x2a5: {  	v47 =	vmul.f32 $5.119843750e+02, v47;
	v39 =	vadd.s32 v39, v46;
	v49 =	vsel vm8, v24, v23;
	v46 =	vld [tilespmem:s7+$0xFFFFFFE0]  }
0x2a6: {  	v44 =	vtrunc.f32 v44;
	v52 =	vsel vm5, v24, v23;
	v50 =	vld [tilespmem:s7+$0xFFFFFFD0];
	v41 =	vmul.f32 $5.119843750e+02, v41  }
0x2a7: {  	v47 =	vtrunc.f32 v47;
	v40 =	vadd.s32 v40, v52;
	v53 =	vld [tilespmem:s7+$0xFFFFFFC0];
	v51 =	vmul.f32 $5.119843750e+02, v51  }
0x2a8: {  	v47 =	vcvt.f32.s32 v47;
	v44 =	vcvt.f32.s32 v44;
	v54 =	vsel vm7, v24, v23;
	v52 =	vld [tilespmem:s7+$0xFFFFFFB0]  }
0x2a9: {  	v56 =	vsel vm9, v24, v23;
	v45 =	vmul.f32 $5.119843750e+02, v45;
	v55 =	vld [tilespmem:s7+$0xFFFFFFA0];
	v51 =	vtrunc.f32 v51  }
0x2aa: {  	v47 =	vadd.s32 v47, v56;
	v48 =	vmul.f32 $5.119843750e+02, v48;
	v57 =	vld [tilespmem:s7+$0xFFFFFF90];
	v51 =	vcvt.f32.s32 v51  }
0x2ab: {  	v44 =	vadd.s32 v44, v49;
	v41 =	vtrunc.f32 v41;
	v50 =	vmul.f32 $5.119843750e+02, v50;
	[tilespmem:v43+s2+$0x0] =	vst.idx.add.f32.msk $0xffff, v14  }
0x2ac: {  	v41 =	vcvt.f32.s32 v41;
	v43 =	vmul.f32 $5.119843750e+02, v53;
	v49 =	vld [tilespmem:s19+$0xFFFFFFF0];
	v51 =	vadd.s32 v51, v54  }
0x2ad: {  	v45 =	vtrunc.f32 v45;
	[tilespmem:v39+s2+$0x0] =	vst.idx.add.f32.msk $0xffff, v14;
	v39 =	vmul.f32 $5.119843750e+02, v52;
	v52 =	vsel vm3, v24, v23  }
0x2ae: {  	v46 =	vmul.f32 $5.119843750e+02, v46;
	v53 =	vld [tilespmem:s19+$0xFFFFFFA0];
	v54 =	vmul.f32 $5.119843750e+02, v55;
	v41 =	vadd.s32 v41, v52  }
0x2af: {  	v50 =	vtrunc.f32 v50;
	v52 =	vsel vm4, v24, v23;
	v39 =	vtrunc.f32 v39;
	[tilespmem:v47+s2+$0x0] =	vst.idx.add.f32.msk $0xffff, v14  }
0x2b0: {  	v45 =	vcvt.f32.s32 v45;
	v47 =	vsel vm2, v24, v23;
	v39 =	vcvt.f32.s32 v39;
	[tilespmem:v44+s2+$0x0] =	vst.idx.add.f32.msk $0xffff, v14  }
0x2b1: {  	v48 =	vtrunc.f32 v48;
	v44 =	vtrunc.f32 v54;
	vm2 =	veq.s32 v49, v5;
	[tilespmem:v51+s2+$0x0] =	vst.idx.add.f32.msk $0xffff, v14  }
0x2b2: {  	v44 =	vcvt.f32.s32 v44;
	v47 =	vadd.s32 v39, v47;
	v49 =	vsel vm2, v24, v23;
	[tilespmem:v40+s2+$0x0] =	vst.idx.add.f32.msk $0xffff, v14  }
0x2b3: {  	v51 =	vadd.s32 v45, v42;
	v39 =	vmul.f32 $5.119843750e+02, v57;
	vm2 =	veq.s32 v53, v5;
	[tilespmem:v41+s2+$0x0] =	vst.idx.add.f32.msk $0xffff, v14  }
.Ltmp10:
0x2b4: {  	v45 =	vcvt.f32.s32 v48;
	v41 =	vcvt.f32.s32 v50;
	v40 =	vsel vm2, v24, v23;
	[tilespmem:v38+s2+$0x0] =	vst.idx.add.f32.msk $0xffff, v14;
	(pc) =	sbr.rel @p2 .LBB2_15-.Ltmp10, $4  }
0x2b5: {  	v39 =	vtrunc.f32 v39;
	v38 =	vadd.s32 v44, v40;
	v44 =	vld [tilespmem:s19+$0xFFFFFFC0];
	v40 =	vtrunc.f32 v46  }
0x2b6: {  	v43 =	vtrunc.f32 v43;
	v46 =	vcvt.f32.s32 v39;
	v39 =	vadd.s32 v41, v52;
	v42 =	vld [tilespmem:s19+$0xFFFFFFE0]  }
0x2b7: {  	v45 =	vadd.s32 v45, v49;
	v41 =	vcvt.f32.s32 v43;
	v43 =	vcvt.f32.s32 v40;
	[tilespmem:v47+s2+$0x0] =	vst.idx.add.f32.msk $0xffff, v14  }
0x2b8: {  	s19 =	sadd.s32 $0x100, s19;
	v40 =	vadd.s32 v46, v37;
	[tilespmem:v51+s2+$0x0] =	vst.idx.add.f32.msk $0xffff, v14  }
0x2b9: {  	_ =	sdelay $0x1  }
0x2ba: {  	vm2 =	veq.s32 v42, v5  }
0x2bb: {  	v37 =	vsel vm2, v24, v23;
	vm2 =	veq.s32 v44, v5  }
0x2bc: {  	v37 =	vadd.s32 v43, v37;
	v59 =	vsel vm2, v24, v23  }
0x2bd: {  	[tilespmem:v45+s2+$0x0] =	vst.idx.add.f32.msk $0xffff, v14;
	v41 =	vadd.s32 v41, v59  }
0x2be: {  	[tilespmem:v38+s2+$0x0] =	vst.idx.add.f32.msk $0xffff, v14  }
0x2bf: {  	[tilespmem:v39+s2+$0x0] =	vst.idx.add.f32.msk $0xffff, v14  }
0x2c0: {  	[tilespmem:v40+s2+$0x0] =	vst.idx.add.f32.msk $0xffff, v14  }
0x2c1: {  	[tilespmem:v37+s2+$0x0] =	vst.idx.add.f32.msk $0xffff, v14  }
0x2c2: {  	[tilespmem:v41+s2+$0x0] =	vst.idx.add.f32.msk $0xffff, v14  }
0x2c3: {  	s7 =	sor.u32 s15, s21;
	_ =	swait.ge [sflag:s28], $0x4000  }
0x2c4: {  	s7 =	sshrl.u32 s7, $0x3;
	[sflag:s28] =	ssyncset.done $0x0  }
0x2c5: {  	s8 =	simm.s32 $0xB080;
	s7 =	sadd.s32 s3, s7;
	[sflag:s28] =	ssyncadd.s32 $0xFFFFC000  }
0x2c6: {  	[tilespmem:s29], [sflag:$0x2] =	stream.linear.gather [hbm4b:s7+s2], $0x4000, $0x38;
	[tilespmem:$0x1E480] =	vst v63  }
0x2c7: {  	v37 =	vld [tilespmem:s8+$0x30]  }
0x2c8: {  	v60 =	vld [tilespmem:s8+$0xFFFFFF90]  }
0x2c9: {  	s7 =	simm.s32 $0x13080;
	v61 =	vld [tilespmem:s8+$0x20]  }
0x2ca: {  	v40 =	vld [tilespmem:s7+$0x50]  }
0x2cb: {  	v62 =	vld [tilespmem:s7+$0x60]  }
0x2cc: {  	v54 =	vld [tilespmem:s7+$0xFFFFFF80]  }
0x2cd: {  	v55 =	vld [tilespmem:s8+$0x50]  }
0x2ce: {  	v56 =	vld [tilespmem:s8+$0x60]  }
0x2cf: {  	v46 =	vld [tilespmem:s8+$0x0]  }
0x2d0: {  	v47 =	vld [tilespmem:s7+$0x70]  }
0x2d1: {  	v58 =	vld [tilespmem:s8+$0xFFFFFF80]  }
0x2d2: {  	v49 =	vld [tilespmem:s8+$0x70]  }
0x2d3: {  	v59 =	vld [tilespmem:s8+$0xFFFFFFD0]  }
0x2d4: {  	v63 =	vld [tilespmem:s8+$0x40]  }
0x2d5: {  	v50 =	vld [tilespmem:s7+$0x40]  }
0x2d6: {  	v52 =	vld [tilespmem:s7+$0x30]  }
0x2d7: {  	v43 =	vld [tilespmem:s7+$0x0];
	vm2 =	veq.s32 v60, v6;
	vm3 =	veq.s32 v61, v6;
	vm4 =	veq.s32 v55, v6  }
0x2d8: {  	v57 =	vld [tilespmem:s8+$0xFFFFFFB0];
	vm5 =	veq.s32 v56, v6;
	v42 =	vmul.f32 $5.119843750e+02, v54;
	v47 =	vmul.f32 $5.119843750e+02, v47  }
0x2d9: {  	vm13 =	veq.s32 v46, v6;
	v41 =	vmul.f32 $5.119843750e+02, v62;
	v40 =	vmul.f32 $5.119843750e+02, v40  }
0x2da: {  	vm14 =	veq.s32 v49, v6;
	vm15 =	veq.s32 v59, v6;
	vm6 =	veq.s32 v58, v6  }
0x2db: {  	vm8 =	veq.s32 v63, v6;
	vm9 =	veq.s32 v37, v6;
	v58 =	vmul.f32 $5.119843750e+02, v50  }
0x2dc: {  	v59 =	vmul.f32 $5.119843750e+02, v52;
	v43 =	vmul.f32 $5.119843750e+02, v43;
	v48 =	vsel vm2, v26, v25  }
0x2dd: {  	v44 =	vld [tilespmem:s7+$0xFFFFFFE0];
	vm2 =	veq.s32 v57, v6;
	v42 =	vtrunc.f32 v42;
	v47 =	vtrunc.f32 v47  }
0x2de: {  	v60 =	vld [tilespmem:s8+$0x10];
	v61 =	vsel vm4, v26, v25;
	v55 =	vtrunc.f32 v41;
	v40 =	vtrunc.f32 v40  }
0x2df: {  	v56 =	vld [tilespmem:s7+$0x20];
	v46 =	vsel vm5, v26, v25;
	v49 =	vtrunc.f32 v58;
	v45 =	vtrunc.f32 v59  }
0x2e0: {  	v63 =	vld [tilespmem:s7+$0xFFFFFFF0];
	v51 =	vsel vm13, v26, v25;
	v43 =	vtrunc.f32 v43;
	v42 =	vcvt.f32.s32 v42  }
0x2e1: {  	v54 =	vld [tilespmem:s7+$0xFFFFFFC0];
	v62 =	vsel vm6, v26, v25;
	v39 =	vcvt.f32.s32 v55;
	v40 =	vcvt.f32.s32 v40  }
0x2e2: {  	v53 =	vsel vm14, v26, v25;
	v41 =	vld [tilespmem:s7+$0x10];
	v57 =	vcvt.f32.s32 v47;
	v45 =	vcvt.f32.s32 v45  }
0x2e3: {  	v50 =	vld [tilespmem:s8+$0xFFFFFFF0];
	v59 =	vsel vm3, v26, v25;
	v49 =	vcvt.f32.s32 v49;
	v43 =	vcvt.f32.s32 v43  }
0x2e4: {  	vm7 =	veq.s32 v60, v6;
	v40 =	vadd.s32 v40, v61;
	v42 =	vadd.s32 v42, v62;
	v61 =	vld [tilespmem:s7+$0xFFFFFFD0]  }
0x2e5: {  	v60 =	vsel vm8, v26, v25;
	v38 =	vmul.f32 $5.119843750e+02, v56;
	v37 =	vadd.s32 v57, v53;
	v62 =	vld [tilespmem:s7+$0xFFFFFFB0]  }
0x2e6: {  	v56 =	vld [tilespmem:s7+$0xFFFFFFA0];
	v57 =	vsel vm9, v26, v25;
	v47 =	vmul.f32 $5.119843750e+02, v63;
	v52 =	vmul.f32 $5.119843750e+02, v54  }
0x2e7: {  	v39 =	vadd.s32 v39, v46;
	v46 =	vmul.f32 $5.119843750e+02, v44;
	v44 =	vld [tilespmem:s8+$0xFFFFFFC0];
	v41 =	vmul.f32 $5.119843750e+02, v41  }
0x2e8: {  	v45 =	vadd.s32 v45, v57;
	v57 =	vld [tilespmem:s7+$0xFFFFFF90];
	v38 =	vtrunc.f32 v38;
	v53 =	vtrunc.f32 v47  }
0x2e9: {  	v49 =	vadd.s32 v49, v60;
	v60 =	vld [tilespmem:s8+$0xFFFFFFA0];
	v38 =	vcvt.f32.s32 v38;
	v41 =	vtrunc.f32 v41  }
0x2ea: {  	v55 =	vsel vm7, v26, v25;
	v41 =	vcvt.f32.s32 v41;
	[tilespmem:v40+s2+$0x0] =	vst.idx.add.f32.msk $0xffff, v14;
	v58 =	vmul.f32 $5.119843750e+02, v62  }
0x2eb: {  	v63 =	vmul.f32 $5.119843750e+02, v61;
	[tilespmem:v42+s2+$0x0] =	vst.idx.add.f32.msk $0xffff, v14;
	v61 =	vmul.f32 $5.119843750e+02, v56;
	v38 =	vadd.s32 v38, v59  }
0x2ec: {  	v62 =	vsel vm2, v26, v25;
	vm2 =	veq.s32 v50, v6;
	[tilespmem:v37+s2+$0x0] =	vst.idx.add.f32.msk $0xffff, v14;
	v42 =	vtrunc.f32 v58  }
0x2ed: {  	[tilespmem:v39+s2+$0x0] =	vst.idx.add.f32.msk $0xffff, v14;
	v56 =	vmul.f32 $5.119843750e+02, v57;
	v57 =	vadd.s32 v43, v51;
	v42 =	vcvt.f32.s32 v42  }
0x2ee: {  	v59 =	vcvt.f32.s32 v53;
	[tilespmem:v45+s2+$0x0] =	vst.idx.add.f32.msk $0xffff, v14;
	v45 =	vsel vm15, v26, v25;
	v41 =	vadd.s32 v41, v55  }
0x2ef: {  	[tilespmem:v49+s2+$0x0] =	vst.idx.add.f32.msk $0xffff, v14;
	v40 =	vtrunc.f32 v63;
	v63 =	vtrunc.f32 v61;
	v47 =	vadd.s32 v42, v62  }
0x2f0: {  	v50 =	vsel vm2, v26, v25;
	v55 =	vcvt.f32.s32 v63;
	v40 =	vcvt.f32.s32 v40;
	[tilespmem:v38+s2+$0x0] =	vst.idx.add.f32.msk $0xffff, v14  }
0x2f1: {  	vm2 =	veq.s32 v60, v6;
	v60 =	vtrunc.f32 v56;
	v63 =	vtrunc.f32 v46;
	v42 =	vld [tilespmem:s8+$0xFFFFFFE0]  }
0x2f2: {  	v58 =	vsel vm2, v26, v25;
	v61 =	vcvt.f32.s32 v60;
	v43 =	vcvt.f32.s32 v63;
	[tilespmem:v57+s2+$0x0] =	vst.idx.add.f32.msk $0xffff, v14  }
0x2f3: {  	v38 =	vadd.s32 v55, v58;
	v62 =	vtrunc.f32 v52;
	v39 =	vadd.s32 v40, v45;
	[tilespmem:v41+s2+$0x0] =	vst.idx.add.f32.msk $0xffff, v14  }
0x2f4: {  	s19 =	simm.s32 $0xB180;
	s8 =	simm.s32 $0x0;
	v45 =	vadd.s32 v59, v50;
	v40 =	vadd.s32 v61, v48;
	v41 =	vcvt.f32.s32 v62;
	[tilespmem:v47+s2+$0x0] =	vst.idx.add.f32.msk $0xffff, v14  }
.LBB2_17:
0x2f5: {  	v46 =	vld [tilespmem:s19+$0x30];
	s8 =	sadd.s32 $0x100, s8;
	s7 =	sadd.s32 $0x100, s7  }
0x2f6: {  	v47 =	vld [tilespmem:s7+$0x30];
	p2 =	slt.u32 s8, $0x3F00;
	vm2 =	veq.s32 v44, v6  }
0x2f7: {  	v44 =	vld [tilespmem:s7+$0x40]  }
0x2f8: {  	v37 =	vld [tilespmem:s19+$0xFFFFFF90]  }
0x2f9: {  	[tilespmem:v45+s2+$0x0] =	vst.idx.add.f32.msk $0xffff, v14  }
0x2fa: {  	v45 =	vld [tilespmem:s19+$0x40]  }
0x2fb: {  	v48 =	vld [tilespmem:s19+$0x10]  }
0x2fc: {  	v49 =	vld [tilespmem:s19+$0x20]  }
0x2fd: {  	vm3 =	veq.s32 v37, v6;
	v50 =	vld [tilespmem:s7+$0x50]  }
0x2fe: {  	v51 =	vld [tilespmem:s7+$0x60]  }
0x2ff: {  	v52 =	vld [tilespmem:s7+$0x70]  }
0x300: {  	v53 =	vld [tilespmem:s7+$0xFFFFFF80]  }
0x301: {  	vm4 =	veq.s32 v42, v6;
	v54 =	vld [tilespmem:s19+$0x50]  }
0x302: {  	v37 =	vsel vm4, v26, v25;
	v42 =	vld [tilespmem:s19+$0x60]  }
0x303: {  	v43 =	vadd.s32 v43, v37;
	v55 =	vld [tilespmem:s19+$0xFFFFFFB0]  }
0x304: {  	v37 =	vsel vm2, v26, v25;
	v56 =	vld [tilespmem:s19+$0x0]  }
0x305: {  	v41 =	vadd.s32 v41, v37;
	v57 =	vld [tilespmem:s19+$0xFFFFFF80]  }
0x306: {  	v37 =	vsel vm3, v26, v25;
	v58 =	vld [tilespmem:s19+$0x70]  }
0x307: {  	vm3 =	veq.s32 v49, v6;
	vm4 =	veq.s32 v54, v6;
	v59 =	vld [tilespmem:s19+$0xFFFFFFD0];
	vm5 =	veq.s32 v42, v6  }
0x308: {  	v42 =	vmul.f32 $5.119843750e+02, v53;
	v49 =	vsel vm4, v26, v25;
	vm2 =	veq.s32 v55, v6;
	[tilespmem:v38+s2+$0x0] =	vst.idx.add.f32.msk $0xffff, v14  }
0x309: {  	v52 =	vmul.f32 $5.119843750e+02, v52;
	v38 =	vsel vm5, v26, v25;
	vm4 =	veq.s32 v56, v6;
	[tilespmem:v39+s2+$0x0] =	vst.idx.add.f32.msk $0xffff, v14  }
0x30a: {  	v51 =	vmul.f32 $5.119843750e+02, v51;
	v39 =	vtrunc.f32 v42;
	v42 =	vsel vm4, v26, v25;
	[tilespmem:v43+s2+$0x0] =	vst.idx.add.f32.msk $0xffff, v14  }
0x30b: {  	v43 =	vmul.f32 $5.119843750e+02, v50;
	v50 =	vtrunc.f32 v52;
	vm5 =	veq.s32 v58, v6;
	[tilespmem:v40+s2+$0x0] =	vst.idx.add.f32.msk $0xffff, v14  }
0x30c: {  	v39 =	vcvt.f32.s32 v39;
	v40 =	vtrunc.f32 v51;
	vm4 =	veq.s32 v59, v6;
	[tilespmem:v41+s2+$0x0] =	vst.idx.add.f32.msk $0xffff, v14  }
0x30d: {  	vm6 =	veq.s32 v57, v6;
	v43 =	vtrunc.f32 v43;
	v40 =	vcvt.f32.s32 v40;
	v41 =	vld [tilespmem:s7+$0x20]  }
0x30e: {  	vm8 =	veq.s32 v45, v6;
	vm7 =	veq.s32 v48, v6;
	v43 =	vcvt.f32.s32 v43;
	v51 =	vld [tilespmem:s7+$0x10]  }
0x30f: {  	vm9 =	veq.s32 v46, v6;
	v38 =	vadd.s32 v40, v38;
	v40 =	vcvt.f32.s32 v50;
	v45 =	vld [tilespmem:s7+$0x0]  }
0x310: {  	v44 =	vmul.f32 $5.119843750e+02, v44;
	v46 =	vsel vm6, v26, v25;
	v43 =	vadd.s32 v43, v49;
	v48 =	vld [tilespmem:s7+$0xFFFFFFF0]  }
0x311: {  	v47 =	vmul.f32 $5.119843750e+02, v47;
	v39 =	vadd.s32 v39, v46;
	v49 =	vsel vm8, v26, v25;
	v46 =	vld [tilespmem:s7+$0xFFFFFFE0]  }
0x312: {  	v44 =	vtrunc.f32 v44;
	v52 =	vsel vm5, v26, v25;
	v50 =	vld [tilespmem:s7+$0xFFFFFFD0];
	v41 =	vmul.f32 $5.119843750e+02, v41  }
0x313: {  	v47 =	vtrunc.f32 v47;
	v40 =	vadd.s32 v40, v52;
	v53 =	vld [tilespmem:s7+$0xFFFFFFC0];
	v51 =	vmul.f32 $5.119843750e+02, v51  }
0x314: {  	v47 =	vcvt.f32.s32 v47;
	v44 =	vcvt.f32.s32 v44;
	v54 =	vsel vm7, v26, v25;
	v52 =	vld [tilespmem:s7+$0xFFFFFFB0]  }
0x315: {  	v56 =	vsel vm9, v26, v25;
	v45 =	vmul.f32 $5.119843750e+02, v45;
	v55 =	vld [tilespmem:s7+$0xFFFFFFA0];
	v51 =	vtrunc.f32 v51  }
0x316: {  	v47 =	vadd.s32 v47, v56;
	v48 =	vmul.f32 $5.119843750e+02, v48;
	v57 =	vld [tilespmem:s7+$0xFFFFFF90];
	v51 =	vcvt.f32.s32 v51  }
0x317: {  	v44 =	vadd.s32 v44, v49;
	v41 =	vtrunc.f32 v41;
	v50 =	vmul.f32 $5.119843750e+02, v50;
	[tilespmem:v43+s2+$0x0] =	vst.idx.add.f32.msk $0xffff, v14  }
0x318: {  	v41 =	vcvt.f32.s32 v41;
	v43 =	vmul.f32 $5.119843750e+02, v53;
	v49 =	vld [tilespmem:s19+$0xFFFFFFF0];
	v51 =	vadd.s32 v51, v54  }
0x319: {  	v45 =	vtrunc.f32 v45;
	[tilespmem:v39+s2+$0x0] =	vst.idx.add.f32.msk $0xffff, v14;
	v39 =	vmul.f32 $5.119843750e+02, v52;
	v52 =	vsel vm3, v26, v25  }
0x31a: {  	v46 =	vmul.f32 $5.119843750e+02, v46;
	v53 =	vld [tilespmem:s19+$0xFFFFFFA0];
	v54 =	vmul.f32 $5.119843750e+02, v55;
	v41 =	vadd.s32 v41, v52  }
0x31b: {  	v50 =	vtrunc.f32 v50;
	v52 =	vsel vm4, v26, v25;
	v39 =	vtrunc.f32 v39;
	[tilespmem:v47+s2+$0x0] =	vst.idx.add.f32.msk $0xffff, v14  }
0x31c: {  	v45 =	vcvt.f32.s32 v45;
	v47 =	vsel vm2, v26, v25;
	v39 =	vcvt.f32.s32 v39;
	[tilespmem:v44+s2+$0x0] =	vst.idx.add.f32.msk $0xffff, v14  }
0x31d: {  	v48 =	vtrunc.f32 v48;
	v44 =	vtrunc.f32 v54;
	vm2 =	veq.s32 v49, v6;
	[tilespmem:v51+s2+$0x0] =	vst.idx.add.f32.msk $0xffff, v14  }
0x31e: {  	v44 =	vcvt.f32.s32 v44;
	v47 =	vadd.s32 v39, v47;
	v49 =	vsel vm2, v26, v25;
	[tilespmem:v40+s2+$0x0] =	vst.idx.add.f32.msk $0xffff, v14  }
0x31f: {  	v51 =	vadd.s32 v45, v42;
	v39 =	vmul.f32 $5.119843750e+02, v57;
	vm2 =	veq.s32 v53, v6;
	[tilespmem:v41+s2+$0x0] =	vst.idx.add.f32.msk $0xffff, v14  }
.Ltmp11:
0x320: {  	v45 =	vcvt.f32.s32 v48;
	v41 =	vcvt.f32.s32 v50;
	v40 =	vsel vm2, v26, v25;
	[tilespmem:v38+s2+$0x0] =	vst.idx.add.f32.msk $0xffff, v14;
	(pc) =	sbr.rel @p2 .LBB2_17-.Ltmp11, $4  }
0x321: {  	v39 =	vtrunc.f32 v39;
	v38 =	vadd.s32 v44, v40;
	v44 =	vld [tilespmem:s19+$0xFFFFFFC0];
	v40 =	vtrunc.f32 v46  }
0x322: {  	v43 =	vtrunc.f32 v43;
	v46 =	vcvt.f32.s32 v39;
	v39 =	vadd.s32 v41, v52;
	v42 =	vld [tilespmem:s19+$0xFFFFFFE0]  }
0x323: {  	v45 =	vadd.s32 v45, v49;
	v41 =	vcvt.f32.s32 v43;
	v43 =	vcvt.f32.s32 v40;
	[tilespmem:v47+s2+$0x0] =	vst.idx.add.f32.msk $0xffff, v14  }
0x324: {  	s19 =	sadd.s32 $0x100, s19;
	v40 =	vadd.s32 v46, v37;
	[tilespmem:v51+s2+$0x0] =	vst.idx.add.f32.msk $0xffff, v14  }
0x325: {  	_ =	sdelay $0x1  }
0x326: {  	vm2 =	veq.s32 v42, v6  }
0x327: {  	v37 =	vsel vm2, v26, v25;
	vm2 =	veq.s32 v44, v6  }
0x328: {  	v37 =	vadd.s32 v43, v37;
	v59 =	vsel vm2, v26, v25  }
0x329: {  	[tilespmem:v45+s2+$0x0] =	vst.idx.add.f32.msk $0xffff, v14;
	v41 =	vadd.s32 v41, v59  }
0x32a: {  	[tilespmem:v38+s2+$0x0] =	vst.idx.add.f32.msk $0xffff, v14  }
0x32b: {  	[tilespmem:v39+s2+$0x0] =	vst.idx.add.f32.msk $0xffff, v14  }
0x32c: {  	[tilespmem:v40+s2+$0x0] =	vst.idx.add.f32.msk $0xffff, v14  }
0x32d: {  	[tilespmem:v37+s2+$0x0] =	vst.idx.add.f32.msk $0xffff, v14  }
0x32e: {  	[tilespmem:v41+s2+$0x0] =	vst.idx.add.f32.msk $0xffff, v14  }
0x32f: {  	s7 =	sor.u32 s16, s21;
	_ =	swait.ge [sflag:s28], $0x4000  }
0x330: {  	s7 =	sshrl.u32 s7, $0x3;
	[sflag:s28] =	ssyncset.done $0x0  }
0x331: {  	s8 =	simm.s32 $0xB080;
	s7 =	sadd.s32 s3, s7;
	[sflag:s28] =	ssyncadd.s32 $0xFFFFC000  }
0x332: {  	[tilespmem:s24], [sflag:$0x2] =	stream.linear.gather [hbm4b:s7+s2], $0x4000, $0x38;
	[tilespmem:$0x1E480] =	vst v63  }
0x333: {  	v37 =	vld [tilespmem:s8+$0x30]  }
0x334: {  	v60 =	vld [tilespmem:s8+$0xFFFFFF90]  }
0x335: {  	s7 =	simm.s32 $0x17080;
	v61 =	vld [tilespmem:s8+$0x20]  }
0x336: {  	v40 =	vld [tilespmem:s7+$0x50]  }
0x337: {  	v62 =	vld [tilespmem:s7+$0x60]  }
0x338: {  	v54 =	vld [tilespmem:s7+$0xFFFFFF80]  }
0x339: {  	v55 =	vld [tilespmem:s8+$0x50]  }
0x33a: {  	v56 =	vld [tilespmem:s8+$0x60]  }
0x33b: {  	v46 =	vld [tilespmem:s8+$0x0]  }
0x33c: {  	v47 =	vld [tilespmem:s7+$0x70]  }
0x33d: {  	v58 =	vld [tilespmem:s8+$0xFFFFFF80]  }
0x33e: {  	v49 =	vld [tilespmem:s8+$0x70]  }
0x33f: {  	v59 =	vld [tilespmem:s8+$0xFFFFFFD0]  }
0x340: {  	v63 =	vld [tilespmem:s8+$0x40]  }
0x341: {  	v50 =	vld [tilespmem:s7+$0x40]  }
0x342: {  	v52 =	vld [tilespmem:s7+$0x30]  }
0x343: {  	v43 =	vld [tilespmem:s7+$0x0];
	vm2 =	veq.s32 v60, v7;
	vm3 =	veq.s32 v61, v7;
	vm4 =	veq.s32 v55, v7  }
0x344: {  	v57 =	vld [tilespmem:s8+$0xFFFFFFB0];
	vm5 =	veq.s32 v56, v7;
	v42 =	vmul.f32 $5.119843750e+02, v54;
	v47 =	vmul.f32 $5.119843750e+02, v47  }
0x345: {  	vm13 =	veq.s32 v46, v7;
	v41 =	vmul.f32 $5.119843750e+02, v62;
	v40 =	vmul.f32 $5.119843750e+02, v40  }
0x346: {  	vm14 =	veq.s32 v49, v7;
	vm15 =	veq.s32 v59, v7;
	vm6 =	veq.s32 v58, v7  }
0x347: {  	vm8 =	veq.s32 v63, v7;
	vm9 =	veq.s32 v37, v7;
	v58 =	vmul.f32 $5.119843750e+02, v50  }
0x348: {  	v59 =	vmul.f32 $5.119843750e+02, v52;
	v43 =	vmul.f32 $5.119843750e+02, v43;
	v48 =	vsel vm2, v28, v27  }
0x349: {  	v44 =	vld [tilespmem:s7+$0xFFFFFFE0];
	vm2 =	veq.s32 v57, v7;
	v42 =	vtrunc.f32 v42;
	v47 =	vtrunc.f32 v47  }
0x34a: {  	v60 =	vld [tilespmem:s8+$0x10];
	v61 =	vsel vm4, v28, v27;
	v55 =	vtrunc.f32 v41;
	v40 =	vtrunc.f32 v40  }
0x34b: {  	v56 =	vld [tilespmem:s7+$0x20];
	v46 =	vsel vm5, v28, v27;
	v49 =	vtrunc.f32 v58;
	v45 =	vtrunc.f32 v59  }
0x34c: {  	v63 =	vld [tilespmem:s7+$0xFFFFFFF0];
	v51 =	vsel vm13, v28, v27;
	v43 =	vtrunc.f32 v43;
	v42 =	vcvt.f32.s32 v42  }
0x34d: {  	v54 =	vld [tilespmem:s7+$0xFFFFFFC0];
	v62 =	vsel vm6, v28, v27;
	v39 =	vcvt.f32.s32 v55;
	v40 =	vcvt.f32.s32 v40  }
0x34e: {  	v53 =	vsel vm14, v28, v27;
	v41 =	vld [tilespmem:s7+$0x10];
	v57 =	vcvt.f32.s32 v47;
	v45 =	vcvt.f32.s32 v45  }
0x34f: {  	v50 =	vld [tilespmem:s8+$0xFFFFFFF0];
	v59 =	vsel vm3, v28, v27;
	v49 =	vcvt.f32.s32 v49;
	v43 =	vcvt.f32.s32 v43  }
0x350: {  	vm7 =	veq.s32 v60, v7;
	v40 =	vadd.s32 v40, v61;
	v42 =	vadd.s32 v42, v62;
	v61 =	vld [tilespmem:s7+$0xFFFFFFD0]  }
0x351: {  	v60 =	vsel vm8, v28, v27;
	v38 =	vmul.f32 $5.119843750e+02, v56;
	v37 =	vadd.s32 v57, v53;
	v62 =	vld [tilespmem:s7+$0xFFFFFFB0]  }
0x352: {  	v56 =	vld [tilespmem:s7+$0xFFFFFFA0];
	v57 =	vsel vm9, v28, v27;
	v47 =	vmul.f32 $5.119843750e+02, v63;
	v52 =	vmul.f32 $5.119843750e+02, v54  }
0x353: {  	v39 =	vadd.s32 v39, v46;
	v46 =	vmul.f32 $5.119843750e+02, v44;
	v44 =	vld [tilespmem:s8+$0xFFFFFFC0];
	v41 =	vmul.f32 $5.119843750e+02, v41  }
0x354: {  	v45 =	vadd.s32 v45, v57;
	v57 =	vld [tilespmem:s7+$0xFFFFFF90];
	v38 =	vtrunc.f32 v38;
	v53 =	vtrunc.f32 v47  }
0x355: {  	v49 =	vadd.s32 v49, v60;
	v60 =	vld [tilespmem:s8+$0xFFFFFFA0];
	v38 =	vcvt.f32.s32 v38;
	v41 =	vtrunc.f32 v41  }
0x356: {  	v55 =	vsel vm7, v28, v27;
	v41 =	vcvt.f32.s32 v41;
	[tilespmem:v40+s2+$0x0] =	vst.idx.add.f32.msk $0xffff, v14;
	v58 =	vmul.f32 $5.119843750e+02, v62  }
0x357: {  	v63 =	vmul.f32 $5.119843750e+02, v61;
	[tilespmem:v42+s2+$0x0] =	vst.idx.add.f32.msk $0xffff, v14;
	v61 =	vmul.f32 $5.119843750e+02, v56;
	v38 =	vadd.s32 v38, v59  }
0x358: {  	v62 =	vsel vm2, v28, v27;
	vm2 =	veq.s32 v50, v7;
	[tilespmem:v37+s2+$0x0] =	vst.idx.add.f32.msk $0xffff, v14;
	v42 =	vtrunc.f32 v58  }
0x359: {  	[tilespmem:v39+s2+$0x0] =	vst.idx.add.f32.msk $0xffff, v14;
	v56 =	vmul.f32 $5.119843750e+02, v57;
	v57 =	vadd.s32 v43, v51;
	v42 =	vcvt.f32.s32 v42  }
0x35a: {  	v59 =	vcvt.f32.s32 v53;
	[tilespmem:v45+s2+$0x0] =	vst.idx.add.f32.msk $0xffff, v14;
	v45 =	vsel vm15, v28, v27;
	v41 =	vadd.s32 v41, v55  }
0x35b: {  	[tilespmem:v49+s2+$0x0] =	vst.idx.add.f32.msk $0xffff, v14;
	v40 =	vtrunc.f32 v63;
	v63 =	vtrunc.f32 v61;
	v47 =	vadd.s32 v42, v62  }
0x35c: {  	v50 =	vsel vm2, v28, v27;
	v55 =	vcvt.f32.s32 v63;
	v40 =	vcvt.f32.s32 v40;
	[tilespmem:v38+s2+$0x0] =	vst.idx.add.f32.msk $0xffff, v14  }
0x35d: {  	vm2 =	veq.s32 v60, v7;
	v60 =	vtrunc.f32 v56;
	v63 =	vtrunc.f32 v46;
	v42 =	vld [tilespmem:s8+$0xFFFFFFE0]  }
0x35e: {  	v58 =	vsel vm2, v28, v27;
	v61 =	vcvt.f32.s32 v60;
	v43 =	vcvt.f32.s32 v63;
	[tilespmem:v57+s2+$0x0] =	vst.idx.add.f32.msk $0xffff, v14  }
0x35f: {  	v38 =	vadd.s32 v55, v58;
	v62 =	vtrunc.f32 v52;
	v39 =	vadd.s32 v40, v45;
	[tilespmem:v41+s2+$0x0] =	vst.idx.add.f32.msk $0xffff, v14  }
0x360: {  	s19 =	simm.s32 $0xB180;
	s8 =	simm.s32 $0x0;
	v45 =	vadd.s32 v59, v50;
	v40 =	vadd.s32 v61, v48;
	v41 =	vcvt.f32.s32 v62;
	[tilespmem:v47+s2+$0x0] =	vst.idx.add.f32.msk $0xffff, v14  }
.LBB2_19:
0x361: {  	v46 =	vld [tilespmem:s19+$0x30];
	s8 =	sadd.s32 $0x100, s8;
	s7 =	sadd.s32 $0x100, s7  }
0x362: {  	v47 =	vld [tilespmem:s7+$0x30];
	p2 =	slt.u32 s8, $0x3F00;
	vm2 =	veq.s32 v44, v7  }
0x363: {  	v44 =	vld [tilespmem:s7+$0x40]  }
0x364: {  	v37 =	vld [tilespmem:s19+$0xFFFFFF90]  }
0x365: {  	[tilespmem:v45+s2+$0x0] =	vst.idx.add.f32.msk $0xffff, v14  }
0x366: {  	v45 =	vld [tilespmem:s19+$0x40]  }
0x367: {  	v48 =	vld [tilespmem:s19+$0x10]  }
0x368: {  	v49 =	vld [tilespmem:s19+$0x20]  }
0x369: {  	vm3 =	veq.s32 v37, v7;
	v50 =	vld [tilespmem:s7+$0x50]  }
0x36a: {  	v51 =	vld [tilespmem:s7+$0x60]  }
0x36b: {  	v52 =	vld [tilespmem:s7+$0x70]  }
0x36c: {  	v53 =	vld [tilespmem:s7+$0xFFFFFF80]  }
0x36d: {  	vm4 =	veq.s32 v42, v7;
	v54 =	vld [tilespmem:s19+$0x50]  }
0x36e: {  	v37 =	vsel vm4, v28, v27;
	v42 =	vld [tilespmem:s19+$0x60]  }
0x36f: {  	v43 =	vadd.s32 v43, v37;
	v55 =	vld [tilespmem:s19+$0xFFFFFFB0]  }
0x370: {  	v37 =	vsel vm2, v28, v27;
	v56 =	vld [tilespmem:s19+$0x0]  }
0x371: {  	v41 =	vadd.s32 v41, v37;
	v57 =	vld [tilespmem:s19+$0xFFFFFF80]  }
0x372: {  	v37 =	vsel vm3, v28, v27;
	v58 =	vld [tilespmem:s19+$0x70]  }
0x373: {  	vm3 =	veq.s32 v49, v7;
	vm4 =	veq.s32 v54, v7;
	v59 =	vld [tilespmem:s19+$0xFFFFFFD0];
	vm5 =	veq.s32 v42, v7  }
0x374: {  	v42 =	vmul.f32 $5.119843750e+02, v53;
	v49 =	vsel vm4, v28, v27;
	vm2 =	veq.s32 v55, v7;
	[tilespmem:v38+s2+$0x0] =	vst.idx.add.f32.msk $0xffff, v14  }
0x375: {  	v52 =	vmul.f32 $5.119843750e+02, v52;
	v38 =	vsel vm5, v28, v27;
	vm4 =	veq.s32 v56, v7;
	[tilespmem:v39+s2+$0x0] =	vst.idx.add.f32.msk $0xffff, v14  }
0x376: {  	v51 =	vmul.f32 $5.119843750e+02, v51;
	v39 =	vtrunc.f32 v42;
	v42 =	vsel vm4, v28, v27;
	[tilespmem:v43+s2+$0x0] =	vst.idx.add.f32.msk $0xffff, v14  }
0x377: {  	v43 =	vmul.f32 $5.119843750e+02, v50;
	v50 =	vtrunc.f32 v52;
	vm5 =	veq.s32 v58, v7;
	[tilespmem:v40+s2+$0x0] =	vst.idx.add.f32.msk $0xffff, v14  }
0x378: {  	v39 =	vcvt.f32.s32 v39;
	v40 =	vtrunc.f32 v51;
	vm4 =	veq.s32 v59, v7;
	[tilespmem:v41+s2+$0x0] =	vst.idx.add.f32.msk $0xffff, v14  }
0x379: {  	vm6 =	veq.s32 v57, v7;
	v43 =	vtrunc.f32 v43;
	v40 =	vcvt.f32.s32 v40;
	v41 =	vld [tilespmem:s7+$0x20]  }
0x37a: {  	vm8 =	veq.s32 v45, v7;
	vm7 =	veq.s32 v48, v7;
	v43 =	vcvt.f32.s32 v43;
	v51 =	vld [tilespmem:s7+$0x10]  }
0x37b: {  	vm9 =	veq.s32 v46, v7;
	v38 =	vadd.s32 v40, v38;
	v40 =	vcvt.f32.s32 v50;
	v45 =	vld [tilespmem:s7+$0x0]  }
0x37c: {  	v44 =	vmul.f32 $5.119843750e+02, v44;
	v46 =	vsel vm6, v28, v27;
	v43 =	vadd.s32 v43, v49;
	v48 =	vld [tilespmem:s7+$0xFFFFFFF0]  }
0x37d: {  	v47 =	vmul.f32 $5.119843750e+02, v47;
	v39 =	vadd.s32 v39, v46;
	v49 =	vsel vm8, v28, v27;
	v46 =	vld [tilespmem:s7+$0xFFFFFFE0]  }
0x37e: {  	v44 =	vtrunc.f32 v44;
	v52 =	vsel vm5, v28, v27;
	v50 =	vld [tilespmem:s7+$0xFFFFFFD0];
	v41 =	vmul.f32 $5.119843750e+02, v41  }
0x37f: {  	v47 =	vtrunc.f32 v47;
	v40 =	vadd.s32 v40, v52;
	v53 =	vld [tilespmem:s7+$0xFFFFFFC0];
	v51 =	vmul.f32 $5.119843750e+02, v51  }
0x380: {  	v47 =	vcvt.f32.s32 v47;
	v44 =	vcvt.f32.s32 v44;
	v54 =	vsel vm7, v28, v27;
	v52 =	vld [tilespmem:s7+$0xFFFFFFB0]  }
0x381: {  	v56 =	vsel vm9, v28, v27;
	v45 =	vmul.f32 $5.119843750e+02, v45;
	v55 =	vld [tilespmem:s7+$0xFFFFFFA0];
	v51 =	vtrunc.f32 v51  }
0x382: {  	v47 =	vadd.s32 v47, v56;
	v48 =	vmul.f32 $5.119843750e+02, v48;
	v57 =	vld [tilespmem:s7+$0xFFFFFF90];
	v51 =	vcvt.f32.s32 v51  }
0x383: {  	v44 =	vadd.s32 v44, v49;
	v41 =	vtrunc.f32 v41;
	v50 =	vmul.f32 $5.119843750e+02, v50;
	[tilespmem:v43+s2+$0x0] =	vst.idx.add.f32.msk $0xffff, v14  }
0x384: {  	v41 =	vcvt.f32.s32 v41;
	v43 =	vmul.f32 $5.119843750e+02, v53;
	v49 =	vld [tilespmem:s19+$0xFFFFFFF0];
	v51 =	vadd.s32 v51, v54  }
0x385: {  	v45 =	vtrunc.f32 v45;
	[tilespmem:v39+s2+$0x0] =	vst.idx.add.f32.msk $0xffff, v14;
	v39 =	vmul.f32 $5.119843750e+02, v52;
	v52 =	vsel vm3, v28, v27  }
0x386: {  	v46 =	vmul.f32 $5.119843750e+02, v46;
	v53 =	vld [tilespmem:s19+$0xFFFFFFA0];
	v54 =	vmul.f32 $5.119843750e+02, v55;
	v41 =	vadd.s32 v41, v52  }
0x387: {  	v50 =	vtrunc.f32 v50;
	v52 =	vsel vm4, v28, v27;
	v39 =	vtrunc.f32 v39;
	[tilespmem:v47+s2+$0x0] =	vst.idx.add.f32.msk $0xffff, v14  }
0x388: {  	v45 =	vcvt.f32.s32 v45;
	v47 =	vsel vm2, v28, v27;
	v39 =	vcvt.f32.s32 v39;
	[tilespmem:v44+s2+$0x0] =	vst.idx.add.f32.msk $0xffff, v14  }
0x389: {  	v48 =	vtrunc.f32 v48;
	v44 =	vtrunc.f32 v54;
	vm2 =	veq.s32 v49, v7;
	[tilespmem:v51+s2+$0x0] =	vst.idx.add.f32.msk $0xffff, v14  }
0x38a: {  	v44 =	vcvt.f32.s32 v44;
	v47 =	vadd.s32 v39, v47;
	v49 =	vsel vm2, v28, v27;
	[tilespmem:v40+s2+$0x0] =	vst.idx.add.f32.msk $0xffff, v14  }
0x38b: {  	v51 =	vadd.s32 v45, v42;
	v39 =	vmul.f32 $5.119843750e+02, v57;
	vm2 =	veq.s32 v53, v7;
	[tilespmem:v41+s2+$0x0] =	vst.idx.add.f32.msk $0xffff, v14  }
.Ltmp12:
0x38c: {  	v45 =	vcvt.f32.s32 v48;
	v41 =	vcvt.f32.s32 v50;
	v40 =	vsel vm2, v28, v27;
	[tilespmem:v38+s2+$0x0] =	vst.idx.add.f32.msk $0xffff, v14;
	(pc) =	sbr.rel @p2 .LBB2_19-.Ltmp12, $4  }
0x38d: {  	v39 =	vtrunc.f32 v39;
	v38 =	vadd.s32 v44, v40;
	v44 =	vld [tilespmem:s19+$0xFFFFFFC0];
	v40 =	vtrunc.f32 v46  }
0x38e: {  	v43 =	vtrunc.f32 v43;
	v46 =	vcvt.f32.s32 v39;
	v39 =	vadd.s32 v41, v52;
	v42 =	vld [tilespmem:s19+$0xFFFFFFE0]  }
0x38f: {  	v45 =	vadd.s32 v45, v49;
	v41 =	vcvt.f32.s32 v43;
	v43 =	vcvt.f32.s32 v40;
	[tilespmem:v47+s2+$0x0] =	vst.idx.add.f32.msk $0xffff, v14  }
0x390: {  	s19 =	sadd.s32 $0x100, s19;
	v40 =	vadd.s32 v46, v37;
	[tilespmem:v51+s2+$0x0] =	vst.idx.add.f32.msk $0xffff, v14  }
0x391: {  	_ =	sdelay $0x1  }
0x392: {  	vm2 =	veq.s32 v42, v7  }
0x393: {  	v37 =	vsel vm2, v28, v27;
	vm2 =	veq.s32 v44, v7  }
0x394: {  	v37 =	vadd.s32 v43, v37;
	v59 =	vsel vm2, v28, v27  }
0x395: {  	[tilespmem:v45+s2+$0x0] =	vst.idx.add.f32.msk $0xffff, v14;
	v41 =	vadd.s32 v41, v59  }
0x396: {  	[tilespmem:v38+s2+$0x0] =	vst.idx.add.f32.msk $0xffff, v14  }
0x397: {  	[tilespmem:v39+s2+$0x0] =	vst.idx.add.f32.msk $0xffff, v14  }
0x398: {  	[tilespmem:v40+s2+$0x0] =	vst.idx.add.f32.msk $0xffff, v14  }
0x399: {  	[tilespmem:v37+s2+$0x0] =	vst.idx.add.f32.msk $0xffff, v14  }
0x39a: {  	[tilespmem:v41+s2+$0x0] =	vst.idx.add.f32.msk $0xffff, v14  }
0x39b: {  	s7 =	sor.u32 s17, s21;
	_ =	swait.ge [sflag:s28], $0x4000  }
0x39c: {  	s7 =	sshrl.u32 s7, $0x3;
	[sflag:s28] =	ssyncset.done $0x0  }
0x39d: {  	s8 =	simm.s32 $0xB080;
	s7 =	sadd.s32 s3, s7;
	[sflag:s28] =	ssyncadd.s32 $0xFFFFC000  }
0x39e: {  	[tilespmem:s29], [sflag:$0x2] =	stream.linear.gather [hbm4b:s7+s2], $0x4000, $0x38;
	[tilespmem:$0x1E480] =	vst v63  }
0x39f: {  	v37 =	vld [tilespmem:s8+$0x30]  }
0x3a0: {  	v60 =	vld [tilespmem:s8+$0xFFFFFF90]  }
0x3a1: {  	s7 =	simm.s32 $0x13080;
	v61 =	vld [tilespmem:s8+$0x20]  }
0x3a2: {  	v40 =	vld [tilespmem:s7+$0x50]  }
0x3a3: {  	v62 =	vld [tilespmem:s7+$0x60]  }
0x3a4: {  	v54 =	vld [tilespmem:s7+$0xFFFFFF80]  }
0x3a5: {  	v55 =	vld [tilespmem:s8+$0x50]  }
0x3a6: {  	v56 =	vld [tilespmem:s8+$0x60]  }
0x3a7: {  	v46 =	vld [tilespmem:s8+$0x0]  }
0x3a8: {  	v47 =	vld [tilespmem:s7+$0x70]  }
0x3a9: {  	v58 =	vld [tilespmem:s8+$0xFFFFFF80]  }
0x3aa: {  	v49 =	vld [tilespmem:s8+$0x70]  }
0x3ab: {  	v59 =	vld [tilespmem:s8+$0xFFFFFFD0]  }
0x3ac: {  	v63 =	vld [tilespmem:s8+$0x40]  }
0x3ad: {  	v50 =	vld [tilespmem:s7+$0x40]  }
0x3ae: {  	v52 =	vld [tilespmem:s7+$0x30]  }
0x3af: {  	v43 =	vld [tilespmem:s7+$0x0];
	vm2 =	veq.s32 v60, v9;
	vm3 =	veq.s32 v61, v9;
	vm4 =	veq.s32 v55, v9  }
0x3b0: {  	v57 =	vld [tilespmem:s8+$0xFFFFFFB0];
	vm5 =	veq.s32 v56, v9;
	v42 =	vmul.f32 $5.119843750e+02, v54;
	v47 =	vmul.f32 $5.119843750e+02, v47  }
0x3b1: {  	vm13 =	veq.s32 v46, v9;
	v41 =	vmul.f32 $5.119843750e+02, v62;
	v40 =	vmul.f32 $5.119843750e+02, v40  }
0x3b2: {  	vm14 =	veq.s32 v49, v9;
	vm15 =	veq.s32 v59, v9;
	vm6 =	veq.s32 v58, v9  }
0x3b3: {  	vm8 =	veq.s32 v63, v9;
	vm9 =	veq.s32 v37, v9;
	v58 =	vmul.f32 $5.119843750e+02, v50  }
0x3b4: {  	v59 =	vmul.f32 $5.119843750e+02, v52;
	v43 =	vmul.f32 $5.119843750e+02, v43;
	v48 =	vsel vm2, v30, v29  }
0x3b5: {  	v44 =	vld [tilespmem:s7+$0xFFFFFFE0];
	vm2 =	veq.s32 v57, v9;
	v42 =	vtrunc.f32 v42;
	v47 =	vtrunc.f32 v47  }
0x3b6: {  	v60 =	vld [tilespmem:s8+$0x10];
	v61 =	vsel vm4, v30, v29;
	v55 =	vtrunc.f32 v41;
	v40 =	vtrunc.f32 v40  }
0x3b7: {  	v56 =	vld [tilespmem:s7+$0x20];
	v46 =	vsel vm5, v30, v29;
	v49 =	vtrunc.f32 v58;
	v45 =	vtrunc.f32 v59  }
0x3b8: {  	v63 =	vld [tilespmem:s7+$0xFFFFFFF0];
	v51 =	vsel vm13, v30, v29;
	v43 =	vtrunc.f32 v43;
	v42 =	vcvt.f32.s32 v42  }
0x3b9: {  	v54 =	vld [tilespmem:s7+$0xFFFFFFC0];
	v62 =	vsel vm6, v30, v29;
	v39 =	vcvt.f32.s32 v55;
	v40 =	vcvt.f32.s32 v40  }
0x3ba: {  	v53 =	vsel vm14, v30, v29;
	v41 =	vld [tilespmem:s7+$0x10];
	v57 =	vcvt.f32.s32 v47;
	v45 =	vcvt.f32.s32 v45  }
0x3bb: {  	v50 =	vld [tilespmem:s8+$0xFFFFFFF0];
	v59 =	vsel vm3, v30, v29;
	v49 =	vcvt.f32.s32 v49;
	v43 =	vcvt.f32.s32 v43  }
0x3bc: {  	vm7 =	veq.s32 v60, v9;
	v40 =	vadd.s32 v40, v61;
	v42 =	vadd.s32 v42, v62;
	v61 =	vld [tilespmem:s7+$0xFFFFFFD0]  }
0x3bd: {  	v60 =	vsel vm8, v30, v29;
	v38 =	vmul.f32 $5.119843750e+02, v56;
	v37 =	vadd.s32 v57, v53;
	v62 =	vld [tilespmem:s7+$0xFFFFFFB0]  }
0x3be: {  	v56 =	vld [tilespmem:s7+$0xFFFFFFA0];
	v57 =	vsel vm9, v30, v29;
	v47 =	vmul.f32 $5.119843750e+02, v63;
	v52 =	vmul.f32 $5.119843750e+02, v54  }
0x3bf: {  	v39 =	vadd.s32 v39, v46;
	v46 =	vmul.f32 $5.119843750e+02, v44;
	v44 =	vld [tilespmem:s8+$0xFFFFFFC0];
	v41 =	vmul.f32 $5.119843750e+02, v41  }
0x3c0: {  	v45 =	vadd.s32 v45, v57;
	v57 =	vld [tilespmem:s7+$0xFFFFFF90];
	v38 =	vtrunc.f32 v38;
	v53 =	vtrunc.f32 v47  }
0x3c1: {  	v49 =	vadd.s32 v49, v60;
	v60 =	vld [tilespmem:s8+$0xFFFFFFA0];
	v38 =	vcvt.f32.s32 v38;
	v41 =	vtrunc.f32 v41  }
0x3c2: {  	v55 =	vsel vm7, v30, v29;
	v41 =	vcvt.f32.s32 v41;
	[tilespmem:v40+s2+$0x0] =	vst.idx.add.f32.msk $0xffff, v14;
	v58 =	vmul.f32 $5.119843750e+02, v62  }
0x3c3: {  	v63 =	vmul.f32 $5.119843750e+02, v61;
	[tilespmem:v42+s2+$0x0] =	vst.idx.add.f32.msk $0xffff, v14;
	v61 =	vmul.f32 $5.119843750e+02, v56;
	v38 =	vadd.s32 v38, v59  }
0x3c4: {  	v62 =	vsel vm2, v30, v29;
	vm2 =	veq.s32 v50, v9;
	[tilespmem:v37+s2+$0x0] =	vst.idx.add.f32.msk $0xffff, v14;
	v42 =	vtrunc.f32 v58  }
0x3c5: {  	[tilespmem:v39+s2+$0x0] =	vst.idx.add.f32.msk $0xffff, v14;
	v56 =	vmul.f32 $5.119843750e+02, v57;
	v57 =	vadd.s32 v43, v51;
	v42 =	vcvt.f32.s32 v42  }
0x3c6: {  	v59 =	vcvt.f32.s32 v53;
	[tilespmem:v45+s2+$0x0] =	vst.idx.add.f32.msk $0xffff, v14;
	v45 =	vsel vm15, v30, v29;
	v41 =	vadd.s32 v41, v55  }
0x3c7: {  	[tilespmem:v49+s2+$0x0] =	vst.idx.add.f32.msk $0xffff, v14;
	v40 =	vtrunc.f32 v63;
	v63 =	vtrunc.f32 v61;
	v47 =	vadd.s32 v42, v62  }
0x3c8: {  	v50 =	vsel vm2, v30, v29;
	v55 =	vcvt.f32.s32 v63;
	v40 =	vcvt.f32.s32 v40;
	[tilespmem:v38+s2+$0x0] =	vst.idx.add.f32.msk $0xffff, v14  }
0x3c9: {  	vm2 =	veq.s32 v60, v9;
	v60 =	vtrunc.f32 v56;
	v63 =	vtrunc.f32 v46;
	v42 =	vld [tilespmem:s8+$0xFFFFFFE0]  }
0x3ca: {  	v58 =	vsel vm2, v30, v29;
	v61 =	vcvt.f32.s32 v60;
	v43 =	vcvt.f32.s32 v63;
	[tilespmem:v57+s2+$0x0] =	vst.idx.add.f32.msk $0xffff, v14  }
0x3cb: {  	v38 =	vadd.s32 v55, v58;
	v62 =	vtrunc.f32 v52;
	v39 =	vadd.s32 v40, v45;
	[tilespmem:v41+s2+$0x0] =	vst.idx.add.f32.msk $0xffff, v14  }
0x3cc: {  	s19 =	simm.s32 $0xB180;
	s8 =	simm.s32 $0x0;
	v45 =	vadd.s32 v59, v50;
	v40 =	vadd.s32 v61, v48;
	v41 =	vcvt.f32.s32 v62;
	[tilespmem:v47+s2+$0x0] =	vst.idx.add.f32.msk $0xffff, v14  }
.LBB2_21:
0x3cd: {  	v46 =	vld [tilespmem:s19+$0x30];
	s8 =	sadd.s32 $0x100, s8;
	s7 =	sadd.s32 $0x100, s7  }
0x3ce: {  	v47 =	vld [tilespmem:s7+$0x30];
	p2 =	slt.u32 s8, $0x3F00;
	vm2 =	veq.s32 v44, v9  }
0x3cf: {  	v44 =	vld [tilespmem:s7+$0x40]  }
0x3d0: {  	v37 =	vld [tilespmem:s19+$0xFFFFFF90]  }
0x3d1: {  	[tilespmem:v45+s2+$0x0] =	vst.idx.add.f32.msk $0xffff, v14  }
0x3d2: {  	v45 =	vld [tilespmem:s19+$0x40]  }
0x3d3: {  	v48 =	vld [tilespmem:s19+$0x10]  }
0x3d4: {  	v49 =	vld [tilespmem:s19+$0x20]  }
0x3d5: {  	vm3 =	veq.s32 v37, v9;
	v50 =	vld [tilespmem:s7+$0x50]  }
0x3d6: {  	v51 =	vld [tilespmem:s7+$0x60]  }
0x3d7: {  	v52 =	vld [tilespmem:s7+$0x70]  }
0x3d8: {  	v53 =	vld [tilespmem:s7+$0xFFFFFF80]  }
0x3d9: {  	vm4 =	veq.s32 v42, v9;
	v54 =	vld [tilespmem:s19+$0x50]  }
0x3da: {  	v37 =	vsel vm4, v30, v29;
	v42 =	vld [tilespmem:s19+$0x60]  }
0x3db: {  	v43 =	vadd.s32 v43, v37;
	v55 =	vld [tilespmem:s19+$0xFFFFFFB0]  }
0x3dc: {  	v37 =	vsel vm2, v30, v29;
	v56 =	vld [tilespmem:s19+$0x0]  }
0x3dd: {  	v41 =	vadd.s32 v41, v37;
	v57 =	vld [tilespmem:s19+$0xFFFFFF80]  }
0x3de: {  	v37 =	vsel vm3, v30, v29;
	v58 =	vld [tilespmem:s19+$0x70]  }
0x3df: {  	vm3 =	veq.s32 v49, v9;
	vm4 =	veq.s32 v54, v9;
	v59 =	vld [tilespmem:s19+$0xFFFFFFD0];
	vm5 =	veq.s32 v42, v9  }
0x3e0: {  	v42 =	vmul.f32 $5.119843750e+02, v53;
	v49 =	vsel vm4, v30, v29;
	vm2 =	veq.s32 v55, v9;
	[tilespmem:v38+s2+$0x0] =	vst.idx.add.f32.msk $0xffff, v14  }
0x3e1: {  	v52 =	vmul.f32 $5.119843750e+02, v52;
	v38 =	vsel vm5, v30, v29;
	vm4 =	veq.s32 v56, v9;
	[tilespmem:v39+s2+$0x0] =	vst.idx.add.f32.msk $0xffff, v14  }
0x3e2: {  	v51 =	vmul.f32 $5.119843750e+02, v51;
	v39 =	vtrunc.f32 v42;
	v42 =	vsel vm4, v30, v29;
	[tilespmem:v43+s2+$0x0] =	vst.idx.add.f32.msk $0xffff, v14  }
0x3e3: {  	v43 =	vmul.f32 $5.119843750e+02, v50;
	v50 =	vtrunc.f32 v52;
	vm5 =	veq.s32 v58, v9;
	[tilespmem:v40+s2+$0x0] =	vst.idx.add.f32.msk $0xffff, v14  }
0x3e4: {  	v39 =	vcvt.f32.s32 v39;
	v40 =	vtrunc.f32 v51;
	vm4 =	veq.s32 v59, v9;
	[tilespmem:v41+s2+$0x0] =	vst.idx.add.f32.msk $0xffff, v14  }
0x3e5: {  	vm6 =	veq.s32 v57, v9;
	v43 =	vtrunc.f32 v43;
	v40 =	vcvt.f32.s32 v40;
	v41 =	vld [tilespmem:s7+$0x20]  }
0x3e6: {  	vm8 =	veq.s32 v45, v9;
	vm7 =	veq.s32 v48, v9;
	v43 =	vcvt.f32.s32 v43;
	v51 =	vld [tilespmem:s7+$0x10]  }
0x3e7: {  	vm9 =	veq.s32 v46, v9;
	v38 =	vadd.s32 v40, v38;
	v40 =	vcvt.f32.s32 v50;
	v45 =	vld [tilespmem:s7+$0x0]  }
0x3e8: {  	v44 =	vmul.f32 $5.119843750e+02, v44;
	v46 =	vsel vm6, v30, v29;
	v43 =	vadd.s32 v43, v49;
	v48 =	vld [tilespmem:s7+$0xFFFFFFF0]  }
0x3e9: {  	v47 =	vmul.f32 $5.119843750e+02, v47;
	v39 =	vadd.s32 v39, v46;
	v49 =	vsel vm8, v30, v29;
	v46 =	vld [tilespmem:s7+$0xFFFFFFE0]  }
0x3ea: {  	v44 =	vtrunc.f32 v44;
	v52 =	vsel vm5, v30, v29;
	v50 =	vld [tilespmem:s7+$0xFFFFFFD0];
	v41 =	vmul.f32 $5.119843750e+02, v41  }
0x3eb: {  	v47 =	vtrunc.f32 v47;
	v40 =	vadd.s32 v40, v52;
	v53 =	vld [tilespmem:s7+$0xFFFFFFC0];
	v51 =	vmul.f32 $5.119843750e+02, v51  }
0x3ec: {  	v47 =	vcvt.f32.s32 v47;
	v44 =	vcvt.f32.s32 v44;
	v54 =	vsel vm7, v30, v29;
	v52 =	vld [tilespmem:s7+$0xFFFFFFB0]  }
0x3ed: {  	v56 =	vsel vm9, v30, v29;
	v45 =	vmul.f32 $5.119843750e+02, v45;
	v55 =	vld [tilespmem:s7+$0xFFFFFFA0];
	v51 =	vtrunc.f32 v51  }
0x3ee: {  	v47 =	vadd.s32 v47, v56;
	v48 =	vmul.f32 $5.119843750e+02, v48;
	v57 =	vld [tilespmem:s7+$0xFFFFFF90];
	v51 =	vcvt.f32.s32 v51  }
0x3ef: {  	v44 =	vadd.s32 v44, v49;
	v41 =	vtrunc.f32 v41;
	v50 =	vmul.f32 $5.119843750e+02, v50;
	[tilespmem:v43+s2+$0x0] =	vst.idx.add.f32.msk $0xffff, v14  }
0x3f0: {  	v41 =	vcvt.f32.s32 v41;
	v43 =	vmul.f32 $5.119843750e+02, v53;
	v49 =	vld [tilespmem:s19+$0xFFFFFFF0];
	v51 =	vadd.s32 v51, v54  }
0x3f1: {  	v45 =	vtrunc.f32 v45;
	[tilespmem:v39+s2+$0x0] =	vst.idx.add.f32.msk $0xffff, v14;
	v39 =	vmul.f32 $5.119843750e+02, v52;
	v52 =	vsel vm3, v30, v29  }
0x3f2: {  	v46 =	vmul.f32 $5.119843750e+02, v46;
	v53 =	vld [tilespmem:s19+$0xFFFFFFA0];
	v54 =	vmul.f32 $5.119843750e+02, v55;
	v41 =	vadd.s32 v41, v52  }
0x3f3: {  	v50 =	vtrunc.f32 v50;
	v52 =	vsel vm4, v30, v29;
	v39 =	vtrunc.f32 v39;
	[tilespmem:v47+s2+$0x0] =	vst.idx.add.f32.msk $0xffff, v14  }
0x3f4: {  	v45 =	vcvt.f32.s32 v45;
	v47 =	vsel vm2, v30, v29;
	v39 =	vcvt.f32.s32 v39;
	[tilespmem:v44+s2+$0x0] =	vst.idx.add.f32.msk $0xffff, v14  }
0x3f5: {  	v48 =	vtrunc.f32 v48;
	v44 =	vtrunc.f32 v54;
	vm2 =	veq.s32 v49, v9;
	[tilespmem:v51+s2+$0x0] =	vst.idx.add.f32.msk $0xffff, v14  }
0x3f6: {  	v44 =	vcvt.f32.s32 v44;
	v47 =	vadd.s32 v39, v47;
	v49 =	vsel vm2, v30, v29;
	[tilespmem:v40+s2+$0x0] =	vst.idx.add.f32.msk $0xffff, v14  }
0x3f7: {  	v51 =	vadd.s32 v45, v42;
	v39 =	vmul.f32 $5.119843750e+02, v57;
	vm2 =	veq.s32 v53, v9;
	[tilespmem:v41+s2+$0x0] =	vst.idx.add.f32.msk $0xffff, v14  }
.Ltmp13:
0x3f8: {  	v45 =	vcvt.f32.s32 v48;
	v41 =	vcvt.f32.s32 v50;
	v40 =	vsel vm2, v30, v29;
	[tilespmem:v38+s2+$0x0] =	vst.idx.add.f32.msk $0xffff, v14;
	(pc) =	sbr.rel @p2 .LBB2_21-.Ltmp13, $4  }
0x3f9: {  	v39 =	vtrunc.f32 v39;
	v38 =	vadd.s32 v44, v40;
	v44 =	vld [tilespmem:s19+$0xFFFFFFC0];
	v40 =	vtrunc.f32 v46  }
0x3fa: {  	v43 =	vtrunc.f32 v43;
	v46 =	vcvt.f32.s32 v39;
	v39 =	vadd.s32 v41, v52;
	v42 =	vld [tilespmem:s19+$0xFFFFFFE0]  }
0x3fb: {  	v45 =	vadd.s32 v45, v49;
	v41 =	vcvt.f32.s32 v43;
	v43 =	vcvt.f32.s32 v40;
	[tilespmem:v47+s2+$0x0] =	vst.idx.add.f32.msk $0xffff, v14  }
0x3fc: {  	s19 =	sadd.s32 $0x100, s19;
	v40 =	vadd.s32 v46, v37;
	[tilespmem:v51+s2+$0x0] =	vst.idx.add.f32.msk $0xffff, v14  }
0x3fd: {  	_ =	sdelay $0x1  }
0x3fe: {  	vm2 =	veq.s32 v42, v9  }
0x3ff: {  	v37 =	vsel vm2, v30, v29;
	vm2 =	veq.s32 v44, v9  }
0x400: {  	v37 =	vadd.s32 v43, v37;
	v59 =	vsel vm2, v30, v29  }
0x401: {  	[tilespmem:v45+s2+$0x0] =	vst.idx.add.f32.msk $0xffff, v14;
	v41 =	vadd.s32 v41, v59  }
0x402: {  	[tilespmem:v38+s2+$0x0] =	vst.idx.add.f32.msk $0xffff, v14  }
0x403: {  	[tilespmem:v39+s2+$0x0] =	vst.idx.add.f32.msk $0xffff, v14  }
0x404: {  	[tilespmem:v40+s2+$0x0] =	vst.idx.add.f32.msk $0xffff, v14  }
0x405: {  	[tilespmem:v37+s2+$0x0] =	vst.idx.add.f32.msk $0xffff, v14  }
0x406: {  	[tilespmem:v41+s2+$0x0] =	vst.idx.add.f32.msk $0xffff, v14  }
0x407: {  	s7 =	sor.u32 s18, s21;
	_ =	swait.ge [sflag:s28], $0x4000  }
0x408: {  	s7 =	sshrl.u32 s7, $0x3;
	[sflag:s28] =	ssyncset.done $0x0  }
0x409: {  	s8 =	simm.s32 $0xB080;
	s7 =	sadd.s32 s3, s7;
	[sflag:s28] =	ssyncadd.s32 $0xFFFFC000  }
0x40a: {  	[tilespmem:s24], [sflag:$0x2] =	stream.linear.gather [hbm4b:s7+s2], $0x4000, $0x38;
	[tilespmem:$0x1E480] =	vst v63  }
0x40b: {  	v37 =	vld [tilespmem:s8+$0x30]  }
0x40c: {  	v60 =	vld [tilespmem:s8+$0xFFFFFF90]  }
0x40d: {  	s7 =	simm.s32 $0x17080;
	v61 =	vld [tilespmem:s8+$0x20]  }
0x40e: {  	v40 =	vld [tilespmem:s7+$0x50]  }
0x40f: {  	v62 =	vld [tilespmem:s7+$0x60]  }
0x410: {  	v54 =	vld [tilespmem:s7+$0xFFFFFF80]  }
0x411: {  	v55 =	vld [tilespmem:s8+$0x50]  }
0x412: {  	v56 =	vld [tilespmem:s8+$0x60]  }
0x413: {  	v46 =	vld [tilespmem:s8+$0x0]  }
0x414: {  	v47 =	vld [tilespmem:s7+$0x70]  }
0x415: {  	v58 =	vld [tilespmem:s8+$0xFFFFFF80]  }
0x416: {  	v49 =	vld [tilespmem:s8+$0x70]  }
0x417: {  	v59 =	vld [tilespmem:s8+$0xFFFFFFD0]  }
0x418: {  	v63 =	vld [tilespmem:s8+$0x40]  }
0x419: {  	v50 =	vld [tilespmem:s7+$0x40]  }
0x41a: {  	v52 =	vld [tilespmem:s7+$0x30]  }
0x41b: {  	v43 =	vld [tilespmem:s7+$0x0];
	vm2 =	veq.s32 v60, v10;
	vm3 =	veq.s32 v61, v10;
	vm4 =	veq.s32 v55, v10  }
0x41c: {  	v57 =	vld [tilespmem:s8+$0xFFFFFFB0];
	vm5 =	veq.s32 v56, v10;
	v42 =	vmul.f32 $5.119843750e+02, v54;
	v47 =	vmul.f32 $5.119843750e+02, v47  }
0x41d: {  	vm13 =	veq.s32 v46, v10;
	v41 =	vmul.f32 $5.119843750e+02, v62;
	v40 =	vmul.f32 $5.119843750e+02, v40  }
0x41e: {  	vm14 =	veq.s32 v49, v10;
	vm15 =	veq.s32 v59, v10;
	vm6 =	veq.s32 v58, v10  }
0x41f: {  	vm8 =	veq.s32 v63, v10;
	vm9 =	veq.s32 v37, v10;
	v58 =	vmul.f32 $5.119843750e+02, v50  }
0x420: {  	v59 =	vmul.f32 $5.119843750e+02, v52;
	v43 =	vmul.f32 $5.119843750e+02, v43;
	v48 =	vsel vm2, v32, v31  }
0x421: {  	v44 =	vld [tilespmem:s7+$0xFFFFFFE0];
	vm2 =	veq.s32 v57, v10;
	v42 =	vtrunc.f32 v42;
	v47 =	vtrunc.f32 v47  }
0x422: {  	v60 =	vld [tilespmem:s8+$0x10];
	v61 =	vsel vm4, v32, v31;
	v55 =	vtrunc.f32 v41;
	v40 =	vtrunc.f32 v40  }
0x423: {  	v56 =	vld [tilespmem:s7+$0x20];
	v46 =	vsel vm5, v32, v31;
	v49 =	vtrunc.f32 v58;
	v45 =	vtrunc.f32 v59  }
0x424: {  	v63 =	vld [tilespmem:s7+$0xFFFFFFF0];
	v51 =	vsel vm13, v32, v31;
	v43 =	vtrunc.f32 v43;
	v42 =	vcvt.f32.s32 v42  }
0x425: {  	v54 =	vld [tilespmem:s7+$0xFFFFFFC0];
	v62 =	vsel vm6, v32, v31;
	v39 =	vcvt.f32.s32 v55;
	v40 =	vcvt.f32.s32 v40  }
0x426: {  	v53 =	vsel vm14, v32, v31;
	v41 =	vld [tilespmem:s7+$0x10];
	v57 =	vcvt.f32.s32 v47;
	v45 =	vcvt.f32.s32 v45  }
0x427: {  	v50 =	vld [tilespmem:s8+$0xFFFFFFF0];
	v59 =	vsel vm3, v32, v31;
	v49 =	vcvt.f32.s32 v49;
	v43 =	vcvt.f32.s32 v43  }
0x428: {  	vm7 =	veq.s32 v60, v10;
	v40 =	vadd.s32 v40, v61;
	v42 =	vadd.s32 v42, v62;
	v61 =	vld [tilespmem:s7+$0xFFFFFFD0]  }
0x429: {  	v60 =	vsel vm8, v32, v31;
	v38 =	vmul.f32 $5.119843750e+02, v56;
	v37 =	vadd.s32 v57, v53;
	v62 =	vld [tilespmem:s7+$0xFFFFFFB0]  }
0x42a: {  	v56 =	vld [tilespmem:s7+$0xFFFFFFA0];
	v57 =	vsel vm9, v32, v31;
	v47 =	vmul.f32 $5.119843750e+02, v63;
	v52 =	vmul.f32 $5.119843750e+02, v54  }
0x42b: {  	v39 =	vadd.s32 v39, v46;
	v46 =	vmul.f32 $5.119843750e+02, v44;
	v44 =	vld [tilespmem:s8+$0xFFFFFFC0];
	v41 =	vmul.f32 $5.119843750e+02, v41  }
0x42c: {  	v45 =	vadd.s32 v45, v57;
	v57 =	vld [tilespmem:s7+$0xFFFFFF90];
	v38 =	vtrunc.f32 v38;
	v53 =	vtrunc.f32 v47  }
0x42d: {  	v49 =	vadd.s32 v49, v60;
	v60 =	vld [tilespmem:s8+$0xFFFFFFA0];
	v38 =	vcvt.f32.s32 v38;
	v41 =	vtrunc.f32 v41  }
0x42e: {  	v55 =	vsel vm7, v32, v31;
	v41 =	vcvt.f32.s32 v41;
	[tilespmem:v40+s2+$0x0] =	vst.idx.add.f32.msk $0xffff, v14;
	v58 =	vmul.f32 $5.119843750e+02, v62  }
0x42f: {  	v63 =	vmul.f32 $5.119843750e+02, v61;
	[tilespmem:v42+s2+$0x0] =	vst.idx.add.f32.msk $0xffff, v14;
	v61 =	vmul.f32 $5.119843750e+02, v56;
	v38 =	vadd.s32 v38, v59  }
0x430: {  	v62 =	vsel vm2, v32, v31;
	vm2 =	veq.s32 v50, v10;
	[tilespmem:v37+s2+$0x0] =	vst.idx.add.f32.msk $0xffff, v14;
	v42 =	vtrunc.f32 v58  }
0x431: {  	[tilespmem:v39+s2+$0x0] =	vst.idx.add.f32.msk $0xffff, v14;
	v56 =	vmul.f32 $5.119843750e+02, v57;
	v57 =	vadd.s32 v43, v51;
	v42 =	vcvt.f32.s32 v42  }
0x432: {  	v59 =	vcvt.f32.s32 v53;
	[tilespmem:v45+s2+$0x0] =	vst.idx.add.f32.msk $0xffff, v14;
	v45 =	vsel vm15, v32, v31;
	v41 =	vadd.s32 v41, v55  }
0x433: {  	[tilespmem:v49+s2+$0x0] =	vst.idx.add.f32.msk $0xffff, v14;
	v40 =	vtrunc.f32 v63;
	v63 =	vtrunc.f32 v61;
	v47 =	vadd.s32 v42, v62  }
0x434: {  	v50 =	vsel vm2, v32, v31;
	v55 =	vcvt.f32.s32 v63;
	v40 =	vcvt.f32.s32 v40;
	[tilespmem:v38+s2+$0x0] =	vst.idx.add.f32.msk $0xffff, v14  }
0x435: {  	vm2 =	veq.s32 v60, v10;
	v60 =	vtrunc.f32 v56;
	v63 =	vtrunc.f32 v46;
	v42 =	vld [tilespmem:s8+$0xFFFFFFE0]  }
0x436: {  	v58 =	vsel vm2, v32, v31;
	v61 =	vcvt.f32.s32 v60;
	v43 =	vcvt.f32.s32 v63;
	[tilespmem:v57+s2+$0x0] =	vst.idx.add.f32.msk $0xffff, v14  }
0x437: {  	v38 =	vadd.s32 v55, v58;
	v62 =	vtrunc.f32 v52;
	v39 =	vadd.s32 v40, v45;
	[tilespmem:v41+s2+$0x0] =	vst.idx.add.f32.msk $0xffff, v14  }
0x438: {  	s19 =	simm.s32 $0xB180;
	s8 =	simm.s32 $0x0;
	v45 =	vadd.s32 v59, v50;
	v40 =	vadd.s32 v61, v48;
	v41 =	vcvt.f32.s32 v62;
	[tilespmem:v47+s2+$0x0] =	vst.idx.add.f32.msk $0xffff, v14  }
.LBB2_23:
0x439: {  	v46 =	vld [tilespmem:s19+$0x30];
	s8 =	sadd.s32 $0x100, s8;
	s7 =	sadd.s32 $0x100, s7  }
0x43a: {  	v47 =	vld [tilespmem:s7+$0x30];
	p2 =	slt.u32 s8, $0x3F00;
	vm2 =	veq.s32 v44, v10  }
0x43b: {  	v44 =	vld [tilespmem:s7+$0x40]  }
0x43c: {  	v37 =	vld [tilespmem:s19+$0xFFFFFF90]  }
0x43d: {  	[tilespmem:v45+s2+$0x0] =	vst.idx.add.f32.msk $0xffff, v14  }
0x43e: {  	v45 =	vld [tilespmem:s19+$0x40]  }
0x43f: {  	v48 =	vld [tilespmem:s19+$0x10]  }
0x440: {  	v49 =	vld [tilespmem:s19+$0x20]  }
0x441: {  	vm3 =	veq.s32 v37, v10;
	v50 =	vld [tilespmem:s7+$0x50]  }
0x442: {  	v51 =	vld [tilespmem:s7+$0x60]  }
0x443: {  	v52 =	vld [tilespmem:s7+$0x70]  }
0x444: {  	v53 =	vld [tilespmem:s7+$0xFFFFFF80]  }
0x445: {  	vm4 =	veq.s32 v42, v10;
	v54 =	vld [tilespmem:s19+$0x50]  }
0x446: {  	v37 =	vsel vm4, v32, v31;
	v42 =	vld [tilespmem:s19+$0x60]  }
0x447: {  	v43 =	vadd.s32 v43, v37;
	v55 =	vld [tilespmem:s19+$0xFFFFFFB0]  }
0x448: {  	v37 =	vsel vm2, v32, v31;
	v56 =	vld [tilespmem:s19+$0x0]  }
0x449: {  	v41 =	vadd.s32 v41, v37;
	v57 =	vld [tilespmem:s19+$0xFFFFFF80]  }
0x44a: {  	v37 =	vsel vm3, v32, v31;
	v58 =	vld [tilespmem:s19+$0x70]  }
0x44b: {  	vm3 =	veq.s32 v49, v10;
	vm4 =	veq.s32 v54, v10;
	v59 =	vld [tilespmem:s19+$0xFFFFFFD0];
	vm5 =	veq.s32 v42, v10  }
0x44c: {  	v42 =	vmul.f32 $5.119843750e+02, v53;
	v49 =	vsel vm4, v32, v31;
	vm2 =	veq.s32 v55, v10;
	[tilespmem:v38+s2+$0x0] =	vst.idx.add.f32.msk $0xffff, v14  }
0x44d: {  	v52 =	vmul.f32 $5.119843750e+02, v52;
	v38 =	vsel vm5, v32, v31;
	vm4 =	veq.s32 v56, v10;
	[tilespmem:v39+s2+$0x0] =	vst.idx.add.f32.msk $0xffff, v14  }
0x44e: {  	v51 =	vmul.f32 $5.119843750e+02, v51;
	v39 =	vtrunc.f32 v42;
	v42 =	vsel vm4, v32, v31;
	[tilespmem:v43+s2+$0x0] =	vst.idx.add.f32.msk $0xffff, v14  }
0x44f: {  	v43 =	vmul.f32 $5.119843750e+02, v50;
	v50 =	vtrunc.f32 v52;
	vm5 =	veq.s32 v58, v10;
	[tilespmem:v40+s2+$0x0] =	vst.idx.add.f32.msk $0xffff, v14  }
0x450: {  	v39 =	vcvt.f32.s32 v39;
	v40 =	vtrunc.f32 v51;
	vm4 =	veq.s32 v59, v10;
	[tilespmem:v41+s2+$0x0] =	vst.idx.add.f32.msk $0xffff, v14  }
0x451: {  	vm6 =	veq.s32 v57, v10;
	v43 =	vtrunc.f32 v43;
	v40 =	vcvt.f32.s32 v40;
	v41 =	vld [tilespmem:s7+$0x20]  }
0x452: {  	vm8 =	veq.s32 v45, v10;
	vm7 =	veq.s32 v48, v10;
	v43 =	vcvt.f32.s32 v43;
	v51 =	vld [tilespmem:s7+$0x10]  }
0x453: {  	vm9 =	veq.s32 v46, v10;
	v38 =	vadd.s32 v40, v38;
	v40 =	vcvt.f32.s32 v50;
	v45 =	vld [tilespmem:s7+$0x0]  }
0x454: {  	v44 =	vmul.f32 $5.119843750e+02, v44;
	v46 =	vsel vm6, v32, v31;
	v43 =	vadd.s32 v43, v49;
	v48 =	vld [tilespmem:s7+$0xFFFFFFF0]  }
0x455: {  	v47 =	vmul.f32 $5.119843750e+02, v47;
	v39 =	vadd.s32 v39, v46;
	v49 =	vsel vm8, v32, v31;
	v46 =	vld [tilespmem:s7+$0xFFFFFFE0]  }
0x456: {  	v44 =	vtrunc.f32 v44;
	v52 =	vsel vm5, v32, v31;
	v50 =	vld [tilespmem:s7+$0xFFFFFFD0];
	v41 =	vmul.f32 $5.119843750e+02, v41  }
0x457: {  	v47 =	vtrunc.f32 v47;
	v40 =	vadd.s32 v40, v52;
	v53 =	vld [tilespmem:s7+$0xFFFFFFC0];
	v51 =	vmul.f32 $5.119843750e+02, v51  }
0x458: {  	v47 =	vcvt.f32.s32 v47;
	v44 =	vcvt.f32.s32 v44;
	v54 =	vsel vm7, v32, v31;
	v52 =	vld [tilespmem:s7+$0xFFFFFFB0]  }
0x459: {  	v56 =	vsel vm9, v32, v31;
	v45 =	vmul.f32 $5.119843750e+02, v45;
	v55 =	vld [tilespmem:s7+$0xFFFFFFA0];
	v51 =	vtrunc.f32 v51  }
0x45a: {  	v47 =	vadd.s32 v47, v56;
	v48 =	vmul.f32 $5.119843750e+02, v48;
	v57 =	vld [tilespmem:s7+$0xFFFFFF90];
	v51 =	vcvt.f32.s32 v51  }
0x45b: {  	v44 =	vadd.s32 v44, v49;
	v41 =	vtrunc.f32 v41;
	v50 =	vmul.f32 $5.119843750e+02, v50;
	[tilespmem:v43+s2+$0x0] =	vst.idx.add.f32.msk $0xffff, v14  }
0x45c: {  	v41 =	vcvt.f32.s32 v41;
	v43 =	vmul.f32 $5.119843750e+02, v53;
	v49 =	vld [tilespmem:s19+$0xFFFFFFF0];
	v51 =	vadd.s32 v51, v54  }
0x45d: {  	v45 =	vtrunc.f32 v45;
	[tilespmem:v39+s2+$0x0] =	vst.idx.add.f32.msk $0xffff, v14;
	v39 =	vmul.f32 $5.119843750e+02, v52;
	v52 =	vsel vm3, v32, v31  }
0x45e: {  	v46 =	vmul.f32 $5.119843750e+02, v46;
	v53 =	vld [tilespmem:s19+$0xFFFFFFA0];
	v54 =	vmul.f32 $5.119843750e+02, v55;
	v41 =	vadd.s32 v41, v52  }
0x45f: {  	v50 =	vtrunc.f32 v50;
	v52 =	vsel vm4, v32, v31;
	v39 =	vtrunc.f32 v39;
	[tilespmem:v47+s2+$0x0] =	vst.idx.add.f32.msk $0xffff, v14  }
0x460: {  	v45 =	vcvt.f32.s32 v45;
	v47 =	vsel vm2, v32, v31;
	v39 =	vcvt.f32.s32 v39;
	[tilespmem:v44+s2+$0x0] =	vst.idx.add.f32.msk $0xffff, v14  }
0x461: {  	v48 =	vtrunc.f32 v48;
	v44 =	vtrunc.f32 v54;
	vm2 =	veq.s32 v49, v10;
	[tilespmem:v51+s2+$0x0] =	vst.idx.add.f32.msk $0xffff, v14  }
0x462: {  	v44 =	vcvt.f32.s32 v44;
	v47 =	vadd.s32 v39, v47;
	v49 =	vsel vm2, v32, v31;
	[tilespmem:v40+s2+$0x0] =	vst.idx.add.f32.msk $0xffff, v14  }
0x463: {  	v51 =	vadd.s32 v45, v42;
	v39 =	vmul.f32 $5.119843750e+02, v57;
	vm2 =	veq.s32 v53, v10;
	[tilespmem:v41+s2+$0x0] =	vst.idx.add.f32.msk $0xffff, v14  }
.Ltmp14:
0x464: {  	v45 =	vcvt.f32.s32 v48;
	v41 =	vcvt.f32.s32 v50;
	v40 =	vsel vm2, v32, v31;
	[tilespmem:v38+s2+$0x0] =	vst.idx.add.f32.msk $0xffff, v14;
	(pc) =	sbr.rel @p2 .LBB2_23-.Ltmp14, $4  }
0x465: {  	v39 =	vtrunc.f32 v39;
	v38 =	vadd.s32 v44, v40;
	v44 =	vld [tilespmem:s19+$0xFFFFFFC0];
	v40 =	vtrunc.f32 v46  }
0x466: {  	v43 =	vtrunc.f32 v43;
	v46 =	vcvt.f32.s32 v39;
	v39 =	vadd.s32 v41, v52;
	v42 =	vld [tilespmem:s19+$0xFFFFFFE0]  }
0x467: {  	v45 =	vadd.s32 v45, v49;
	v41 =	vcvt.f32.s32 v43;
	v43 =	vcvt.f32.s32 v40;
	[tilespmem:v47+s2+$0x0] =	vst.idx.add.f32.msk $0xffff, v14  }
0x468: {  	s19 =	sadd.s32 $0x100, s19;
	v40 =	vadd.s32 v46, v37;
	[tilespmem:v51+s2+$0x0] =	vst.idx.add.f32.msk $0xffff, v14  }
0x469: {  	_ =	sdelay $0x1  }
0x46a: {  	vm2 =	veq.s32 v42, v10  }
0x46b: {  	v37 =	vsel vm2, v32, v31;
	vm2 =	veq.s32 v44, v10  }
0x46c: {  	v37 =	vadd.s32 v43, v37;
	v63 =	vsel vm2, v32, v31  }
0x46d: {  	[tilespmem:v45+s2+$0x0] =	vst.idx.add.f32.msk $0xffff, v14;
	v41 =	vadd.s32 v41, v63  }
0x46e: {  	[tilespmem:v38+s2+$0x0] =	vst.idx.add.f32.msk $0xffff, v14  }
0x46f: {  	[tilespmem:v39+s2+$0x0] =	vst.idx.add.f32.msk $0xffff, v14  }
0x470: {  	[tilespmem:v40+s2+$0x0] =	vst.idx.add.f32.msk $0xffff, v14  }
0x471: {  	[tilespmem:v37+s2+$0x0] =	vst.idx.add.f32.msk $0xffff, v14  }
.Ltmp15:
0x472: {  	[tilespmem:v41+s2+$0x0] =	vst.idx.add.f32.msk $0xffff, v14;
	(pc) =	sbr.rel @p1 .LBB2_28-.Ltmp15, $4  }
0x473: {  	s7 =	sor.u32 s6, s23;
	_ =	swait.ge [sflag:s28], $0x4000  }
0x474: {  	s7 =	sshrl.u32 s7, $0x3;
	[sflag:s28] =	ssyncset.done $0x0  }
0x475: {  	s7 =	sadd.s32 s3, s7;
	[sflag:s28] =	ssyncadd.s32 $0xFFFFC000  }
0x476: {  	[tilespmem:s29], [sflag:$0x2] =	stream.linear.gather [hbm4b:s7+s2], $0x4000, $0x38;
	[tilespmem:$0x1E480] =	vst v63  }
0x477: {  	s8 =	simm.s32 $0xB080  }
0x478: {  	v37 =	vld [tilespmem:s8+$0x30]  }
0x479: {  	v38 =	vld [tilespmem:s8+$0xFFFFFF90]  }
0x47a: {  	s7 =	simm.s32 $0x13080;
	v39 =	vld [tilespmem:s8+$0x20]  }
0x47b: {  	v40 =	vld [tilespmem:s7+$0x50]  }
0x47c: {  	v41 =	vld [tilespmem:s7+$0x60]  }
0x47d: {  	v42 =	vld [tilespmem:s7+$0xFFFFFF80]  }
0x47e: {  	v43 =	vld [tilespmem:s8+$0x50]  }
0x47f: {  	v44 =	vld [tilespmem:s8+$0x60]  }
0x480: {  	v45 =	vld [tilespmem:s8+$0xFFFFFFB0]  }
0x481: {  	v46 =	vld [tilespmem:s8+$0x0]  }
0x482: {  	v47 =	vld [tilespmem:s7+$0x70]  }
0x483: {  	v58 =	vld [tilespmem:s8+$0xFFFFFF80]  }
0x484: {  	v49 =	vld [tilespmem:s8+$0x70]  }
0x485: {  	v59 =	vld [tilespmem:s8+$0xFFFFFFD0]  }
0x486: {  	v60 =	vld [tilespmem:s8+$0x10]  }
0x487: {  	v63 =	vld [tilespmem:s8+$0x40]  }
0x488: {  	v50 =	vld [tilespmem:s7+$0x40]  }
0x489: {  	v52 =	vld [tilespmem:s7+$0x30]  }
0x48a: {  	v56 =	vld [tilespmem:s7+$0x20];
	vm2 =	veq.s32 v38, v11;
	vm3 =	veq.s32 v39, v11;
	vm4 =	veq.s32 v43, v11  }
0x48b: {  	v54 =	vld [tilespmem:s7+$0xFFFFFFC0];
	vm5 =	veq.s32 v44, v11;
	v42 =	vmul.f32 $5.119843750e+02, v42;
	v47 =	vmul.f32 $5.119843750e+02, v47  }
0x48c: {  	vm13 =	veq.s32 v46, v11;
	v41 =	vmul.f32 $5.119843750e+02, v41;
	v40 =	vmul.f32 $5.119843750e+02, v40  }
0x48d: {  	vm14 =	veq.s32 v49, v11;
	vm15 =	veq.s32 v59, v11;
	vm6 =	veq.s32 v58, v11  }
0x48e: {  	vm7 =	veq.s32 v60, v11;
	vm8 =	veq.s32 v63, v11;
	v58 =	vmul.f32 $5.119843750e+02, v50  }
0x48f: {  	vm9 =	veq.s32 v37, v11;
	v59 =	vmul.f32 $5.119843750e+02, v52;
	v38 =	vmul.f32 $5.119843750e+02, v56  }
0x490: {  	v52 =	vmul.f32 $5.119843750e+02, v54;
	v48 =	vsel vm2, v34, v33;
	vm2 =	veq.s32 v45, v11  }
0x491: {  	v61 =	vsel vm4, v34, v33;
	v42 =	vtrunc.f32 v42;
	v47 =	vtrunc.f32 v47  }
0x492: {  	v43 =	vld [tilespmem:s7+$0x0];
	v46 =	vsel vm5, v34, v33;
	v55 =	vtrunc.f32 v41;
	v40 =	vtrunc.f32 v40  }
0x493: {  	v63 =	vld [tilespmem:s7+$0xFFFFFFF0];
	v51 =	vsel vm13, v34, v33;
	v49 =	vtrunc.f32 v58;
	v45 =	vtrunc.f32 v59  }
0x494: {  	v44 =	vld [tilespmem:s7+$0xFFFFFFE0];
	v62 =	vsel vm6, v34, v33;
	v38 =	vtrunc.f32 v38;
	v42 =	vcvt.f32.s32 v42  }
0x495: {  	v60 =	vsel vm8, v34, v33;
	v41 =	vld [tilespmem:s7+$0x10];
	v39 =	vcvt.f32.s32 v55;
	v40 =	vcvt.f32.s32 v40  }
0x496: {  	v56 =	vld [tilespmem:s7+$0xFFFFFFA0];
	v53 =	vsel vm14, v34, v33;
	v57 =	vcvt.f32.s32 v47;
	v45 =	vcvt.f32.s32 v45  }
0x497: {  	v50 =	vld [tilespmem:s8+$0xFFFFFFF0];
	v49 =	vcvt.f32.s32 v49;
	v38 =	vcvt.f32.s32 v38;
	v40 =	vadd.s32 v40, v61  }
0x498: {  	v42 =	vadd.s32 v42, v62;
	v37 =	vadd.s32 v57, v53;
	v62 =	vld [tilespmem:s7+$0xFFFFFFB0];
	v57 =	vsel vm9, v34, v33  }
0x499: {  	v61 =	vld [tilespmem:s7+$0xFFFFFFD0];
	v43 =	vmul.f32 $5.119843750e+02, v43;
	v47 =	vmul.f32 $5.119843750e+02, v63;
	v49 =	vadd.s32 v49, v60  }
0x49a: {  	v60 =	vld [tilespmem:s8+$0xFFFFFFA0];
	v39 =	vadd.s32 v39, v46;
	v46 =	vmul.f32 $5.119843750e+02, v44;
	v41 =	vmul.f32 $5.119843750e+02, v41  }
0x49b: {  	v45 =	vadd.s32 v45, v57;
	v57 =	vld [tilespmem:s7+$0xFFFFFF90];
	v43 =	vtrunc.f32 v43;
	v53 =	vtrunc.f32 v47  }
0x49c: {  	v59 =	vsel vm3, v34, v33;
	v44 =	vld [tilespmem:s8+$0xFFFFFFC0];
	v43 =	vcvt.f32.s32 v43;
	v41 =	vtrunc.f32 v41  }
0x49d: {  	v38 =	vadd.s32 v38, v59;
	v41 =	vcvt.f32.s32 v41;
	[tilespmem:v40+s2+$0x0] =	vst.idx.add.f32.msk $0xffff, v14;
	v58 =	vmul.f32 $5.119843750e+02, v62  }
0x49e: {  	v55 =	vsel vm7, v34, v33;
	v63 =	vmul.f32 $5.119843750e+02, v61;
	[tilespmem:v42+s2+$0x0] =	vst.idx.add.f32.msk $0xffff, v14;
	v61 =	vmul.f32 $5.119843750e+02, v56  }
0x49f: {  	[tilespmem:v49+s2+$0x0] =	vst.idx.add.f32.msk $0xffff, v14;
	v62 =	vsel vm2, v34, v33;
	vm2 =	veq.s32 v50, v11;
	v42 =	vtrunc.f32 v58  }
0x4a0: {  	[tilespmem:v37+s2+$0x0] =	vst.idx.add.f32.msk $0xffff, v14;
	v56 =	vmul.f32 $5.119843750e+02, v57;
	v57 =	vadd.s32 v43, v51;
	v42 =	vcvt.f32.s32 v42  }
0x4a1: {  	v59 =	vcvt.f32.s32 v53;
	[tilespmem:v45+s2+$0x0] =	vst.idx.add.f32.msk $0xffff, v14;
	v45 =	vsel vm15, v34, v33;
	v41 =	vadd.s32 v41, v55  }
0x4a2: {  	[tilespmem:v38+s2+$0x0] =	vst.idx.add.f32.msk $0xffff, v14;
	v40 =	vtrunc.f32 v63;
	v63 =	vtrunc.f32 v61;
	v47 =	vadd.s32 v42, v62  }
0x4a3: {  	[tilespmem:v39+s2+$0x0] =	vst.idx.add.f32.msk $0xffff, v14;
	v50 =	vsel vm2, v34, v33;
	v55 =	vcvt.f32.s32 v63;
	v40 =	vcvt.f32.s32 v40  }
0x4a4: {  	vm2 =	veq.s32 v60, v11;
	v60 =	vtrunc.f32 v56;
	v63 =	vtrunc.f32 v46;
	v42 =	vld [tilespmem:s8+$0xFFFFFFE0]  }
0x4a5: {  	v58 =	vsel vm2, v34, v33;
	v61 =	vcvt.f32.s32 v60;
	v43 =	vcvt.f32.s32 v63;
	[tilespmem:v57+s2+$0x0] =	vst.idx.add.f32.msk $0xffff, v14  }
0x4a6: {  	v38 =	vadd.s32 v55, v58;
	v62 =	vtrunc.f32 v52;
	v39 =	vadd.s32 v40, v45;
	[tilespmem:v41+s2+$0x0] =	vst.idx.add.f32.msk $0xffff, v14  }
0x4a7: {  	s19 =	simm.s32 $0xB180;
	s8 =	simm.s32 $0x0;
	v45 =	vadd.s32 v59, v50;
	v40 =	vadd.s32 v61, v48;
	v41 =	vcvt.f32.s32 v62;
	[tilespmem:v47+s2+$0x0] =	vst.idx.add.f32.msk $0xffff, v14  }
.LBB2_26:
0x4a8: {  	v46 =	vld [tilespmem:s19+$0x30];
	s8 =	sadd.s32 $0x100, s8;
	s7 =	sadd.s32 $0x100, s7  }
0x4a9: {  	v47 =	vld [tilespmem:s7+$0x30];
	p2 =	slt.u32 s8, $0x3F00;
	vm2 =	veq.s32 v44, v11  }
0x4aa: {  	v44 =	vld [tilespmem:s7+$0x40]  }
0x4ab: {  	v37 =	vld [tilespmem:s19+$0xFFFFFF90]  }
0x4ac: {  	[tilespmem:v45+s2+$0x0] =	vst.idx.add.f32.msk $0xffff, v14  }
0x4ad: {  	v45 =	vld [tilespmem:s19+$0x40]  }
0x4ae: {  	v48 =	vld [tilespmem:s19+$0x10]  }
0x4af: {  	v49 =	vld [tilespmem:s19+$0x20]  }
0x4b0: {  	vm3 =	veq.s32 v37, v11;
	v50 =	vld [tilespmem:s7+$0x50]  }
0x4b1: {  	v51 =	vld [tilespmem:s7+$0x60]  }
0x4b2: {  	v52 =	vld [tilespmem:s7+$0x70]  }
0x4b3: {  	v53 =	vld [tilespmem:s7+$0xFFFFFF80]  }
0x4b4: {  	vm4 =	veq.s32 v42, v11;
	v54 =	vld [tilespmem:s19+$0x50]  }
0x4b5: {  	v37 =	vsel vm4, v34, v33;
	v42 =	vld [tilespmem:s19+$0x60]  }
0x4b6: {  	v43 =	vadd.s32 v43, v37;
	v55 =	vld [tilespmem:s19+$0xFFFFFFB0]  }
0x4b7: {  	v37 =	vsel vm2, v34, v33;
	v56 =	vld [tilespmem:s19+$0x0]  }
0x4b8: {  	v41 =	vadd.s32 v41, v37;
	v57 =	vld [tilespmem:s19+$0xFFFFFF80]  }
0x4b9: {  	v37 =	vsel vm3, v34, v33;
	v58 =	vld [tilespmem:s19+$0x70]  }
0x4ba: {  	vm3 =	veq.s32 v49, v11;
	vm4 =	veq.s32 v54, v11;
	v59 =	vld [tilespmem:s19+$0xFFFFFFD0];
	vm5 =	veq.s32 v42, v11  }
0x4bb: {  	v42 =	vmul.f32 $5.119843750e+02, v53;
	v49 =	vsel vm4, v34, v33;
	vm2 =	veq.s32 v55, v11;
	[tilespmem:v38+s2+$0x0] =	vst.idx.add.f32.msk $0xffff, v14  }
0x4bc: {  	v52 =	vmul.f32 $5.119843750e+02, v52;
	v38 =	vsel vm5, v34, v33;
	vm4 =	veq.s32 v56, v11;
	[tilespmem:v39+s2+$0x0] =	vst.idx.add.f32.msk $0xffff, v14  }
0x4bd: {  	v51 =	vmul.f32 $5.119843750e+02, v51;
	v39 =	vtrunc.f32 v42;
	v42 =	vsel vm4, v34, v33;
	[tilespmem:v43+s2+$0x0] =	vst.idx.add.f32.msk $0xffff, v14  }
0x4be: {  	v43 =	vmul.f32 $5.119843750e+02, v50;
	v50 =	vtrunc.f32 v52;
	vm5 =	veq.s32 v58, v11;
	[tilespmem:v40+s2+$0x0] =	vst.idx.add.f32.msk $0xffff, v14  }
0x4bf: {  	v39 =	vcvt.f32.s32 v39;
	v40 =	vtrunc.f32 v51;
	vm4 =	veq.s32 v59, v11;
	[tilespmem:v41+s2+$0x0] =	vst.idx.add.f32.msk $0xffff, v14  }
0x4c0: {  	vm6 =	veq.s32 v57, v11;
	v43 =	vtrunc.f32 v43;
	v40 =	vcvt.f32.s32 v40;
	v41 =	vld [tilespmem:s7+$0x20]  }
0x4c1: {  	vm8 =	veq.s32 v45, v11;
	vm7 =	veq.s32 v48, v11;
	v43 =	vcvt.f32.s32 v43;
	v51 =	vld [tilespmem:s7+$0x10]  }
0x4c2: {  	vm9 =	veq.s32 v46, v11;
	v38 =	vadd.s32 v40, v38;
	v40 =	vcvt.f32.s32 v50;
	v45 =	vld [tilespmem:s7+$0x0]  }
0x4c3: {  	v44 =	vmul.f32 $5.119843750e+02, v44;
	v46 =	vsel vm6, v34, v33;
	v43 =	vadd.s32 v43, v49;
	v48 =	vld [tilespmem:s7+$0xFFFFFFF0]  }
0x4c4: {  	v47 =	vmul.f32 $5.119843750e+02, v47;
	v39 =	vadd.s32 v39, v46;
	v49 =	vsel vm8, v34, v33;
	v46 =	vld [tilespmem:s7+$0xFFFFFFE0]  }
0x4c5: {  	v44 =	vtrunc.f32 v44;
	v52 =	vsel vm5, v34, v33;
	v50 =	vld [tilespmem:s7+$0xFFFFFFD0];
	v41 =	vmul.f32 $5.119843750e+02, v41  }
0x4c6: {  	v47 =	vtrunc.f32 v47;
	v40 =	vadd.s32 v40, v52;
	v53 =	vld [tilespmem:s7+$0xFFFFFFC0];
	v51 =	vmul.f32 $5.119843750e+02, v51  }
0x4c7: {  	v47 =	vcvt.f32.s32 v47;
	v44 =	vcvt.f32.s32 v44;
	v54 =	vsel vm7, v34, v33;
	v52 =	vld [tilespmem:s7+$0xFFFFFFB0]  }
0x4c8: {  	v56 =	vsel vm9, v34, v33;
	v45 =	vmul.f32 $5.119843750e+02, v45;
	v55 =	vld [tilespmem:s7+$0xFFFFFFA0];
	v51 =	vtrunc.f32 v51  }
0x4c9: {  	v47 =	vadd.s32 v47, v56;
	v48 =	vmul.f32 $5.119843750e+02, v48;
	v57 =	vld [tilespmem:s7+$0xFFFFFF90];
	v51 =	vcvt.f32.s32 v51  }
0x4ca: {  	v44 =	vadd.s32 v44, v49;
	v41 =	vtrunc.f32 v41;
	v50 =	vmul.f32 $5.119843750e+02, v50;
	[tilespmem:v43+s2+$0x0] =	vst.idx.add.f32.msk $0xffff, v14  }
0x4cb: {  	v41 =	vcvt.f32.s32 v41;
	v43 =	vmul.f32 $5.119843750e+02, v53;
	v49 =	vld [tilespmem:s19+$0xFFFFFFF0];
	v51 =	vadd.s32 v51, v54  }
0x4cc: {  	v45 =	vtrunc.f32 v45;
	[tilespmem:v39+s2+$0x0] =	vst.idx.add.f32.msk $0xffff, v14;
	v39 =	vmul.f32 $5.119843750e+02, v52;
	v52 =	vsel vm3, v34, v33  }
0x4cd: {  	v46 =	vmul.f32 $5.119843750e+02, v46;
	v53 =	vld [tilespmem:s19+$0xFFFFFFA0];
	v54 =	vmul.f32 $5.119843750e+02, v55;
	v41 =	vadd.s32 v41, v52  }
0x4ce: {  	v50 =	vtrunc.f32 v50;
	v52 =	vsel vm4, v34, v33;
	v39 =	vtrunc.f32 v39;
	[tilespmem:v47+s2+$0x0] =	vst.idx.add.f32.msk $0xffff, v14  }
0x4cf: {  	v45 =	vcvt.f32.s32 v45;
	v47 =	vsel vm2, v34, v33;
	v39 =	vcvt.f32.s32 v39;
	[tilespmem:v44+s2+$0x0] =	vst.idx.add.f32.msk $0xffff, v14  }
0x4d0: {  	v48 =	vtrunc.f32 v48;
	v44 =	vtrunc.f32 v54;
	vm2 =	veq.s32 v49, v11;
	[tilespmem:v51+s2+$0x0] =	vst.idx.add.f32.msk $0xffff, v14  }
0x4d1: {  	v44 =	vcvt.f32.s32 v44;
	v47 =	vadd.s32 v39, v47;
	v49 =	vsel vm2, v34, v33;
	[tilespmem:v40+s2+$0x0] =	vst.idx.add.f32.msk $0xffff, v14  }
0x4d2: {  	v51 =	vadd.s32 v45, v42;
	v39 =	vmul.f32 $5.119843750e+02, v57;
	vm2 =	veq.s32 v53, v11;
	[tilespmem:v41+s2+$0x0] =	vst.idx.add.f32.msk $0xffff, v14  }
.Ltmp16:
0x4d3: {  	v45 =	vcvt.f32.s32 v48;
	v41 =	vcvt.f32.s32 v50;
	v40 =	vsel vm2, v34, v33;
	[tilespmem:v38+s2+$0x0] =	vst.idx.add.f32.msk $0xffff, v14;
	(pc) =	sbr.rel @p2 .LBB2_26-.Ltmp16, $4  }
0x4d4: {  	v39 =	vtrunc.f32 v39;
	v38 =	vadd.s32 v44, v40;
	v44 =	vld [tilespmem:s19+$0xFFFFFFC0];
	v40 =	vtrunc.f32 v46  }
0x4d5: {  	v43 =	vtrunc.f32 v43;
	v46 =	vcvt.f32.s32 v39;
	v39 =	vadd.s32 v41, v52;
	v42 =	vld [tilespmem:s19+$0xFFFFFFE0]  }
0x4d6: {  	v45 =	vadd.s32 v45, v49;
	v41 =	vcvt.f32.s32 v43;
	v43 =	vcvt.f32.s32 v40;
	[tilespmem:v47+s2+$0x0] =	vst.idx.add.f32.msk $0xffff, v14  }
0x4d7: {  	s19 =	sadd.s32 $0x100, s19;
	v40 =	vadd.s32 v46, v37;
	[tilespmem:v51+s2+$0x0] =	vst.idx.add.f32.msk $0xffff, v14  }
0x4d8: {  	_ =	sdelay $0x1  }
0x4d9: {  	vm2 =	veq.s32 v42, v11  }
0x4da: {  	v37 =	vsel vm2, v34, v33;
	vm2 =	veq.s32 v44, v11  }
0x4db: {  	v37 =	vadd.s32 v43, v37;
	v63 =	vsel vm2, v34, v33  }
0x4dc: {  	[tilespmem:v45+s2+$0x0] =	vst.idx.add.f32.msk $0xffff, v14;
	v41 =	vadd.s32 v41, v63  }
0x4dd: {  	[tilespmem:v38+s2+$0x0] =	vst.idx.add.f32.msk $0xffff, v14  }
0x4de: {  	[tilespmem:v39+s2+$0x0] =	vst.idx.add.f32.msk $0xffff, v14  }
0x4df: {  	[tilespmem:v40+s2+$0x0] =	vst.idx.add.f32.msk $0xffff, v14  }
0x4e0: {  	[tilespmem:v37+s2+$0x0] =	vst.idx.add.f32.msk $0xffff, v14  }
0x4e1: {  	[tilespmem:v41+s2+$0x0] =	vst.idx.add.f32.msk $0xffff, v14  }
.LBB2_28:
0x4e2: {  	s7 =	sshll.u32 s0, $0x1  }
0x4e3: {  	p2 =	seq.s32 s0, $0x3;
	s7 =	sadd.s32 $0x2, s7  }
0x4e4: {  	s21 =	sshll.u32 @!p2 s7, $0xE  }
0x4e5: {  	_ =	swait.ge [sflag:s25], $0x4000;
	s7 =	sadd.s32 @!p2 s5, s21  }
0x4e6: {  	[sflag:s25] =	ssyncset.done $0x0;
	s8 =	simm.s32 @!p2 $0x0;
	s7 =	sshrl.u32 @!p2 s7, $0x3  }
0x4e7: {  	s19 =	simm.s32 @!p2 $0xB000;
	[sflag:s25] =	ssyncadd.s32 $0xFFFFC000;
	s7 =	sadd.s32 @!p2 s4, s7  }
0x4e8: {  	[tilespmem:s19], [sflag:$0x1] =	stream.linear.gather @!p2 [hbm4b:s7+s8], $0x4000, $0x38;
	[tilespmem:$0x1E480] =	vst v63  }
0x4e9: {  	s8 =	sor.u32 s9, s23;
	_ =	swait.ge [sflag:s28], $0x4000  }
0x4ea: {  	s7 =	sshrl.u32 s8, $0x3;
	[sflag:s28] =	ssyncset.done $0x0  }
0x4eb: {  	s19 =	simm.s32 $0xF080;
	s7 =	sadd.s32 s3, s7;
	[sflag:s28] =	ssyncadd.s32 $0xFFFFC000  }
0x4ec: {  	[tilespmem:s24], [sflag:$0x2] =	stream.linear.gather [hbm4b:s7+s2], $0x4000, $0x38;
	[tilespmem:$0x1E480] =	vst v63  }
0x4ed: {  	v37 =	vld [tilespmem:s19+$0x30]  }
0x4ee: {  	v38 =	vld [tilespmem:s19+$0xFFFFFF90]  }
0x4ef: {  	s7 =	simm.s32 $0x17080;
	v39 =	vld [tilespmem:s19+$0x20]  }
0x4f0: {  	v40 =	vld [tilespmem:s7+$0x50]  }
0x4f1: {  	v41 =	vld [tilespmem:s7+$0x60]  }
0x4f2: {  	v42 =	vld [tilespmem:s7+$0xFFFFFF80]  }
0x4f3: {  	v43 =	vld [tilespmem:s19+$0x50]  }
0x4f4: {  	v44 =	vld [tilespmem:s19+$0x60]  }
0x4f5: {  	v45 =	vld [tilespmem:s19+$0xFFFFFFB0]  }
0x4f6: {  	v46 =	vld [tilespmem:s19+$0x0]  }
0x4f7: {  	v47 =	vld [tilespmem:s7+$0x70]  }
0x4f8: {  	v58 =	vld [tilespmem:s19+$0xFFFFFF80]  }
0x4f9: {  	v49 =	vld [tilespmem:s19+$0x70]  }
0x4fa: {  	v59 =	vld [tilespmem:s19+$0xFFFFFFD0]  }
0x4fb: {  	v60 =	vld [tilespmem:s19+$0x10]  }
0x4fc: {  	v63 =	vld [tilespmem:s19+$0x40]  }
0x4fd: {  	v50 =	vld [tilespmem:s7+$0x40]  }
0x4fe: {  	v52 =	vld [tilespmem:s7+$0x30]  }
0x4ff: {  	v56 =	vld [tilespmem:s7+$0x20];
	vm2 =	veq.s32 v38, v0;
	vm3 =	veq.s32 v39, v0;
	vm4 =	veq.s32 v43, v0  }
0x500: {  	v54 =	vld [tilespmem:s7+$0xFFFFFFC0];
	vm5 =	veq.s32 v44, v0;
	v42 =	vmul.f32 $5.119843750e+02, v42;
	v47 =	vmul.f32 $5.119843750e+02, v47  }
0x501: {  	vm13 =	veq.s32 v46, v0;
	v41 =	vmul.f32 $5.119843750e+02, v41;
	v40 =	vmul.f32 $5.119843750e+02, v40  }
0x502: {  	vm14 =	veq.s32 v49, v0;
	vm15 =	veq.s32 v59, v0;
	vm6 =	veq.s32 v58, v0  }
0x503: {  	vm7 =	veq.s32 v60, v0;
	vm8 =	veq.s32 v63, v0;
	v58 =	vmul.f32 $5.119843750e+02, v50  }
0x504: {  	vm9 =	veq.s32 v37, v0;
	v59 =	vmul.f32 $5.119843750e+02, v52;
	v38 =	vmul.f32 $5.119843750e+02, v56  }
0x505: {  	v52 =	vmul.f32 $5.119843750e+02, v54;
	v48 =	vsel vm2, v13, v8;
	vm2 =	veq.s32 v45, v0  }
0x506: {  	v61 =	vsel vm4, v13, v8;
	v42 =	vtrunc.f32 v42;
	v47 =	vtrunc.f32 v47  }
0x507: {  	v43 =	vld [tilespmem:s7+$0x0];
	v46 =	vsel vm5, v13, v8;
	v55 =	vtrunc.f32 v41;
	v40 =	vtrunc.f32 v40  }
0x508: {  	v63 =	vld [tilespmem:s7+$0xFFFFFFF0];
	v51 =	vsel vm13, v13, v8;
	v49 =	vtrunc.f32 v58;
	v45 =	vtrunc.f32 v59  }
0x509: {  	v44 =	vld [tilespmem:s7+$0xFFFFFFE0];
	v62 =	vsel vm6, v13, v8;
	v38 =	vtrunc.f32 v38;
	v42 =	vcvt.f32.s32 v42  }
0x50a: {  	v60 =	vsel vm8, v13, v8;
	v41 =	vld [tilespmem:s7+$0x10];
	v39 =	vcvt.f32.s32 v55;
	v40 =	vcvt.f32.s32 v40  }
0x50b: {  	v56 =	vld [tilespmem:s7+$0xFFFFFFA0];
	v53 =	vsel vm14, v13, v8;
	v57 =	vcvt.f32.s32 v47;
	v45 =	vcvt.f32.s32 v45  }
0x50c: {  	v50 =	vld [tilespmem:s19+$0xFFFFFFF0];
	v49 =	vcvt.f32.s32 v49;
	v38 =	vcvt.f32.s32 v38;
	v40 =	vadd.s32 v40, v61  }
0x50d: {  	v42 =	vadd.s32 v42, v62;
	v37 =	vadd.s32 v57, v53;
	v62 =	vld [tilespmem:s7+$0xFFFFFFB0];
	v57 =	vsel vm9, v13, v8  }
0x50e: {  	v61 =	vld [tilespmem:s7+$0xFFFFFFD0];
	v43 =	vmul.f32 $5.119843750e+02, v43;
	v47 =	vmul.f32 $5.119843750e+02, v63;
	v49 =	vadd.s32 v49, v60  }
0x50f: {  	v60 =	vld [tilespmem:s19+$0xFFFFFFA0];
	v39 =	vadd.s32 v39, v46;
	v46 =	vmul.f32 $5.119843750e+02, v44;
	v41 =	vmul.f32 $5.119843750e+02, v41  }
0x510: {  	v45 =	vadd.s32 v45, v57;
	v57 =	vld [tilespmem:s7+$0xFFFFFF90];
	v43 =	vtrunc.f32 v43;
	v53 =	vtrunc.f32 v47  }
0x511: {  	v59 =	vsel vm3, v13, v8;
	v44 =	vld [tilespmem:s19+$0xFFFFFFC0];
	v43 =	vcvt.f32.s32 v43;
	v41 =	vtrunc.f32 v41  }
0x512: {  	v38 =	vadd.s32 v38, v59;
	v41 =	vcvt.f32.s32 v41;
	[tilespmem:v40+s2+$0x0] =	vst.idx.add.f32.msk $0xffff, v14;
	v58 =	vmul.f32 $5.119843750e+02, v62  }
0x513: {  	v55 =	vsel vm7, v13, v8;
	v63 =	vmul.f32 $5.119843750e+02, v61;
	[tilespmem:v42+s2+$0x0] =	vst.idx.add.f32.msk $0xffff, v14;
	v61 =	vmul.f32 $5.119843750e+02, v56  }
0x514: {  	[tilespmem:v49+s2+$0x0] =	vst.idx.add.f32.msk $0xffff, v14;
	v62 =	vsel vm2, v13, v8;
	vm2 =	veq.s32 v50, v0;
	v42 =	vtrunc.f32 v58  }
0x515: {  	[tilespmem:v37+s2+$0x0] =	vst.idx.add.f32.msk $0xffff, v14;
	v56 =	vmul.f32 $5.119843750e+02, v57;
	v57 =	vadd.s32 v43, v51;
	v42 =	vcvt.f32.s32 v42  }
0x516: {  	v59 =	vcvt.f32.s32 v53;
	[tilespmem:v45+s2+$0x0] =	vst.idx.add.f32.msk $0xffff, v14;
	v45 =	vsel vm15, v13, v8;
	v41 =	vadd.s32 v41, v55  }
0x517: {  	[tilespmem:v38+s2+$0x0] =	vst.idx.add.f32.msk $0xffff, v14;
	v40 =	vtrunc.f32 v63;
	v63 =	vtrunc.f32 v61;
	v47 =	vadd.s32 v42, v62  }
0x518: {  	[tilespmem:v39+s2+$0x0] =	vst.idx.add.f32.msk $0xffff, v14;
	v50 =	vsel vm2, v13, v8;
	v55 =	vcvt.f32.s32 v63;
	v40 =	vcvt.f32.s32 v40  }
0x519: {  	vm2 =	veq.s32 v60, v0;
	v60 =	vtrunc.f32 v56;
	v63 =	vtrunc.f32 v46;
	v42 =	vld [tilespmem:s19+$0xFFFFFFE0]  }
0x51a: {  	v58 =	vsel vm2, v13, v8;
	v61 =	vcvt.f32.s32 v60;
	v43 =	vcvt.f32.s32 v63;
	[tilespmem:v57+s2+$0x0] =	vst.idx.add.f32.msk $0xffff, v14  }
0x51b: {  	v38 =	vadd.s32 v55, v58;
	v62 =	vtrunc.f32 v52;
	v39 =	vadd.s32 v40, v45;
	[tilespmem:v41+s2+$0x0] =	vst.idx.add.f32.msk $0xffff, v14  }
0x51c: {  	s8 =	simm.s32 $0x0;
	v45 =	vadd.s32 v59, v50;
	s19 =	simm.s32 $0xF180;
	v40 =	vadd.s32 v61, v48;
	v41 =	vcvt.f32.s32 v62;
	[tilespmem:v47+s2+$0x0] =	vst.idx.add.f32.msk $0xffff, v14  }
.LBB2_29:
0x51d: {  	v46 =	vld [tilespmem:s19+$0x30];
	s8 =	sadd.s32 $0x100, s8;
	s7 =	sadd.s32 $0x100, s7  }
0x51e: {  	v47 =	vld [tilespmem:s7+$0x30];
	p3 =	slt.u32 s8, $0x3F00;
	vm2 =	veq.s32 v44, v0  }
0x51f: {  	v44 =	vld [tilespmem:s7+$0x40]  }
0x520: {  	v37 =	vld [tilespmem:s19+$0xFFFFFF90]  }
0x521: {  	[tilespmem:v45+s2+$0x0] =	vst.idx.add.f32.msk $0xffff, v14  }
0x522: {  	v45 =	vld [tilespmem:s19+$0x40]  }
0x523: {  	v48 =	vld [tilespmem:s19+$0x10]  }
0x524: {  	v49 =	vld [tilespmem:s19+$0x20]  }
0x525: {  	vm3 =	veq.s32 v37, v0;
	v50 =	vld [tilespmem:s7+$0x50]  }
0x526: {  	v51 =	vld [tilespmem:s7+$0x60]  }
0x527: {  	v52 =	vld [tilespmem:s7+$0x70]  }
0x528: {  	v53 =	vld [tilespmem:s7+$0xFFFFFF80]  }
0x529: {  	vm4 =	veq.s32 v42, v0;
	v54 =	vld [tilespmem:s19+$0x50]  }
0x52a: {  	v37 =	vsel vm4, v13, v8;
	v42 =	vld [tilespmem:s19+$0x60]  }
0x52b: {  	v43 =	vadd.s32 v43, v37;
	v55 =	vld [tilespmem:s19+$0xFFFFFFB0]  }
0x52c: {  	v37 =	vsel vm2, v13, v8;
	v56 =	vld [tilespmem:s19+$0x0]  }
0x52d: {  	v41 =	vadd.s32 v41, v37;
	v57 =	vld [tilespmem:s19+$0xFFFFFF80]  }
0x52e: {  	v37 =	vsel vm3, v13, v8;
	v58 =	vld [tilespmem:s19+$0x70]  }
0x52f: {  	vm3 =	veq.s32 v49, v0;
	vm4 =	veq.s32 v54, v0;
	v59 =	vld [tilespmem:s19+$0xFFFFFFD0];
	vm5 =	veq.s32 v42, v0  }
0x530: {  	v42 =	vmul.f32 $5.119843750e+02, v53;
	v49 =	vsel vm4, v13, v8;
	vm2 =	veq.s32 v55, v0;
	[tilespmem:v38+s2+$0x0] =	vst.idx.add.f32.msk $0xffff, v14  }
0x531: {  	v52 =	vmul.f32 $5.119843750e+02, v52;
	v38 =	vsel vm5, v13, v8;
	vm4 =	veq.s32 v56, v0;
	[tilespmem:v39+s2+$0x0] =	vst.idx.add.f32.msk $0xffff, v14  }
0x532: {  	v51 =	vmul.f32 $5.119843750e+02, v51;
	v39 =	vtrunc.f32 v42;
	v42 =	vsel vm4, v13, v8;
	[tilespmem:v43+s2+$0x0] =	vst.idx.add.f32.msk $0xffff, v14  }
0x533: {  	v43 =	vmul.f32 $5.119843750e+02, v50;
	v50 =	vtrunc.f32 v52;
	vm5 =	veq.s32 v58, v0;
	[tilespmem:v40+s2+$0x0] =	vst.idx.add.f32.msk $0xffff, v14  }
0x534: {  	v39 =	vcvt.f32.s32 v39;
	v40 =	vtrunc.f32 v51;
	vm4 =	veq.s32 v59, v0;
	[tilespmem:v41+s2+$0x0] =	vst.idx.add.f32.msk $0xffff, v14  }
0x535: {  	vm6 =	veq.s32 v57, v0;
	v43 =	vtrunc.f32 v43;
	v40 =	vcvt.f32.s32 v40;
	v41 =	vld [tilespmem:s7+$0x20]  }
0x536: {  	vm8 =	veq.s32 v45, v0;
	vm7 =	veq.s32 v48, v0;
	v43 =	vcvt.f32.s32 v43;
	v51 =	vld [tilespmem:s7+$0x10]  }
0x537: {  	vm9 =	veq.s32 v46, v0;
	v38 =	vadd.s32 v40, v38;
	v40 =	vcvt.f32.s32 v50;
	v45 =	vld [tilespmem:s7+$0x0]  }
0x538: {  	v44 =	vmul.f32 $5.119843750e+02, v44;
	v46 =	vsel vm6, v13, v8;
	v43 =	vadd.s32 v43, v49;
	v48 =	vld [tilespmem:s7+$0xFFFFFFF0]  }
0x539: {  	v47 =	vmul.f32 $5.119843750e+02, v47;
	v39 =	vadd.s32 v39, v46;
	v49 =	vsel vm8, v13, v8;
	v46 =	vld [tilespmem:s7+$0xFFFFFFE0]  }
0x53a: {  	v44 =	vtrunc.f32 v44;
	v52 =	vsel vm5, v13, v8;
	v50 =	vld [tilespmem:s7+$0xFFFFFFD0];
	v41 =	vmul.f32 $5.119843750e+02, v41  }
0x53b: {  	v47 =	vtrunc.f32 v47;
	v40 =	vadd.s32 v40, v52;
	v53 =	vld [tilespmem:s7+$0xFFFFFFC0];
	v51 =	vmul.f32 $5.119843750e+02, v51  }
0x53c: {  	v47 =	vcvt.f32.s32 v47;
	v44 =	vcvt.f32.s32 v44;
	v54 =	vsel vm7, v13, v8;
	v52 =	vld [tilespmem:s7+$0xFFFFFFB0]  }
0x53d: {  	v56 =	vsel vm9, v13, v8;
	v45 =	vmul.f32 $5.119843750e+02, v45;
	v55 =	vld [tilespmem:s7+$0xFFFFFFA0];
	v51 =	vtrunc.f32 v51  }
0x53e: {  	v47 =	vadd.s32 v47, v56;
	v48 =	vmul.f32 $5.119843750e+02, v48;
	v57 =	vld [tilespmem:s7+$0xFFFFFF90];
	v51 =	vcvt.f32.s32 v51  }
0x53f: {  	v44 =	vadd.s32 v44, v49;
	v41 =	vtrunc.f32 v41;
	v50 =	vmul.f32 $5.119843750e+02, v50;
	[tilespmem:v43+s2+$0x0] =	vst.idx.add.f32.msk $0xffff, v14  }
0x540: {  	v41 =	vcvt.f32.s32 v41;
	v43 =	vmul.f32 $5.119843750e+02, v53;
	v49 =	vld [tilespmem:s19+$0xFFFFFFF0];
	v51 =	vadd.s32 v51, v54  }
0x541: {  	v45 =	vtrunc.f32 v45;
	[tilespmem:v39+s2+$0x0] =	vst.idx.add.f32.msk $0xffff, v14;
	v39 =	vmul.f32 $5.119843750e+02, v52;
	v52 =	vsel vm3, v13, v8  }
0x542: {  	v46 =	vmul.f32 $5.119843750e+02, v46;
	v53 =	vld [tilespmem:s19+$0xFFFFFFA0];
	v54 =	vmul.f32 $5.119843750e+02, v55;
	v41 =	vadd.s32 v41, v52  }
0x543: {  	v50 =	vtrunc.f32 v50;
	v52 =	vsel vm4, v13, v8;
	v39 =	vtrunc.f32 v39;
	[tilespmem:v47+s2+$0x0] =	vst.idx.add.f32.msk $0xffff, v14  }
0x544: {  	v45 =	vcvt.f32.s32 v45;
	v47 =	vsel vm2, v13, v8;
	v39 =	vcvt.f32.s32 v39;
	[tilespmem:v44+s2+$0x0] =	vst.idx.add.f32.msk $0xffff, v14  }
0x545: {  	v48 =	vtrunc.f32 v48;
	v44 =	vtrunc.f32 v54;
	vm2 =	veq.s32 v49, v0;
	[tilespmem:v51+s2+$0x0] =	vst.idx.add.f32.msk $0xffff, v14  }
0x546: {  	v44 =	vcvt.f32.s32 v44;
	v47 =	vadd.s32 v39, v47;
	v49 =	vsel vm2, v13, v8;
	[tilespmem:v40+s2+$0x0] =	vst.idx.add.f32.msk $0xffff, v14  }
0x547: {  	v51 =	vadd.s32 v45, v42;
	v39 =	vmul.f32 $5.119843750e+02, v57;
	vm2 =	veq.s32 v53, v0;
	[tilespmem:v41+s2+$0x0] =	vst.idx.add.f32.msk $0xffff, v14  }
.Ltmp17:
0x548: {  	v45 =	vcvt.f32.s32 v48;
	v41 =	vcvt.f32.s32 v50;
	v40 =	vsel vm2, v13, v8;
	[tilespmem:v38+s2+$0x0] =	vst.idx.add.f32.msk $0xffff, v14;
	(pc) =	sbr.rel @p3 .LBB2_29-.Ltmp17, $4  }
0x549: {  	v39 =	vtrunc.f32 v39;
	v38 =	vadd.s32 v44, v40;
	v44 =	vld [tilespmem:s19+$0xFFFFFFC0];
	v40 =	vtrunc.f32 v46  }
0x54a: {  	v43 =	vtrunc.f32 v43;
	v46 =	vcvt.f32.s32 v39;
	v39 =	vadd.s32 v41, v52;
	v42 =	vld [tilespmem:s19+$0xFFFFFFE0]  }
0x54b: {  	v45 =	vadd.s32 v45, v49;
	v41 =	vcvt.f32.s32 v43;
	v43 =	vcvt.f32.s32 v40;
	[tilespmem:v47+s2+$0x0] =	vst.idx.add.f32.msk $0xffff, v14  }
0x54c: {  	s19 =	sadd.s32 $0x100, s19;
	v40 =	vadd.s32 v46, v37;
	[tilespmem:v51+s2+$0x0] =	vst.idx.add.f32.msk $0xffff, v14  }
0x54d: {  	_ =	sdelay $0x1  }
0x54e: {  	vm2 =	veq.s32 v42, v0  }
0x54f: {  	v37 =	vsel vm2, v13, v8;
	vm2 =	veq.s32 v44, v0  }
0x550: {  	v37 =	vadd.s32 v43, v37;
	v59 =	vsel vm2, v13, v8  }
0x551: {  	[tilespmem:v45+s2+$0x0] =	vst.idx.add.f32.msk $0xffff, v14;
	v41 =	vadd.s32 v41, v59  }
0x552: {  	[tilespmem:v38+s2+$0x0] =	vst.idx.add.f32.msk $0xffff, v14  }
0x553: {  	[tilespmem:v39+s2+$0x0] =	vst.idx.add.f32.msk $0xffff, v14  }
0x554: {  	[tilespmem:v40+s2+$0x0] =	vst.idx.add.f32.msk $0xffff, v14  }
0x555: {  	[tilespmem:v37+s2+$0x0] =	vst.idx.add.f32.msk $0xffff, v14  }
0x556: {  	[tilespmem:v41+s2+$0x0] =	vst.idx.add.f32.msk $0xffff, v14  }
0x557: {  	s7 =	sor.u32 s10, s23;
	_ =	swait.ge [sflag:s28], $0x4000  }
0x558: {  	s7 =	sshrl.u32 s7, $0x3;
	[sflag:s28] =	ssyncset.done $0x0  }
0x559: {  	s8 =	simm.s32 $0xF080;
	s7 =	sadd.s32 s3, s7;
	[sflag:s28] =	ssyncadd.s32 $0xFFFFC000  }
0x55a: {  	[tilespmem:s29], [sflag:$0x2] =	stream.linear.gather [hbm4b:s7+s2], $0x4000, $0x38;
	[tilespmem:$0x1E480] =	vst v63  }
0x55b: {  	v37 =	vld [tilespmem:s8+$0x30]  }
0x55c: {  	v60 =	vld [tilespmem:s8+$0xFFFFFF90]  }
0x55d: {  	s7 =	simm.s32 $0x13080;
	v61 =	vld [tilespmem:s8+$0x20]  }
0x55e: {  	v40 =	vld [tilespmem:s7+$0x50]  }
0x55f: {  	v62 =	vld [tilespmem:s7+$0x60]  }
0x560: {  	v54 =	vld [tilespmem:s7+$0xFFFFFF80]  }
0x561: {  	v55 =	vld [tilespmem:s8+$0x50]  }
0x562: {  	v56 =	vld [tilespmem:s8+$0x60]  }
0x563: {  	v46 =	vld [tilespmem:s8+$0x0]  }
0x564: {  	v47 =	vld [tilespmem:s7+$0x70]  }
0x565: {  	v58 =	vld [tilespmem:s8+$0xFFFFFF80]  }
0x566: {  	v49 =	vld [tilespmem:s8+$0x70]  }
0x567: {  	v59 =	vld [tilespmem:s8+$0xFFFFFFD0]  }
0x568: {  	v63 =	vld [tilespmem:s8+$0x40]  }
0x569: {  	v50 =	vld [tilespmem:s7+$0x40]  }
0x56a: {  	v52 =	vld [tilespmem:s7+$0x30]  }
0x56b: {  	v43 =	vld [tilespmem:s7+$0x0];
	vm2 =	veq.s32 v60, v1;
	vm3 =	veq.s32 v61, v1;
	vm4 =	veq.s32 v55, v1  }
0x56c: {  	v57 =	vld [tilespmem:s8+$0xFFFFFFB0];
	vm5 =	veq.s32 v56, v1;
	v42 =	vmul.f32 $5.119843750e+02, v54;
	v47 =	vmul.f32 $5.119843750e+02, v47  }
0x56d: {  	vm13 =	veq.s32 v46, v1;
	v41 =	vmul.f32 $5.119843750e+02, v62;
	v40 =	vmul.f32 $5.119843750e+02, v40  }
0x56e: {  	vm14 =	veq.s32 v49, v1;
	vm15 =	veq.s32 v59, v1;
	vm6 =	veq.s32 v58, v1  }
0x56f: {  	vm8 =	veq.s32 v63, v1;
	vm9 =	veq.s32 v37, v1;
	v58 =	vmul.f32 $5.119843750e+02, v50  }
0x570: {  	v59 =	vmul.f32 $5.119843750e+02, v52;
	v43 =	vmul.f32 $5.119843750e+02, v43;
	v48 =	vsel vm2, v16, v15  }
0x571: {  	v44 =	vld [tilespmem:s7+$0xFFFFFFE0];
	vm2 =	veq.s32 v57, v1;
	v42 =	vtrunc.f32 v42;
	v47 =	vtrunc.f32 v47  }
0x572: {  	v60 =	vld [tilespmem:s8+$0x10];
	v61 =	vsel vm4, v16, v15;
	v55 =	vtrunc.f32 v41;
	v40 =	vtrunc.f32 v40  }
0x573: {  	v56 =	vld [tilespmem:s7+$0x20];
	v46 =	vsel vm5, v16, v15;
	v49 =	vtrunc.f32 v58;
	v45 =	vtrunc.f32 v59  }
0x574: {  	v63 =	vld [tilespmem:s7+$0xFFFFFFF0];
	v51 =	vsel vm13, v16, v15;
	v43 =	vtrunc.f32 v43;
	v42 =	vcvt.f32.s32 v42  }
0x575: {  	v54 =	vld [tilespmem:s7+$0xFFFFFFC0];
	v62 =	vsel vm6, v16, v15;
	v39 =	vcvt.f32.s32 v55;
	v40 =	vcvt.f32.s32 v40  }
0x576: {  	v53 =	vsel vm14, v16, v15;
	v41 =	vld [tilespmem:s7+$0x10];
	v57 =	vcvt.f32.s32 v47;
	v45 =	vcvt.f32.s32 v45  }
0x577: {  	v50 =	vld [tilespmem:s8+$0xFFFFFFF0];
	v59 =	vsel vm3, v16, v15;
	v49 =	vcvt.f32.s32 v49;
	v43 =	vcvt.f32.s32 v43  }
0x578: {  	vm7 =	veq.s32 v60, v1;
	v40 =	vadd.s32 v40, v61;
	v42 =	vadd.s32 v42, v62;
	v61 =	vld [tilespmem:s7+$0xFFFFFFD0]  }
0x579: {  	v60 =	vsel vm8, v16, v15;
	v38 =	vmul.f32 $5.119843750e+02, v56;
	v37 =	vadd.s32 v57, v53;
	v62 =	vld [tilespmem:s7+$0xFFFFFFB0]  }
0x57a: {  	v56 =	vld [tilespmem:s7+$0xFFFFFFA0];
	v57 =	vsel vm9, v16, v15;
	v47 =	vmul.f32 $5.119843750e+02, v63;
	v52 =	vmul.f32 $5.119843750e+02, v54  }
0x57b: {  	v39 =	vadd.s32 v39, v46;
	v46 =	vmul.f32 $5.119843750e+02, v44;
	v44 =	vld [tilespmem:s8+$0xFFFFFFC0];
	v41 =	vmul.f32 $5.119843750e+02, v41  }
0x57c: {  	v45 =	vadd.s32 v45, v57;
	v57 =	vld [tilespmem:s7+$0xFFFFFF90];
	v38 =	vtrunc.f32 v38;
	v53 =	vtrunc.f32 v47  }
0x57d: {  	v49 =	vadd.s32 v49, v60;
	v60 =	vld [tilespmem:s8+$0xFFFFFFA0];
	v38 =	vcvt.f32.s32 v38;
	v41 =	vtrunc.f32 v41  }
0x57e: {  	v55 =	vsel vm7, v16, v15;
	v41 =	vcvt.f32.s32 v41;
	[tilespmem:v40+s2+$0x0] =	vst.idx.add.f32.msk $0xffff, v14;
	v58 =	vmul.f32 $5.119843750e+02, v62  }
0x57f: {  	v63 =	vmul.f32 $5.119843750e+02, v61;
	[tilespmem:v42+s2+$0x0] =	vst.idx.add.f32.msk $0xffff, v14;
	v61 =	vmul.f32 $5.119843750e+02, v56;
	v38 =	vadd.s32 v38, v59  }
0x580: {  	v62 =	vsel vm2, v16, v15;
	vm2 =	veq.s32 v50, v1;
	[tilespmem:v37+s2+$0x0] =	vst.idx.add.f32.msk $0xffff, v14;
	v42 =	vtrunc.f32 v58  }
0x581: {  	[tilespmem:v39+s2+$0x0] =	vst.idx.add.f32.msk $0xffff, v14;
	v56 =	vmul.f32 $5.119843750e+02, v57;
	v57 =	vadd.s32 v43, v51;
	v42 =	vcvt.f32.s32 v42  }
0x582: {  	v59 =	vcvt.f32.s32 v53;
	[tilespmem:v45+s2+$0x0] =	vst.idx.add.f32.msk $0xffff, v14;
	v45 =	vsel vm15, v16, v15;
	v41 =	vadd.s32 v41, v55  }
0x583: {  	[tilespmem:v49+s2+$0x0] =	vst.idx.add.f32.msk $0xffff, v14;
	v40 =	vtrunc.f32 v63;
	v63 =	vtrunc.f32 v61;
	v47 =	vadd.s32 v42, v62  }
0x584: {  	v50 =	vsel vm2, v16, v15;
	v55 =	vcvt.f32.s32 v63;
	v40 =	vcvt.f32.s32 v40;
	[tilespmem:v38+s2+$0x0] =	vst.idx.add.f32.msk $0xffff, v14  }
0x585: {  	vm2 =	veq.s32 v60, v1;
	v60 =	vtrunc.f32 v56;
	v63 =	vtrunc.f32 v46;
	v42 =	vld [tilespmem:s8+$0xFFFFFFE0]  }
0x586: {  	v58 =	vsel vm2, v16, v15;
	v61 =	vcvt.f32.s32 v60;
	v43 =	vcvt.f32.s32 v63;
	[tilespmem:v57+s2+$0x0] =	vst.idx.add.f32.msk $0xffff, v14  }
0x587: {  	v38 =	vadd.s32 v55, v58;
	v62 =	vtrunc.f32 v52;
	v39 =	vadd.s32 v40, v45;
	[tilespmem:v41+s2+$0x0] =	vst.idx.add.f32.msk $0xffff, v14  }
0x588: {  	s19 =	simm.s32 $0xF180;
	s8 =	simm.s32 $0x0;
	v45 =	vadd.s32 v59, v50;
	v40 =	vadd.s32 v61, v48;
	v41 =	vcvt.f32.s32 v62;
	[tilespmem:v47+s2+$0x0] =	vst.idx.add.f32.msk $0xffff, v14  }
.LBB2_31:
0x589: {  	v46 =	vld [tilespmem:s19+$0x30];
	s8 =	sadd.s32 $0x100, s8;
	s7 =	sadd.s32 $0x100, s7  }
0x58a: {  	v47 =	vld [tilespmem:s7+$0x30];
	p3 =	slt.u32 s8, $0x3F00;
	vm2 =	veq.s32 v44, v1  }
0x58b: {  	v44 =	vld [tilespmem:s7+$0x40]  }
0x58c: {  	v37 =	vld [tilespmem:s19+$0xFFFFFF90]  }
0x58d: {  	[tilespmem:v45+s2+$0x0] =	vst.idx.add.f32.msk $0xffff, v14  }
0x58e: {  	v45 =	vld [tilespmem:s19+$0x40]  }
0x58f: {  	v48 =	vld [tilespmem:s19+$0x10]  }
0x590: {  	v49 =	vld [tilespmem:s19+$0x20]  }
0x591: {  	vm3 =	veq.s32 v37, v1;
	v50 =	vld [tilespmem:s7+$0x50]  }
0x592: {  	v51 =	vld [tilespmem:s7+$0x60]  }
0x593: {  	v52 =	vld [tilespmem:s7+$0x70]  }
0x594: {  	v53 =	vld [tilespmem:s7+$0xFFFFFF80]  }
0x595: {  	vm4 =	veq.s32 v42, v1;
	v54 =	vld [tilespmem:s19+$0x50]  }
0x596: {  	v37 =	vsel vm4, v16, v15;
	v42 =	vld [tilespmem:s19+$0x60]  }
0x597: {  	v43 =	vadd.s32 v43, v37;
	v55 =	vld [tilespmem:s19+$0xFFFFFFB0]  }
0x598: {  	v37 =	vsel vm2, v16, v15;
	v56 =	vld [tilespmem:s19+$0x0]  }
0x599: {  	v41 =	vadd.s32 v41, v37;
	v57 =	vld [tilespmem:s19+$0xFFFFFF80]  }
0x59a: {  	v37 =	vsel vm3, v16, v15;
	v58 =	vld [tilespmem:s19+$0x70]  }
0x59b: {  	vm3 =	veq.s32 v49, v1;
	vm4 =	veq.s32 v54, v1;
	v59 =	vld [tilespmem:s19+$0xFFFFFFD0];
	vm5 =	veq.s32 v42, v1  }
0x59c: {  	v42 =	vmul.f32 $5.119843750e+02, v53;
	v49 =	vsel vm4, v16, v15;
	vm2 =	veq.s32 v55, v1;
	[tilespmem:v38+s2+$0x0] =	vst.idx.add.f32.msk $0xffff, v14  }
0x59d: {  	v52 =	vmul.f32 $5.119843750e+02, v52;
	v38 =	vsel vm5, v16, v15;
	vm4 =	veq.s32 v56, v1;
	[tilespmem:v39+s2+$0x0] =	vst.idx.add.f32.msk $0xffff, v14  }
0x59e: {  	v51 =	vmul.f32 $5.119843750e+02, v51;
	v39 =	vtrunc.f32 v42;
	v42 =	vsel vm4, v16, v15;
	[tilespmem:v43+s2+$0x0] =	vst.idx.add.f32.msk $0xffff, v14  }
0x59f: {  	v43 =	vmul.f32 $5.119843750e+02, v50;
	v50 =	vtrunc.f32 v52;
	vm5 =	veq.s32 v58, v1;
	[tilespmem:v40+s2+$0x0] =	vst.idx.add.f32.msk $0xffff, v14  }
0x5a0: {  	v39 =	vcvt.f32.s32 v39;
	v40 =	vtrunc.f32 v51;
	vm4 =	veq.s32 v59, v1;
	[tilespmem:v41+s2+$0x0] =	vst.idx.add.f32.msk $0xffff, v14  }
0x5a1: {  	vm6 =	veq.s32 v57, v1;
	v43 =	vtrunc.f32 v43;
	v40 =	vcvt.f32.s32 v40;
	v41 =	vld [tilespmem:s7+$0x20]  }
0x5a2: {  	vm8 =	veq.s32 v45, v1;
	vm7 =	veq.s32 v48, v1;
	v43 =	vcvt.f32.s32 v43;
	v51 =	vld [tilespmem:s7+$0x10]  }
0x5a3: {  	vm9 =	veq.s32 v46, v1;
	v38 =	vadd.s32 v40, v38;
	v40 =	vcvt.f32.s32 v50;
	v45 =	vld [tilespmem:s7+$0x0]  }
0x5a4: {  	v44 =	vmul.f32 $5.119843750e+02, v44;
	v46 =	vsel vm6, v16, v15;
	v43 =	vadd.s32 v43, v49;
	v48 =	vld [tilespmem:s7+$0xFFFFFFF0]  }
0x5a5: {  	v47 =	vmul.f32 $5.119843750e+02, v47;
	v39 =	vadd.s32 v39, v46;
	v49 =	vsel vm8, v16, v15;
	v46 =	vld [tilespmem:s7+$0xFFFFFFE0]  }
0x5a6: {  	v44 =	vtrunc.f32 v44;
	v52 =	vsel vm5, v16, v15;
	v50 =	vld [tilespmem:s7+$0xFFFFFFD0];
	v41 =	vmul.f32 $5.119843750e+02, v41  }
0x5a7: {  	v47 =	vtrunc.f32 v47;
	v40 =	vadd.s32 v40, v52;
	v53 =	vld [tilespmem:s7+$0xFFFFFFC0];
	v51 =	vmul.f32 $5.119843750e+02, v51  }
0x5a8: {  	v47 =	vcvt.f32.s32 v47;
	v44 =	vcvt.f32.s32 v44;
	v54 =	vsel vm7, v16, v15;
	v52 =	vld [tilespmem:s7+$0xFFFFFFB0]  }
0x5a9: {  	v56 =	vsel vm9, v16, v15;
	v45 =	vmul.f32 $5.119843750e+02, v45;
	v55 =	vld [tilespmem:s7+$0xFFFFFFA0];
	v51 =	vtrunc.f32 v51  }
0x5aa: {  	v47 =	vadd.s32 v47, v56;
	v48 =	vmul.f32 $5.119843750e+02, v48;
	v57 =	vld [tilespmem:s7+$0xFFFFFF90];
	v51 =	vcvt.f32.s32 v51  }
0x5ab: {  	v44 =	vadd.s32 v44, v49;
	v41 =	vtrunc.f32 v41;
	v50 =	vmul.f32 $5.119843750e+02, v50;
	[tilespmem:v43+s2+$0x0] =	vst.idx.add.f32.msk $0xffff, v14  }
0x5ac: {  	v41 =	vcvt.f32.s32 v41;
	v43 =	vmul.f32 $5.119843750e+02, v53;
	v49 =	vld [tilespmem:s19+$0xFFFFFFF0];
	v51 =	vadd.s32 v51, v54  }
0x5ad: {  	v45 =	vtrunc.f32 v45;
	[tilespmem:v39+s2+$0x0] =	vst.idx.add.f32.msk $0xffff, v14;
	v39 =	vmul.f32 $5.119843750e+02, v52;
	v52 =	vsel vm3, v16, v15  }
0x5ae: {  	v46 =	vmul.f32 $5.119843750e+02, v46;
	v53 =	vld [tilespmem:s19+$0xFFFFFFA0];
	v54 =	vmul.f32 $5.119843750e+02, v55;
	v41 =	vadd.s32 v41, v52  }
0x5af: {  	v50 =	vtrunc.f32 v50;
	v52 =	vsel vm4, v16, v15;
	v39 =	vtrunc.f32 v39;
	[tilespmem:v47+s2+$0x0] =	vst.idx.add.f32.msk $0xffff, v14  }
0x5b0: {  	v45 =	vcvt.f32.s32 v45;
	v47 =	vsel vm2, v16, v15;
	v39 =	vcvt.f32.s32 v39;
	[tilespmem:v44+s2+$0x0] =	vst.idx.add.f32.msk $0xffff, v14  }
0x5b1: {  	v48 =	vtrunc.f32 v48;
	v44 =	vtrunc.f32 v54;
	vm2 =	veq.s32 v49, v1;
	[tilespmem:v51+s2+$0x0] =	vst.idx.add.f32.msk $0xffff, v14  }
0x5b2: {  	v44 =	vcvt.f32.s32 v44;
	v47 =	vadd.s32 v39, v47;
	v49 =	vsel vm2, v16, v15;
	[tilespmem:v40+s2+$0x0] =	vst.idx.add.f32.msk $0xffff, v14  }
0x5b3: {  	v51 =	vadd.s32 v45, v42;
	v39 =	vmul.f32 $5.119843750e+02, v57;
	vm2 =	veq.s32 v53, v1;
	[tilespmem:v41+s2+$0x0] =	vst.idx.add.f32.msk $0xffff, v14  }
.Ltmp18:
0x5b4: {  	v45 =	vcvt.f32.s32 v48;
	v41 =	vcvt.f32.s32 v50;
	v40 =	vsel vm2, v16, v15;
	[tilespmem:v38+s2+$0x0] =	vst.idx.add.f32.msk $0xffff, v14;
	(pc) =	sbr.rel @p3 .LBB2_31-.Ltmp18, $4  }
0x5b5: {  	v39 =	vtrunc.f32 v39;
	v38 =	vadd.s32 v44, v40;
	v44 =	vld [tilespmem:s19+$0xFFFFFFC0];
	v40 =	vtrunc.f32 v46  }
0x5b6: {  	v43 =	vtrunc.f32 v43;
	v46 =	vcvt.f32.s32 v39;
	v39 =	vadd.s32 v41, v52;
	v42 =	vld [tilespmem:s19+$0xFFFFFFE0]  }
0x5b7: {  	v45 =	vadd.s32 v45, v49;
	v41 =	vcvt.f32.s32 v43;
	v43 =	vcvt.f32.s32 v40;
	[tilespmem:v47+s2+$0x0] =	vst.idx.add.f32.msk $0xffff, v14  }
0x5b8: {  	s19 =	sadd.s32 $0x100, s19;
	v40 =	vadd.s32 v46, v37;
	[tilespmem:v51+s2+$0x0] =	vst.idx.add.f32.msk $0xffff, v14  }
0x5b9: {  	_ =	sdelay $0x1  }
0x5ba: {  	vm2 =	veq.s32 v42, v1  }
0x5bb: {  	v37 =	vsel vm2, v16, v15;
	vm2 =	veq.s32 v44, v1  }
0x5bc: {  	v37 =	vadd.s32 v43, v37;
	v59 =	vsel vm2, v16, v15  }
0x5bd: {  	[tilespmem:v45+s2+$0x0] =	vst.idx.add.f32.msk $0xffff, v14;
	v41 =	vadd.s32 v41, v59  }
0x5be: {  	[tilespmem:v38+s2+$0x0] =	vst.idx.add.f32.msk $0xffff, v14  }
0x5bf: {  	[tilespmem:v39+s2+$0x0] =	vst.idx.add.f32.msk $0xffff, v14  }
0x5c0: {  	[tilespmem:v40+s2+$0x0] =	vst.idx.add.f32.msk $0xffff, v14  }
0x5c1: {  	[tilespmem:v37+s2+$0x0] =	vst.idx.add.f32.msk $0xffff, v14  }
0x5c2: {  	[tilespmem:v41+s2+$0x0] =	vst.idx.add.f32.msk $0xffff, v14  }
0x5c3: {  	s7 =	sor.u32 s11, s23;
	_ =	swait.ge [sflag:s28], $0x4000  }
0x5c4: {  	s7 =	sshrl.u32 s7, $0x3;
	[sflag:s28] =	ssyncset.done $0x0  }
0x5c5: {  	s8 =	simm.s32 $0xF080;
	s7 =	sadd.s32 s3, s7;
	[sflag:s28] =	ssyncadd.s32 $0xFFFFC000  }
0x5c6: {  	[tilespmem:s24], [sflag:$0x2] =	stream.linear.gather [hbm4b:s7+s2], $0x4000, $0x38;
	[tilespmem:$0x1E480] =	vst v63  }
0x5c7: {  	v37 =	vld [tilespmem:s8+$0x30]  }
0x5c8: {  	v60 =	vld [tilespmem:s8+$0xFFFFFF90]  }
0x5c9: {  	s7 =	simm.s32 $0x17080;
	v61 =	vld [tilespmem:s8+$0x20]  }
0x5ca: {  	v40 =	vld [tilespmem:s7+$0x50]  }
0x5cb: {  	v62 =	vld [tilespmem:s7+$0x60]  }
0x5cc: {  	v54 =	vld [tilespmem:s7+$0xFFFFFF80]  }
0x5cd: {  	v55 =	vld [tilespmem:s8+$0x50]  }
0x5ce: {  	v56 =	vld [tilespmem:s8+$0x60]  }
0x5cf: {  	v46 =	vld [tilespmem:s8+$0x0]  }
0x5d0: {  	v47 =	vld [tilespmem:s7+$0x70]  }
0x5d1: {  	v58 =	vld [tilespmem:s8+$0xFFFFFF80]  }
0x5d2: {  	v49 =	vld [tilespmem:s8+$0x70]  }
0x5d3: {  	v59 =	vld [tilespmem:s8+$0xFFFFFFD0]  }
0x5d4: {  	v63 =	vld [tilespmem:s8+$0x40]  }
0x5d5: {  	v50 =	vld [tilespmem:s7+$0x40]  }
0x5d6: {  	v52 =	vld [tilespmem:s7+$0x30]  }
0x5d7: {  	v43 =	vld [tilespmem:s7+$0x0];
	vm2 =	veq.s32 v60, v2;
	vm3 =	veq.s32 v61, v2;
	vm4 =	veq.s32 v55, v2  }
0x5d8: {  	v57 =	vld [tilespmem:s8+$0xFFFFFFB0];
	vm5 =	veq.s32 v56, v2;
	v42 =	vmul.f32 $5.119843750e+02, v54;
	v47 =	vmul.f32 $5.119843750e+02, v47  }
0x5d9: {  	vm13 =	veq.s32 v46, v2;
	v41 =	vmul.f32 $5.119843750e+02, v62;
	v40 =	vmul.f32 $5.119843750e+02, v40  }
0x5da: {  	vm14 =	veq.s32 v49, v2;
	vm15 =	veq.s32 v59, v2;
	vm6 =	veq.s32 v58, v2  }
0x5db: {  	vm8 =	veq.s32 v63, v2;
	vm9 =	veq.s32 v37, v2;
	v58 =	vmul.f32 $5.119843750e+02, v50  }
0x5dc: {  	v59 =	vmul.f32 $5.119843750e+02, v52;
	v43 =	vmul.f32 $5.119843750e+02, v43;
	v48 =	vsel vm2, v18, v17  }
0x5dd: {  	v44 =	vld [tilespmem:s7+$0xFFFFFFE0];
	vm2 =	veq.s32 v57, v2;
	v42 =	vtrunc.f32 v42;
	v47 =	vtrunc.f32 v47  }
0x5de: {  	v60 =	vld [tilespmem:s8+$0x10];
	v61 =	vsel vm4, v18, v17;
	v55 =	vtrunc.f32 v41;
	v40 =	vtrunc.f32 v40  }
0x5df: {  	v56 =	vld [tilespmem:s7+$0x20];
	v46 =	vsel vm5, v18, v17;
	v49 =	vtrunc.f32 v58;
	v45 =	vtrunc.f32 v59  }
0x5e0: {  	v63 =	vld [tilespmem:s7+$0xFFFFFFF0];
	v51 =	vsel vm13, v18, v17;
	v43 =	vtrunc.f32 v43;
	v42 =	vcvt.f32.s32 v42  }
0x5e1: {  	v54 =	vld [tilespmem:s7+$0xFFFFFFC0];
	v62 =	vsel vm6, v18, v17;
	v39 =	vcvt.f32.s32 v55;
	v40 =	vcvt.f32.s32 v40  }
0x5e2: {  	v53 =	vsel vm14, v18, v17;
	v41 =	vld [tilespmem:s7+$0x10];
	v57 =	vcvt.f32.s32 v47;
	v45 =	vcvt.f32.s32 v45  }
0x5e3: {  	v50 =	vld [tilespmem:s8+$0xFFFFFFF0];
	v59 =	vsel vm3, v18, v17;
	v49 =	vcvt.f32.s32 v49;
	v43 =	vcvt.f32.s32 v43  }
0x5e4: {  	vm7 =	veq.s32 v60, v2;
	v40 =	vadd.s32 v40, v61;
	v42 =	vadd.s32 v42, v62;
	v61 =	vld [tilespmem:s7+$0xFFFFFFD0]  }
0x5e5: {  	v60 =	vsel vm8, v18, v17;
	v38 =	vmul.f32 $5.119843750e+02, v56;
	v37 =	vadd.s32 v57, v53;
	v62 =	vld [tilespmem:s7+$0xFFFFFFB0]  }
0x5e6: {  	v56 =	vld [tilespmem:s7+$0xFFFFFFA0];
	v57 =	vsel vm9, v18, v17;
	v47 =	vmul.f32 $5.119843750e+02, v63;
	v52 =	vmul.f32 $5.119843750e+02, v54  }
0x5e7: {  	v39 =	vadd.s32 v39, v46;
	v46 =	vmul.f32 $5.119843750e+02, v44;
	v44 =	vld [tilespmem:s8+$0xFFFFFFC0];
	v41 =	vmul.f32 $5.119843750e+02, v41  }
0x5e8: {  	v45 =	vadd.s32 v45, v57;
	v57 =	vld [tilespmem:s7+$0xFFFFFF90];
	v38 =	vtrunc.f32 v38;
	v53 =	vtrunc.f32 v47  }
0x5e9: {  	v49 =	vadd.s32 v49, v60;
	v60 =	vld [tilespmem:s8+$0xFFFFFFA0];
	v38 =	vcvt.f32.s32 v38;
	v41 =	vtrunc.f32 v41  }
0x5ea: {  	v55 =	vsel vm7, v18, v17;
	v41 =	vcvt.f32.s32 v41;
	[tilespmem:v40+s2+$0x0] =	vst.idx.add.f32.msk $0xffff, v14;
	v58 =	vmul.f32 $5.119843750e+02, v62  }
0x5eb: {  	v63 =	vmul.f32 $5.119843750e+02, v61;
	[tilespmem:v42+s2+$0x0] =	vst.idx.add.f32.msk $0xffff, v14;
	v61 =	vmul.f32 $5.119843750e+02, v56;
	v38 =	vadd.s32 v38, v59  }
0x5ec: {  	v62 =	vsel vm2, v18, v17;
	vm2 =	veq.s32 v50, v2;
	[tilespmem:v37+s2+$0x0] =	vst.idx.add.f32.msk $0xffff, v14;
	v42 =	vtrunc.f32 v58  }
0x5ed: {  	[tilespmem:v39+s2+$0x0] =	vst.idx.add.f32.msk $0xffff, v14;
	v56 =	vmul.f32 $5.119843750e+02, v57;
	v57 =	vadd.s32 v43, v51;
	v42 =	vcvt.f32.s32 v42  }
0x5ee: {  	v59 =	vcvt.f32.s32 v53;
	[tilespmem:v45+s2+$0x0] =	vst.idx.add.f32.msk $0xffff, v14;
	v45 =	vsel vm15, v18, v17;
	v41 =	vadd.s32 v41, v55  }
0x5ef: {  	[tilespmem:v49+s2+$0x0] =	vst.idx.add.f32.msk $0xffff, v14;
	v40 =	vtrunc.f32 v63;
	v63 =	vtrunc.f32 v61;
	v47 =	vadd.s32 v42, v62  }
0x5f0: {  	v50 =	vsel vm2, v18, v17;
	v55 =	vcvt.f32.s32 v63;
	v40 =	vcvt.f32.s32 v40;
	[tilespmem:v38+s2+$0x0] =	vst.idx.add.f32.msk $0xffff, v14  }
0x5f1: {  	vm2 =	veq.s32 v60, v2;
	v60 =	vtrunc.f32 v56;
	v63 =	vtrunc.f32 v46;
	v42 =	vld [tilespmem:s8+$0xFFFFFFE0]  }
0x5f2: {  	v58 =	vsel vm2, v18, v17;
	v61 =	vcvt.f32.s32 v60;
	v43 =	vcvt.f32.s32 v63;
	[tilespmem:v57+s2+$0x0] =	vst.idx.add.f32.msk $0xffff, v14  }
0x5f3: {  	v38 =	vadd.s32 v55, v58;
	v62 =	vtrunc.f32 v52;
	v39 =	vadd.s32 v40, v45;
	[tilespmem:v41+s2+$0x0] =	vst.idx.add.f32.msk $0xffff, v14  }
0x5f4: {  	s19 =	simm.s32 $0xF180;
	s8 =	simm.s32 $0x0;
	v45 =	vadd.s32 v59, v50;
	v40 =	vadd.s32 v61, v48;
	v41 =	vcvt.f32.s32 v62;
	[tilespmem:v47+s2+$0x0] =	vst.idx.add.f32.msk $0xffff, v14  }
.LBB2_33:
0x5f5: {  	v46 =	vld [tilespmem:s19+$0x30];
	s8 =	sadd.s32 $0x100, s8;
	s7 =	sadd.s32 $0x100, s7  }
0x5f6: {  	v47 =	vld [tilespmem:s7+$0x30];
	p3 =	slt.u32 s8, $0x3F00;
	vm2 =	veq.s32 v44, v2  }
0x5f7: {  	v44 =	vld [tilespmem:s7+$0x40]  }
0x5f8: {  	v37 =	vld [tilespmem:s19+$0xFFFFFF90]  }
0x5f9: {  	[tilespmem:v45+s2+$0x0] =	vst.idx.add.f32.msk $0xffff, v14  }
0x5fa: {  	v45 =	vld [tilespmem:s19+$0x40]  }
0x5fb: {  	v48 =	vld [tilespmem:s19+$0x10]  }
0x5fc: {  	v49 =	vld [tilespmem:s19+$0x20]  }
0x5fd: {  	vm3 =	veq.s32 v37, v2;
	v50 =	vld [tilespmem:s7+$0x50]  }
0x5fe: {  	v51 =	vld [tilespmem:s7+$0x60]  }
0x5ff: {  	v52 =	vld [tilespmem:s7+$0x70]  }
0x600: {  	v53 =	vld [tilespmem:s7+$0xFFFFFF80]  }
0x601: {  	vm4 =	veq.s32 v42, v2;
	v54 =	vld [tilespmem:s19+$0x50]  }
0x602: {  	v37 =	vsel vm4, v18, v17;
	v42 =	vld [tilespmem:s19+$0x60]  }
0x603: {  	v43 =	vadd.s32 v43, v37;
	v55 =	vld [tilespmem:s19+$0xFFFFFFB0]  }
0x604: {  	v37 =	vsel vm2, v18, v17;
	v56 =	vld [tilespmem:s19+$0x0]  }
0x605: {  	v41 =	vadd.s32 v41, v37;
	v57 =	vld [tilespmem:s19+$0xFFFFFF80]  }
0x606: {  	v37 =	vsel vm3, v18, v17;
	v58 =	vld [tilespmem:s19+$0x70]  }
0x607: {  	vm3 =	veq.s32 v49, v2;
	vm4 =	veq.s32 v54, v2;
	v59 =	vld [tilespmem:s19+$0xFFFFFFD0];
	vm5 =	veq.s32 v42, v2  }
0x608: {  	v42 =	vmul.f32 $5.119843750e+02, v53;
	v49 =	vsel vm4, v18, v17;
	vm2 =	veq.s32 v55, v2;
	[tilespmem:v38+s2+$0x0] =	vst.idx.add.f32.msk $0xffff, v14  }
0x609: {  	v52 =	vmul.f32 $5.119843750e+02, v52;
	v38 =	vsel vm5, v18, v17;
	vm4 =	veq.s32 v56, v2;
	[tilespmem:v39+s2+$0x0] =	vst.idx.add.f32.msk $0xffff, v14  }
0x60a: {  	v51 =	vmul.f32 $5.119843750e+02, v51;
	v39 =	vtrunc.f32 v42;
	v42 =	vsel vm4, v18, v17;
	[tilespmem:v43+s2+$0x0] =	vst.idx.add.f32.msk $0xffff, v14  }
0x60b: {  	v43 =	vmul.f32 $5.119843750e+02, v50;
	v50 =	vtrunc.f32 v52;
	vm5 =	veq.s32 v58, v2;
	[tilespmem:v40+s2+$0x0] =	vst.idx.add.f32.msk $0xffff, v14  }
0x60c: {  	v39 =	vcvt.f32.s32 v39;
	v40 =	vtrunc.f32 v51;
	vm4 =	veq.s32 v59, v2;
	[tilespmem:v41+s2+$0x0] =	vst.idx.add.f32.msk $0xffff, v14  }
0x60d: {  	vm6 =	veq.s32 v57, v2;
	v43 =	vtrunc.f32 v43;
	v40 =	vcvt.f32.s32 v40;
	v41 =	vld [tilespmem:s7+$0x20]  }
0x60e: {  	vm8 =	veq.s32 v45, v2;
	vm7 =	veq.s32 v48, v2;
	v43 =	vcvt.f32.s32 v43;
	v51 =	vld [tilespmem:s7+$0x10]  }
0x60f: {  	vm9 =	veq.s32 v46, v2;
	v38 =	vadd.s32 v40, v38;
	v40 =	vcvt.f32.s32 v50;
	v45 =	vld [tilespmem:s7+$0x0]  }
0x610: {  	v44 =	vmul.f32 $5.119843750e+02, v44;
	v46 =	vsel vm6, v18, v17;
	v43 =	vadd.s32 v43, v49;
	v48 =	vld [tilespmem:s7+$0xFFFFFFF0]  }
0x611: {  	v47 =	vmul.f32 $5.119843750e+02, v47;
	v39 =	vadd.s32 v39, v46;
	v49 =	vsel vm8, v18, v17;
	v46 =	vld [tilespmem:s7+$0xFFFFFFE0]  }
0x612: {  	v44 =	vtrunc.f32 v44;
	v52 =	vsel vm5, v18, v17;
	v50 =	vld [tilespmem:s7+$0xFFFFFFD0];
	v41 =	vmul.f32 $5.119843750e+02, v41  }
0x613: {  	v47 =	vtrunc.f32 v47;
	v40 =	vadd.s32 v40, v52;
	v53 =	vld [tilespmem:s7+$0xFFFFFFC0];
	v51 =	vmul.f32 $5.119843750e+02, v51  }
0x614: {  	v47 =	vcvt.f32.s32 v47;
	v44 =	vcvt.f32.s32 v44;
	v54 =	vsel vm7, v18, v17;
	v52 =	vld [tilespmem:s7+$0xFFFFFFB0]  }
0x615: {  	v56 =	vsel vm9, v18, v17;
	v45 =	vmul.f32 $5.119843750e+02, v45;
	v55 =	vld [tilespmem:s7+$0xFFFFFFA0];
	v51 =	vtrunc.f32 v51  }
0x616: {  	v47 =	vadd.s32 v47, v56;
	v48 =	vmul.f32 $5.119843750e+02, v48;
	v57 =	vld [tilespmem:s7+$0xFFFFFF90];
	v51 =	vcvt.f32.s32 v51  }
0x617: {  	v44 =	vadd.s32 v44, v49;
	v41 =	vtrunc.f32 v41;
	v50 =	vmul.f32 $5.119843750e+02, v50;
	[tilespmem:v43+s2+$0x0] =	vst.idx.add.f32.msk $0xffff, v14  }
0x618: {  	v41 =	vcvt.f32.s32 v41;
	v43 =	vmul.f32 $5.119843750e+02, v53;
	v49 =	vld [tilespmem:s19+$0xFFFFFFF0];
	v51 =	vadd.s32 v51, v54  }
0x619: {  	v45 =	vtrunc.f32 v45;
	[tilespmem:v39+s2+$0x0] =	vst.idx.add.f32.msk $0xffff, v14;
	v39 =	vmul.f32 $5.119843750e+02, v52;
	v52 =	vsel vm3, v18, v17  }
0x61a: {  	v46 =	vmul.f32 $5.119843750e+02, v46;
	v53 =	vld [tilespmem:s19+$0xFFFFFFA0];
	v54 =	vmul.f32 $5.119843750e+02, v55;
	v41 =	vadd.s32 v41, v52  }
0x61b: {  	v50 =	vtrunc.f32 v50;
	v52 =	vsel vm4, v18, v17;
	v39 =	vtrunc.f32 v39;
	[tilespmem:v47+s2+$0x0] =	vst.idx.add.f32.msk $0xffff, v14  }
0x61c: {  	v45 =	vcvt.f32.s32 v45;
	v47 =	vsel vm2, v18, v17;
	v39 =	vcvt.f32.s32 v39;
	[tilespmem:v44+s2+$0x0] =	vst.idx.add.f32.msk $0xffff, v14  }
0x61d: {  	v48 =	vtrunc.f32 v48;
	v44 =	vtrunc.f32 v54;
	vm2 =	veq.s32 v49, v2;
	[tilespmem:v51+s2+$0x0] =	vst.idx.add.f32.msk $0xffff, v14  }
0x61e: {  	v44 =	vcvt.f32.s32 v44;
	v47 =	vadd.s32 v39, v47;
	v49 =	vsel vm2, v18, v17;
	[tilespmem:v40+s2+$0x0] =	vst.idx.add.f32.msk $0xffff, v14  }
0x61f: {  	v51 =	vadd.s32 v45, v42;
	v39 =	vmul.f32 $5.119843750e+02, v57;
	vm2 =	veq.s32 v53, v2;
	[tilespmem:v41+s2+$0x0] =	vst.idx.add.f32.msk $0xffff, v14  }
.Ltmp19:
0x620: {  	v45 =	vcvt.f32.s32 v48;
	v41 =	vcvt.f32.s32 v50;
	v40 =	vsel vm2, v18, v17;
	[tilespmem:v38+s2+$0x0] =	vst.idx.add.f32.msk $0xffff, v14;
	(pc) =	sbr.rel @p3 .LBB2_33-.Ltmp19, $4  }
0x621: {  	v39 =	vtrunc.f32 v39;
	v38 =	vadd.s32 v44, v40;
	v44 =	vld [tilespmem:s19+$0xFFFFFFC0];
	v40 =	vtrunc.f32 v46  }
0x622: {  	v43 =	vtrunc.f32 v43;
	v46 =	vcvt.f32.s32 v39;
	v39 =	vadd.s32 v41, v52;
	v42 =	vld [tilespmem:s19+$0xFFFFFFE0]  }
0x623: {  	v45 =	vadd.s32 v45, v49;
	v41 =	vcvt.f32.s32 v43;
	v43 =	vcvt.f32.s32 v40;
	[tilespmem:v47+s2+$0x0] =	vst.idx.add.f32.msk $0xffff, v14  }
0x624: {  	s19 =	sadd.s32 $0x100, s19;
	v40 =	vadd.s32 v46, v37;
	[tilespmem:v51+s2+$0x0] =	vst.idx.add.f32.msk $0xffff, v14  }
0x625: {  	_ =	sdelay $0x1  }
0x626: {  	vm2 =	veq.s32 v42, v2  }
0x627: {  	v37 =	vsel vm2, v18, v17;
	vm2 =	veq.s32 v44, v2  }
0x628: {  	v37 =	vadd.s32 v43, v37;
	v59 =	vsel vm2, v18, v17  }
0x629: {  	[tilespmem:v45+s2+$0x0] =	vst.idx.add.f32.msk $0xffff, v14;
	v41 =	vadd.s32 v41, v59  }
0x62a: {  	[tilespmem:v38+s2+$0x0] =	vst.idx.add.f32.msk $0xffff, v14  }
0x62b: {  	[tilespmem:v39+s2+$0x0] =	vst.idx.add.f32.msk $0xffff, v14  }
0x62c: {  	[tilespmem:v40+s2+$0x0] =	vst.idx.add.f32.msk $0xffff, v14  }
0x62d: {  	[tilespmem:v37+s2+$0x0] =	vst.idx.add.f32.msk $0xffff, v14  }
0x62e: {  	[tilespmem:v41+s2+$0x0] =	vst.idx.add.f32.msk $0xffff, v14  }
0x62f: {  	s7 =	sor.u32 s12, s23;
	_ =	swait.ge [sflag:s28], $0x4000  }
0x630: {  	s7 =	sshrl.u32 s7, $0x3;
	[sflag:s28] =	ssyncset.done $0x0  }
0x631: {  	s8 =	simm.s32 $0xF080;
	s7 =	sadd.s32 s3, s7;
	[sflag:s28] =	ssyncadd.s32 $0xFFFFC000  }
0x632: {  	[tilespmem:s29], [sflag:$0x2] =	stream.linear.gather [hbm4b:s7+s2], $0x4000, $0x38;
	[tilespmem:$0x1E480] =	vst v63  }
0x633: {  	v37 =	vld [tilespmem:s8+$0x30]  }
0x634: {  	v60 =	vld [tilespmem:s8+$0xFFFFFF90]  }
0x635: {  	s7 =	simm.s32 $0x13080;
	v61 =	vld [tilespmem:s8+$0x20]  }
0x636: {  	v40 =	vld [tilespmem:s7+$0x50]  }
0x637: {  	v62 =	vld [tilespmem:s7+$0x60]  }
0x638: {  	v54 =	vld [tilespmem:s7+$0xFFFFFF80]  }
0x639: {  	v55 =	vld [tilespmem:s8+$0x50]  }
0x63a: {  	v56 =	vld [tilespmem:s8+$0x60]  }
0x63b: {  	v46 =	vld [tilespmem:s8+$0x0]  }
0x63c: {  	v47 =	vld [tilespmem:s7+$0x70]  }
0x63d: {  	v58 =	vld [tilespmem:s8+$0xFFFFFF80]  }
0x63e: {  	v49 =	vld [tilespmem:s8+$0x70]  }
0x63f: {  	v59 =	vld [tilespmem:s8+$0xFFFFFFD0]  }
0x640: {  	v63 =	vld [tilespmem:s8+$0x40]  }
0x641: {  	v50 =	vld [tilespmem:s7+$0x40]  }
0x642: {  	v52 =	vld [tilespmem:s7+$0x30]  }
0x643: {  	v43 =	vld [tilespmem:s7+$0x0];
	vm2 =	veq.s32 v60, v3;
	vm3 =	veq.s32 v61, v3;
	vm4 =	veq.s32 v55, v3  }
0x644: {  	v57 =	vld [tilespmem:s8+$0xFFFFFFB0];
	vm5 =	veq.s32 v56, v3;
	v42 =	vmul.f32 $5.119843750e+02, v54;
	v47 =	vmul.f32 $5.119843750e+02, v47  }
0x645: {  	vm13 =	veq.s32 v46, v3;
	v41 =	vmul.f32 $5.119843750e+02, v62;
	v40 =	vmul.f32 $5.119843750e+02, v40  }
0x646: {  	vm14 =	veq.s32 v49, v3;
	vm15 =	veq.s32 v59, v3;
	vm6 =	veq.s32 v58, v3  }
0x647: {  	vm8 =	veq.s32 v63, v3;
	vm9 =	veq.s32 v37, v3;
	v58 =	vmul.f32 $5.119843750e+02, v50  }
0x648: {  	v59 =	vmul.f32 $5.119843750e+02, v52;
	v43 =	vmul.f32 $5.119843750e+02, v43;
	v48 =	vsel vm2, v20, v19  }
0x649: {  	v44 =	vld [tilespmem:s7+$0xFFFFFFE0];
	vm2 =	veq.s32 v57, v3;
	v42 =	vtrunc.f32 v42;
	v47 =	vtrunc.f32 v47  }
0x64a: {  	v60 =	vld [tilespmem:s8+$0x10];
	v61 =	vsel vm4, v20, v19;
	v55 =	vtrunc.f32 v41;
	v40 =	vtrunc.f32 v40  }
0x64b: {  	v56 =	vld [tilespmem:s7+$0x20];
	v46 =	vsel vm5, v20, v19;
	v49 =	vtrunc.f32 v58;
	v45 =	vtrunc.f32 v59  }
0x64c: {  	v63 =	vld [tilespmem:s7+$0xFFFFFFF0];
	v51 =	vsel vm13, v20, v19;
	v43 =	vtrunc.f32 v43;
	v42 =	vcvt.f32.s32 v42  }
0x64d: {  	v54 =	vld [tilespmem:s7+$0xFFFFFFC0];
	v62 =	vsel vm6, v20, v19;
	v39 =	vcvt.f32.s32 v55;
	v40 =	vcvt.f32.s32 v40  }
0x64e: {  	v53 =	vsel vm14, v20, v19;
	v41 =	vld [tilespmem:s7+$0x10];
	v57 =	vcvt.f32.s32 v47;
	v45 =	vcvt.f32.s32 v45  }
0x64f: {  	v50 =	vld [tilespmem:s8+$0xFFFFFFF0];
	v59 =	vsel vm3, v20, v19;
	v49 =	vcvt.f32.s32 v49;
	v43 =	vcvt.f32.s32 v43  }
0x650: {  	vm7 =	veq.s32 v60, v3;
	v40 =	vadd.s32 v40, v61;
	v42 =	vadd.s32 v42, v62;
	v61 =	vld [tilespmem:s7+$0xFFFFFFD0]  }
0x651: {  	v60 =	vsel vm8, v20, v19;
	v38 =	vmul.f32 $5.119843750e+02, v56;
	v37 =	vadd.s32 v57, v53;
	v62 =	vld [tilespmem:s7+$0xFFFFFFB0]  }
0x652: {  	v56 =	vld [tilespmem:s7+$0xFFFFFFA0];
	v57 =	vsel vm9, v20, v19;
	v47 =	vmul.f32 $5.119843750e+02, v63;
	v52 =	vmul.f32 $5.119843750e+02, v54  }
0x653: {  	v39 =	vadd.s32 v39, v46;
	v46 =	vmul.f32 $5.119843750e+02, v44;
	v44 =	vld [tilespmem:s8+$0xFFFFFFC0];
	v41 =	vmul.f32 $5.119843750e+02, v41  }
0x654: {  	v45 =	vadd.s32 v45, v57;
	v57 =	vld [tilespmem:s7+$0xFFFFFF90];
	v38 =	vtrunc.f32 v38;
	v53 =	vtrunc.f32 v47  }
0x655: {  	v49 =	vadd.s32 v49, v60;
	v60 =	vld [tilespmem:s8+$0xFFFFFFA0];
	v38 =	vcvt.f32.s32 v38;
	v41 =	vtrunc.f32 v41  }
0x656: {  	v55 =	vsel vm7, v20, v19;
	v41 =	vcvt.f32.s32 v41;
	[tilespmem:v40+s2+$0x0] =	vst.idx.add.f32.msk $0xffff, v14;
	v58 =	vmul.f32 $5.119843750e+02, v62  }
0x657: {  	v63 =	vmul.f32 $5.119843750e+02, v61;
	[tilespmem:v42+s2+$0x0] =	vst.idx.add.f32.msk $0xffff, v14;
	v61 =	vmul.f32 $5.119843750e+02, v56;
	v38 =	vadd.s32 v38, v59  }
0x658: {  	v62 =	vsel vm2, v20, v19;
	vm2 =	veq.s32 v50, v3;
	[tilespmem:v37+s2+$0x0] =	vst.idx.add.f32.msk $0xffff, v14;
	v42 =	vtrunc.f32 v58  }
0x659: {  	[tilespmem:v39+s2+$0x0] =	vst.idx.add.f32.msk $0xffff, v14;
	v56 =	vmul.f32 $5.119843750e+02, v57;
	v57 =	vadd.s32 v43, v51;
	v42 =	vcvt.f32.s32 v42  }
0x65a: {  	v59 =	vcvt.f32.s32 v53;
	[tilespmem:v45+s2+$0x0] =	vst.idx.add.f32.msk $0xffff, v14;
	v45 =	vsel vm15, v20, v19;
	v41 =	vadd.s32 v41, v55  }
0x65b: {  	[tilespmem:v49+s2+$0x0] =	vst.idx.add.f32.msk $0xffff, v14;
	v40 =	vtrunc.f32 v63;
	v63 =	vtrunc.f32 v61;
	v47 =	vadd.s32 v42, v62  }
0x65c: {  	v50 =	vsel vm2, v20, v19;
	v55 =	vcvt.f32.s32 v63;
	v40 =	vcvt.f32.s32 v40;
	[tilespmem:v38+s2+$0x0] =	vst.idx.add.f32.msk $0xffff, v14  }
0x65d: {  	vm2 =	veq.s32 v60, v3;
	v60 =	vtrunc.f32 v56;
	v63 =	vtrunc.f32 v46;
	v42 =	vld [tilespmem:s8+$0xFFFFFFE0]  }
0x65e: {  	v58 =	vsel vm2, v20, v19;
	v61 =	vcvt.f32.s32 v60;
	v43 =	vcvt.f32.s32 v63;
	[tilespmem:v57+s2+$0x0] =	vst.idx.add.f32.msk $0xffff, v14  }
0x65f: {  	v38 =	vadd.s32 v55, v58;
	v62 =	vtrunc.f32 v52;
	v39 =	vadd.s32 v40, v45;
	[tilespmem:v41+s2+$0x0] =	vst.idx.add.f32.msk $0xffff, v14  }
0x660: {  	s19 =	simm.s32 $0xF180;
	s8 =	simm.s32 $0x0;
	v45 =	vadd.s32 v59, v50;
	v40 =	vadd.s32 v61, v48;
	v41 =	vcvt.f32.s32 v62;
	[tilespmem:v47+s2+$0x0] =	vst.idx.add.f32.msk $0xffff, v14  }
.LBB2_35:
0x661: {  	v46 =	vld [tilespmem:s19+$0x30];
	s8 =	sadd.s32 $0x100, s8;
	s7 =	sadd.s32 $0x100, s7  }
0x662: {  	v47 =	vld [tilespmem:s7+$0x30];
	p3 =	slt.u32 s8, $0x3F00;
	vm2 =	veq.s32 v44, v3  }
0x663: {  	v44 =	vld [tilespmem:s7+$0x40]  }
0x664: {  	v37 =	vld [tilespmem:s19+$0xFFFFFF90]  }
0x665: {  	[tilespmem:v45+s2+$0x0] =	vst.idx.add.f32.msk $0xffff, v14  }
0x666: {  	v45 =	vld [tilespmem:s19+$0x40]  }
0x667: {  	v48 =	vld [tilespmem:s19+$0x10]  }
0x668: {  	v49 =	vld [tilespmem:s19+$0x20]  }
0x669: {  	vm3 =	veq.s32 v37, v3;
	v50 =	vld [tilespmem:s7+$0x50]  }
0x66a: {  	v51 =	vld [tilespmem:s7+$0x60]  }
0x66b: {  	v52 =	vld [tilespmem:s7+$0x70]  }
0x66c: {  	v53 =	vld [tilespmem:s7+$0xFFFFFF80]  }
0x66d: {  	vm4 =	veq.s32 v42, v3;
	v54 =	vld [tilespmem:s19+$0x50]  }
0x66e: {  	v37 =	vsel vm4, v20, v19;
	v42 =	vld [tilespmem:s19+$0x60]  }
0x66f: {  	v43 =	vadd.s32 v43, v37;
	v55 =	vld [tilespmem:s19+$0xFFFFFFB0]  }
0x670: {  	v37 =	vsel vm2, v20, v19;
	v56 =	vld [tilespmem:s19+$0x0]  }
0x671: {  	v41 =	vadd.s32 v41, v37;
	v57 =	vld [tilespmem:s19+$0xFFFFFF80]  }
0x672: {  	v37 =	vsel vm3, v20, v19;
	v58 =	vld [tilespmem:s19+$0x70]  }
0x673: {  	vm3 =	veq.s32 v49, v3;
	vm4 =	veq.s32 v54, v3;
	v59 =	vld [tilespmem:s19+$0xFFFFFFD0];
	vm5 =	veq.s32 v42, v3  }
0x674: {  	v42 =	vmul.f32 $5.119843750e+02, v53;
	v49 =	vsel vm4, v20, v19;
	vm2 =	veq.s32 v55, v3;
	[tilespmem:v38+s2+$0x0] =	vst.idx.add.f32.msk $0xffff, v14  }
0x675: {  	v52 =	vmul.f32 $5.119843750e+02, v52;
	v38 =	vsel vm5, v20, v19;
	vm4 =	veq.s32 v56, v3;
	[tilespmem:v39+s2+$0x0] =	vst.idx.add.f32.msk $0xffff, v14  }
0x676: {  	v51 =	vmul.f32 $5.119843750e+02, v51;
	v39 =	vtrunc.f32 v42;
	v42 =	vsel vm4, v20, v19;
	[tilespmem:v43+s2+$0x0] =	vst.idx.add.f32.msk $0xffff, v14  }
0x677: {  	v43 =	vmul.f32 $5.119843750e+02, v50;
	v50 =	vtrunc.f32 v52;
	vm5 =	veq.s32 v58, v3;
	[tilespmem:v40+s2+$0x0] =	vst.idx.add.f32.msk $0xffff, v14  }
0x678: {  	v39 =	vcvt.f32.s32 v39;
	v40 =	vtrunc.f32 v51;
	vm4 =	veq.s32 v59, v3;
	[tilespmem:v41+s2+$0x0] =	vst.idx.add.f32.msk $0xffff, v14  }
0x679: {  	vm6 =	veq.s32 v57, v3;
	v43 =	vtrunc.f32 v43;
	v40 =	vcvt.f32.s32 v40;
	v41 =	vld [tilespmem:s7+$0x20]  }
0x67a: {  	vm8 =	veq.s32 v45, v3;
	vm7 =	veq.s32 v48, v3;
	v43 =	vcvt.f32.s32 v43;
	v51 =	vld [tilespmem:s7+$0x10]  }
0x67b: {  	vm9 =	veq.s32 v46, v3;
	v38 =	vadd.s32 v40, v38;
	v40 =	vcvt.f32.s32 v50;
	v45 =	vld [tilespmem:s7+$0x0]  }
0x67c: {  	v44 =	vmul.f32 $5.119843750e+02, v44;
	v46 =	vsel vm6, v20, v19;
	v43 =	vadd.s32 v43, v49;
	v48 =	vld [tilespmem:s7+$0xFFFFFFF0]  }
0x67d: {  	v47 =	vmul.f32 $5.119843750e+02, v47;
	v39 =	vadd.s32 v39, v46;
	v49 =	vsel vm8, v20, v19;
	v46 =	vld [tilespmem:s7+$0xFFFFFFE0]  }
0x67e: {  	v44 =	vtrunc.f32 v44;
	v52 =	vsel vm5, v20, v19;
	v50 =	vld [tilespmem:s7+$0xFFFFFFD0];
	v41 =	vmul.f32 $5.119843750e+02, v41  }
0x67f: {  	v47 =	vtrunc.f32 v47;
	v40 =	vadd.s32 v40, v52;
	v53 =	vld [tilespmem:s7+$0xFFFFFFC0];
	v51 =	vmul.f32 $5.119843750e+02, v51  }
0x680: {  	v47 =	vcvt.f32.s32 v47;
	v44 =	vcvt.f32.s32 v44;
	v54 =	vsel vm7, v20, v19;
	v52 =	vld [tilespmem:s7+$0xFFFFFFB0]  }
0x681: {  	v56 =	vsel vm9, v20, v19;
	v45 =	vmul.f32 $5.119843750e+02, v45;
	v55 =	vld [tilespmem:s7+$0xFFFFFFA0];
	v51 =	vtrunc.f32 v51  }
0x682: {  	v47 =	vadd.s32 v47, v56;
	v48 =	vmul.f32 $5.119843750e+02, v48;
	v57 =	vld [tilespmem:s7+$0xFFFFFF90];
	v51 =	vcvt.f32.s32 v51  }
0x683: {  	v44 =	vadd.s32 v44, v49;
	v41 =	vtrunc.f32 v41;
	v50 =	vmul.f32 $5.119843750e+02, v50;
	[tilespmem:v43+s2+$0x0] =	vst.idx.add.f32.msk $0xffff, v14  }
0x684: {  	v41 =	vcvt.f32.s32 v41;
	v43 =	vmul.f32 $5.119843750e+02, v53;
	v49 =	vld [tilespmem:s19+$0xFFFFFFF0];
	v51 =	vadd.s32 v51, v54  }
0x685: {  	v45 =	vtrunc.f32 v45;
	[tilespmem:v39+s2+$0x0] =	vst.idx.add.f32.msk $0xffff, v14;
	v39 =	vmul.f32 $5.119843750e+02, v52;
	v52 =	vsel vm3, v20, v19  }
0x686: {  	v46 =	vmul.f32 $5.119843750e+02, v46;
	v53 =	vld [tilespmem:s19+$0xFFFFFFA0];
	v54 =	vmul.f32 $5.119843750e+02, v55;
	v41 =	vadd.s32 v41, v52  }
0x687: {  	v50 =	vtrunc.f32 v50;
	v52 =	vsel vm4, v20, v19;
	v39 =	vtrunc.f32 v39;
	[tilespmem:v47+s2+$0x0] =	vst.idx.add.f32.msk $0xffff, v14  }
0x688: {  	v45 =	vcvt.f32.s32 v45;
	v47 =	vsel vm2, v20, v19;
	v39 =	vcvt.f32.s32 v39;
	[tilespmem:v44+s2+$0x0] =	vst.idx.add.f32.msk $0xffff, v14  }
0x689: {  	v48 =	vtrunc.f32 v48;
	v44 =	vtrunc.f32 v54;
	vm2 =	veq.s32 v49, v3;
	[tilespmem:v51+s2+$0x0] =	vst.idx.add.f32.msk $0xffff, v14  }
0x68a: {  	v44 =	vcvt.f32.s32 v44;
	v47 =	vadd.s32 v39, v47;
	v49 =	vsel vm2, v20, v19;
	[tilespmem:v40+s2+$0x0] =	vst.idx.add.f32.msk $0xffff, v14  }
0x68b: {  	v51 =	vadd.s32 v45, v42;
	v39 =	vmul.f32 $5.119843750e+02, v57;
	vm2 =	veq.s32 v53, v3;
	[tilespmem:v41+s2+$0x0] =	vst.idx.add.f32.msk $0xffff, v14  }
.Ltmp20:
0x68c: {  	v45 =	vcvt.f32.s32 v48;
	v41 =	vcvt.f32.s32 v50;
	v40 =	vsel vm2, v20, v19;
	[tilespmem:v38+s2+$0x0] =	vst.idx.add.f32.msk $0xffff, v14;
	(pc) =	sbr.rel @p3 .LBB2_35-.Ltmp20, $4  }
0x68d: {  	v39 =	vtrunc.f32 v39;
	v38 =	vadd.s32 v44, v40;
	v44 =	vld [tilespmem:s19+$0xFFFFFFC0];
	v40 =	vtrunc.f32 v46  }
0x68e: {  	v43 =	vtrunc.f32 v43;
	v46 =	vcvt.f32.s32 v39;
	v39 =	vadd.s32 v41, v52;
	v42 =	vld [tilespmem:s19+$0xFFFFFFE0]  }
0x68f: {  	v45 =	vadd.s32 v45, v49;
	v41 =	vcvt.f32.s32 v43;
	v43 =	vcvt.f32.s32 v40;
	[tilespmem:v47+s2+$0x0] =	vst.idx.add.f32.msk $0xffff, v14  }
0x690: {  	s19 =	sadd.s32 $0x100, s19;
	v40 =	vadd.s32 v46, v37;
	[tilespmem:v51+s2+$0x0] =	vst.idx.add.f32.msk $0xffff, v14  }
0x691: {  	_ =	sdelay $0x1  }
0x692: {  	vm2 =	veq.s32 v42, v3  }
0x693: {  	v37 =	vsel vm2, v20, v19;
	vm2 =	veq.s32 v44, v3  }
0x694: {  	v37 =	vadd.s32 v43, v37;
	v59 =	vsel vm2, v20, v19  }
0x695: {  	[tilespmem:v45+s2+$0x0] =	vst.idx.add.f32.msk $0xffff, v14;
	v41 =	vadd.s32 v41, v59  }
0x696: {  	[tilespmem:v38+s2+$0x0] =	vst.idx.add.f32.msk $0xffff, v14  }
0x697: {  	[tilespmem:v39+s2+$0x0] =	vst.idx.add.f32.msk $0xffff, v14  }
0x698: {  	[tilespmem:v40+s2+$0x0] =	vst.idx.add.f32.msk $0xffff, v14  }
0x699: {  	[tilespmem:v37+s2+$0x0] =	vst.idx.add.f32.msk $0xffff, v14  }
0x69a: {  	[tilespmem:v41+s2+$0x0] =	vst.idx.add.f32.msk $0xffff, v14  }
0x69b: {  	s7 =	sor.u32 s13, s23;
	_ =	swait.ge [sflag:s28], $0x4000  }
0x69c: {  	s7 =	sshrl.u32 s7, $0x3;
	[sflag:s28] =	ssyncset.done $0x0  }
0x69d: {  	s8 =	simm.s32 $0xF080;
	s7 =	sadd.s32 s3, s7;
	[sflag:s28] =	ssyncadd.s32 $0xFFFFC000  }
0x69e: {  	[tilespmem:s24], [sflag:$0x2] =	stream.linear.gather [hbm4b:s7+s2], $0x4000, $0x38;
	[tilespmem:$0x1E480] =	vst v63  }
0x69f: {  	v37 =	vld [tilespmem:s8+$0x30]  }
0x6a0: {  	v60 =	vld [tilespmem:s8+$0xFFFFFF90]  }
0x6a1: {  	s7 =	simm.s32 $0x17080;
	v61 =	vld [tilespmem:s8+$0x20]  }
0x6a2: {  	v40 =	vld [tilespmem:s7+$0x50]  }
0x6a3: {  	v62 =	vld [tilespmem:s7+$0x60]  }
0x6a4: {  	v54 =	vld [tilespmem:s7+$0xFFFFFF80]  }
0x6a5: {  	v55 =	vld [tilespmem:s8+$0x50]  }
0x6a6: {  	v56 =	vld [tilespmem:s8+$0x60]  }
0x6a7: {  	v46 =	vld [tilespmem:s8+$0x0]  }
0x6a8: {  	v47 =	vld [tilespmem:s7+$0x70]  }
0x6a9: {  	v58 =	vld [tilespmem:s8+$0xFFFFFF80]  }
0x6aa: {  	v49 =	vld [tilespmem:s8+$0x70]  }
0x6ab: {  	v59 =	vld [tilespmem:s8+$0xFFFFFFD0]  }
0x6ac: {  	v63 =	vld [tilespmem:s8+$0x40]  }
0x6ad: {  	v50 =	vld [tilespmem:s7+$0x40]  }
0x6ae: {  	v52 =	vld [tilespmem:s7+$0x30]  }
0x6af: {  	v43 =	vld [tilespmem:s7+$0x0];
	vm2 =	veq.s32 v60, v4;
	vm3 =	veq.s32 v61, v4;
	vm4 =	veq.s32 v55, v4  }
0x6b0: {  	v57 =	vld [tilespmem:s8+$0xFFFFFFB0];
	vm5 =	veq.s32 v56, v4;
	v42 =	vmul.f32 $5.119843750e+02, v54;
	v47 =	vmul.f32 $5.119843750e+02, v47  }
0x6b1: {  	vm13 =	veq.s32 v46, v4;
	v41 =	vmul.f32 $5.119843750e+02, v62;
	v40 =	vmul.f32 $5.119843750e+02, v40  }
0x6b2: {  	vm14 =	veq.s32 v49, v4;
	vm15 =	veq.s32 v59, v4;
	vm6 =	veq.s32 v58, v4  }
0x6b3: {  	vm8 =	veq.s32 v63, v4;
	vm9 =	veq.s32 v37, v4;
	v58 =	vmul.f32 $5.119843750e+02, v50  }
0x6b4: {  	v59 =	vmul.f32 $5.119843750e+02, v52;
	v43 =	vmul.f32 $5.119843750e+02, v43;
	v48 =	vsel vm2, v22, v21  }
0x6b5: {  	v44 =	vld [tilespmem:s7+$0xFFFFFFE0];
	vm2 =	veq.s32 v57, v4;
	v42 =	vtrunc.f32 v42;
	v47 =	vtrunc.f32 v47  }
0x6b6: {  	v60 =	vld [tilespmem:s8+$0x10];
	v61 =	vsel vm4, v22, v21;
	v55 =	vtrunc.f32 v41;
	v40 =	vtrunc.f32 v40  }
0x6b7: {  	v56 =	vld [tilespmem:s7+$0x20];
	v46 =	vsel vm5, v22, v21;
	v49 =	vtrunc.f32 v58;
	v45 =	vtrunc.f32 v59  }
0x6b8: {  	v63 =	vld [tilespmem:s7+$0xFFFFFFF0];
	v51 =	vsel vm13, v22, v21;
	v43 =	vtrunc.f32 v43;
	v42 =	vcvt.f32.s32 v42  }
0x6b9: {  	v54 =	vld [tilespmem:s7+$0xFFFFFFC0];
	v62 =	vsel vm6, v22, v21;
	v39 =	vcvt.f32.s32 v55;
	v40 =	vcvt.f32.s32 v40  }
0x6ba: {  	v53 =	vsel vm14, v22, v21;
	v41 =	vld [tilespmem:s7+$0x10];
	v57 =	vcvt.f32.s32 v47;
	v45 =	vcvt.f32.s32 v45  }
0x6bb: {  	v50 =	vld [tilespmem:s8+$0xFFFFFFF0];
	v59 =	vsel vm3, v22, v21;
	v49 =	vcvt.f32.s32 v49;
	v43 =	vcvt.f32.s32 v43  }
0x6bc: {  	vm7 =	veq.s32 v60, v4;
	v40 =	vadd.s32 v40, v61;
	v42 =	vadd.s32 v42, v62;
	v61 =	vld [tilespmem:s7+$0xFFFFFFD0]  }
0x6bd: {  	v60 =	vsel vm8, v22, v21;
	v38 =	vmul.f32 $5.119843750e+02, v56;
	v37 =	vadd.s32 v57, v53;
	v62 =	vld [tilespmem:s7+$0xFFFFFFB0]  }
0x6be: {  	v56 =	vld [tilespmem:s7+$0xFFFFFFA0];
	v57 =	vsel vm9, v22, v21;
	v47 =	vmul.f32 $5.119843750e+02, v63;
	v52 =	vmul.f32 $5.119843750e+02, v54  }
0x6bf: {  	v39 =	vadd.s32 v39, v46;
	v46 =	vmul.f32 $5.119843750e+02, v44;
	v44 =	vld [tilespmem:s8+$0xFFFFFFC0];
	v41 =	vmul.f32 $5.119843750e+02, v41  }
0x6c0: {  	v45 =	vadd.s32 v45, v57;
	v57 =	vld [tilespmem:s7+$0xFFFFFF90];
	v38 =	vtrunc.f32 v38;
	v53 =	vtrunc.f32 v47  }
0x6c1: {  	v49 =	vadd.s32 v49, v60;
	v60 =	vld [tilespmem:s8+$0xFFFFFFA0];
	v38 =	vcvt.f32.s32 v38;
	v41 =	vtrunc.f32 v41  }
0x6c2: {  	v55 =	vsel vm7, v22, v21;
	v41 =	vcvt.f32.s32 v41;
	[tilespmem:v40+s2+$0x0] =	vst.idx.add.f32.msk $0xffff, v14;
	v58 =	vmul.f32 $5.119843750e+02, v62  }
0x6c3: {  	v63 =	vmul.f32 $5.119843750e+02, v61;
	[tilespmem:v42+s2+$0x0] =	vst.idx.add.f32.msk $0xffff, v14;
	v61 =	vmul.f32 $5.119843750e+02, v56;
	v38 =	vadd.s32 v38, v59  }
0x6c4: {  	v62 =	vsel vm2, v22, v21;
	vm2 =	veq.s32 v50, v4;
	[tilespmem:v37+s2+$0x0] =	vst.idx.add.f32.msk $0xffff, v14;
	v42 =	vtrunc.f32 v58  }
0x6c5: {  	[tilespmem:v39+s2+$0x0] =	vst.idx.add.f32.msk $0xffff, v14;
	v56 =	vmul.f32 $5.119843750e+02, v57;
	v57 =	vadd.s32 v43, v51;
	v42 =	vcvt.f32.s32 v42  }
0x6c6: {  	v59 =	vcvt.f32.s32 v53;
	[tilespmem:v45+s2+$0x0] =	vst.idx.add.f32.msk $0xffff, v14;
	v45 =	vsel vm15, v22, v21;
	v41 =	vadd.s32 v41, v55  }
0x6c7: {  	[tilespmem:v49+s2+$0x0] =	vst.idx.add.f32.msk $0xffff, v14;
	v40 =	vtrunc.f32 v63;
	v63 =	vtrunc.f32 v61;
	v47 =	vadd.s32 v42, v62  }
0x6c8: {  	v50 =	vsel vm2, v22, v21;
	v55 =	vcvt.f32.s32 v63;
	v40 =	vcvt.f32.s32 v40;
	[tilespmem:v38+s2+$0x0] =	vst.idx.add.f32.msk $0xffff, v14  }
0x6c9: {  	vm2 =	veq.s32 v60, v4;
	v60 =	vtrunc.f32 v56;
	v63 =	vtrunc.f32 v46;
	v42 =	vld [tilespmem:s8+$0xFFFFFFE0]  }
0x6ca: {  	v58 =	vsel vm2, v22, v21;
	v61 =	vcvt.f32.s32 v60;
	v43 =	vcvt.f32.s32 v63;
	[tilespmem:v57+s2+$0x0] =	vst.idx.add.f32.msk $0xffff, v14  }
0x6cb: {  	v38 =	vadd.s32 v55, v58;
	v62 =	vtrunc.f32 v52;
	v39 =	vadd.s32 v40, v45;
	[tilespmem:v41+s2+$0x0] =	vst.idx.add.f32.msk $0xffff, v14  }
0x6cc: {  	s19 =	simm.s32 $0xF180;
	s8 =	simm.s32 $0x0;
	v45 =	vadd.s32 v59, v50;
	v40 =	vadd.s32 v61, v48;
	v41 =	vcvt.f32.s32 v62;
	[tilespmem:v47+s2+$0x0] =	vst.idx.add.f32.msk $0xffff, v14  }
.LBB2_37:
0x6cd: {  	v46 =	vld [tilespmem:s19+$0x30];
	s8 =	sadd.s32 $0x100, s8;
	s7 =	sadd.s32 $0x100, s7  }
0x6ce: {  	v47 =	vld [tilespmem:s7+$0x30];
	p3 =	slt.u32 s8, $0x3F00;
	vm2 =	veq.s32 v44, v4  }
0x6cf: {  	v44 =	vld [tilespmem:s7+$0x40]  }
0x6d0: {  	v37 =	vld [tilespmem:s19+$0xFFFFFF90]  }
0x6d1: {  	[tilespmem:v45+s2+$0x0] =	vst.idx.add.f32.msk $0xffff, v14  }
0x6d2: {  	v45 =	vld [tilespmem:s19+$0x40]  }
0x6d3: {  	v48 =	vld [tilespmem:s19+$0x10]  }
0x6d4: {  	v49 =	vld [tilespmem:s19+$0x20]  }
0x6d5: {  	vm3 =	veq.s32 v37, v4;
	v50 =	vld [tilespmem:s7+$0x50]  }
0x6d6: {  	v51 =	vld [tilespmem:s7+$0x60]  }
0x6d7: {  	v52 =	vld [tilespmem:s7+$0x70]  }
0x6d8: {  	v53 =	vld [tilespmem:s7+$0xFFFFFF80]  }
0x6d9: {  	vm4 =	veq.s32 v42, v4;
	v54 =	vld [tilespmem:s19+$0x50]  }
0x6da: {  	v37 =	vsel vm4, v22, v21;
	v42 =	vld [tilespmem:s19+$0x60]  }
0x6db: {  	v43 =	vadd.s32 v43, v37;
	v55 =	vld [tilespmem:s19+$0xFFFFFFB0]  }
0x6dc: {  	v37 =	vsel vm2, v22, v21;
	v56 =	vld [tilespmem:s19+$0x0]  }
0x6dd: {  	v41 =	vadd.s32 v41, v37;
	v57 =	vld [tilespmem:s19+$0xFFFFFF80]  }
0x6de: {  	v37 =	vsel vm3, v22, v21;
	v58 =	vld [tilespmem:s19+$0x70]  }
0x6df: {  	vm3 =	veq.s32 v49, v4;
	vm4 =	veq.s32 v54, v4;
	v59 =	vld [tilespmem:s19+$0xFFFFFFD0];
	vm5 =	veq.s32 v42, v4  }
0x6e0: {  	v42 =	vmul.f32 $5.119843750e+02, v53;
	v49 =	vsel vm4, v22, v21;
	vm2 =	veq.s32 v55, v4;
	[tilespmem:v38+s2+$0x0] =	vst.idx.add.f32.msk $0xffff, v14  }
0x6e1: {  	v52 =	vmul.f32 $5.119843750e+02, v52;
	v38 =	vsel vm5, v22, v21;
	vm4 =	veq.s32 v56, v4;
	[tilespmem:v39+s2+$0x0] =	vst.idx.add.f32.msk $0xffff, v14  }
0x6e2: {  	v51 =	vmul.f32 $5.119843750e+02, v51;
	v39 =	vtrunc.f32 v42;
	v42 =	vsel vm4, v22, v21;
	[tilespmem:v43+s2+$0x0] =	vst.idx.add.f32.msk $0xffff, v14  }
0x6e3: {  	v43 =	vmul.f32 $5.119843750e+02, v50;
	v50 =	vtrunc.f32 v52;
	vm5 =	veq.s32 v58, v4;
	[tilespmem:v40+s2+$0x0] =	vst.idx.add.f32.msk $0xffff, v14  }
0x6e4: {  	v39 =	vcvt.f32.s32 v39;
	v40 =	vtrunc.f32 v51;
	vm4 =	veq.s32 v59, v4;
	[tilespmem:v41+s2+$0x0] =	vst.idx.add.f32.msk $0xffff, v14  }
0x6e5: {  	vm6 =	veq.s32 v57, v4;
	v43 =	vtrunc.f32 v43;
	v40 =	vcvt.f32.s32 v40;
	v41 =	vld [tilespmem:s7+$0x20]  }
0x6e6: {  	vm8 =	veq.s32 v45, v4;
	vm7 =	veq.s32 v48, v4;
	v43 =	vcvt.f32.s32 v43;
	v51 =	vld [tilespmem:s7+$0x10]  }
0x6e7: {  	vm9 =	veq.s32 v46, v4;
	v38 =	vadd.s32 v40, v38;
	v40 =	vcvt.f32.s32 v50;
	v45 =	vld [tilespmem:s7+$0x0]  }
0x6e8: {  	v44 =	vmul.f32 $5.119843750e+02, v44;
	v46 =	vsel vm6, v22, v21;
	v43 =	vadd.s32 v43, v49;
	v48 =	vld [tilespmem:s7+$0xFFFFFFF0]  }
0x6e9: {  	v47 =	vmul.f32 $5.119843750e+02, v47;
	v39 =	vadd.s32 v39, v46;
	v49 =	vsel vm8, v22, v21;
	v46 =	vld [tilespmem:s7+$0xFFFFFFE0]  }
0x6ea: {  	v44 =	vtrunc.f32 v44;
	v52 =	vsel vm5, v22, v21;
	v50 =	vld [tilespmem:s7+$0xFFFFFFD0];
	v41 =	vmul.f32 $5.119843750e+02, v41  }
0x6eb: {  	v47 =	vtrunc.f32 v47;
	v40 =	vadd.s32 v40, v52;
	v53 =	vld [tilespmem:s7+$0xFFFFFFC0];
	v51 =	vmul.f32 $5.119843750e+02, v51  }
0x6ec: {  	v47 =	vcvt.f32.s32 v47;
	v44 =	vcvt.f32.s32 v44;
	v54 =	vsel vm7, v22, v21;
	v52 =	vld [tilespmem:s7+$0xFFFFFFB0]  }
0x6ed: {  	v56 =	vsel vm9, v22, v21;
	v45 =	vmul.f32 $5.119843750e+02, v45;
	v55 =	vld [tilespmem:s7+$0xFFFFFFA0];
	v51 =	vtrunc.f32 v51  }
0x6ee: {  	v47 =	vadd.s32 v47, v56;
	v48 =	vmul.f32 $5.119843750e+02, v48;
	v57 =	vld [tilespmem:s7+$0xFFFFFF90];
	v51 =	vcvt.f32.s32 v51  }
0x6ef: {  	v44 =	vadd.s32 v44, v49;
	v41 =	vtrunc.f32 v41;
	v50 =	vmul.f32 $5.119843750e+02, v50;
	[tilespmem:v43+s2+$0x0] =	vst.idx.add.f32.msk $0xffff, v14  }
0x6f0: {  	v41 =	vcvt.f32.s32 v41;
	v43 =	vmul.f32 $5.119843750e+02, v53;
	v49 =	vld [tilespmem:s19+$0xFFFFFFF0];
	v51 =	vadd.s32 v51, v54  }
0x6f1: {  	v45 =	vtrunc.f32 v45;
	[tilespmem:v39+s2+$0x0] =	vst.idx.add.f32.msk $0xffff, v14;
	v39 =	vmul.f32 $5.119843750e+02, v52;
	v52 =	vsel vm3, v22, v21  }
0x6f2: {  	v46 =	vmul.f32 $5.119843750e+02, v46;
	v53 =	vld [tilespmem:s19+$0xFFFFFFA0];
	v54 =	vmul.f32 $5.119843750e+02, v55;
	v41 =	vadd.s32 v41, v52  }
0x6f3: {  	v50 =	vtrunc.f32 v50;
	v52 =	vsel vm4, v22, v21;
	v39 =	vtrunc.f32 v39;
	[tilespmem:v47+s2+$0x0] =	vst.idx.add.f32.msk $0xffff, v14  }
0x6f4: {  	v45 =	vcvt.f32.s32 v45;
	v47 =	vsel vm2, v22, v21;
	v39 =	vcvt.f32.s32 v39;
	[tilespmem:v44+s2+$0x0] =	vst.idx.add.f32.msk $0xffff, v14  }
0x6f5: {  	v48 =	vtrunc.f32 v48;
	v44 =	vtrunc.f32 v54;
	vm2 =	veq.s32 v49, v4;
	[tilespmem:v51+s2+$0x0] =	vst.idx.add.f32.msk $0xffff, v14  }
0x6f6: {  	v44 =	vcvt.f32.s32 v44;
	v47 =	vadd.s32 v39, v47;
	v49 =	vsel vm2, v22, v21;
	[tilespmem:v40+s2+$0x0] =	vst.idx.add.f32.msk $0xffff, v14  }
0x6f7: {  	v51 =	vadd.s32 v45, v42;
	v39 =	vmul.f32 $5.119843750e+02, v57;
	vm2 =	veq.s32 v53, v4;
	[tilespmem:v41+s2+$0x0] =	vst.idx.add.f32.msk $0xffff, v14  }
.Ltmp21:
0x6f8: {  	v45 =	vcvt.f32.s32 v48;
	v41 =	vcvt.f32.s32 v50;
	v40 =	vsel vm2, v22, v21;
	[tilespmem:v38+s2+$0x0] =	vst.idx.add.f32.msk $0xffff, v14;
	(pc) =	sbr.rel @p3 .LBB2_37-.Ltmp21, $4  }
0x6f9: {  	v39 =	vtrunc.f32 v39;
	v38 =	vadd.s32 v44, v40;
	v44 =	vld [tilespmem:s19+$0xFFFFFFC0];
	v40 =	vtrunc.f32 v46  }
0x6fa: {  	v43 =	vtrunc.f32 v43;
	v46 =	vcvt.f32.s32 v39;
	v39 =	vadd.s32 v41, v52;
	v42 =	vld [tilespmem:s19+$0xFFFFFFE0]  }
0x6fb: {  	v45 =	vadd.s32 v45, v49;
	v41 =	vcvt.f32.s32 v43;
	v43 =	vcvt.f32.s32 v40;
	[tilespmem:v47+s2+$0x0] =	vst.idx.add.f32.msk $0xffff, v14  }
0x6fc: {  	s19 =	sadd.s32 $0x100, s19;
	v40 =	vadd.s32 v46, v37;
	[tilespmem:v51+s2+$0x0] =	vst.idx.add.f32.msk $0xffff, v14  }
0x6fd: {  	_ =	sdelay $0x1  }
0x6fe: {  	vm2 =	veq.s32 v42, v4  }
0x6ff: {  	v37 =	vsel vm2, v22, v21;
	vm2 =	veq.s32 v44, v4  }
0x700: {  	v37 =	vadd.s32 v43, v37;
	v59 =	vsel vm2, v22, v21  }
0x701: {  	[tilespmem:v45+s2+$0x0] =	vst.idx.add.f32.msk $0xffff, v14;
	v41 =	vadd.s32 v41, v59  }
0x702: {  	[tilespmem:v38+s2+$0x0] =	vst.idx.add.f32.msk $0xffff, v14  }
0x703: {  	[tilespmem:v39+s2+$0x0] =	vst.idx.add.f32.msk $0xffff, v14  }
0x704: {  	[tilespmem:v40+s2+$0x0] =	vst.idx.add.f32.msk $0xffff, v14  }
0x705: {  	[tilespmem:v37+s2+$0x0] =	vst.idx.add.f32.msk $0xffff, v14  }
0x706: {  	[tilespmem:v41+s2+$0x0] =	vst.idx.add.f32.msk $0xffff, v14  }
0x707: {  	s7 =	sor.u32 s14, s23;
	_ =	swait.ge [sflag:s28], $0x4000  }
0x708: {  	s7 =	sshrl.u32 s7, $0x3;
	[sflag:s28] =	ssyncset.done $0x0  }
0x709: {  	s8 =	simm.s32 $0xF080;
	s7 =	sadd.s32 s3, s7;
	[sflag:s28] =	ssyncadd.s32 $0xFFFFC000  }
0x70a: {  	[tilespmem:s29], [sflag:$0x2] =	stream.linear.gather [hbm4b:s7+s2], $0x4000, $0x38;
	[tilespmem:$0x1E480] =	vst v63  }
0x70b: {  	v37 =	vld [tilespmem:s8+$0x30]  }
0x70c: {  	v60 =	vld [tilespmem:s8+$0xFFFFFF90]  }
0x70d: {  	s7 =	simm.s32 $0x13080;
	v61 =	vld [tilespmem:s8+$0x20]  }
0x70e: {  	v40 =	vld [tilespmem:s7+$0x50]  }
0x70f: {  	v62 =	vld [tilespmem:s7+$0x60]  }
0x710: {  	v54 =	vld [tilespmem:s7+$0xFFFFFF80]  }
0x711: {  	v55 =	vld [tilespmem:s8+$0x50]  }
0x712: {  	v56 =	vld [tilespmem:s8+$0x60]  }
0x713: {  	v46 =	vld [tilespmem:s8+$0x0]  }
0x714: {  	v47 =	vld [tilespmem:s7+$0x70]  }
0x715: {  	v58 =	vld [tilespmem:s8+$0xFFFFFF80]  }
0x716: {  	v49 =	vld [tilespmem:s8+$0x70]  }
0x717: {  	v59 =	vld [tilespmem:s8+$0xFFFFFFD0]  }
0x718: {  	v63 =	vld [tilespmem:s8+$0x40]  }
0x719: {  	v50 =	vld [tilespmem:s7+$0x40]  }
0x71a: {  	v52 =	vld [tilespmem:s7+$0x30]  }
0x71b: {  	v43 =	vld [tilespmem:s7+$0x0];
	vm2 =	veq.s32 v60, v5;
	vm3 =	veq.s32 v61, v5;
	vm4 =	veq.s32 v55, v5  }
0x71c: {  	v57 =	vld [tilespmem:s8+$0xFFFFFFB0];
	vm5 =	veq.s32 v56, v5;
	v42 =	vmul.f32 $5.119843750e+02, v54;
	v47 =	vmul.f32 $5.119843750e+02, v47  }
0x71d: {  	vm13 =	veq.s32 v46, v5;
	v41 =	vmul.f32 $5.119843750e+02, v62;
	v40 =	vmul.f32 $5.119843750e+02, v40  }
0x71e: {  	vm14 =	veq.s32 v49, v5;
	vm15 =	veq.s32 v59, v5;
	vm6 =	veq.s32 v58, v5  }
0x71f: {  	vm8 =	veq.s32 v63, v5;
	vm9 =	veq.s32 v37, v5;
	v58 =	vmul.f32 $5.119843750e+02, v50  }
0x720: {  	v59 =	vmul.f32 $5.119843750e+02, v52;
	v43 =	vmul.f32 $5.119843750e+02, v43;
	v48 =	vsel vm2, v24, v23  }
0x721: {  	v44 =	vld [tilespmem:s7+$0xFFFFFFE0];
	vm2 =	veq.s32 v57, v5;
	v42 =	vtrunc.f32 v42;
	v47 =	vtrunc.f32 v47  }
0x722: {  	v60 =	vld [tilespmem:s8+$0x10];
	v61 =	vsel vm4, v24, v23;
	v55 =	vtrunc.f32 v41;
	v40 =	vtrunc.f32 v40  }
0x723: {  	v56 =	vld [tilespmem:s7+$0x20];
	v46 =	vsel vm5, v24, v23;
	v49 =	vtrunc.f32 v58;
	v45 =	vtrunc.f32 v59  }
0x724: {  	v63 =	vld [tilespmem:s7+$0xFFFFFFF0];
	v51 =	vsel vm13, v24, v23;
	v43 =	vtrunc.f32 v43;
	v42 =	vcvt.f32.s32 v42  }
0x725: {  	v54 =	vld [tilespmem:s7+$0xFFFFFFC0];
	v62 =	vsel vm6, v24, v23;
	v39 =	vcvt.f32.s32 v55;
	v40 =	vcvt.f32.s32 v40  }
0x726: {  	v53 =	vsel vm14, v24, v23;
	v41 =	vld [tilespmem:s7+$0x10];
	v57 =	vcvt.f32.s32 v47;
	v45 =	vcvt.f32.s32 v45  }
0x727: {  	v50 =	vld [tilespmem:s8+$0xFFFFFFF0];
	v59 =	vsel vm3, v24, v23;
	v49 =	vcvt.f32.s32 v49;
	v43 =	vcvt.f32.s32 v43  }
0x728: {  	vm7 =	veq.s32 v60, v5;
	v40 =	vadd.s32 v40, v61;
	v42 =	vadd.s32 v42, v62;
	v61 =	vld [tilespmem:s7+$0xFFFFFFD0]  }
0x729: {  	v60 =	vsel vm8, v24, v23;
	v38 =	vmul.f32 $5.119843750e+02, v56;
	v37 =	vadd.s32 v57, v53;
	v62 =	vld [tilespmem:s7+$0xFFFFFFB0]  }
0x72a: {  	v56 =	vld [tilespmem:s7+$0xFFFFFFA0];
	v57 =	vsel vm9, v24, v23;
	v47 =	vmul.f32 $5.119843750e+02, v63;
	v52 =	vmul.f32 $5.119843750e+02, v54  }
0x72b: {  	v39 =	vadd.s32 v39, v46;
	v46 =	vmul.f32 $5.119843750e+02, v44;
	v44 =	vld [tilespmem:s8+$0xFFFFFFC0];
	v41 =	vmul.f32 $5.119843750e+02, v41  }
0x72c: {  	v45 =	vadd.s32 v45, v57;
	v57 =	vld [tilespmem:s7+$0xFFFFFF90];
	v38 =	vtrunc.f32 v38;
	v53 =	vtrunc.f32 v47  }
0x72d: {  	v49 =	vadd.s32 v49, v60;
	v60 =	vld [tilespmem:s8+$0xFFFFFFA0];
	v38 =	vcvt.f32.s32 v38;
	v41 =	vtrunc.f32 v41  }
0x72e: {  	v55 =	vsel vm7, v24, v23;
	v41 =	vcvt.f32.s32 v41;
	[tilespmem:v40+s2+$0x0] =	vst.idx.add.f32.msk $0xffff, v14;
	v58 =	vmul.f32 $5.119843750e+02, v62  }
0x72f: {  	v63 =	vmul.f32 $5.119843750e+02, v61;
	[tilespmem:v42+s2+$0x0] =	vst.idx.add.f32.msk $0xffff, v14;
	v61 =	vmul.f32 $5.119843750e+02, v56;
	v38 =	vadd.s32 v38, v59  }
0x730: {  	v62 =	vsel vm2, v24, v23;
	vm2 =	veq.s32 v50, v5;
	[tilespmem:v37+s2+$0x0] =	vst.idx.add.f32.msk $0xffff, v14;
	v42 =	vtrunc.f32 v58  }
0x731: {  	[tilespmem:v39+s2+$0x0] =	vst.idx.add.f32.msk $0xffff, v14;
	v56 =	vmul.f32 $5.119843750e+02, v57;
	v57 =	vadd.s32 v43, v51;
	v42 =	vcvt.f32.s32 v42  }
0x732: {  	v59 =	vcvt.f32.s32 v53;
	[tilespmem:v45+s2+$0x0] =	vst.idx.add.f32.msk $0xffff, v14;
	v45 =	vsel vm15, v24, v23;
	v41 =	vadd.s32 v41, v55  }
0x733: {  	[tilespmem:v49+s2+$0x0] =	vst.idx.add.f32.msk $0xffff, v14;
	v40 =	vtrunc.f32 v63;
	v63 =	vtrunc.f32 v61;
	v47 =	vadd.s32 v42, v62  }
0x734: {  	v50 =	vsel vm2, v24, v23;
	v55 =	vcvt.f32.s32 v63;
	v40 =	vcvt.f32.s32 v40;
	[tilespmem:v38+s2+$0x0] =	vst.idx.add.f32.msk $0xffff, v14  }
0x735: {  	vm2 =	veq.s32 v60, v5;
	v60 =	vtrunc.f32 v56;
	v63 =	vtrunc.f32 v46;
	v42 =	vld [tilespmem:s8+$0xFFFFFFE0]  }
0x736: {  	v58 =	vsel vm2, v24, v23;
	v61 =	vcvt.f32.s32 v60;
	v43 =	vcvt.f32.s32 v63;
	[tilespmem:v57+s2+$0x0] =	vst.idx.add.f32.msk $0xffff, v14  }
0x737: {  	v38 =	vadd.s32 v55, v58;
	v62 =	vtrunc.f32 v52;
	v39 =	vadd.s32 v40, v45;
	[tilespmem:v41+s2+$0x0] =	vst.idx.add.f32.msk $0xffff, v14  }
0x738: {  	s19 =	simm.s32 $0xF180;
	s8 =	simm.s32 $0x0;
	v45 =	vadd.s32 v59, v50;
	v40 =	vadd.s32 v61, v48;
	v41 =	vcvt.f32.s32 v62;
	[tilespmem:v47+s2+$0x0] =	vst.idx.add.f32.msk $0xffff, v14  }
.LBB2_39:
0x739: {  	v46 =	vld [tilespmem:s19+$0x30];
	s8 =	sadd.s32 $0x100, s8;
	s7 =	sadd.s32 $0x100, s7  }
0x73a: {  	v47 =	vld [tilespmem:s7+$0x30];
	p3 =	slt.u32 s8, $0x3F00;
	vm2 =	veq.s32 v44, v5  }
0x73b: {  	v44 =	vld [tilespmem:s7+$0x40]  }
0x73c: {  	v37 =	vld [tilespmem:s19+$0xFFFFFF90]  }
0x73d: {  	[tilespmem:v45+s2+$0x0] =	vst.idx.add.f32.msk $0xffff, v14  }
0x73e: {  	v45 =	vld [tilespmem:s19+$0x40]  }
0x73f: {  	v48 =	vld [tilespmem:s19+$0x10]  }
0x740: {  	v49 =	vld [tilespmem:s19+$0x20]  }
0x741: {  	vm3 =	veq.s32 v37, v5;
	v50 =	vld [tilespmem:s7+$0x50]  }
0x742: {  	v51 =	vld [tilespmem:s7+$0x60]  }
0x743: {  	v52 =	vld [tilespmem:s7+$0x70]  }
0x744: {  	v53 =	vld [tilespmem:s7+$0xFFFFFF80]  }
0x745: {  	vm4 =	veq.s32 v42, v5;
	v54 =	vld [tilespmem:s19+$0x50]  }
0x746: {  	v37 =	vsel vm4, v24, v23;
	v42 =	vld [tilespmem:s19+$0x60]  }
0x747: {  	v43 =	vadd.s32 v43, v37;
	v55 =	vld [tilespmem:s19+$0xFFFFFFB0]  }
0x748: {  	v37 =	vsel vm2, v24, v23;
	v56 =	vld [tilespmem:s19+$0x0]  }
0x749: {  	v41 =	vadd.s32 v41, v37;
	v57 =	vld [tilespmem:s19+$0xFFFFFF80]  }
0x74a: {  	v37 =	vsel vm3, v24, v23;
	v58 =	vld [tilespmem:s19+$0x70]  }
0x74b: {  	vm3 =	veq.s32 v49, v5;
	vm4 =	veq.s32 v54, v5;
	v59 =	vld [tilespmem:s19+$0xFFFFFFD0];
	vm5 =	veq.s32 v42, v5  }
0x74c: {  	v42 =	vmul.f32 $5.119843750e+02, v53;
	v49 =	vsel vm4, v24, v23;
	vm2 =	veq.s32 v55, v5;
	[tilespmem:v38+s2+$0x0] =	vst.idx.add.f32.msk $0xffff, v14  }
0x74d: {  	v52 =	vmul.f32 $5.119843750e+02, v52;
	v38 =	vsel vm5, v24, v23;
	vm4 =	veq.s32 v56, v5;
	[tilespmem:v39+s2+$0x0] =	vst.idx.add.f32.msk $0xffff, v14  }
0x74e: {  	v51 =	vmul.f32 $5.119843750e+02, v51;
	v39 =	vtrunc.f32 v42;
	v42 =	vsel vm4, v24, v23;
	[tilespmem:v43+s2+$0x0] =	vst.idx.add.f32.msk $0xffff, v14  }
0x74f: {  	v43 =	vmul.f32 $5.119843750e+02, v50;
	v50 =	vtrunc.f32 v52;
	vm5 =	veq.s32 v58, v5;
	[tilespmem:v40+s2+$0x0] =	vst.idx.add.f32.msk $0xffff, v14  }
0x750: {  	v39 =	vcvt.f32.s32 v39;
	v40 =	vtrunc.f32 v51;
	vm4 =	veq.s32 v59, v5;
	[tilespmem:v41+s2+$0x0] =	vst.idx.add.f32.msk $0xffff, v14  }
0x751: {  	vm6 =	veq.s32 v57, v5;
	v43 =	vtrunc.f32 v43;
	v40 =	vcvt.f32.s32 v40;
	v41 =	vld [tilespmem:s7+$0x20]  }
0x752: {  	vm8 =	veq.s32 v45, v5;
	vm7 =	veq.s32 v48, v5;
	v43 =	vcvt.f32.s32 v43;
	v51 =	vld [tilespmem:s7+$0x10]  }
0x753: {  	vm9 =	veq.s32 v46, v5;
	v38 =	vadd.s32 v40, v38;
	v40 =	vcvt.f32.s32 v50;
	v45 =	vld [tilespmem:s7+$0x0]  }
0x754: {  	v44 =	vmul.f32 $5.119843750e+02, v44;
	v46 =	vsel vm6, v24, v23;
	v43 =	vadd.s32 v43, v49;
	v48 =	vld [tilespmem:s7+$0xFFFFFFF0]  }
0x755: {  	v47 =	vmul.f32 $5.119843750e+02, v47;
	v39 =	vadd.s32 v39, v46;
	v49 =	vsel vm8, v24, v23;
	v46 =	vld [tilespmem:s7+$0xFFFFFFE0]  }
0x756: {  	v44 =	vtrunc.f32 v44;
	v52 =	vsel vm5, v24, v23;
	v50 =	vld [tilespmem:s7+$0xFFFFFFD0];
	v41 =	vmul.f32 $5.119843750e+02, v41  }
0x757: {  	v47 =	vtrunc.f32 v47;
	v40 =	vadd.s32 v40, v52;
	v53 =	vld [tilespmem:s7+$0xFFFFFFC0];
	v51 =	vmul.f32 $5.119843750e+02, v51  }
0x758: {  	v47 =	vcvt.f32.s32 v47;
	v44 =	vcvt.f32.s32 v44;
	v54 =	vsel vm7, v24, v23;
	v52 =	vld [tilespmem:s7+$0xFFFFFFB0]  }
0x759: {  	v56 =	vsel vm9, v24, v23;
	v45 =	vmul.f32 $5.119843750e+02, v45;
	v55 =	vld [tilespmem:s7+$0xFFFFFFA0];
	v51 =	vtrunc.f32 v51  }
0x75a: {  	v47 =	vadd.s32 v47, v56;
	v48 =	vmul.f32 $5.119843750e+02, v48;
	v57 =	vld [tilespmem:s7+$0xFFFFFF90];
	v51 =	vcvt.f32.s32 v51  }
0x75b: {  	v44 =	vadd.s32 v44, v49;
	v41 =	vtrunc.f32 v41;
	v50 =	vmul.f32 $5.119843750e+02, v50;
	[tilespmem:v43+s2+$0x0] =	vst.idx.add.f32.msk $0xffff, v14  }
0x75c: {  	v41 =	vcvt.f32.s32 v41;
	v43 =	vmul.f32 $5.119843750e+02, v53;
	v49 =	vld [tilespmem:s19+$0xFFFFFFF0];
	v51 =	vadd.s32 v51, v54  }
0x75d: {  	v45 =	vtrunc.f32 v45;
	[tilespmem:v39+s2+$0x0] =	vst.idx.add.f32.msk $0xffff, v14;
	v39 =	vmul.f32 $5.119843750e+02, v52;
	v52 =	vsel vm3, v24, v23  }
0x75e: {  	v46 =	vmul.f32 $5.119843750e+02, v46;
	v53 =	vld [tilespmem:s19+$0xFFFFFFA0];
	v54 =	vmul.f32 $5.119843750e+02, v55;
	v41 =	vadd.s32 v41, v52  }
0x75f: {  	v50 =	vtrunc.f32 v50;
	v52 =	vsel vm4, v24, v23;
	v39 =	vtrunc.f32 v39;
	[tilespmem:v47+s2+$0x0] =	vst.idx.add.f32.msk $0xffff, v14  }
0x760: {  	v45 =	vcvt.f32.s32 v45;
	v47 =	vsel vm2, v24, v23;
	v39 =	vcvt.f32.s32 v39;
	[tilespmem:v44+s2+$0x0] =	vst.idx.add.f32.msk $0xffff, v14  }
0x761: {  	v48 =	vtrunc.f32 v48;
	v44 =	vtrunc.f32 v54;
	vm2 =	veq.s32 v49, v5;
	[tilespmem:v51+s2+$0x0] =	vst.idx.add.f32.msk $0xffff, v14  }
0x762: {  	v44 =	vcvt.f32.s32 v44;
	v47 =	vadd.s32 v39, v47;
	v49 =	vsel vm2, v24, v23;
	[tilespmem:v40+s2+$0x0] =	vst.idx.add.f32.msk $0xffff, v14  }
0x763: {  	v51 =	vadd.s32 v45, v42;
	v39 =	vmul.f32 $5.119843750e+02, v57;
	vm2 =	veq.s32 v53, v5;
	[tilespmem:v41+s2+$0x0] =	vst.idx.add.f32.msk $0xffff, v14  }
.Ltmp22:
0x764: {  	v45 =	vcvt.f32.s32 v48;
	v41 =	vcvt.f32.s32 v50;
	v40 =	vsel vm2, v24, v23;
	[tilespmem:v38+s2+$0x0] =	vst.idx.add.f32.msk $0xffff, v14;
	(pc) =	sbr.rel @p3 .LBB2_39-.Ltmp22, $4  }
0x765: {  	v39 =	vtrunc.f32 v39;
	v38 =	vadd.s32 v44, v40;
	v44 =	vld [tilespmem:s19+$0xFFFFFFC0];
	v40 =	vtrunc.f32 v46  }
0x766: {  	v43 =	vtrunc.f32 v43;
	v46 =	vcvt.f32.s32 v39;
	v39 =	vadd.s32 v41, v52;
	v42 =	vld [tilespmem:s19+$0xFFFFFFE0]  }
0x767: {  	v45 =	vadd.s32 v45, v49;
	v41 =	vcvt.f32.s32 v43;
	v43 =	vcvt.f32.s32 v40;
	[tilespmem:v47+s2+$0x0] =	vst.idx.add.f32.msk $0xffff, v14  }
0x768: {  	s19 =	sadd.s32 $0x100, s19;
	v40 =	vadd.s32 v46, v37;
	[tilespmem:v51+s2+$0x0] =	vst.idx.add.f32.msk $0xffff, v14  }
0x769: {  	_ =	sdelay $0x1  }
0x76a: {  	vm2 =	veq.s32 v42, v5  }
0x76b: {  	v37 =	vsel vm2, v24, v23;
	vm2 =	veq.s32 v44, v5  }
0x76c: {  	v37 =	vadd.s32 v43, v37;
	v59 =	vsel vm2, v24, v23  }
0x76d: {  	[tilespmem:v45+s2+$0x0] =	vst.idx.add.f32.msk $0xffff, v14;
	v41 =	vadd.s32 v41, v59  }
0x76e: {  	[tilespmem:v38+s2+$0x0] =	vst.idx.add.f32.msk $0xffff, v14  }
0x76f: {  	[tilespmem:v39+s2+$0x0] =	vst.idx.add.f32.msk $0xffff, v14  }
0x770: {  	[tilespmem:v40+s2+$0x0] =	vst.idx.add.f32.msk $0xffff, v14  }
0x771: {  	[tilespmem:v37+s2+$0x0] =	vst.idx.add.f32.msk $0xffff, v14  }
0x772: {  	[tilespmem:v41+s2+$0x0] =	vst.idx.add.f32.msk $0xffff, v14  }
0x773: {  	s7 =	sor.u32 s15, s23;
	_ =	swait.ge [sflag:s28], $0x4000  }
0x774: {  	s7 =	sshrl.u32 s7, $0x3;
	[sflag:s28] =	ssyncset.done $0x0  }
0x775: {  	s8 =	simm.s32 $0xF080;
	s7 =	sadd.s32 s3, s7;
	[sflag:s28] =	ssyncadd.s32 $0xFFFFC000  }
0x776: {  	[tilespmem:s24], [sflag:$0x2] =	stream.linear.gather [hbm4b:s7+s2], $0x4000, $0x38;
	[tilespmem:$0x1E480] =	vst v63  }
0x777: {  	v37 =	vld [tilespmem:s8+$0x30]  }
0x778: {  	v60 =	vld [tilespmem:s8+$0xFFFFFF90]  }
0x779: {  	s7 =	simm.s32 $0x17080;
	v61 =	vld [tilespmem:s8+$0x20]  }
0x77a: {  	v40 =	vld [tilespmem:s7+$0x50]  }
0x77b: {  	v62 =	vld [tilespmem:s7+$0x60]  }
0x77c: {  	v54 =	vld [tilespmem:s7+$0xFFFFFF80]  }
0x77d: {  	v55 =	vld [tilespmem:s8+$0x50]  }
0x77e: {  	v56 =	vld [tilespmem:s8+$0x60]  }
0x77f: {  	v46 =	vld [tilespmem:s8+$0x0]  }
0x780: {  	v47 =	vld [tilespmem:s7+$0x70]  }
0x781: {  	v58 =	vld [tilespmem:s8+$0xFFFFFF80]  }
0x782: {  	v49 =	vld [tilespmem:s8+$0x70]  }
0x783: {  	v59 =	vld [tilespmem:s8+$0xFFFFFFD0]  }
0x784: {  	v63 =	vld [tilespmem:s8+$0x40]  }
0x785: {  	v50 =	vld [tilespmem:s7+$0x40]  }
0x786: {  	v52 =	vld [tilespmem:s7+$0x30]  }
0x787: {  	v43 =	vld [tilespmem:s7+$0x0];
	vm2 =	veq.s32 v60, v6;
	vm3 =	veq.s32 v61, v6;
	vm4 =	veq.s32 v55, v6  }
0x788: {  	v57 =	vld [tilespmem:s8+$0xFFFFFFB0];
	vm5 =	veq.s32 v56, v6;
	v42 =	vmul.f32 $5.119843750e+02, v54;
	v47 =	vmul.f32 $5.119843750e+02, v47  }
0x789: {  	vm13 =	veq.s32 v46, v6;
	v41 =	vmul.f32 $5.119843750e+02, v62;
	v40 =	vmul.f32 $5.119843750e+02, v40  }
0x78a: {  	vm14 =	veq.s32 v49, v6;
	vm15 =	veq.s32 v59, v6;
	vm6 =	veq.s32 v58, v6  }
0x78b: {  	vm8 =	veq.s32 v63, v6;
	vm9 =	veq.s32 v37, v6;
	v58 =	vmul.f32 $5.119843750e+02, v50  }
0x78c: {  	v59 =	vmul.f32 $5.119843750e+02, v52;
	v43 =	vmul.f32 $5.119843750e+02, v43;
	v48 =	vsel vm2, v26, v25  }
0x78d: {  	v44 =	vld [tilespmem:s7+$0xFFFFFFE0];
	vm2 =	veq.s32 v57, v6;
	v42 =	vtrunc.f32 v42;
	v47 =	vtrunc.f32 v47  }
0x78e: {  	v60 =	vld [tilespmem:s8+$0x10];
	v61 =	vsel vm4, v26, v25;
	v55 =	vtrunc.f32 v41;
	v40 =	vtrunc.f32 v40  }
0x78f: {  	v56 =	vld [tilespmem:s7+$0x20];
	v46 =	vsel vm5, v26, v25;
	v49 =	vtrunc.f32 v58;
	v45 =	vtrunc.f32 v59  }
0x790: {  	v63 =	vld [tilespmem:s7+$0xFFFFFFF0];
	v51 =	vsel vm13, v26, v25;
	v43 =	vtrunc.f32 v43;
	v42 =	vcvt.f32.s32 v42  }
0x791: {  	v54 =	vld [tilespmem:s7+$0xFFFFFFC0];
	v62 =	vsel vm6, v26, v25;
	v39 =	vcvt.f32.s32 v55;
	v40 =	vcvt.f32.s32 v40  }
0x792: {  	v53 =	vsel vm14, v26, v25;
	v41 =	vld [tilespmem:s7+$0x10];
	v57 =	vcvt.f32.s32 v47;
	v45 =	vcvt.f32.s32 v45  }
0x793: {  	v50 =	vld [tilespmem:s8+$0xFFFFFFF0];
	v59 =	vsel vm3, v26, v25;
	v49 =	vcvt.f32.s32 v49;
	v43 =	vcvt.f32.s32 v43  }
0x794: {  	vm7 =	veq.s32 v60, v6;
	v40 =	vadd.s32 v40, v61;
	v42 =	vadd.s32 v42, v62;
	v61 =	vld [tilespmem:s7+$0xFFFFFFD0]  }
0x795: {  	v60 =	vsel vm8, v26, v25;
	v38 =	vmul.f32 $5.119843750e+02, v56;
	v37 =	vadd.s32 v57, v53;
	v62 =	vld [tilespmem:s7+$0xFFFFFFB0]  }
0x796: {  	v56 =	vld [tilespmem:s7+$0xFFFFFFA0];
	v57 =	vsel vm9, v26, v25;
	v47 =	vmul.f32 $5.119843750e+02, v63;
	v52 =	vmul.f32 $5.119843750e+02, v54  }
0x797: {  	v39 =	vadd.s32 v39, v46;
	v46 =	vmul.f32 $5.119843750e+02, v44;
	v44 =	vld [tilespmem:s8+$0xFFFFFFC0];
	v41 =	vmul.f32 $5.119843750e+02, v41  }
0x798: {  	v45 =	vadd.s32 v45, v57;
	v57 =	vld [tilespmem:s7+$0xFFFFFF90];
	v38 =	vtrunc.f32 v38;
	v53 =	vtrunc.f32 v47  }
0x799: {  	v49 =	vadd.s32 v49, v60;
	v60 =	vld [tilespmem:s8+$0xFFFFFFA0];
	v38 =	vcvt.f32.s32 v38;
	v41 =	vtrunc.f32 v41  }
0x79a: {  	v55 =	vsel vm7, v26, v25;
	v41 =	vcvt.f32.s32 v41;
	[tilespmem:v40+s2+$0x0] =	vst.idx.add.f32.msk $0xffff, v14;
	v58 =	vmul.f32 $5.119843750e+02, v62  }
0x79b: {  	v63 =	vmul.f32 $5.119843750e+02, v61;
	[tilespmem:v42+s2+$0x0] =	vst.idx.add.f32.msk $0xffff, v14;
	v61 =	vmul.f32 $5.119843750e+02, v56;
	v38 =	vadd.s32 v38, v59  }
0x79c: {  	v62 =	vsel vm2, v26, v25;
	vm2 =	veq.s32 v50, v6;
	[tilespmem:v37+s2+$0x0] =	vst.idx.add.f32.msk $0xffff, v14;
	v42 =	vtrunc.f32 v58  }
0x79d: {  	[tilespmem:v39+s2+$0x0] =	vst.idx.add.f32.msk $0xffff, v14;
	v56 =	vmul.f32 $5.119843750e+02, v57;
	v57 =	vadd.s32 v43, v51;
	v42 =	vcvt.f32.s32 v42  }
0x79e: {  	v59 =	vcvt.f32.s32 v53;
	[tilespmem:v45+s2+$0x0] =	vst.idx.add.f32.msk $0xffff, v14;
	v45 =	vsel vm15, v26, v25;
	v41 =	vadd.s32 v41, v55  }
0x79f: {  	[tilespmem:v49+s2+$0x0] =	vst.idx.add.f32.msk $0xffff, v14;
	v40 =	vtrunc.f32 v63;
	v63 =	vtrunc.f32 v61;
	v47 =	vadd.s32 v42, v62  }
0x7a0: {  	v50 =	vsel vm2, v26, v25;
	v55 =	vcvt.f32.s32 v63;
	v40 =	vcvt.f32.s32 v40;
	[tilespmem:v38+s2+$0x0] =	vst.idx.add.f32.msk $0xffff, v14  }
0x7a1: {  	vm2 =	veq.s32 v60, v6;
	v60 =	vtrunc.f32 v56;
	v63 =	vtrunc.f32 v46;
	v42 =	vld [tilespmem:s8+$0xFFFFFFE0]  }
0x7a2: {  	v58 =	vsel vm2, v26, v25;
	v61 =	vcvt.f32.s32 v60;
	v43 =	vcvt.f32.s32 v63;
	[tilespmem:v57+s2+$0x0] =	vst.idx.add.f32.msk $0xffff, v14  }
0x7a3: {  	v38 =	vadd.s32 v55, v58;
	v62 =	vtrunc.f32 v52;
	v39 =	vadd.s32 v40, v45;
	[tilespmem:v41+s2+$0x0] =	vst.idx.add.f32.msk $0xffff, v14  }
0x7a4: {  	s19 =	simm.s32 $0xF180;
	s8 =	simm.s32 $0x0;
	v45 =	vadd.s32 v59, v50;
	v40 =	vadd.s32 v61, v48;
	v41 =	vcvt.f32.s32 v62;
	[tilespmem:v47+s2+$0x0] =	vst.idx.add.f32.msk $0xffff, v14  }
.LBB2_41:
0x7a5: {  	v46 =	vld [tilespmem:s19+$0x30];
	s8 =	sadd.s32 $0x100, s8;
	s7 =	sadd.s32 $0x100, s7  }
0x7a6: {  	v47 =	vld [tilespmem:s7+$0x30];
	p3 =	slt.u32 s8, $0x3F00;
	vm2 =	veq.s32 v44, v6  }
0x7a7: {  	v44 =	vld [tilespmem:s7+$0x40]  }
0x7a8: {  	v37 =	vld [tilespmem:s19+$0xFFFFFF90]  }
0x7a9: {  	[tilespmem:v45+s2+$0x0] =	vst.idx.add.f32.msk $0xffff, v14  }
0x7aa: {  	v45 =	vld [tilespmem:s19+$0x40]  }
0x7ab: {  	v48 =	vld [tilespmem:s19+$0x10]  }
0x7ac: {  	v49 =	vld [tilespmem:s19+$0x20]  }
0x7ad: {  	vm3 =	veq.s32 v37, v6;
	v50 =	vld [tilespmem:s7+$0x50]  }
0x7ae: {  	v51 =	vld [tilespmem:s7+$0x60]  }
0x7af: {  	v52 =	vld [tilespmem:s7+$0x70]  }
0x7b0: {  	v53 =	vld [tilespmem:s7+$0xFFFFFF80]  }
0x7b1: {  	vm4 =	veq.s32 v42, v6;
	v54 =	vld [tilespmem:s19+$0x50]  }
0x7b2: {  	v37 =	vsel vm4, v26, v25;
	v42 =	vld [tilespmem:s19+$0x60]  }
0x7b3: {  	v43 =	vadd.s32 v43, v37;
	v55 =	vld [tilespmem:s19+$0xFFFFFFB0]  }
0x7b4: {  	v37 =	vsel vm2, v26, v25;
	v56 =	vld [tilespmem:s19+$0x0]  }
0x7b5: {  	v41 =	vadd.s32 v41, v37;
	v57 =	vld [tilespmem:s19+$0xFFFFFF80]  }
0x7b6: {  	v37 =	vsel vm3, v26, v25;
	v58 =	vld [tilespmem:s19+$0x70]  }
0x7b7: {  	vm3 =	veq.s32 v49, v6;
	vm4 =	veq.s32 v54, v6;
	v59 =	vld [tilespmem:s19+$0xFFFFFFD0];
	vm5 =	veq.s32 v42, v6  }
0x7b8: {  	v42 =	vmul.f32 $5.119843750e+02, v53;
	v49 =	vsel vm4, v26, v25;
	vm2 =	veq.s32 v55, v6;
	[tilespmem:v38+s2+$0x0] =	vst.idx.add.f32.msk $0xffff, v14  }
0x7b9: {  	v52 =	vmul.f32 $5.119843750e+02, v52;
	v38 =	vsel vm5, v26, v25;
	vm4 =	veq.s32 v56, v6;
	[tilespmem:v39+s2+$0x0] =	vst.idx.add.f32.msk $0xffff, v14  }
0x7ba: {  	v51 =	vmul.f32 $5.119843750e+02, v51;
	v39 =	vtrunc.f32 v42;
	v42 =	vsel vm4, v26, v25;
	[tilespmem:v43+s2+$0x0] =	vst.idx.add.f32.msk $0xffff, v14  }
0x7bb: {  	v43 =	vmul.f32 $5.119843750e+02, v50;
	v50 =	vtrunc.f32 v52;
	vm5 =	veq.s32 v58, v6;
	[tilespmem:v40+s2+$0x0] =	vst.idx.add.f32.msk $0xffff, v14  }
0x7bc: {  	v39 =	vcvt.f32.s32 v39;
	v40 =	vtrunc.f32 v51;
	vm4 =	veq.s32 v59, v6;
	[tilespmem:v41+s2+$0x0] =	vst.idx.add.f32.msk $0xffff, v14  }
0x7bd: {  	vm6 =	veq.s32 v57, v6;
	v43 =	vtrunc.f32 v43;
	v40 =	vcvt.f32.s32 v40;
	v41 =	vld [tilespmem:s7+$0x20]  }
0x7be: {  	vm8 =	veq.s32 v45, v6;
	vm7 =	veq.s32 v48, v6;
	v43 =	vcvt.f32.s32 v43;
	v51 =	vld [tilespmem:s7+$0x10]  }
0x7bf: {  	vm9 =	veq.s32 v46, v6;
	v38 =	vadd.s32 v40, v38;
	v40 =	vcvt.f32.s32 v50;
	v45 =	vld [tilespmem:s7+$0x0]  }
0x7c0: {  	v44 =	vmul.f32 $5.119843750e+02, v44;
	v46 =	vsel vm6, v26, v25;
	v43 =	vadd.s32 v43, v49;
	v48 =	vld [tilespmem:s7+$0xFFFFFFF0]  }
0x7c1: {  	v47 =	vmul.f32 $5.119843750e+02, v47;
	v39 =	vadd.s32 v39, v46;
	v49 =	vsel vm8, v26, v25;
	v46 =	vld [tilespmem:s7+$0xFFFFFFE0]  }
0x7c2: {  	v44 =	vtrunc.f32 v44;
	v52 =	vsel vm5, v26, v25;
	v50 =	vld [tilespmem:s7+$0xFFFFFFD0];
	v41 =	vmul.f32 $5.119843750e+02, v41  }
0x7c3: {  	v47 =	vtrunc.f32 v47;
	v40 =	vadd.s32 v40, v52;
	v53 =	vld [tilespmem:s7+$0xFFFFFFC0];
	v51 =	vmul.f32 $5.119843750e+02, v51  }
0x7c4: {  	v47 =	vcvt.f32.s32 v47;
	v44 =	vcvt.f32.s32 v44;
	v54 =	vsel vm7, v26, v25;
	v52 =	vld [tilespmem:s7+$0xFFFFFFB0]  }
0x7c5: {  	v56 =	vsel vm9, v26, v25;
	v45 =	vmul.f32 $5.119843750e+02, v45;
	v55 =	vld [tilespmem:s7+$0xFFFFFFA0];
	v51 =	vtrunc.f32 v51  }
0x7c6: {  	v47 =	vadd.s32 v47, v56;
	v48 =	vmul.f32 $5.119843750e+02, v48;
	v57 =	vld [tilespmem:s7+$0xFFFFFF90];
	v51 =	vcvt.f32.s32 v51  }
0x7c7: {  	v44 =	vadd.s32 v44, v49;
	v41 =	vtrunc.f32 v41;
	v50 =	vmul.f32 $5.119843750e+02, v50;
	[tilespmem:v43+s2+$0x0] =	vst.idx.add.f32.msk $0xffff, v14  }
0x7c8: {  	v41 =	vcvt.f32.s32 v41;
	v43 =	vmul.f32 $5.119843750e+02, v53;
	v49 =	vld [tilespmem:s19+$0xFFFFFFF0];
	v51 =	vadd.s32 v51, v54  }
0x7c9: {  	v45 =	vtrunc.f32 v45;
	[tilespmem:v39+s2+$0x0] =	vst.idx.add.f32.msk $0xffff, v14;
	v39 =	vmul.f32 $5.119843750e+02, v52;
	v52 =	vsel vm3, v26, v25  }
0x7ca: {  	v46 =	vmul.f32 $5.119843750e+02, v46;
	v53 =	vld [tilespmem:s19+$0xFFFFFFA0];
	v54 =	vmul.f32 $5.119843750e+02, v55;
	v41 =	vadd.s32 v41, v52  }
0x7cb: {  	v50 =	vtrunc.f32 v50;
	v52 =	vsel vm4, v26, v25;
	v39 =	vtrunc.f32 v39;
	[tilespmem:v47+s2+$0x0] =	vst.idx.add.f32.msk $0xffff, v14  }
0x7cc: {  	v45 =	vcvt.f32.s32 v45;
	v47 =	vsel vm2, v26, v25;
	v39 =	vcvt.f32.s32 v39;
	[tilespmem:v44+s2+$0x0] =	vst.idx.add.f32.msk $0xffff, v14  }
0x7cd: {  	v48 =	vtrunc.f32 v48;
	v44 =	vtrunc.f32 v54;
	vm2 =	veq.s32 v49, v6;
	[tilespmem:v51+s2+$0x0] =	vst.idx.add.f32.msk $0xffff, v14  }
0x7ce: {  	v44 =	vcvt.f32.s32 v44;
	v47 =	vadd.s32 v39, v47;
	v49 =	vsel vm2, v26, v25;
	[tilespmem:v40+s2+$0x0] =	vst.idx.add.f32.msk $0xffff, v14  }
0x7cf: {  	v51 =	vadd.s32 v45, v42;
	v39 =	vmul.f32 $5.119843750e+02, v57;
	vm2 =	veq.s32 v53, v6;
	[tilespmem:v41+s2+$0x0] =	vst.idx.add.f32.msk $0xffff, v14  }
.Ltmp23:
0x7d0: {  	v45 =	vcvt.f32.s32 v48;
	v41 =	vcvt.f32.s32 v50;
	v40 =	vsel vm2, v26, v25;
	[tilespmem:v38+s2+$0x0] =	vst.idx.add.f32.msk $0xffff, v14;
	(pc) =	sbr.rel @p3 .LBB2_41-.Ltmp23, $4  }
0x7d1: {  	v39 =	vtrunc.f32 v39;
	v38 =	vadd.s32 v44, v40;
	v44 =	vld [tilespmem:s19+$0xFFFFFFC0];
	v40 =	vtrunc.f32 v46  }
0x7d2: {  	v43 =	vtrunc.f32 v43;
	v46 =	vcvt.f32.s32 v39;
	v39 =	vadd.s32 v41, v52;
	v42 =	vld [tilespmem:s19+$0xFFFFFFE0]  }
0x7d3: {  	v45 =	vadd.s32 v45, v49;
	v41 =	vcvt.f32.s32 v43;
	v43 =	vcvt.f32.s32 v40;
	[tilespmem:v47+s2+$0x0] =	vst.idx.add.f32.msk $0xffff, v14  }
0x7d4: {  	s19 =	sadd.s32 $0x100, s19;
	v40 =	vadd.s32 v46, v37;
	[tilespmem:v51+s2+$0x0] =	vst.idx.add.f32.msk $0xffff, v14  }
0x7d5: {  	_ =	sdelay $0x1  }
0x7d6: {  	vm2 =	veq.s32 v42, v6  }
0x7d7: {  	v37 =	vsel vm2, v26, v25;
	vm2 =	veq.s32 v44, v6  }
0x7d8: {  	v37 =	vadd.s32 v43, v37;
	v59 =	vsel vm2, v26, v25  }
0x7d9: {  	[tilespmem:v45+s2+$0x0] =	vst.idx.add.f32.msk $0xffff, v14;
	v41 =	vadd.s32 v41, v59  }
0x7da: {  	[tilespmem:v38+s2+$0x0] =	vst.idx.add.f32.msk $0xffff, v14  }
0x7db: {  	[tilespmem:v39+s2+$0x0] =	vst.idx.add.f32.msk $0xffff, v14  }
0x7dc: {  	[tilespmem:v40+s2+$0x0] =	vst.idx.add.f32.msk $0xffff, v14  }
0x7dd: {  	[tilespmem:v37+s2+$0x0] =	vst.idx.add.f32.msk $0xffff, v14  }
0x7de: {  	[tilespmem:v41+s2+$0x0] =	vst.idx.add.f32.msk $0xffff, v14  }
0x7df: {  	s7 =	sor.u32 s16, s23;
	_ =	swait.ge [sflag:s28], $0x4000  }
0x7e0: {  	s7 =	sshrl.u32 s7, $0x3;
	[sflag:s28] =	ssyncset.done $0x0  }
0x7e1: {  	s8 =	simm.s32 $0xF080;
	s7 =	sadd.s32 s3, s7;
	[sflag:s28] =	ssyncadd.s32 $0xFFFFC000  }
0x7e2: {  	[tilespmem:s29], [sflag:$0x2] =	stream.linear.gather [hbm4b:s7+s2], $0x4000, $0x38;
	[tilespmem:$0x1E480] =	vst v63  }
0x7e3: {  	v37 =	vld [tilespmem:s8+$0x30]  }
0x7e4: {  	v60 =	vld [tilespmem:s8+$0xFFFFFF90]  }
0x7e5: {  	s7 =	simm.s32 $0x13080;
	v61 =	vld [tilespmem:s8+$0x20]  }
0x7e6: {  	v40 =	vld [tilespmem:s7+$0x50]  }
0x7e7: {  	v62 =	vld [tilespmem:s7+$0x60]  }
0x7e8: {  	v54 =	vld [tilespmem:s7+$0xFFFFFF80]  }
0x7e9: {  	v55 =	vld [tilespmem:s8+$0x50]  }
0x7ea: {  	v56 =	vld [tilespmem:s8+$0x60]  }
0x7eb: {  	v46 =	vld [tilespmem:s8+$0x0]  }
0x7ec: {  	v47 =	vld [tilespmem:s7+$0x70]  }
0x7ed: {  	v58 =	vld [tilespmem:s8+$0xFFFFFF80]  }
0x7ee: {  	v49 =	vld [tilespmem:s8+$0x70]  }
0x7ef: {  	v59 =	vld [tilespmem:s8+$0xFFFFFFD0]  }
0x7f0: {  	v63 =	vld [tilespmem:s8+$0x40]  }
0x7f1: {  	v50 =	vld [tilespmem:s7+$0x40]  }
0x7f2: {  	v52 =	vld [tilespmem:s7+$0x30]  }
0x7f3: {  	v43 =	vld [tilespmem:s7+$0x0];
	vm2 =	veq.s32 v60, v7;
	vm3 =	veq.s32 v61, v7;
	vm4 =	veq.s32 v55, v7  }
0x7f4: {  	v57 =	vld [tilespmem:s8+$0xFFFFFFB0];
	vm5 =	veq.s32 v56, v7;
	v42 =	vmul.f32 $5.119843750e+02, v54;
	v47 =	vmul.f32 $5.119843750e+02, v47  }
0x7f5: {  	vm13 =	veq.s32 v46, v7;
	v41 =	vmul.f32 $5.119843750e+02, v62;
	v40 =	vmul.f32 $5.119843750e+02, v40  }
0x7f6: {  	vm14 =	veq.s32 v49, v7;
	vm15 =	veq.s32 v59, v7;
	vm6 =	veq.s32 v58, v7  }
0x7f7: {  	vm8 =	veq.s32 v63, v7;
	vm9 =	veq.s32 v37, v7;
	v58 =	vmul.f32 $5.119843750e+02, v50  }
0x7f8: {  	v59 =	vmul.f32 $5.119843750e+02, v52;
	v43 =	vmul.f32 $5.119843750e+02, v43;
	v48 =	vsel vm2, v28, v27  }
0x7f9: {  	v44 =	vld [tilespmem:s7+$0xFFFFFFE0];
	vm2 =	veq.s32 v57, v7;
	v42 =	vtrunc.f32 v42;
	v47 =	vtrunc.f32 v47  }
0x7fa: {  	v60 =	vld [tilespmem:s8+$0x10];
	v61 =	vsel vm4, v28, v27;
	v55 =	vtrunc.f32 v41;
	v40 =	vtrunc.f32 v40  }
0x7fb: {  	v56 =	vld [tilespmem:s7+$0x20];
	v46 =	vsel vm5, v28, v27;
	v49 =	vtrunc.f32 v58;
	v45 =	vtrunc.f32 v59  }
0x7fc: {  	v63 =	vld [tilespmem:s7+$0xFFFFFFF0];
	v51 =	vsel vm13, v28, v27;
	v43 =	vtrunc.f32 v43;
	v42 =	vcvt.f32.s32 v42  }
0x7fd: {  	v54 =	vld [tilespmem:s7+$0xFFFFFFC0];
	v62 =	vsel vm6, v28, v27;
	v39 =	vcvt.f32.s32 v55;
	v40 =	vcvt.f32.s32 v40  }
0x7fe: {  	v53 =	vsel vm14, v28, v27;
	v41 =	vld [tilespmem:s7+$0x10];
	v57 =	vcvt.f32.s32 v47;
	v45 =	vcvt.f32.s32 v45  }
0x7ff: {  	v50 =	vld [tilespmem:s8+$0xFFFFFFF0];
	v59 =	vsel vm3, v28, v27;
	v49 =	vcvt.f32.s32 v49;
	v43 =	vcvt.f32.s32 v43  }
0x800: {  	vm7 =	veq.s32 v60, v7;
	v40 =	vadd.s32 v40, v61;
	v42 =	vadd.s32 v42, v62;
	v61 =	vld [tilespmem:s7+$0xFFFFFFD0]  }
0x801: {  	v60 =	vsel vm8, v28, v27;
	v38 =	vmul.f32 $5.119843750e+02, v56;
	v37 =	vadd.s32 v57, v53;
	v62 =	vld [tilespmem:s7+$0xFFFFFFB0]  }
0x802: {  	v56 =	vld [tilespmem:s7+$0xFFFFFFA0];
	v57 =	vsel vm9, v28, v27;
	v47 =	vmul.f32 $5.119843750e+02, v63;
	v52 =	vmul.f32 $5.119843750e+02, v54  }
0x803: {  	v39 =	vadd.s32 v39, v46;
	v46 =	vmul.f32 $5.119843750e+02, v44;
	v44 =	vld [tilespmem:s8+$0xFFFFFFC0];
	v41 =	vmul.f32 $5.119843750e+02, v41  }
0x804: {  	v45 =	vadd.s32 v45, v57;
	v57 =	vld [tilespmem:s7+$0xFFFFFF90];
	v38 =	vtrunc.f32 v38;
	v53 =	vtrunc.f32 v47  }
0x805: {  	v49 =	vadd.s32 v49, v60;
	v60 =	vld [tilespmem:s8+$0xFFFFFFA0];
	v38 =	vcvt.f32.s32 v38;
	v41 =	vtrunc.f32 v41  }
0x806: {  	v55 =	vsel vm7, v28, v27;
	v41 =	vcvt.f32.s32 v41;
	[tilespmem:v40+s2+$0x0] =	vst.idx.add.f32.msk $0xffff, v14;
	v58 =	vmul.f32 $5.119843750e+02, v62  }
0x807: {  	v63 =	vmul.f32 $5.119843750e+02, v61;
	[tilespmem:v42+s2+$0x0] =	vst.idx.add.f32.msk $0xffff, v14;
	v61 =	vmul.f32 $5.119843750e+02, v56;
	v38 =	vadd.s32 v38, v59  }
0x808: {  	v62 =	vsel vm2, v28, v27;
	vm2 =	veq.s32 v50, v7;
	[tilespmem:v37+s2+$0x0] =	vst.idx.add.f32.msk $0xffff, v14;
	v42 =	vtrunc.f32 v58  }
0x809: {  	[tilespmem:v39+s2+$0x0] =	vst.idx.add.f32.msk $0xffff, v14;
	v56 =	vmul.f32 $5.119843750e+02, v57;
	v57 =	vadd.s32 v43, v51;
	v42 =	vcvt.f32.s32 v42  }
0x80a: {  	v59 =	vcvt.f32.s32 v53;
	[tilespmem:v45+s2+$0x0] =	vst.idx.add.f32.msk $0xffff, v14;
	v45 =	vsel vm15, v28, v27;
	v41 =	vadd.s32 v41, v55  }
0x80b: {  	[tilespmem:v49+s2+$0x0] =	vst.idx.add.f32.msk $0xffff, v14;
	v40 =	vtrunc.f32 v63;
	v63 =	vtrunc.f32 v61;
	v47 =	vadd.s32 v42, v62  }
0x80c: {  	v50 =	vsel vm2, v28, v27;
	v55 =	vcvt.f32.s32 v63;
	v40 =	vcvt.f32.s32 v40;
	[tilespmem:v38+s2+$0x0] =	vst.idx.add.f32.msk $0xffff, v14  }
0x80d: {  	vm2 =	veq.s32 v60, v7;
	v60 =	vtrunc.f32 v56;
	v63 =	vtrunc.f32 v46;
	v42 =	vld [tilespmem:s8+$0xFFFFFFE0]  }
0x80e: {  	v58 =	vsel vm2, v28, v27;
	v61 =	vcvt.f32.s32 v60;
	v43 =	vcvt.f32.s32 v63;
	[tilespmem:v57+s2+$0x0] =	vst.idx.add.f32.msk $0xffff, v14  }
0x80f: {  	v38 =	vadd.s32 v55, v58;
	v62 =	vtrunc.f32 v52;
	v39 =	vadd.s32 v40, v45;
	[tilespmem:v41+s2+$0x0] =	vst.idx.add.f32.msk $0xffff, v14  }
0x810: {  	s19 =	simm.s32 $0xF180;
	s8 =	simm.s32 $0x0;
	v45 =	vadd.s32 v59, v50;
	v40 =	vadd.s32 v61, v48;
	v41 =	vcvt.f32.s32 v62;
	[tilespmem:v47+s2+$0x0] =	vst.idx.add.f32.msk $0xffff, v14  }
.LBB2_43:
0x811: {  	v46 =	vld [tilespmem:s19+$0x30];
	s8 =	sadd.s32 $0x100, s8;
	s7 =	sadd.s32 $0x100, s7  }
0x812: {  	v47 =	vld [tilespmem:s7+$0x30];
	p3 =	slt.u32 s8, $0x3F00;
	vm2 =	veq.s32 v44, v7  }
0x813: {  	v44 =	vld [tilespmem:s7+$0x40]  }
0x814: {  	v37 =	vld [tilespmem:s19+$0xFFFFFF90]  }
0x815: {  	[tilespmem:v45+s2+$0x0] =	vst.idx.add.f32.msk $0xffff, v14  }
0x816: {  	v45 =	vld [tilespmem:s19+$0x40]  }
0x817: {  	v48 =	vld [tilespmem:s19+$0x10]  }
0x818: {  	v49 =	vld [tilespmem:s19+$0x20]  }
0x819: {  	vm3 =	veq.s32 v37, v7;
	v50 =	vld [tilespmem:s7+$0x50]  }
0x81a: {  	v51 =	vld [tilespmem:s7+$0x60]  }
0x81b: {  	v52 =	vld [tilespmem:s7+$0x70]  }
0x81c: {  	v53 =	vld [tilespmem:s7+$0xFFFFFF80]  }
0x81d: {  	vm4 =	veq.s32 v42, v7;
	v54 =	vld [tilespmem:s19+$0x50]  }
0x81e: {  	v37 =	vsel vm4, v28, v27;
	v42 =	vld [tilespmem:s19+$0x60]  }
0x81f: {  	v43 =	vadd.s32 v43, v37;
	v55 =	vld [tilespmem:s19+$0xFFFFFFB0]  }
0x820: {  	v37 =	vsel vm2, v28, v27;
	v56 =	vld [tilespmem:s19+$0x0]  }
0x821: {  	v41 =	vadd.s32 v41, v37;
	v57 =	vld [tilespmem:s19+$0xFFFFFF80]  }
0x822: {  	v37 =	vsel vm3, v28, v27;
	v58 =	vld [tilespmem:s19+$0x70]  }
0x823: {  	vm3 =	veq.s32 v49, v7;
	vm4 =	veq.s32 v54, v7;
	v59 =	vld [tilespmem:s19+$0xFFFFFFD0];
	vm5 =	veq.s32 v42, v7  }
0x824: {  	v42 =	vmul.f32 $5.119843750e+02, v53;
	v49 =	vsel vm4, v28, v27;
	vm2 =	veq.s32 v55, v7;
	[tilespmem:v38+s2+$0x0] =	vst.idx.add.f32.msk $0xffff, v14  }
0x825: {  	v52 =	vmul.f32 $5.119843750e+02, v52;
	v38 =	vsel vm5, v28, v27;
	vm4 =	veq.s32 v56, v7;
	[tilespmem:v39+s2+$0x0] =	vst.idx.add.f32.msk $0xffff, v14  }
0x826: {  	v51 =	vmul.f32 $5.119843750e+02, v51;
	v39 =	vtrunc.f32 v42;
	v42 =	vsel vm4, v28, v27;
	[tilespmem:v43+s2+$0x0] =	vst.idx.add.f32.msk $0xffff, v14  }
0x827: {  	v43 =	vmul.f32 $5.119843750e+02, v50;
	v50 =	vtrunc.f32 v52;
	vm5 =	veq.s32 v58, v7;
	[tilespmem:v40+s2+$0x0] =	vst.idx.add.f32.msk $0xffff, v14  }
0x828: {  	v39 =	vcvt.f32.s32 v39;
	v40 =	vtrunc.f32 v51;
	vm4 =	veq.s32 v59, v7;
	[tilespmem:v41+s2+$0x0] =	vst.idx.add.f32.msk $0xffff, v14  }
0x829: {  	vm6 =	veq.s32 v57, v7;
	v43 =	vtrunc.f32 v43;
	v40 =	vcvt.f32.s32 v40;
	v41 =	vld [tilespmem:s7+$0x20]  }
0x82a: {  	vm8 =	veq.s32 v45, v7;
	vm7 =	veq.s32 v48, v7;
	v43 =	vcvt.f32.s32 v43;
	v51 =	vld [tilespmem:s7+$0x10]  }
0x82b: {  	vm9 =	veq.s32 v46, v7;
	v38 =	vadd.s32 v40, v38;
	v40 =	vcvt.f32.s32 v50;
	v45 =	vld [tilespmem:s7+$0x0]  }
0x82c: {  	v44 =	vmul.f32 $5.119843750e+02, v44;
	v46 =	vsel vm6, v28, v27;
	v43 =	vadd.s32 v43, v49;
	v48 =	vld [tilespmem:s7+$0xFFFFFFF0]  }
0x82d: {  	v47 =	vmul.f32 $5.119843750e+02, v47;
	v39 =	vadd.s32 v39, v46;
	v49 =	vsel vm8, v28, v27;
	v46 =	vld [tilespmem:s7+$0xFFFFFFE0]  }
0x82e: {  	v44 =	vtrunc.f32 v44;
	v52 =	vsel vm5, v28, v27;
	v50 =	vld [tilespmem:s7+$0xFFFFFFD0];
	v41 =	vmul.f32 $5.119843750e+02, v41  }
0x82f: {  	v47 =	vtrunc.f32 v47;
	v40 =	vadd.s32 v40, v52;
	v53 =	vld [tilespmem:s7+$0xFFFFFFC0];
	v51 =	vmul.f32 $5.119843750e+02, v51  }
0x830: {  	v47 =	vcvt.f32.s32 v47;
	v44 =	vcvt.f32.s32 v44;
	v54 =	vsel vm7, v28, v27;
	v52 =	vld [tilespmem:s7+$0xFFFFFFB0]  }
0x831: {  	v56 =	vsel vm9, v28, v27;
	v45 =	vmul.f32 $5.119843750e+02, v45;
	v55 =	vld [tilespmem:s7+$0xFFFFFFA0];
	v51 =	vtrunc.f32 v51  }
0x832: {  	v47 =	vadd.s32 v47, v56;
	v48 =	vmul.f32 $5.119843750e+02, v48;
	v57 =	vld [tilespmem:s7+$0xFFFFFF90];
	v51 =	vcvt.f32.s32 v51  }
0x833: {  	v44 =	vadd.s32 v44, v49;
	v41 =	vtrunc.f32 v41;
	v50 =	vmul.f32 $5.119843750e+02, v50;
	[tilespmem:v43+s2+$0x0] =	vst.idx.add.f32.msk $0xffff, v14  }
0x834: {  	v41 =	vcvt.f32.s32 v41;
	v43 =	vmul.f32 $5.119843750e+02, v53;
	v49 =	vld [tilespmem:s19+$0xFFFFFFF0];
	v51 =	vadd.s32 v51, v54  }
0x835: {  	v45 =	vtrunc.f32 v45;
	[tilespmem:v39+s2+$0x0] =	vst.idx.add.f32.msk $0xffff, v14;
	v39 =	vmul.f32 $5.119843750e+02, v52;
	v52 =	vsel vm3, v28, v27  }
0x836: {  	v46 =	vmul.f32 $5.119843750e+02, v46;
	v53 =	vld [tilespmem:s19+$0xFFFFFFA0];
	v54 =	vmul.f32 $5.119843750e+02, v55;
	v41 =	vadd.s32 v41, v52  }
0x837: {  	v50 =	vtrunc.f32 v50;
	v52 =	vsel vm4, v28, v27;
	v39 =	vtrunc.f32 v39;
	[tilespmem:v47+s2+$0x0] =	vst.idx.add.f32.msk $0xffff, v14  }
0x838: {  	v45 =	vcvt.f32.s32 v45;
	v47 =	vsel vm2, v28, v27;
	v39 =	vcvt.f32.s32 v39;
	[tilespmem:v44+s2+$0x0] =	vst.idx.add.f32.msk $0xffff, v14  }
0x839: {  	v48 =	vtrunc.f32 v48;
	v44 =	vtrunc.f32 v54;
	vm2 =	veq.s32 v49, v7;
	[tilespmem:v51+s2+$0x0] =	vst.idx.add.f32.msk $0xffff, v14  }
0x83a: {  	v44 =	vcvt.f32.s32 v44;
	v47 =	vadd.s32 v39, v47;
	v49 =	vsel vm2, v28, v27;
	[tilespmem:v40+s2+$0x0] =	vst.idx.add.f32.msk $0xffff, v14  }
0x83b: {  	v51 =	vadd.s32 v45, v42;
	v39 =	vmul.f32 $5.119843750e+02, v57;
	vm2 =	veq.s32 v53, v7;
	[tilespmem:v41+s2+$0x0] =	vst.idx.add.f32.msk $0xffff, v14  }
.Ltmp24:
0x83c: {  	v45 =	vcvt.f32.s32 v48;
	v41 =	vcvt.f32.s32 v50;
	v40 =	vsel vm2, v28, v27;
	[tilespmem:v38+s2+$0x0] =	vst.idx.add.f32.msk $0xffff, v14;
	(pc) =	sbr.rel @p3 .LBB2_43-.Ltmp24, $4  }
0x83d: {  	v39 =	vtrunc.f32 v39;
	v38 =	vadd.s32 v44, v40;
	v44 =	vld [tilespmem:s19+$0xFFFFFFC0];
	v40 =	vtrunc.f32 v46  }
0x83e: {  	v43 =	vtrunc.f32 v43;
	v46 =	vcvt.f32.s32 v39;
	v39 =	vadd.s32 v41, v52;
	v42 =	vld [tilespmem:s19+$0xFFFFFFE0]  }
0x83f: {  	v45 =	vadd.s32 v45, v49;
	v41 =	vcvt.f32.s32 v43;
	v43 =	vcvt.f32.s32 v40;
	[tilespmem:v47+s2+$0x0] =	vst.idx.add.f32.msk $0xffff, v14  }
0x840: {  	s19 =	sadd.s32 $0x100, s19;
	v40 =	vadd.s32 v46, v37;
	[tilespmem:v51+s2+$0x0] =	vst.idx.add.f32.msk $0xffff, v14  }
0x841: {  	_ =	sdelay $0x1  }
0x842: {  	vm2 =	veq.s32 v42, v7  }
0x843: {  	v37 =	vsel vm2, v28, v27;
	vm2 =	veq.s32 v44, v7  }
0x844: {  	v37 =	vadd.s32 v43, v37;
	v59 =	vsel vm2, v28, v27  }
0x845: {  	[tilespmem:v45+s2+$0x0] =	vst.idx.add.f32.msk $0xffff, v14;
	v41 =	vadd.s32 v41, v59  }
0x846: {  	[tilespmem:v38+s2+$0x0] =	vst.idx.add.f32.msk $0xffff, v14  }
0x847: {  	[tilespmem:v39+s2+$0x0] =	vst.idx.add.f32.msk $0xffff, v14  }
0x848: {  	[tilespmem:v40+s2+$0x0] =	vst.idx.add.f32.msk $0xffff, v14  }
0x849: {  	[tilespmem:v37+s2+$0x0] =	vst.idx.add.f32.msk $0xffff, v14  }
0x84a: {  	[tilespmem:v41+s2+$0x0] =	vst.idx.add.f32.msk $0xffff, v14  }
0x84b: {  	s7 =	sor.u32 s17, s23;
	_ =	swait.ge [sflag:s28], $0x4000  }
0x84c: {  	s7 =	sshrl.u32 s7, $0x3;
	[sflag:s28] =	ssyncset.done $0x0  }
0x84d: {  	s8 =	simm.s32 $0xF080;
	s7 =	sadd.s32 s3, s7;
	[sflag:s28] =	ssyncadd.s32 $0xFFFFC000  }
0x84e: {  	[tilespmem:s24], [sflag:$0x2] =	stream.linear.gather [hbm4b:s7+s2], $0x4000, $0x38;
	[tilespmem:$0x1E480] =	vst v63  }
0x84f: {  	v37 =	vld [tilespmem:s8+$0x30]  }
0x850: {  	v60 =	vld [tilespmem:s8+$0xFFFFFF90]  }
0x851: {  	s7 =	simm.s32 $0x17080;
	v61 =	vld [tilespmem:s8+$0x20]  }
0x852: {  	v40 =	vld [tilespmem:s7+$0x50]  }
0x853: {  	v62 =	vld [tilespmem:s7+$0x60]  }
0x854: {  	v54 =	vld [tilespmem:s7+$0xFFFFFF80]  }
0x855: {  	v55 =	vld [tilespmem:s8+$0x50]  }
0x856: {  	v56 =	vld [tilespmem:s8+$0x60]  }
0x857: {  	v46 =	vld [tilespmem:s8+$0x0]  }
0x858: {  	v47 =	vld [tilespmem:s7+$0x70]  }
0x859: {  	v58 =	vld [tilespmem:s8+$0xFFFFFF80]  }
0x85a: {  	v49 =	vld [tilespmem:s8+$0x70]  }
0x85b: {  	v59 =	vld [tilespmem:s8+$0xFFFFFFD0]  }
0x85c: {  	v63 =	vld [tilespmem:s8+$0x40]  }
0x85d: {  	v50 =	vld [tilespmem:s7+$0x40]  }
0x85e: {  	v52 =	vld [tilespmem:s7+$0x30]  }
0x85f: {  	v43 =	vld [tilespmem:s7+$0x0];
	vm2 =	veq.s32 v60, v9;
	vm3 =	veq.s32 v61, v9;
	vm4 =	veq.s32 v55, v9  }
0x860: {  	v57 =	vld [tilespmem:s8+$0xFFFFFFB0];
	vm5 =	veq.s32 v56, v9;
	v42 =	vmul.f32 $5.119843750e+02, v54;
	v47 =	vmul.f32 $5.119843750e+02, v47  }
0x861: {  	vm13 =	veq.s32 v46, v9;
	v41 =	vmul.f32 $5.119843750e+02, v62;
	v40 =	vmul.f32 $5.119843750e+02, v40  }
0x862: {  	vm14 =	veq.s32 v49, v9;
	vm15 =	veq.s32 v59, v9;
	vm6 =	veq.s32 v58, v9  }
0x863: {  	vm8 =	veq.s32 v63, v9;
	vm9 =	veq.s32 v37, v9;
	v58 =	vmul.f32 $5.119843750e+02, v50  }
0x864: {  	v59 =	vmul.f32 $5.119843750e+02, v52;
	v43 =	vmul.f32 $5.119843750e+02, v43;
	v48 =	vsel vm2, v30, v29  }
0x865: {  	v44 =	vld [tilespmem:s7+$0xFFFFFFE0];
	vm2 =	veq.s32 v57, v9;
	v42 =	vtrunc.f32 v42;
	v47 =	vtrunc.f32 v47  }
0x866: {  	v60 =	vld [tilespmem:s8+$0x10];
	v61 =	vsel vm4, v30, v29;
	v55 =	vtrunc.f32 v41;
	v40 =	vtrunc.f32 v40  }
0x867: {  	v56 =	vld [tilespmem:s7+$0x20];
	v46 =	vsel vm5, v30, v29;
	v49 =	vtrunc.f32 v58;
	v45 =	vtrunc.f32 v59  }
0x868: {  	v63 =	vld [tilespmem:s7+$0xFFFFFFF0];
	v51 =	vsel vm13, v30, v29;
	v43 =	vtrunc.f32 v43;
	v42 =	vcvt.f32.s32 v42  }
0x869: {  	v54 =	vld [tilespmem:s7+$0xFFFFFFC0];
	v62 =	vsel vm6, v30, v29;
	v39 =	vcvt.f32.s32 v55;
	v40 =	vcvt.f32.s32 v40  }
0x86a: {  	v53 =	vsel vm14, v30, v29;
	v41 =	vld [tilespmem:s7+$0x10];
	v57 =	vcvt.f32.s32 v47;
	v45 =	vcvt.f32.s32 v45  }
0x86b: {  	v50 =	vld [tilespmem:s8+$0xFFFFFFF0];
	v59 =	vsel vm3, v30, v29;
	v49 =	vcvt.f32.s32 v49;
	v43 =	vcvt.f32.s32 v43  }
0x86c: {  	vm7 =	veq.s32 v60, v9;
	v40 =	vadd.s32 v40, v61;
	v42 =	vadd.s32 v42, v62;
	v61 =	vld [tilespmem:s7+$0xFFFFFFD0]  }
0x86d: {  	v60 =	vsel vm8, v30, v29;
	v38 =	vmul.f32 $5.119843750e+02, v56;
	v37 =	vadd.s32 v57, v53;
	v62 =	vld [tilespmem:s7+$0xFFFFFFB0]  }
0x86e: {  	v56 =	vld [tilespmem:s7+$0xFFFFFFA0];
	v57 =	vsel vm9, v30, v29;
	v47 =	vmul.f32 $5.119843750e+02, v63;
	v52 =	vmul.f32 $5.119843750e+02, v54  }
0x86f: {  	v39 =	vadd.s32 v39, v46;
	v46 =	vmul.f32 $5.119843750e+02, v44;
	v44 =	vld [tilespmem:s8+$0xFFFFFFC0];
	v41 =	vmul.f32 $5.119843750e+02, v41  }
0x870: {  	v45 =	vadd.s32 v45, v57;
	v57 =	vld [tilespmem:s7+$0xFFFFFF90];
	v38 =	vtrunc.f32 v38;
	v53 =	vtrunc.f32 v47  }
0x871: {  	v49 =	vadd.s32 v49, v60;
	v60 =	vld [tilespmem:s8+$0xFFFFFFA0];
	v38 =	vcvt.f32.s32 v38;
	v41 =	vtrunc.f32 v41  }
0x872: {  	v55 =	vsel vm7, v30, v29;
	v41 =	vcvt.f32.s32 v41;
	[tilespmem:v40+s2+$0x0] =	vst.idx.add.f32.msk $0xffff, v14;
	v58 =	vmul.f32 $5.119843750e+02, v62  }
0x873: {  	v63 =	vmul.f32 $5.119843750e+02, v61;
	[tilespmem:v42+s2+$0x0] =	vst.idx.add.f32.msk $0xffff, v14;
	v61 =	vmul.f32 $5.119843750e+02, v56;
	v38 =	vadd.s32 v38, v59  }
0x874: {  	v62 =	vsel vm2, v30, v29;
	vm2 =	veq.s32 v50, v9;
	[tilespmem:v37+s2+$0x0] =	vst.idx.add.f32.msk $0xffff, v14;
	v42 =	vtrunc.f32 v58  }
0x875: {  	[tilespmem:v39+s2+$0x0] =	vst.idx.add.f32.msk $0xffff, v14;
	v56 =	vmul.f32 $5.119843750e+02, v57;
	v57 =	vadd.s32 v43, v51;
	v42 =	vcvt.f32.s32 v42  }
0x876: {  	v59 =	vcvt.f32.s32 v53;
	[tilespmem:v45+s2+$0x0] =	vst.idx.add.f32.msk $0xffff, v14;
	v45 =	vsel vm15, v30, v29;
	v41 =	vadd.s32 v41, v55  }
0x877: {  	[tilespmem:v49+s2+$0x0] =	vst.idx.add.f32.msk $0xffff, v14;
	v40 =	vtrunc.f32 v63;
	v63 =	vtrunc.f32 v61;
	v47 =	vadd.s32 v42, v62  }
0x878: {  	v50 =	vsel vm2, v30, v29;
	v55 =	vcvt.f32.s32 v63;
	v40 =	vcvt.f32.s32 v40;
	[tilespmem:v38+s2+$0x0] =	vst.idx.add.f32.msk $0xffff, v14  }
0x879: {  	vm2 =	veq.s32 v60, v9;
	v60 =	vtrunc.f32 v56;
	v63 =	vtrunc.f32 v46;
	v42 =	vld [tilespmem:s8+$0xFFFFFFE0]  }
0x87a: {  	v58 =	vsel vm2, v30, v29;
	v61 =	vcvt.f32.s32 v60;
	v43 =	vcvt.f32.s32 v63;
	[tilespmem:v57+s2+$0x0] =	vst.idx.add.f32.msk $0xffff, v14  }
0x87b: {  	v38 =	vadd.s32 v55, v58;
	v62 =	vtrunc.f32 v52;
	v39 =	vadd.s32 v40, v45;
	[tilespmem:v41+s2+$0x0] =	vst.idx.add.f32.msk $0xffff, v14  }
0x87c: {  	s19 =	simm.s32 $0xF180;
	s8 =	simm.s32 $0x0;
	v45 =	vadd.s32 v59, v50;
	v40 =	vadd.s32 v61, v48;
	v41 =	vcvt.f32.s32 v62;
	[tilespmem:v47+s2+$0x0] =	vst.idx.add.f32.msk $0xffff, v14  }
.LBB2_45:
0x87d: {  	v46 =	vld [tilespmem:s19+$0x30];
	s8 =	sadd.s32 $0x100, s8;
	s7 =	sadd.s32 $0x100, s7  }
0x87e: {  	v47 =	vld [tilespmem:s7+$0x30];
	p3 =	slt.u32 s8, $0x3F00;
	vm2 =	veq.s32 v44, v9  }
0x87f: {  	v44 =	vld [tilespmem:s7+$0x40]  }
0x880: {  	v37 =	vld [tilespmem:s19+$0xFFFFFF90]  }
0x881: {  	[tilespmem:v45+s2+$0x0] =	vst.idx.add.f32.msk $0xffff, v14  }
0x882: {  	v45 =	vld [tilespmem:s19+$0x40]  }
0x883: {  	v48 =	vld [tilespmem:s19+$0x10]  }
0x884: {  	v49 =	vld [tilespmem:s19+$0x20]  }
0x885: {  	vm3 =	veq.s32 v37, v9;
	v50 =	vld [tilespmem:s7+$0x50]  }
0x886: {  	v51 =	vld [tilespmem:s7+$0x60]  }
0x887: {  	v52 =	vld [tilespmem:s7+$0x70]  }
0x888: {  	v53 =	vld [tilespmem:s7+$0xFFFFFF80]  }
0x889: {  	vm4 =	veq.s32 v42, v9;
	v54 =	vld [tilespmem:s19+$0x50]  }
0x88a: {  	v37 =	vsel vm4, v30, v29;
	v42 =	vld [tilespmem:s19+$0x60]  }
0x88b: {  	v43 =	vadd.s32 v43, v37;
	v55 =	vld [tilespmem:s19+$0xFFFFFFB0]  }
0x88c: {  	v37 =	vsel vm2, v30, v29;
	v56 =	vld [tilespmem:s19+$0x0]  }
0x88d: {  	v41 =	vadd.s32 v41, v37;
	v57 =	vld [tilespmem:s19+$0xFFFFFF80]  }
0x88e: {  	v37 =	vsel vm3, v30, v29;
	v58 =	vld [tilespmem:s19+$0x70]  }
0x88f: {  	vm3 =	veq.s32 v49, v9;
	vm4 =	veq.s32 v54, v9;
	v59 =	vld [tilespmem:s19+$0xFFFFFFD0];
	vm5 =	veq.s32 v42, v9  }
0x890: {  	v42 =	vmul.f32 $5.119843750e+02, v53;
	v49 =	vsel vm4, v30, v29;
	vm2 =	veq.s32 v55, v9;
	[tilespmem:v38+s2+$0x0] =	vst.idx.add.f32.msk $0xffff, v14  }
0x891: {  	v52 =	vmul.f32 $5.119843750e+02, v52;
	v38 =	vsel vm5, v30, v29;
	vm4 =	veq.s32 v56, v9;
	[tilespmem:v39+s2+$0x0] =	vst.idx.add.f32.msk $0xffff, v14  }
0x892: {  	v51 =	vmul.f32 $5.119843750e+02, v51;
	v39 =	vtrunc.f32 v42;
	v42 =	vsel vm4, v30, v29;
	[tilespmem:v43+s2+$0x0] =	vst.idx.add.f32.msk $0xffff, v14  }
0x893: {  	v43 =	vmul.f32 $5.119843750e+02, v50;
	v50 =	vtrunc.f32 v52;
	vm5 =	veq.s32 v58, v9;
	[tilespmem:v40+s2+$0x0] =	vst.idx.add.f32.msk $0xffff, v14  }
0x894: {  	v39 =	vcvt.f32.s32 v39;
	v40 =	vtrunc.f32 v51;
	vm4 =	veq.s32 v59, v9;
	[tilespmem:v41+s2+$0x0] =	vst.idx.add.f32.msk $0xffff, v14  }
0x895: {  	vm6 =	veq.s32 v57, v9;
	v43 =	vtrunc.f32 v43;
	v40 =	vcvt.f32.s32 v40;
	v41 =	vld [tilespmem:s7+$0x20]  }
0x896: {  	vm8 =	veq.s32 v45, v9;
	vm7 =	veq.s32 v48, v9;
	v43 =	vcvt.f32.s32 v43;
	v51 =	vld [tilespmem:s7+$0x10]  }
0x897: {  	vm9 =	veq.s32 v46, v9;
	v38 =	vadd.s32 v40, v38;
	v40 =	vcvt.f32.s32 v50;
	v45 =	vld [tilespmem:s7+$0x0]  }
0x898: {  	v44 =	vmul.f32 $5.119843750e+02, v44;
	v46 =	vsel vm6, v30, v29;
	v43 =	vadd.s32 v43, v49;
	v48 =	vld [tilespmem:s7+$0xFFFFFFF0]  }
0x899: {  	v47 =	vmul.f32 $5.119843750e+02, v47;
	v39 =	vadd.s32 v39, v46;
	v49 =	vsel vm8, v30, v29;
	v46 =	vld [tilespmem:s7+$0xFFFFFFE0]  }
0x89a: {  	v44 =	vtrunc.f32 v44;
	v52 =	vsel vm5, v30, v29;
	v50 =	vld [tilespmem:s7+$0xFFFFFFD0];
	v41 =	vmul.f32 $5.119843750e+02, v41  }
0x89b: {  	v47 =	vtrunc.f32 v47;
	v40 =	vadd.s32 v40, v52;
	v53 =	vld [tilespmem:s7+$0xFFFFFFC0];
	v51 =	vmul.f32 $5.119843750e+02, v51  }
0x89c: {  	v47 =	vcvt.f32.s32 v47;
	v44 =	vcvt.f32.s32 v44;
	v54 =	vsel vm7, v30, v29;
	v52 =	vld [tilespmem:s7+$0xFFFFFFB0]  }
0x89d: {  	v56 =	vsel vm9, v30, v29;
	v45 =	vmul.f32 $5.119843750e+02, v45;
	v55 =	vld [tilespmem:s7+$0xFFFFFFA0];
	v51 =	vtrunc.f32 v51  }
0x89e: {  	v47 =	vadd.s32 v47, v56;
	v48 =	vmul.f32 $5.119843750e+02, v48;
	v57 =	vld [tilespmem:s7+$0xFFFFFF90];
	v51 =	vcvt.f32.s32 v51  }
0x89f: {  	v44 =	vadd.s32 v44, v49;
	v41 =	vtrunc.f32 v41;
	v50 =	vmul.f32 $5.119843750e+02, v50;
	[tilespmem:v43+s2+$0x0] =	vst.idx.add.f32.msk $0xffff, v14  }
0x8a0: {  	v41 =	vcvt.f32.s32 v41;
	v43 =	vmul.f32 $5.119843750e+02, v53;
	v49 =	vld [tilespmem:s19+$0xFFFFFFF0];
	v51 =	vadd.s32 v51, v54  }
0x8a1: {  	v45 =	vtrunc.f32 v45;
	[tilespmem:v39+s2+$0x0] =	vst.idx.add.f32.msk $0xffff, v14;
	v39 =	vmul.f32 $5.119843750e+02, v52;
	v52 =	vsel vm3, v30, v29  }
0x8a2: {  	v46 =	vmul.f32 $5.119843750e+02, v46;
	v53 =	vld [tilespmem:s19+$0xFFFFFFA0];
	v54 =	vmul.f32 $5.119843750e+02, v55;
	v41 =	vadd.s32 v41, v52  }
0x8a3: {  	v50 =	vtrunc.f32 v50;
	v52 =	vsel vm4, v30, v29;
	v39 =	vtrunc.f32 v39;
	[tilespmem:v47+s2+$0x0] =	vst.idx.add.f32.msk $0xffff, v14  }
0x8a4: {  	v45 =	vcvt.f32.s32 v45;
	v47 =	vsel vm2, v30, v29;
	v39 =	vcvt.f32.s32 v39;
	[tilespmem:v44+s2+$0x0] =	vst.idx.add.f32.msk $0xffff, v14  }
0x8a5: {  	v48 =	vtrunc.f32 v48;
	v44 =	vtrunc.f32 v54;
	vm2 =	veq.s32 v49, v9;
	[tilespmem:v51+s2+$0x0] =	vst.idx.add.f32.msk $0xffff, v14  }
0x8a6: {  	v44 =	vcvt.f32.s32 v44;
	v47 =	vadd.s32 v39, v47;
	v49 =	vsel vm2, v30, v29;
	[tilespmem:v40+s2+$0x0] =	vst.idx.add.f32.msk $0xffff, v14  }
0x8a7: {  	v51 =	vadd.s32 v45, v42;
	v39 =	vmul.f32 $5.119843750e+02, v57;
	vm2 =	veq.s32 v53, v9;
	[tilespmem:v41+s2+$0x0] =	vst.idx.add.f32.msk $0xffff, v14  }
.Ltmp25:
0x8a8: {  	v45 =	vcvt.f32.s32 v48;
	v41 =	vcvt.f32.s32 v50;
	v40 =	vsel vm2, v30, v29;
	[tilespmem:v38+s2+$0x0] =	vst.idx.add.f32.msk $0xffff, v14;
	(pc) =	sbr.rel @p3 .LBB2_45-.Ltmp25, $4  }
0x8a9: {  	v39 =	vtrunc.f32 v39;
	v38 =	vadd.s32 v44, v40;
	v44 =	vld [tilespmem:s19+$0xFFFFFFC0];
	v40 =	vtrunc.f32 v46  }
0x8aa: {  	v43 =	vtrunc.f32 v43;
	v46 =	vcvt.f32.s32 v39;
	v39 =	vadd.s32 v41, v52;
	v42 =	vld [tilespmem:s19+$0xFFFFFFE0]  }
0x8ab: {  	v45 =	vadd.s32 v45, v49;
	v41 =	vcvt.f32.s32 v43;
	v43 =	vcvt.f32.s32 v40;
	[tilespmem:v47+s2+$0x0] =	vst.idx.add.f32.msk $0xffff, v14  }
0x8ac: {  	s19 =	sadd.s32 $0x100, s19;
	v40 =	vadd.s32 v46, v37;
	[tilespmem:v51+s2+$0x0] =	vst.idx.add.f32.msk $0xffff, v14  }
0x8ad: {  	_ =	sdelay $0x1  }
0x8ae: {  	vm2 =	veq.s32 v42, v9  }
0x8af: {  	v37 =	vsel vm2, v30, v29;
	vm2 =	veq.s32 v44, v9  }
0x8b0: {  	v37 =	vadd.s32 v43, v37;
	v59 =	vsel vm2, v30, v29  }
0x8b1: {  	[tilespmem:v45+s2+$0x0] =	vst.idx.add.f32.msk $0xffff, v14;
	v41 =	vadd.s32 v41, v59  }
0x8b2: {  	[tilespmem:v38+s2+$0x0] =	vst.idx.add.f32.msk $0xffff, v14  }
0x8b3: {  	[tilespmem:v39+s2+$0x0] =	vst.idx.add.f32.msk $0xffff, v14  }
0x8b4: {  	[tilespmem:v40+s2+$0x0] =	vst.idx.add.f32.msk $0xffff, v14  }
0x8b5: {  	[tilespmem:v37+s2+$0x0] =	vst.idx.add.f32.msk $0xffff, v14  }
0x8b6: {  	[tilespmem:v41+s2+$0x0] =	vst.idx.add.f32.msk $0xffff, v14  }
0x8b7: {  	s7 =	sor.u32 s18, s23;
	_ =	swait.ge [sflag:s28], $0x4000  }
0x8b8: {  	s7 =	sshrl.u32 s7, $0x3;
	[sflag:s28] =	ssyncset.done $0x0  }
0x8b9: {  	s8 =	simm.s32 $0xF080;
	s7 =	sadd.s32 s3, s7;
	[sflag:s28] =	ssyncadd.s32 $0xFFFFC000  }
0x8ba: {  	[tilespmem:s29], [sflag:$0x2] =	stream.linear.gather [hbm4b:s7+s2], $0x4000, $0x38;
	[tilespmem:$0x1E480] =	vst v63  }
0x8bb: {  	v37 =	vld [tilespmem:s8+$0x30]  }
0x8bc: {  	v60 =	vld [tilespmem:s8+$0xFFFFFF90]  }
0x8bd: {  	s7 =	simm.s32 $0x13080;
	v61 =	vld [tilespmem:s8+$0x20]  }
0x8be: {  	v40 =	vld [tilespmem:s7+$0x50]  }
0x8bf: {  	v62 =	vld [tilespmem:s7+$0x60]  }
0x8c0: {  	v54 =	vld [tilespmem:s7+$0xFFFFFF80]  }
0x8c1: {  	v55 =	vld [tilespmem:s8+$0x50]  }
0x8c2: {  	v56 =	vld [tilespmem:s8+$0x60]  }
0x8c3: {  	v46 =	vld [tilespmem:s8+$0x0]  }
0x8c4: {  	v47 =	vld [tilespmem:s7+$0x70]  }
0x8c5: {  	v58 =	vld [tilespmem:s8+$0xFFFFFF80]  }
0x8c6: {  	v49 =	vld [tilespmem:s8+$0x70]  }
0x8c7: {  	v59 =	vld [tilespmem:s8+$0xFFFFFFD0]  }
0x8c8: {  	v63 =	vld [tilespmem:s8+$0x40]  }
0x8c9: {  	v50 =	vld [tilespmem:s7+$0x40]  }
0x8ca: {  	v52 =	vld [tilespmem:s7+$0x30]  }
0x8cb: {  	v43 =	vld [tilespmem:s7+$0x0];
	vm2 =	veq.s32 v60, v10;
	vm3 =	veq.s32 v61, v10;
	vm4 =	veq.s32 v55, v10  }
0x8cc: {  	v57 =	vld [tilespmem:s8+$0xFFFFFFB0];
	vm5 =	veq.s32 v56, v10;
	v42 =	vmul.f32 $5.119843750e+02, v54;
	v47 =	vmul.f32 $5.119843750e+02, v47  }
0x8cd: {  	vm13 =	veq.s32 v46, v10;
	v41 =	vmul.f32 $5.119843750e+02, v62;
	v40 =	vmul.f32 $5.119843750e+02, v40  }
0x8ce: {  	vm14 =	veq.s32 v49, v10;
	vm15 =	veq.s32 v59, v10;
	vm6 =	veq.s32 v58, v10  }
0x8cf: {  	vm8 =	veq.s32 v63, v10;
	vm9 =	veq.s32 v37, v10;
	v58 =	vmul.f32 $5.119843750e+02, v50  }
0x8d0: {  	v59 =	vmul.f32 $5.119843750e+02, v52;
	v43 =	vmul.f32 $5.119843750e+02, v43;
	v48 =	vsel vm2, v32, v31  }
0x8d1: {  	v44 =	vld [tilespmem:s7+$0xFFFFFFE0];
	vm2 =	veq.s32 v57, v10;
	v42 =	vtrunc.f32 v42;
	v47 =	vtrunc.f32 v47  }
0x8d2: {  	v60 =	vld [tilespmem:s8+$0x10];
	v61 =	vsel vm4, v32, v31;
	v55 =	vtrunc.f32 v41;
	v40 =	vtrunc.f32 v40  }
0x8d3: {  	v56 =	vld [tilespmem:s7+$0x20];
	v46 =	vsel vm5, v32, v31;
	v49 =	vtrunc.f32 v58;
	v45 =	vtrunc.f32 v59  }
0x8d4: {  	v63 =	vld [tilespmem:s7+$0xFFFFFFF0];
	v51 =	vsel vm13, v32, v31;
	v43 =	vtrunc.f32 v43;
	v42 =	vcvt.f32.s32 v42  }
0x8d5: {  	v54 =	vld [tilespmem:s7+$0xFFFFFFC0];
	v62 =	vsel vm6, v32, v31;
	v39 =	vcvt.f32.s32 v55;
	v40 =	vcvt.f32.s32 v40  }
0x8d6: {  	v53 =	vsel vm14, v32, v31;
	v41 =	vld [tilespmem:s7+$0x10];
	v57 =	vcvt.f32.s32 v47;
	v45 =	vcvt.f32.s32 v45  }
0x8d7: {  	v50 =	vld [tilespmem:s8+$0xFFFFFFF0];
	v59 =	vsel vm3, v32, v31;
	v49 =	vcvt.f32.s32 v49;
	v43 =	vcvt.f32.s32 v43  }
0x8d8: {  	vm7 =	veq.s32 v60, v10;
	v40 =	vadd.s32 v40, v61;
	v42 =	vadd.s32 v42, v62;
	v61 =	vld [tilespmem:s7+$0xFFFFFFD0]  }
0x8d9: {  	v60 =	vsel vm8, v32, v31;
	v38 =	vmul.f32 $5.119843750e+02, v56;
	v37 =	vadd.s32 v57, v53;
	v62 =	vld [tilespmem:s7+$0xFFFFFFB0]  }
0x8da: {  	v56 =	vld [tilespmem:s7+$0xFFFFFFA0];
	v57 =	vsel vm9, v32, v31;
	v47 =	vmul.f32 $5.119843750e+02, v63;
	v52 =	vmul.f32 $5.119843750e+02, v54  }
0x8db: {  	v39 =	vadd.s32 v39, v46;
	v46 =	vmul.f32 $5.119843750e+02, v44;
	v44 =	vld [tilespmem:s8+$0xFFFFFFC0];
	v41 =	vmul.f32 $5.119843750e+02, v41  }
0x8dc: {  	v45 =	vadd.s32 v45, v57;
	v57 =	vld [tilespmem:s7+$0xFFFFFF90];
	v38 =	vtrunc.f32 v38;
	v53 =	vtrunc.f32 v47  }
0x8dd: {  	v49 =	vadd.s32 v49, v60;
	v60 =	vld [tilespmem:s8+$0xFFFFFFA0];
	v38 =	vcvt.f32.s32 v38;
	v41 =	vtrunc.f32 v41  }
0x8de: {  	v55 =	vsel vm7, v32, v31;
	v41 =	vcvt.f32.s32 v41;
	[tilespmem:v40+s2+$0x0] =	vst.idx.add.f32.msk $0xffff, v14;
	v58 =	vmul.f32 $5.119843750e+02, v62  }
0x8df: {  	v63 =	vmul.f32 $5.119843750e+02, v61;
	[tilespmem:v42+s2+$0x0] =	vst.idx.add.f32.msk $0xffff, v14;
	v61 =	vmul.f32 $5.119843750e+02, v56;
	v38 =	vadd.s32 v38, v59  }
0x8e0: {  	v62 =	vsel vm2, v32, v31;
	vm2 =	veq.s32 v50, v10;
	[tilespmem:v37+s2+$0x0] =	vst.idx.add.f32.msk $0xffff, v14;
	v42 =	vtrunc.f32 v58  }
0x8e1: {  	[tilespmem:v39+s2+$0x0] =	vst.idx.add.f32.msk $0xffff, v14;
	v56 =	vmul.f32 $5.119843750e+02, v57;
	v57 =	vadd.s32 v43, v51;
	v42 =	vcvt.f32.s32 v42  }
0x8e2: {  	v59 =	vcvt.f32.s32 v53;
	[tilespmem:v45+s2+$0x0] =	vst.idx.add.f32.msk $0xffff, v14;
	v45 =	vsel vm15, v32, v31;
	v41 =	vadd.s32 v41, v55  }
0x8e3: {  	[tilespmem:v49+s2+$0x0] =	vst.idx.add.f32.msk $0xffff, v14;
	v40 =	vtrunc.f32 v63;
	v63 =	vtrunc.f32 v61;
	v47 =	vadd.s32 v42, v62  }
0x8e4: {  	v50 =	vsel vm2, v32, v31;
	v55 =	vcvt.f32.s32 v63;
	v40 =	vcvt.f32.s32 v40;
	[tilespmem:v38+s2+$0x0] =	vst.idx.add.f32.msk $0xffff, v14  }
0x8e5: {  	vm2 =	veq.s32 v60, v10;
	v60 =	vtrunc.f32 v56;
	v63 =	vtrunc.f32 v46;
	v42 =	vld [tilespmem:s8+$0xFFFFFFE0]  }
0x8e6: {  	v58 =	vsel vm2, v32, v31;
	v61 =	vcvt.f32.s32 v60;
	v43 =	vcvt.f32.s32 v63;
	[tilespmem:v57+s2+$0x0] =	vst.idx.add.f32.msk $0xffff, v14  }
0x8e7: {  	v38 =	vadd.s32 v55, v58;
	v62 =	vtrunc.f32 v52;
	v39 =	vadd.s32 v40, v45;
	[tilespmem:v41+s2+$0x0] =	vst.idx.add.f32.msk $0xffff, v14  }
0x8e8: {  	s19 =	simm.s32 $0xF180;
	s8 =	simm.s32 $0x0;
	v45 =	vadd.s32 v59, v50;
	v40 =	vadd.s32 v61, v48;
	v41 =	vcvt.f32.s32 v62;
	[tilespmem:v47+s2+$0x0] =	vst.idx.add.f32.msk $0xffff, v14  }
.LBB2_47:
0x8e9: {  	v46 =	vld [tilespmem:s19+$0x30];
	s8 =	sadd.s32 $0x100, s8;
	s7 =	sadd.s32 $0x100, s7  }
0x8ea: {  	v47 =	vld [tilespmem:s7+$0x30];
	p3 =	slt.u32 s8, $0x3F00;
	vm2 =	veq.s32 v44, v10  }
0x8eb: {  	v44 =	vld [tilespmem:s7+$0x40]  }
0x8ec: {  	v37 =	vld [tilespmem:s19+$0xFFFFFF90]  }
0x8ed: {  	[tilespmem:v45+s2+$0x0] =	vst.idx.add.f32.msk $0xffff, v14  }
0x8ee: {  	v45 =	vld [tilespmem:s19+$0x40]  }
0x8ef: {  	v48 =	vld [tilespmem:s19+$0x10]  }
0x8f0: {  	v49 =	vld [tilespmem:s19+$0x20]  }
0x8f1: {  	vm3 =	veq.s32 v37, v10;
	v50 =	vld [tilespmem:s7+$0x50]  }
0x8f2: {  	v51 =	vld [tilespmem:s7+$0x60]  }
0x8f3: {  	v52 =	vld [tilespmem:s7+$0x70]  }
0x8f4: {  	v53 =	vld [tilespmem:s7+$0xFFFFFF80]  }
0x8f5: {  	vm4 =	veq.s32 v42, v10;
	v54 =	vld [tilespmem:s19+$0x50]  }
0x8f6: {  	v37 =	vsel vm4, v32, v31;
	v42 =	vld [tilespmem:s19+$0x60]  }
0x8f7: {  	v43 =	vadd.s32 v43, v37;
	v55 =	vld [tilespmem:s19+$0xFFFFFFB0]  }
0x8f8: {  	v37 =	vsel vm2, v32, v31;
	v56 =	vld [tilespmem:s19+$0x0]  }
0x8f9: {  	v41 =	vadd.s32 v41, v37;
	v57 =	vld [tilespmem:s19+$0xFFFFFF80]  }
0x8fa: {  	v37 =	vsel vm3, v32, v31;
	v58 =	vld [tilespmem:s19+$0x70]  }
0x8fb: {  	vm3 =	veq.s32 v49, v10;
	vm4 =	veq.s32 v54, v10;
	v59 =	vld [tilespmem:s19+$0xFFFFFFD0];
	vm5 =	veq.s32 v42, v10  }
0x8fc: {  	v42 =	vmul.f32 $5.119843750e+02, v53;
	v49 =	vsel vm4, v32, v31;
	vm2 =	veq.s32 v55, v10;
	[tilespmem:v38+s2+$0x0] =	vst.idx.add.f32.msk $0xffff, v14  }
0x8fd: {  	v52 =	vmul.f32 $5.119843750e+02, v52;
	v38 =	vsel vm5, v32, v31;
	vm4 =	veq.s32 v56, v10;
	[tilespmem:v39+s2+$0x0] =	vst.idx.add.f32.msk $0xffff, v14  }
0x8fe: {  	v51 =	vmul.f32 $5.119843750e+02, v51;
	v39 =	vtrunc.f32 v42;
	v42 =	vsel vm4, v32, v31;
	[tilespmem:v43+s2+$0x0] =	vst.idx.add.f32.msk $0xffff, v14  }
0x8ff: {  	v43 =	vmul.f32 $5.119843750e+02, v50;
	v50 =	vtrunc.f32 v52;
	vm5 =	veq.s32 v58, v10;
	[tilespmem:v40+s2+$0x0] =	vst.idx.add.f32.msk $0xffff, v14  }
0x900: {  	v39 =	vcvt.f32.s32 v39;
	v40 =	vtrunc.f32 v51;
	vm4 =	veq.s32 v59, v10;
	[tilespmem:v41+s2+$0x0] =	vst.idx.add.f32.msk $0xffff, v14  }
0x901: {  	vm6 =	veq.s32 v57, v10;
	v43 =	vtrunc.f32 v43;
	v40 =	vcvt.f32.s32 v40;
	v41 =	vld [tilespmem:s7+$0x20]  }
0x902: {  	vm8 =	veq.s32 v45, v10;
	vm7 =	veq.s32 v48, v10;
	v43 =	vcvt.f32.s32 v43;
	v51 =	vld [tilespmem:s7+$0x10]  }
0x903: {  	vm9 =	veq.s32 v46, v10;
	v38 =	vadd.s32 v40, v38;
	v40 =	vcvt.f32.s32 v50;
	v45 =	vld [tilespmem:s7+$0x0]  }
0x904: {  	v44 =	vmul.f32 $5.119843750e+02, v44;
	v46 =	vsel vm6, v32, v31;
	v43 =	vadd.s32 v43, v49;
	v48 =	vld [tilespmem:s7+$0xFFFFFFF0]  }
0x905: {  	v47 =	vmul.f32 $5.119843750e+02, v47;
	v39 =	vadd.s32 v39, v46;
	v49 =	vsel vm8, v32, v31;
	v46 =	vld [tilespmem:s7+$0xFFFFFFE0]  }
0x906: {  	v44 =	vtrunc.f32 v44;
	v52 =	vsel vm5, v32, v31;
	v50 =	vld [tilespmem:s7+$0xFFFFFFD0];
	v41 =	vmul.f32 $5.119843750e+02, v41  }
0x907: {  	v47 =	vtrunc.f32 v47;
	v40 =	vadd.s32 v40, v52;
	v53 =	vld [tilespmem:s7+$0xFFFFFFC0];
	v51 =	vmul.f32 $5.119843750e+02, v51  }
0x908: {  	v47 =	vcvt.f32.s32 v47;
	v44 =	vcvt.f32.s32 v44;
	v54 =	vsel vm7, v32, v31;
	v52 =	vld [tilespmem:s7+$0xFFFFFFB0]  }
0x909: {  	v56 =	vsel vm9, v32, v31;
	v45 =	vmul.f32 $5.119843750e+02, v45;
	v55 =	vld [tilespmem:s7+$0xFFFFFFA0];
	v51 =	vtrunc.f32 v51  }
0x90a: {  	v47 =	vadd.s32 v47, v56;
	v48 =	vmul.f32 $5.119843750e+02, v48;
	v57 =	vld [tilespmem:s7+$0xFFFFFF90];
	v51 =	vcvt.f32.s32 v51  }
0x90b: {  	v44 =	vadd.s32 v44, v49;
	v41 =	vtrunc.f32 v41;
	v50 =	vmul.f32 $5.119843750e+02, v50;
	[tilespmem:v43+s2+$0x0] =	vst.idx.add.f32.msk $0xffff, v14  }
0x90c: {  	v41 =	vcvt.f32.s32 v41;
	v43 =	vmul.f32 $5.119843750e+02, v53;
	v49 =	vld [tilespmem:s19+$0xFFFFFFF0];
	v51 =	vadd.s32 v51, v54  }
0x90d: {  	v45 =	vtrunc.f32 v45;
	[tilespmem:v39+s2+$0x0] =	vst.idx.add.f32.msk $0xffff, v14;
	v39 =	vmul.f32 $5.119843750e+02, v52;
	v52 =	vsel vm3, v32, v31  }
0x90e: {  	v46 =	vmul.f32 $5.119843750e+02, v46;
	v53 =	vld [tilespmem:s19+$0xFFFFFFA0];
	v54 =	vmul.f32 $5.119843750e+02, v55;
	v41 =	vadd.s32 v41, v52  }
0x90f: {  	v50 =	vtrunc.f32 v50;
	v52 =	vsel vm4, v32, v31;
	v39 =	vtrunc.f32 v39;
	[tilespmem:v47+s2+$0x0] =	vst.idx.add.f32.msk $0xffff, v14  }
0x910: {  	v45 =	vcvt.f32.s32 v45;
	v47 =	vsel vm2, v32, v31;
	v39 =	vcvt.f32.s32 v39;
	[tilespmem:v44+s2+$0x0] =	vst.idx.add.f32.msk $0xffff, v14  }
0x911: {  	v48 =	vtrunc.f32 v48;
	v44 =	vtrunc.f32 v54;
	vm2 =	veq.s32 v49, v10;
	[tilespmem:v51+s2+$0x0] =	vst.idx.add.f32.msk $0xffff, v14  }
0x912: {  	v44 =	vcvt.f32.s32 v44;
	v47 =	vadd.s32 v39, v47;
	v49 =	vsel vm2, v32, v31;
	[tilespmem:v40+s2+$0x0] =	vst.idx.add.f32.msk $0xffff, v14  }
0x913: {  	v51 =	vadd.s32 v45, v42;
	v39 =	vmul.f32 $5.119843750e+02, v57;
	vm2 =	veq.s32 v53, v10;
	[tilespmem:v41+s2+$0x0] =	vst.idx.add.f32.msk $0xffff, v14  }
.Ltmp26:
0x914: {  	v45 =	vcvt.f32.s32 v48;
	v41 =	vcvt.f32.s32 v50;
	v40 =	vsel vm2, v32, v31;
	[tilespmem:v38+s2+$0x0] =	vst.idx.add.f32.msk $0xffff, v14;
	(pc) =	sbr.rel @p3 .LBB2_47-.Ltmp26, $4  }
0x915: {  	v39 =	vtrunc.f32 v39;
	v38 =	vadd.s32 v44, v40;
	v44 =	vld [tilespmem:s19+$0xFFFFFFC0];
	v40 =	vtrunc.f32 v46  }
0x916: {  	v43 =	vtrunc.f32 v43;
	v46 =	vcvt.f32.s32 v39;
	v39 =	vadd.s32 v41, v52;
	v42 =	vld [tilespmem:s19+$0xFFFFFFE0]  }
0x917: {  	v45 =	vadd.s32 v45, v49;
	v41 =	vcvt.f32.s32 v43;
	v43 =	vcvt.f32.s32 v40;
	[tilespmem:v47+s2+$0x0] =	vst.idx.add.f32.msk $0xffff, v14  }
0x918: {  	s19 =	sadd.s32 $0x100, s19;
	v40 =	vadd.s32 v46, v37;
	[tilespmem:v51+s2+$0x0] =	vst.idx.add.f32.msk $0xffff, v14  }
0x919: {  	_ =	sdelay $0x1  }
0x91a: {  	vm2 =	veq.s32 v42, v10  }
0x91b: {  	v37 =	vsel vm2, v32, v31;
	vm2 =	veq.s32 v44, v10  }
0x91c: {  	v37 =	vadd.s32 v43, v37;
	v63 =	vsel vm2, v32, v31  }
0x91d: {  	[tilespmem:v45+s2+$0x0] =	vst.idx.add.f32.msk $0xffff, v14;
	v41 =	vadd.s32 v41, v63  }
0x91e: {  	[tilespmem:v38+s2+$0x0] =	vst.idx.add.f32.msk $0xffff, v14  }
0x91f: {  	[tilespmem:v39+s2+$0x0] =	vst.idx.add.f32.msk $0xffff, v14  }
0x920: {  	[tilespmem:v40+s2+$0x0] =	vst.idx.add.f32.msk $0xffff, v14  }
0x921: {  	[tilespmem:v37+s2+$0x0] =	vst.idx.add.f32.msk $0xffff, v14  }
.Ltmp27:
0x922: {  	[tilespmem:v41+s2+$0x0] =	vst.idx.add.f32.msk $0xffff, v14;
	(pc) =	sbr.rel @p1 .LBB2_52-.Ltmp27, $4  }
0x923: {  	s7 =	sadd.s32 @!p2 s6, s21;
	_ =	swait.ge [sflag:s28], $0x4000  }
0x924: {  	s8 =	simm.s32 @!p2 $0x0;
	s7 =	sshrl.u32 @!p2 s7, $0x3;
	[sflag:s28] =	ssyncset.done $0x0  }
0x925: {  	s19 =	simm.s32 @!p2 $0x13000;
	s7 =	sadd.s32 @!p2 s3, s7;
	[sflag:s28] =	ssyncadd.s32 $0xFFFFC000  }
0x926: {  	[tilespmem:s19], [sflag:$0x2] =	stream.linear.gather @!p2 [hbm4b:s7+s8], $0x4000, $0x38;
	[tilespmem:$0x1E480] =	vst v63  }
0x927: {  	s8 =	simm.s32 $0xF080  }
0x928: {  	v37 =	vld [tilespmem:s8+$0x30]  }
0x929: {  	v38 =	vld [tilespmem:s8+$0xFFFFFF90]  }
0x92a: {  	s7 =	simm.s32 $0x17080;
	v39 =	vld [tilespmem:s8+$0x20]  }
0x92b: {  	v40 =	vld [tilespmem:s7+$0x50]  }
0x92c: {  	v41 =	vld [tilespmem:s7+$0x60]  }
0x92d: {  	v42 =	vld [tilespmem:s7+$0xFFFFFF80]  }
0x92e: {  	v43 =	vld [tilespmem:s8+$0x50]  }
0x92f: {  	v44 =	vld [tilespmem:s8+$0x60]  }
0x930: {  	v45 =	vld [tilespmem:s8+$0xFFFFFFB0]  }
0x931: {  	v46 =	vld [tilespmem:s8+$0x0]  }
0x932: {  	v47 =	vld [tilespmem:s7+$0x70]  }
0x933: {  	v58 =	vld [tilespmem:s8+$0xFFFFFF80]  }
0x934: {  	v49 =	vld [tilespmem:s8+$0x70]  }
0x935: {  	v59 =	vld [tilespmem:s8+$0xFFFFFFD0]  }
0x936: {  	v60 =	vld [tilespmem:s8+$0x10]  }
0x937: {  	v63 =	vld [tilespmem:s8+$0x40]  }
0x938: {  	v50 =	vld [tilespmem:s7+$0x40]  }
0x939: {  	v52 =	vld [tilespmem:s7+$0x30]  }
0x93a: {  	v56 =	vld [tilespmem:s7+$0x20];
	vm2 =	veq.s32 v38, v11;
	vm3 =	veq.s32 v39, v11;
	vm4 =	veq.s32 v43, v11  }
0x93b: {  	v54 =	vld [tilespmem:s7+$0xFFFFFFC0];
	vm5 =	veq.s32 v44, v11;
	v42 =	vmul.f32 $5.119843750e+02, v42;
	v47 =	vmul.f32 $5.119843750e+02, v47  }
0x93c: {  	vm13 =	veq.s32 v46, v11;
	v41 =	vmul.f32 $5.119843750e+02, v41;
	v40 =	vmul.f32 $5.119843750e+02, v40  }
0x93d: {  	vm14 =	veq.s32 v49, v11;
	vm15 =	veq.s32 v59, v11;
	vm6 =	veq.s32 v58, v11  }
0x93e: {  	vm7 =	veq.s32 v60, v11;
	vm8 =	veq.s32 v63, v11;
	v58 =	vmul.f32 $5.119843750e+02, v50  }
0x93f: {  	vm9 =	veq.s32 v37, v11;
	v59 =	vmul.f32 $5.119843750e+02, v52;
	v38 =	vmul.f32 $5.119843750e+02, v56  }
0x940: {  	v52 =	vmul.f32 $5.119843750e+02, v54;
	v48 =	vsel vm2, v34, v33;
	vm2 =	veq.s32 v45, v11  }
0x941: {  	v61 =	vsel vm4, v34, v33;
	v42 =	vtrunc.f32 v42;
	v47 =	vtrunc.f32 v47  }
0x942: {  	v43 =	vld [tilespmem:s7+$0x0];
	v46 =	vsel vm5, v34, v33;
	v55 =	vtrunc.f32 v41;
	v40 =	vtrunc.f32 v40  }
0x943: {  	v63 =	vld [tilespmem:s7+$0xFFFFFFF0];
	v51 =	vsel vm13, v34, v33;
	v49 =	vtrunc.f32 v58;
	v45 =	vtrunc.f32 v59  }
0x944: {  	v44 =	vld [tilespmem:s7+$0xFFFFFFE0];
	v62 =	vsel vm6, v34, v33;
	v38 =	vtrunc.f32 v38;
	v42 =	vcvt.f32.s32 v42  }
0x945: {  	v60 =	vsel vm8, v34, v33;
	v41 =	vld [tilespmem:s7+$0x10];
	v39 =	vcvt.f32.s32 v55;
	v40 =	vcvt.f32.s32 v40  }
0x946: {  	v56 =	vld [tilespmem:s7+$0xFFFFFFA0];
	v53 =	vsel vm14, v34, v33;
	v57 =	vcvt.f32.s32 v47;
	v45 =	vcvt.f32.s32 v45  }
0x947: {  	v50 =	vld [tilespmem:s8+$0xFFFFFFF0];
	v49 =	vcvt.f32.s32 v49;
	v38 =	vcvt.f32.s32 v38;
	v40 =	vadd.s32 v40, v61  }
0x948: {  	v42 =	vadd.s32 v42, v62;
	v37 =	vadd.s32 v57, v53;
	v62 =	vld [tilespmem:s7+$0xFFFFFFB0];
	v57 =	vsel vm9, v34, v33  }
0x949: {  	v61 =	vld [tilespmem:s7+$0xFFFFFFD0];
	v43 =	vmul.f32 $5.119843750e+02, v43;
	v47 =	vmul.f32 $5.119843750e+02, v63;
	v49 =	vadd.s32 v49, v60  }
0x94a: {  	v60 =	vld [tilespmem:s8+$0xFFFFFFA0];
	v39 =	vadd.s32 v39, v46;
	v46 =	vmul.f32 $5.119843750e+02, v44;
	v41 =	vmul.f32 $5.119843750e+02, v41  }
0x94b: {  	v45 =	vadd.s32 v45, v57;
	v57 =	vld [tilespmem:s7+$0xFFFFFF90];
	v43 =	vtrunc.f32 v43;
	v53 =	vtrunc.f32 v47  }
0x94c: {  	v59 =	vsel vm3, v34, v33;
	v44 =	vld [tilespmem:s8+$0xFFFFFFC0];
	v43 =	vcvt.f32.s32 v43;
	v41 =	vtrunc.f32 v41  }
0x94d: {  	v38 =	vadd.s32 v38, v59;
	v41 =	vcvt.f32.s32 v41;
	[tilespmem:v40+s2+$0x0] =	vst.idx.add.f32.msk $0xffff, v14;
	v58 =	vmul.f32 $5.119843750e+02, v62  }
0x94e: {  	v55 =	vsel vm7, v34, v33;
	v63 =	vmul.f32 $5.119843750e+02, v61;
	[tilespmem:v42+s2+$0x0] =	vst.idx.add.f32.msk $0xffff, v14;
	v61 =	vmul.f32 $5.119843750e+02, v56  }
0x94f: {  	[tilespmem:v49+s2+$0x0] =	vst.idx.add.f32.msk $0xffff, v14;
	v62 =	vsel vm2, v34, v33;
	vm2 =	veq.s32 v50, v11;
	v42 =	vtrunc.f32 v58  }
0x950: {  	[tilespmem:v37+s2+$0x0] =	vst.idx.add.f32.msk $0xffff, v14;
	v56 =	vmul.f32 $5.119843750e+02, v57;
	v57 =	vadd.s32 v43, v51;
	v42 =	vcvt.f32.s32 v42  }
0x951: {  	v59 =	vcvt.f32.s32 v53;
	[tilespmem:v45+s2+$0x0] =	vst.idx.add.f32.msk $0xffff, v14;
	v45 =	vsel vm15, v34, v33;
	v41 =	vadd.s32 v41, v55  }
0x952: {  	[tilespmem:v38+s2+$0x0] =	vst.idx.add.f32.msk $0xffff, v14;
	v40 =	vtrunc.f32 v63;
	v63 =	vtrunc.f32 v61;
	v47 =	vadd.s32 v42, v62  }
0x953: {  	[tilespmem:v39+s2+$0x0] =	vst.idx.add.f32.msk $0xffff, v14;
	v50 =	vsel vm2, v34, v33;
	v55 =	vcvt.f32.s32 v63;
	v40 =	vcvt.f32.s32 v40  }
0x954: {  	vm2 =	veq.s32 v60, v11;
	v60 =	vtrunc.f32 v56;
	v63 =	vtrunc.f32 v46;
	v42 =	vld [tilespmem:s8+$0xFFFFFFE0]  }
0x955: {  	v58 =	vsel vm2, v34, v33;
	v61 =	vcvt.f32.s32 v60;
	v43 =	vcvt.f32.s32 v63;
	[tilespmem:v57+s2+$0x0] =	vst.idx.add.f32.msk $0xffff, v14  }
0x956: {  	v38 =	vadd.s32 v55, v58;
	v62 =	vtrunc.f32 v52;
	v39 =	vadd.s32 v40, v45;
	[tilespmem:v41+s2+$0x0] =	vst.idx.add.f32.msk $0xffff, v14  }
0x957: {  	s19 =	simm.s32 $0xF180;
	s8 =	simm.s32 $0x0;
	v45 =	vadd.s32 v59, v50;
	v40 =	vadd.s32 v61, v48;
	v41 =	vcvt.f32.s32 v62;
	[tilespmem:v47+s2+$0x0] =	vst.idx.add.f32.msk $0xffff, v14  }
.LBB2_50:
0x958: {  	v46 =	vld [tilespmem:s19+$0x30];
	s8 =	sadd.s32 $0x100, s8;
	s7 =	sadd.s32 $0x100, s7  }
0x959: {  	v47 =	vld [tilespmem:s7+$0x30];
	p2 =	slt.u32 s8, $0x3F00;
	vm2 =	veq.s32 v44, v11  }
0x95a: {  	v44 =	vld [tilespmem:s7+$0x40]  }
0x95b: {  	v37 =	vld [tilespmem:s19+$0xFFFFFF90]  }
0x95c: {  	[tilespmem:v45+s2+$0x0] =	vst.idx.add.f32.msk $0xffff, v14  }
0x95d: {  	v45 =	vld [tilespmem:s19+$0x40]  }
0x95e: {  	v48 =	vld [tilespmem:s19+$0x10]  }
0x95f: {  	v49 =	vld [tilespmem:s19+$0x20]  }
0x960: {  	vm3 =	veq.s32 v37, v11;
	v50 =	vld [tilespmem:s7+$0x50]  }
0x961: {  	v51 =	vld [tilespmem:s7+$0x60]  }
0x962: {  	v52 =	vld [tilespmem:s7+$0x70]  }
0x963: {  	v53 =	vld [tilespmem:s7+$0xFFFFFF80]  }
0x964: {  	vm4 =	veq.s32 v42, v11;
	v54 =	vld [tilespmem:s19+$0x50]  }
0x965: {  	v37 =	vsel vm4, v34, v33;
	v42 =	vld [tilespmem:s19+$0x60]  }
0x966: {  	v43 =	vadd.s32 v43, v37;
	v55 =	vld [tilespmem:s19+$0xFFFFFFB0]  }
0x967: {  	v37 =	vsel vm2, v34, v33;
	v56 =	vld [tilespmem:s19+$0x0]  }
0x968: {  	v41 =	vadd.s32 v41, v37;
	v57 =	vld [tilespmem:s19+$0xFFFFFF80]  }
0x969: {  	v37 =	vsel vm3, v34, v33;
	v58 =	vld [tilespmem:s19+$0x70]  }
0x96a: {  	vm3 =	veq.s32 v49, v11;
	vm4 =	veq.s32 v54, v11;
	v59 =	vld [tilespmem:s19+$0xFFFFFFD0];
	vm5 =	veq.s32 v42, v11  }
0x96b: {  	v42 =	vmul.f32 $5.119843750e+02, v53;
	v49 =	vsel vm4, v34, v33;
	vm2 =	veq.s32 v55, v11;
	[tilespmem:v38+s2+$0x0] =	vst.idx.add.f32.msk $0xffff, v14  }
0x96c: {  	v52 =	vmul.f32 $5.119843750e+02, v52;
	v38 =	vsel vm5, v34, v33;
	vm4 =	veq.s32 v56, v11;
	[tilespmem:v39+s2+$0x0] =	vst.idx.add.f32.msk $0xffff, v14  }
0x96d: {  	v51 =	vmul.f32 $5.119843750e+02, v51;
	v39 =	vtrunc.f32 v42;
	v42 =	vsel vm4, v34, v33;
	[tilespmem:v43+s2+$0x0] =	vst.idx.add.f32.msk $0xffff, v14  }
0x96e: {  	v43 =	vmul.f32 $5.119843750e+02, v50;
	v50 =	vtrunc.f32 v52;
	vm5 =	veq.s32 v58, v11;
	[tilespmem:v40+s2+$0x0] =	vst.idx.add.f32.msk $0xffff, v14  }
0x96f: {  	v39 =	vcvt.f32.s32 v39;
	v40 =	vtrunc.f32 v51;
	vm4 =	veq.s32 v59, v11;
	[tilespmem:v41+s2+$0x0] =	vst.idx.add.f32.msk $0xffff, v14  }
0x970: {  	vm6 =	veq.s32 v57, v11;
	v43 =	vtrunc.f32 v43;
	v40 =	vcvt.f32.s32 v40;
	v41 =	vld [tilespmem:s7+$0x20]  }
0x971: {  	vm8 =	veq.s32 v45, v11;
	vm7 =	veq.s32 v48, v11;
	v43 =	vcvt.f32.s32 v43;
	v51 =	vld [tilespmem:s7+$0x10]  }
0x972: {  	vm9 =	veq.s32 v46, v11;
	v38 =	vadd.s32 v40, v38;
	v40 =	vcvt.f32.s32 v50;
	v45 =	vld [tilespmem:s7+$0x0]  }
0x973: {  	v44 =	vmul.f32 $5.119843750e+02, v44;
	v46 =	vsel vm6, v34, v33;
	v43 =	vadd.s32 v43, v49;
	v48 =	vld [tilespmem:s7+$0xFFFFFFF0]  }
0x974: {  	v47 =	vmul.f32 $5.119843750e+02, v47;
	v39 =	vadd.s32 v39, v46;
	v49 =	vsel vm8, v34, v33;
	v46 =	vld [tilespmem:s7+$0xFFFFFFE0]  }
0x975: {  	v44 =	vtrunc.f32 v44;
	v52 =	vsel vm5, v34, v33;
	v50 =	vld [tilespmem:s7+$0xFFFFFFD0];
	v41 =	vmul.f32 $5.119843750e+02, v41  }
0x976: {  	v47 =	vtrunc.f32 v47;
	v40 =	vadd.s32 v40, v52;
	v53 =	vld [tilespmem:s7+$0xFFFFFFC0];
	v51 =	vmul.f32 $5.119843750e+02, v51  }
0x977: {  	v47 =	vcvt.f32.s32 v47;
	v44 =	vcvt.f32.s32 v44;
	v54 =	vsel vm7, v34, v33;
	v52 =	vld [tilespmem:s7+$0xFFFFFFB0]  }
0x978: {  	v56 =	vsel vm9, v34, v33;
	v45 =	vmul.f32 $5.119843750e+02, v45;
	v55 =	vld [tilespmem:s7+$0xFFFFFFA0];
	v51 =	vtrunc.f32 v51  }
0x979: {  	v47 =	vadd.s32 v47, v56;
	v48 =	vmul.f32 $5.119843750e+02, v48;
	v57 =	vld [tilespmem:s7+$0xFFFFFF90];
	v51 =	vcvt.f32.s32 v51  }
0x97a: {  	v44 =	vadd.s32 v44, v49;
	v41 =	vtrunc.f32 v41;
	v50 =	vmul.f32 $5.119843750e+02, v50;
	[tilespmem:v43+s2+$0x0] =	vst.idx.add.f32.msk $0xffff, v14  }
0x97b: {  	v41 =	vcvt.f32.s32 v41;
	v43 =	vmul.f32 $5.119843750e+02, v53;
	v49 =	vld [tilespmem:s19+$0xFFFFFFF0];
	v51 =	vadd.s32 v51, v54  }
0x97c: {  	v45 =	vtrunc.f32 v45;
	[tilespmem:v39+s2+$0x0] =	vst.idx.add.f32.msk $0xffff, v14;
	v39 =	vmul.f32 $5.119843750e+02, v52;
	v52 =	vsel vm3, v34, v33  }
0x97d: {  	v46 =	vmul.f32 $5.119843750e+02, v46;
	v53 =	vld [tilespmem:s19+$0xFFFFFFA0];
	v54 =	vmul.f32 $5.119843750e+02, v55;
	v41 =	vadd.s32 v41, v52  }
0x97e: {  	v50 =	vtrunc.f32 v50;
	v52 =	vsel vm4, v34, v33;
	v39 =	vtrunc.f32 v39;
	[tilespmem:v47+s2+$0x0] =	vst.idx.add.f32.msk $0xffff, v14  }
0x97f: {  	v45 =	vcvt.f32.s32 v45;
	v47 =	vsel vm2, v34, v33;
	v39 =	vcvt.f32.s32 v39;
	[tilespmem:v44+s2+$0x0] =	vst.idx.add.f32.msk $0xffff, v14  }
0x980: {  	v48 =	vtrunc.f32 v48;
	v44 =	vtrunc.f32 v54;
	vm2 =	veq.s32 v49, v11;
	[tilespmem:v51+s2+$0x0] =	vst.idx.add.f32.msk $0xffff, v14  }
0x981: {  	v44 =	vcvt.f32.s32 v44;
	v47 =	vadd.s32 v39, v47;
	v49 =	vsel vm2, v34, v33;
	[tilespmem:v40+s2+$0x0] =	vst.idx.add.f32.msk $0xffff, v14  }
0x982: {  	v51 =	vadd.s32 v45, v42;
	v39 =	vmul.f32 $5.119843750e+02, v57;
	vm2 =	veq.s32 v53, v11;
	[tilespmem:v41+s2+$0x0] =	vst.idx.add.f32.msk $0xffff, v14  }
.Ltmp28:
0x983: {  	v45 =	vcvt.f32.s32 v48;
	v41 =	vcvt.f32.s32 v50;
	v40 =	vsel vm2, v34, v33;
	[tilespmem:v38+s2+$0x0] =	vst.idx.add.f32.msk $0xffff, v14;
	(pc) =	sbr.rel @p2 .LBB2_50-.Ltmp28, $4  }
0x984: {  	v39 =	vtrunc.f32 v39;
	v38 =	vadd.s32 v44, v40;
	v44 =	vld [tilespmem:s19+$0xFFFFFFC0];
	v40 =	vtrunc.f32 v46  }
0x985: {  	v43 =	vtrunc.f32 v43;
	v46 =	vcvt.f32.s32 v39;
	v39 =	vadd.s32 v41, v52;
	v42 =	vld [tilespmem:s19+$0xFFFFFFE0]  }
0x986: {  	v45 =	vadd.s32 v45, v49;
	v41 =	vcvt.f32.s32 v43;
	v43 =	vcvt.f32.s32 v40;
	[tilespmem:v47+s2+$0x0] =	vst.idx.add.f32.msk $0xffff, v14  }
0x987: {  	s19 =	sadd.s32 $0x100, s19;
	v40 =	vadd.s32 v46, v37;
	[tilespmem:v51+s2+$0x0] =	vst.idx.add.f32.msk $0xffff, v14  }
0x988: {  	_ =	sdelay $0x1  }
0x989: {  	vm2 =	veq.s32 v42, v11  }
0x98a: {  	v37 =	vsel vm2, v34, v33;
	vm2 =	veq.s32 v44, v11  }
0x98b: {  	v37 =	vadd.s32 v43, v37;
	v63 =	vsel vm2, v34, v33  }
0x98c: {  	[tilespmem:v45+s2+$0x0] =	vst.idx.add.f32.msk $0xffff, v14;
	v41 =	vadd.s32 v41, v63  }
.Ltmp29:
0x98d: {  	[tilespmem:v38+s2+$0x0] =	vst.idx.add.f32.msk $0xffff, v14;
	(pc) =	sbr.rel .LBB2_52-.Ltmp29, $4  }
0x98e: {  	[tilespmem:v39+s2+$0x0] =	vst.idx.add.f32.msk $0xffff, v14  }
0x98f: {  	[tilespmem:v40+s2+$0x0] =	vst.idx.add.f32.msk $0xffff, v14  }
0x990: {  	[tilespmem:v37+s2+$0x0] =	vst.idx.add.f32.msk $0xffff, v14  }
0x991: {  	[tilespmem:v41+s2+$0x0] =	vst.idx.add.f32.msk $0xffff, v14  }
.LBB2_53:
0x992: {  	s0 =	simm.s32 $0x0  }
0x993: {  	s8 =	sand.u32 $0x3FF0, s0  }
0x994: {  	s7 =	simm.s32 $0x10;
	v37 =	vld [tilespmem:s8+$0x2C00]  }
.LBB2_54:
0x995: {  	p2 =	sne.s32 s7, $0x2BF0;
	v38 =	vld [tilespmem:s0+$0x0];
	_ =	sdelay $0x1  }
0x996: {  	v39 =	vld [tilespmem:s8+$0x5800];
	_ =	sdelay $0x1  }
0x997: {  	v40 =	vld [tilespmem:s8+$0x8400]  }
0x998: {  	v37 =	vadd.f32 v37, v38;
	_ =	sdelay $0x1  }
0x999: {  	v37 =	vadd.f32 v39, v37  }
.Ltmp30:
0x99a: {  	(pc) =	sbr.rel @p2 .LBB2_54-.Ltmp30, $3  }
0x99b: {  	v37 =	vadd.f32 v40, v37;
	_ =	sdelay $0x1  }
0x99c: {  	s8 =	sand.u32 $0x3FF0, s7;
	[tilespmem:s0+$0x0] =	vst v37  }
0x99d: {  	s7 =	sadd.s32 $0x10, s7;
	s0 =	sadd.s32 $0x10, s0;
	v37 =	vld [tilespmem:s8+$0x2C00]  }
0x99e: {  	v38 =	vld [tilespmem:s0+$0x0];
	_ =	sdelay $0x1  }
0x99f: {  	v39 =	vld [tilespmem:s8+$0x5800];
	_ =	sdelay $0x1  }
0x9a0: {  	v40 =	vld [tilespmem:s8+$0x8400]  }
0x9a1: {  	v37 =	vadd.f32 v37, v38;
	_ =	sdelay $0x1  }
0x9a2: {  	v37 =	vadd.f32 v39, v37;
	_ =	sdelay $0x1  }
0x9a3: {  	v37 =	vadd.f32 v40, v37;
	_ =	sdelay $0x1  }
0x9a4: {  	[tilespmem:s0+$0x0] =	vst v37;
	s0 =	simm.s32 $0x0  }
0x9a5: {  	[spmem:s22] =	stream.linear.scatter [tilespmem:s0], [sflag:$0x3], $0x2C00, $0x38;
	[tilespmem:$0x1E480] =	vst v63  }
.Ltmp31:
0x9a6: {  	_ =	swait.ge [sflag:s30], $0x2C00;
	(pc) =	sbr.rel @!p0 .LBB2_67-.Ltmp31, $4  }
0x9a7: {  	[sflag:s30] =	ssyncset.done $0x0  }
0x9a8: {  	[sflag:s30] =	ssyncadd.s32 $0xFFFFD400  }
0x9a9: {  	[bflag:$0x0] =	sbarrier.arrive $0xFFFF  }
0x9aa: {  	s7 =	rddreg [dreg:$0x6]  }
0x9ab: {  	s7 =	simm.s32 $0x40;
	s8 =	simm.s32 $0x0  }
.LBB2_57:
0x9ac: {  	p2 =	sne.s32 s7, $0xFC0;
	[tilespmem:s8+$0x1B000] =	vst v12;
	s8 =	smov.u32 s7;
	s7 =	sadd.s32 $0x40, s7  }
.Ltmp32:
0x9ad: {  	(pc) =	sbr.rel @p2 .LBB2_57-.Ltmp32, $2  }
0x9ae: {  	_ =	sdelay $0x2  }
0x9af: {  	s8 =	sshra.s32 s8, $0x2  }
0x9b0: {  	[tilespmem:s8+$0x1B000] =	vst v12;
	s21 =	simm.s32 $0x1B400  }
.LBB2_59:
0x9b1: {  	s7 =	smul.u32 $0xB000, s0;
	_ =	sdelay $0x1  }
0x9b2: {  	s7 =	sshra.s32 s7, $0x2  }
0x9b3: {  	s7 =	sadd.s32 s7, s20  }
0x9b4: {  	[tilespmem:s21], [sflag:$0x3] =	stream.linear.gather [spmem:s7], $0x400, $0x38;
	[tilespmem:$0x1E480] =	vst v63  }
0x9b5: {  	_ =	swait.ge [sflag:s30], $0x400  }
0x9b6: {  	[sflag:s30] =	ssyncset.done $0x0  }
0x9b7: {  	s7 =	simm.s32 $0x0;
	[sflag:s30] =	ssyncadd.s32 $0xFFFFFC00  }
0x9b8: {  	s8 =	simm.s32 $0x40;
	v37 =	vld [tilespmem:s7+$0x1B400]  }
.LBB2_60:
0x9b9: {  	p2 =	sne.s32 s8, $0xFC0;
	v38 =	vld [tilespmem:s7+$0x1B000];
	_ =	sdelay $0x2  }
.Ltmp33:
0x9ba: {  	(pc) =	sbr.rel @p2 .LBB2_60-.Ltmp33, $4  }
0x9bb: {  	_ = 	snop  }
0x9bc: {  	v38 =	vadd.f32 v37, v38  }
0x9bd: {  	s19 =	sshra.s32 s8, $0x2  }
0x9be: {  	s8 =	sadd.s32 $0x40, s8;
	v37 =	vld [tilespmem:s19+$0x1B400];
	[tilespmem:s7+$0x1B000] =	vst v38;
	s7 =	smov.u32 s19  }
0x9bf: {  	v38 =	vld [tilespmem:s7+$0x1B000]  }
0x9c0: {  	s0 =	sadd.s32 $0x1, s0  }
0x9c1: {  	p2 =	seq.s32 s0, $0x10  }
.Ltmp34:
0x9c2: {  	_ = 	snop;
	(pc) =	sbr.rel @!p2 .LBB2_59-.Ltmp34, $3  }
0x9c3: {  	_ = 	snop  }
0x9c4: {  	v37 =	vadd.f32 v37, v38;
	_ =	sdelay $0x1  }
0x9c5: {  	[tilespmem:s7+$0x1B000] =	vst v37  }
0x9c6: {  	s7 =	simm.s32 $0x0  }
0x9c7: {  	s7 =	sand.u32 $0x1F0, s7  }
0x9c8: {  	s8 =	simm.s32 $0x10;
	v37 =	vld [tilespmem:s7+$0x1B200]  }
0x9c9: {  	s31 =	smov.u32 s1;
	s1 =	simm.s32 $0x20;
	s23 =	sand.u32 $0x1F0, s8  }
0x9ca: {  	s8 =	sand.u32 $0x1F0, s1;
	v38 =	vld [tilespmem:s23+$0x1B200]  }
0x9cb: {  	v39 =	vld [tilespmem:s8+$0x1B200];
	_ =	sdelay $0x1  }
0x9cc: {  	(xrf2) =	vadd.scan.msk.f32 $0xffff, v37;
	_ =	sdelay $0x1  }
0x9cd: {  	(xrf2) =	vadd.scan.msk.f32 $0xffff, v38  }
0x9ce: {  	(xrf2) =	vadd.scan.msk.f32 $0xffff, v39;
	_ =	sdelay $0x6  }
0x9cf: {  	v61, _, _ =	vpop (xrf2)  }
0x9d0: {  	s19 =	simm.s32 $0x30;
	(v2sf) =	vpush v61, $0xF  }
0x9d1: {  	s7 =	sand.u32 $0x1F0, s19;
	v62, _, _ =	vpop (xrf2)  }
0x9d2: {  	v60 =	vld [tilespmem:s7+$0x1B200];
	(v2sf) =	vpush v62, $0xF;
	v63, _, _ =	vpop (xrf2)  }
0x9d3: {  	(v2sf) =	vpush v63, $0xF;
	_ =	sdelay $0x2  }
0x9d4: {  	s21 =	simm.s32 $0x40  }
0x9d5: {  	s23 =	sand.u32 $0x1F0, s21;
	(xrf2) =	vadd.scan.msk.f32 $0xffff, v60  }
0x9d6: {  	v37 =	vld [tilespmem:s23+$0x1B200];
	_ =	sdelay $0x3  }
0x9d7: {  	s0 =	simm.f32 $0.0e+00;
	s7 =	simm.s32 $0x50  }
.LBB2_63:
0x9d8: {  	s8 =	sand.u32 $0x1F0, s7;
	p2 =	seq.s32 s7, $0x1F0;
	s7 =	sadd.s32 $0x10, s7;
	(xrf2) =	vadd.scan.msk.f32 $0xffff, v37  }
.Ltmp35:
0x9d9: {  	v37 =	vld [tilespmem:s8+$0x1B200];
	(pc) =	sbr.rel @!p2 .LBB2_63-.Ltmp35, $4  }
0x9da: {  	s8 =	spop (v2sf)  }
0x9db: {  	s0 =	sadd.f32 s8, s0  }
0x9dc: {  	v38, _, _ =	vpop (xrf2)  }
0x9dd: {  	(v2sf) =	vpush v38, $0xF  }
0x9de: {  	_ =	sdelay $0x3  }
0x9df: {  	v59, _, _ =	vpop (xrf2)  }
0x9e0: {  	(v2sf) =	vpush v59, $0xF;
	_ =	sdelay $0x2  }
0x9e1: {  	(xrf2) =	vadd.scan.msk.f32 $0xffff, v37;
	_ =	sdelay $0x5  }
0x9e2: {  	s7 =	spop (v2sf)  }
0x9e3: {  	s0 =	sadd.f32 s7, s0  }
0x9e4: {  	s23 =	spop (v2sf)  }
0x9e5: {  	s0 =	sadd.f32 s23, s0  }
0x9e6: {  	v60, _, _ =	vpop (xrf2);
	s1 =	spop (v2sf)  }
0x9e7: {  	(v2sf) =	vpush v60, $0xF;
	s0 =	sadd.f32 s1, s0  }
0x9e8: {  	s8 =	spop (v2sf)  }
0x9e9: {  	s0 =	sadd.f32 s8, s0;
	s8 =	simm.s32 $0x1B1F0  }
0x9ea: {  	v39 =	vld [tilespmem:s8+$0x0];
	_ =	sdelay $0x2  }
0x9eb: {  	s7 =	simm.s32 $0x0;
	s1 =	smov.u32 s22;
	s22 =	simm.s32 $0x1B1E0  }
0x9ec: {  	s21 =	sand.u32 $0x1F0, s7;
	v40 =	vld [tilespmem:s22+$0x0]  }
0x9ed: {  	v41 =	vld [tilespmem:s21+$0x1B200];
	v39 =	vperm.xlane v39, v35;
	_ =	sdelay $0x1  }
0x9ee: {  	(xrf2) =	vadd.scan.msk.f32 $0xffff, v39;
	_ =	sdelay $0x1  }
0x9ef: {  	v44 =	vperm.xlane v40, v35  }
0x9f0: {  	(xrf2) =	vadd.scan.msk.f32 $0xffff, v41  }
0x9f1: {  	(xrf2) =	vadd.scan.msk.f32 $0xffff, v44  }
0x9f2: {  	s23 =	simm.s32 $0x10;
	s19 =	spop (v2sf)  }
0x9f3: {  	s0 =	sadd.f32 s19, s0;
	s19 =	sand.u32 $0x1F0, s23  }
0x9f4: {  	s21 =	simm.s32 $0x1B1D0;
	v42 =	vld [tilespmem:s19+$0x1B200]  }
0x9f5: {  	v61 =	vld [tilespmem:s21+$0x0];
	_ =	sdelay $0x1  }
0x9f6: {  	v43, _, _ =	vpop (xrf2)  }
0x9f7: {  	(v2sf) =	vpush v43, $0xF  }
0x9f8: {  	(xrf2) =	vadd.scan.msk.f32 $0xffff, v42  }
0x9f9: {  	v46 =	vperm.xlane v61, v35;
	v45, _, _ =	vpop (xrf2)  }
0x9fa: {  	s19 =	simm.s32 $0x20;
	(v2sf) =	vpush v45, $0xF;
	v48, _, _ =	vpop (xrf2)  }
0x9fb: {  	s21 =	sand.u32 $0x1F0, s19;
	(xrf2) =	vadd.scan.msk.f32 $0xffff, v46;
	(v2sf) =	vpush v48, $0xF  }
0x9fc: {  	v47 =	vld [tilespmem:s21+$0x1B200];
	_ =	sdelay $0x3  }
0x9fd: {  	s22 =	simm.s32 $0x1B1C0  }
0x9fe: {  	v62 =	vld [tilespmem:s22+$0x0];
	s8 =	simm.s32 $0x30;
	(xrf2) =	vadd.scan.msk.f32 $0xffff, v47  }
0x9ff: {  	s22 =	sand.u32 $0x1F0, s8;
	s8 =	scvt.s32.f32 s8;
	v37 =	vmov s0;
	s0 =	simm.f32 $0.0e+00;
	v49, _, _ =	vpop (xrf2)  }
0xa00: {  	v43 =	vadd.f32 s0, v43;
	(v2sf) =	vpush v49, $0xF  }
0xa01: {  	v54 =	vadd.f32 s8, v36;
	s23 =	scvt.s32.f32 s23  }
0xa02: {  	s7 =	scvt.s32.f32 s7;
	v40 =	vld [tilespmem:s22+$0x1B200];
	s22 =	simm.s32 $0x1B1B0;
	s8 =	simm.s32 $0x40;
	v39 =	vsub.f32 v43, v39;
	v43 =	vadd.f32 v43, v37;
	v52, _, _ =	vpop (xrf2)  }
0xa03: {  	v55 =	vperm.xlane v62, v35;
	v63 =	vld [tilespmem:s22+$0x0];
	s22 =	scvt.s32.f32 s8;
	v51 =	vadd.f32 s23, v36;
	s23 =	spop (v2sf);
	(v2sf) =	vpush v52, $0xF  }
0xa04: {  	v50 =	vadd.f32 s7, v36;
	v43 =	vmax.f32 v43, $1.000000000e+00;
	v39 =	vadd.f32 v39, v37  }
0xa05: {  	v60 =	vadd.f32 s22, v36;
	s21 =	scvt.s32.f32 s19;
	(erf) = vrcp.f32 v43;
	(xrf2) =	vadd.scan.msk.f32 $0xffff, v55  }
0xa06: {  	v50 =	vadd.f32 $5.000000000e-01, v50;
	v39 =	vmax.f32 v39, $1.000000000e+00;
	s7 =	sadd.f32 s23, s0;
	s23 =	spop (v2sf)  }
0xa07: {  	v62 =	vadd.f32 $5.000000000e-01, v60;
	v45 =	vadd.f32 s0, v45;
	(erf) = vrcp.f32 v39;
	s0 =	sadd.f32 s23, s0;
	s23 =	spop (v2sf)  }
0xa08: {  	v51 =	vadd.f32 $5.000000000e-01, v51;
	v57, _, _ =	vpop (xrf2);
	v48 =	vadd.f32 s7, v48;
	s7 =	sadd.f32 s23, s7  }
0xa09: {  	v53 =	vadd.f32 s21, v36;
	v43 =	vperm.xlane v63, v35;
	(xrf2) =	vadd.scan.msk.f32 $0xffff, v40;
	(v2sf) =	vpush v57, $0xF  }
0xa0a: {  	v56 =	vadd.f32 v48, v37;
	v61 =	vadd.f32 s7, v52  }
0xa0b: {  	v41 =	vsub.f32 v45, v41;
	(xrf2) =	vadd.scan.msk.f32 $0xffff, v43;
	v44 =	vsub.f32 v48, v44  }
0xa0c: {  	s8 =	sand.u32 $0x1F0, s8;
	v45 =	vsub.f32 v37, v45;
	v59 =	vmax.f32 v56, $1.000000000e+00;
	v60 =	vadd.f32 v61, v37  }
0xa0d: {  	(erf) = vrcp.f32 v59;
	v59 =	vsub.f32 v61, v46;
	v61 =	vadd.f32 v44, v37;
	v44 =	vld [tilespmem:s8+$0x1B200]  }
0xa0e: {  	v53 =	vadd.f32 $5.000000000e-01, v53;
	v39 =	vmul.f32 $-1.953125000e-03, v50;
	v50 =	vsub.f32 v37, v41;
	v63 =	vpop (erf)  }
0xa0f: {  	v41 =	vadd.f32 $5.000000000e-01, v54;
	v45 =	vmul.f32 v63, v45;
	v49 =	vadd.f32 s0, v49;
	v54, _, _ =	vpop (xrf2);
	s22 =	spop (v2sf)  }
0xa10: {  	v58 =	vadd.f32 $1.000000000e+00, v39;
	v39 =	vmul.f32 $-1.953125000e-03, v62;
	v62 =	vpop (erf);
	(v2sf) =	vpush v54, $0xF;
	s0 =	sadd.f32 s22, s0  }
0xa11: {  	v50 =	vmul.f32 v62, v50;
	v45 =	vsub.f32 $1.000000000e+00, v45;
	s23 =	simm.s32 $0x1B1A0;
	v42 =	vsub.f32 v49, v42  }
0xa12: {  	s21 =	simm.s32 $0x50;
	v49 =	vsub.f32 v37, v49;
	v56 =	vmul.f32 $-1.953125000e-03, v51;
	v52 =	vadd.f32 s0, v57;
	v57 =	vld [tilespmem:s23+$0x0];
	(xrf2) =	vadd.scan.msk.f32 $0xffff, v44;
	s23 =	spop (v2sf)  }
0xa13: {  	v51, _, _ =	vpop (xrf2);
	v48 =	vsub.f32 v37, v42;
	v42 =	vmul.f32 $-1.953125000e-03, v53;
	v53 =	vmax.f32 v61, $1.000000000e+00;
	s22 =	scvt.s32.f32 s21;
	s7 =	sadd.f32 s23, s7  }
0xa14: {  	(v2sf) =	vpush v51, $0xF;
	v46 =	vmax.f32 v60, $1.000000000e+00;
	(erf) = vrcp.f32 v53  }
0xa15: {  	(erf) = vrcp.f32 v46;
	v46 =	vadd.f32 s22, v36;
	v60 =	vadd.f32 s7, v54;
	v54, _, _ =	vpop (xrf2)  }
0xa16: {  	v50 =	vadd.f32 $-1.000000000e+00, v50;
	s22 =	sand.u32 $0x1F0, s21;
	v63 =	vpop (erf);
	(v2sf) =	vpush v54, $0xF  }
0xa17: {  	v61 =	vadd.f32 $5.000000000e-01, v46;
	v46 =	vld [tilespmem:s22+$0x1B200];
	v53 =	vmul.f32 v63, v49;
	v49 =	vperm.xlane v57, v35  }
0xa18: {  	v45 =	vadd.f32 v50, v45;
	v47 =	vsub.f32 v52, v47  }
0xa19: {  	v38 =	vimm.f32 $0.0e+00;
	v41 =	vmul.f32 $-1.953125000e-03, v41;
	v50 =	vadd.f32 $1.000000000e+00, v56;
	s23 =	spop (v2sf);
	(xrf2) =	vadd.scan.msk.f32 $0xffff, v49  }
0xa1a: {  	v47 =	vsub.f32 v37, v47;
	s0 =	sadd.f32 s23, s0;
	v57 =	vmul.f32 v45, v58;
	v55 =	vsub.f32 v60, v55  }
0xa1b: {  	s19 =	simm.s32 $0x1B190;
	s8 =	simm.s32 $0x60;
	v45 =	vmul.f32 $-1.953125000e-03, v61;
	v58 =	vadd.f32 v59, v37;
	v56 =	vadd.f32 v60, v37  }
.LBB2_65:
0xa1c: {  	v59 =	vld [tilespmem:s19+$0x0];
	p2 =	sne.s32 s8, $0x1F0;
	(xrf2) =	vadd.scan.msk.f32 $0xffff, v46;
	v60 =	vadd.f32 s0, v51;
	v51, _, _ =	vpop (xrf2);
	v38 =	vadd.f32 v57, v38;
	v61 =	vmov v55;
	s21 =	smov.u32 s8;
	s8 =	sadd.s32 $0x10, s8  }
0xa1d: {  	v62 =	vsub.f32 v37, v52;
	v55 =	vmax.f32 v56, $1.000000000e+00;
	v56 =	vmax.f32 v58, $1.000000000e+00;
	v57 =	vpop (erf)  }
0xa1e: {  	(v2sf) =	vpush v51, $0xF;
	v58 =	vpop (erf);
	(erf) = vrcp.f32 v56;
	v63 =	vmul.f32 v57, v48  }
0xa1f: {  	s23 =	scvt.s32.f32 s21;
	v56 =	vsub.f32 v60, v40;
	v52 =	vmovc v60;
	v40 =	vmovc v44;
	(erf) = vrcp.f32 v55;
	s22 =	spop (v2sf);
	v55 =	vmul.f32 v58, v62  }
0xa20: {  	s21 =	sand.u32 $0x1F0, s21;
	v57 =	vsub.f32 $1.000000000e+00, v53;
	v44 =	vmovc v46;
	v48 =	vmovc v47;
	s7 =	sadd.f32 s22, s7;
	v58 =	vadd.f32 $-1.000000000e+00, v63;
	v60 =	vmov v39  }
.Ltmp36:
0xa21: {  	v62 =	vadd.f32 s23, v36;
	v47 =	vsub.f32 v37, v56;
	v39 =	vmovc v45;
	v46 =	vld [tilespmem:s21+$0x1B200];
	v59 =	vperm.xlane v59, v35;
	v53 =	vmovc v55;
	(pc) =	sbr.rel @p2 .LBB2_65-.Ltmp36, $4  }
0xa22: {  	v56 =	vadd.f32 s7, v54;
	v45 =	vadd.f32 v58, v57  }
0xa23: {  	v58 =	vadd.f32 $5.000000000e-01, v62;
	v62 =	vadd.f32 $1.000000000e+00, v42;
	v42 =	vmov v41;
	(xrf2) =	vadd.scan.msk.f32 $0xffff, v59;
	v54, _, _ =	vpop (xrf2);
	s21 =	spop (v2sf)  }
0xa24: {  	(v2sf) =	vpush v54, $0xF;
	v55 =	vsub.f32 v56, v43;
	s0 =	sadd.f32 s21, s0;
	v57 =	vmul.f32 v45, v50;
	v43 =	vmovc v49;
	v49 =	vmovc v59  }
0xa25: {  	s19 =	sadd.s32 $0xFFFFFFF0, s19;
	v41 =	vmovc v60;
	v45 =	vmul.f32 $-1.953125000e-03, v58;
	v56 =	vadd.f32 v56, v37;
	v58 =	vadd.f32 v61, v37;
	v50 =	vmovc v62  }
0xa26: {  	_ =	sdelay $0x7  }
0xa27: {  	v59, _, _ =	vpop (xrf2)  }
0xa28: {  	(v2sf) =	vpush v59, $0xF  }
0xa29: {  	s8 =	spop (v2sf)  }
0xa2a: {  	v51 =	vadd.f32 s0, v51;
	v38 =	vadd.f32 v57, v38;
	s7 =	sadd.f32 s8, s7  }
0xa2b: {  	v52 =	vsub.f32 v37, v52;
	v53 =	vsub.f32 $1.000000000e+00, v53;
	v56 =	vmax.f32 v56, $1.000000000e+00;
	s23 =	spop (v2sf)  }
0xa2c: {  	v55 =	vadd.f32 v55, v37;
	v58 =	vmax.f32 v58, $1.000000000e+00;
	v61 =	vpop (erf);
	v54 =	vadd.f32 s7, v54;
	s19 =	spop (v2sf)  }
0xa2d: {  	v42 =	vadd.f32 $1.000000000e+00, v42;
	(erf) = vrcp.f32 v58;
	v48 =	vmul.f32 v61, v48;
	s7 =	sadd.f32 s19, s7  }
0xa2e: {  	v55 =	vmax.f32 v55, $1.000000000e+00;
	(erf) = vrcp.f32 v56;
	v43 =	vsub.f32 v54, v43;
	v56, _, _ =	vpop (xrf2)  }
0xa2f: {  	(xrf2) =	vadd.scan.msk.f32 $0xffff, v46;
	v62 =	vpop (erf);
	(erf) = vrcp.f32 v55;
	v54 =	vadd.f32 v54, v37;
	v63 =	vadd.f32 s7, v56  }
0xa30: {  	v41 =	vadd.f32 $1.000000000e+00, v41;
	v43 =	vadd.f32 v43, v37  }
0xa31: {  	v48 =	vadd.f32 $-1.000000000e+00, v48;
	v57 =	vmax.f32 v54, $1.000000000e+00;
	v49 =	vsub.f32 v63, v49  }
0xa32: {  	(erf) = vrcp.f32 v57;
	v43 =	vmax.f32 v43, $1.000000000e+00;
	v58 =	vadd.f32 v63, v37  }
0xa33: {  	v39 =	vadd.f32 $1.000000000e+00, v39;
	(erf) = vrcp.f32 v43;
	v60 =	vadd.f32 v49, v37  }
0xa34: {  	v40 =	vsub.f32 v51, v40;
	v48 =	vadd.f32 v48, v53;
	s8 =	sadd.f32 s23, s0;
	v61 =	vmax.f32 v58, $1.000000000e+00  }
0xa35: {  	v52 =	vmul.f32 v62, v52;
	(erf) = vrcp.f32 v61;
	v43 =	vmax.f32 v60, $1.000000000e+00  }
0xa36: {  	v48 =	vmul.f32 v48, v50;
	v50 =	vadd.f32 s8, v59;
	v62 =	vpop (erf);
	(erf) = vrcp.f32 v43  }
0xa37: {  	v40 =	vsub.f32 v37, v40;
	v57 =	vsub.f32 v37, v51;
	v47 =	vmul.f32 v62, v47;
	s19 =	spop (v2sf);
	v63 =	vpop (erf)  }
0xa38: {  	v38 =	vadd.f32 v48, v38;
	v44 =	vsub.f32 v50, v44;
	s0 =	sadd.f32 s19, s8;
	v59 =	vpop (erf)  }
0xa39: {  	v47 =	vadd.f32 $-1.000000000e+00, v47;
	v58 =	vsub.f32 $1.000000000e+00, v52;
	v49, _, _ =	vpop (xrf2)  }
0xa3a: {  	v50 =	vsub.f32 v37, v50;
	v40 =	vmul.f32 v59, v40;
	v60 =	vadd.f32 s0, v49  }
0xa3b: {  	v44 =	vsub.f32 v37, v44;
	v47 =	vadd.f32 v47, v58;
	v43 =	vmul.f32 v63, v57;
	v61 =	vpop (erf)  }
0xa3c: {  	v63 =	vpop (erf);
	v40 =	vadd.f32 $-1.000000000e+00, v40;
	v62 =	vsub.f32 v60, v46  }
0xa3d: {  	v50 =	vmul.f32 v61, v50;
	v43 =	vsub.f32 $1.000000000e+00, v43;
	v44 =	vmul.f32 v63, v44  }
0xa3e: {  	v52 =	vsub.f32 v37, v60;
	v46 =	vsub.f32 v37, v62;
	v53 =	vpop (erf)  }
0xa3f: {  	v42 =	vmul.f32 v47, v42;
	v54 =	vsub.f32 $1.000000000e+00, v50;
	v44 =	vadd.f32 $-1.000000000e+00, v44;
	v55 =	vpop (erf)  }
0xa40: {  	v40 =	vadd.f32 v40, v43;
	v57 =	vmul.f32 v53, v52;
	v58 =	vmul.f32 v55, v46  }
0xa41: {  	v38 =	vadd.f32 v42, v38;
	v59 =	vadd.f32 v44, v54  }
0xa42: {  	v40 =	vmul.f32 v40, v41;
	v42 =	vsub.f32 $1.000000000e+00, v57;
	v43 =	vadd.f32 $-1.000000000e+00, v58  }
0xa43: {  	v60 =	vadd.f32 $1.000000000e+00, v45  }
0xa44: {  	v38 =	vadd.f32 v40, v38;
	v39 =	vmul.f32 v59, v39;
	v61 =	vadd.f32 v43, v42;
	_ =	sdelay $0x1  }
0xa45: {  	v38 =	vadd.f32 v39, v38;
	v62 =	vmul.f32 v61, v60;
	_ =	sdelay $0x1  }
0xa46: {  	(v2sf) =	vpush v56, $0xF;
	v38 =	vadd.f32 v62, v38  }
0xa47: {  	(v2sf) =	vpush v49, $0xF  }
0xa48: {  	(xrf2) =	vadd.scan.msk.f32 $0xffff, v38;
	_ =	sdelay $0x9  }
0xa49: {  	v38, _, _ =	vpop (xrf2)  }
0xa4a: {  	v38 =	vbroadcast v38, $0xF  }
0xa4b: {  	v63 =	vnsel vm0, $0x0, v37  }
0xa4c: {  	s21 =	spop (v2sf);
	s0 =	rddreg [dreg:$0x5];
	v37 =	vsel vm1, v38, v63  }
.Ltmp37:
0xa4d: {  	s23 =	simm.s32 $0x1B800;
	s22 =	spop (v2sf);
	[tilespmem:$0x1B800] =	vst v37;
	(pc) =	sbr.rel .LBB2_67-.Ltmp37, $4  }
0xa4e: {  	[hbm4b:s0+s2] =	stream.linear.scatter [tilespmem:s23], [sflag:$0x3], $0x10, $0x38;
	[tilespmem:$0x1E480] =	vst v63  }
0xa4f: {  	_ =	swait.ge [sflag:s30], $0x10  }
0xa50: {  	s22 =	smov.u32 s1;
	s1 =	smov.u32 s31;
	[sflag:s30] =	ssyncset.done $0x0  }
0xa51: {  	s31 =	simm.s32 $0xB000;
	s7 =	rddreg [dreg:$0x6];
	[sflag:s30] =	ssyncadd.s32 $0xFFFFFFF0  }
.LBB2_68:
0xa52: {  	_ =	sfence.sel $0x180000  }
0xa53: {  	[bflag:$0x0] =	sbarrier.arrive $0xFFFF  }
0xa54: {  	_ =	strace $0x9000004A  }
0xa55: {  	s0 =	stileid.u32;
	[bflag:$0x2] =	sbarrier.arrive $0xFFFF  }
0xa56: {  	p0 =	sne.s32 s0, $0x0;
	s0 =	rddreg [dreg:$0x2]  }
0xa57: {  	s0 =	sadd.s32 @!p0 $0x100000, s0  }
0xa58: {  	[sflag:s0] =	ssyncadd.tile.s32 @!p0 $0x1;
	_ =	shalt  }
.Lfunc_end2:
_tile_overlayer_lowered:
.L_overlay_start_2:
0xa59: {  	(tag) =	ssettag $0x2  }
0xa5a: {  	s0 =	rddreg [dreg:$0x0];
	s2 =	stileid.u32  }
0xa5b: {  	s1 =	rddreg [dreg:$0x1];
	p0 =	sne.s32 s2, $0x0  }
0xa5c: {  	s3 =	rddreg [dreg:$0x2];
	[bflag:$0x3] =	sbarrier.arrive $0xFFFF;
	s2 =	simm.s32 @!p0 $0x1C03  }
0xa5d: {  	[timem:s3], [sflag:s2] =	dma.local @!p0 [hbm:s0], s1  }
0xa5e: {  	s0 =	simm.s32 @!p0 $0x3  }
0xa5f: {  	_ =	swait.ge @!p0 [sflag:s0], s1  }
0xa60: {  	s1 =	ssub.s32 @!p0 $0x0, s1;
	[sflag:s0] =	ssyncset.done @!p0 $0x0  }
0xa61: {  	[sflag:s0] =	ssyncadd.s32 @!p0 s1  }
0xa62: {  	[bflag:$0x3] =	sbarrier.arrive $0xFFFF  }
0xa63: {  	_ =	shalt  }

// kernel: sparse-core-data-format-call.cloned.1.call-start
scs
called_computation_lowered:
.L_overlay_start_0:
0x0: {  	s2 =	sld [smem:$0x3FD9]  }
0x1: {  	s3 =	sld [smem:$0x3FFE];
	_ =	sdelay $0x1  }
0x2: {  	s1 =	srdreg.scid  }
0x3: {  	s0 =	sand.u32 $0x1, s1  }
0x4: {  	s18 =	sshll.u32 s0, $0xA;
	s2 =	sadd.s32 s3, s2  }
0x5: {  	s2 =	sadd.s32 s2, s18  }
0x6: {  	[smem:$0x3FC6] =	sst s2  }
0x7: {  	_ = 	snop  }
0x8: {  	s2 =	sld [smem:$0x3FC9];
	(tm) =	ssettm $0x1  }
0x9: {  	s19 =	sld [smem:$0x3FFB];
	_ =	sdelay $0x3  }
0xa: {  	_ =	strace s19  }
0xb: {  	s3 =	sld [smem:$0x3FFC];
	_ =	sdelay $0x3  }
0xc: {  	_ =	strace s3  }
0xd: {  	s3 =	sld [smem:$0x3FFD];
	_ =	sdelay $0x3  }
0xe: {  	_ =	strace s3  }
0xf: {  	_ =	strace $0x8FFFFFFF  }
0x10: {  	s20 =	sld [smem:$0x3FDB];
	_ =	sdelay $0x1  }
0x11: {  	s4 =	simm.s32 $_scs_section_size  }
0x12: {  	s5 =	simm.s32 $_size__tile_overlayer_lowered;
	s6 =	simm.s32 $_tile_overlayer_lowered  }
0x13: {  	s23 =	simm.s32 $0x1BFF;
	s22 =	sshll.u32 s6, $0x1;
	s3 =	sadd.s32 s4, s20  }
0x14: {  	s7 =	simm.s32 $0x0;
	s21 =	sshll.u32 s5, $0x1;
	s5 =	sadd.s32 s22, s3  }
0x15: {  	[timem:s7], [sflag:s23] =	dma.local [hbm:s5], s21  }
0x16: {  	_ =	swait.ge [sflag:s23], s21  }
0x17: {  	s4 =	ssub.s32 $0x0, s21;
	[sflag:s23] =	ssyncset.done $0x0  }
0x18: {  	[sflag:s23] =	ssyncadd.s32 s4;
	_ =	sdelay $0x1  }
0x19: {  	s24 =	simm.s32 $0x1B8B  }
0x1a: {  	_ =	swait.ge [sflag:s24], $0x1  }
0x1b: {  	[sflag:s24] =	ssyncset.done $0x0  }
0x1c: {  	s26 =	simm.s32 $0x1B8E;
	s25 =	sld [smem:$0x3FFE];
	[sflag:s24] =	ssyncadd.s32 $0xFFFFFFFF  }
0x1d: {  	s27 =	simm.s32 $execute0_lowered;
	[smem:$0x3FD2] =	sst s26  }
0x1e: {  	s5 =	sshll.u32 s27, $0x1;
	_ =	strace $0x80000046;
	[dreg:$0x1] =	wrdreg $0xFFFFFFFF  }
0x1f: {  	s28 =	simm.s32 $_size_execute0_lowered;
	s3 =	sadd.s32 s3, s5;
	[dreg:$0x0] =	wrdreg $0x0  }
0x20: {  	s5 =	sshll.u32 s28, $0x1;
	[dreg:$0x2] =	wrdreg s3  }
0x21: {  	[dreg:$0x3] =	wrdreg s5  }
0x22: {  	[dreg:$0x4] =	wrdreg $0xC0  }
0x23: {  	_ =	task [dreg:s7], $0x5FFFF  }
0x24: {  	[dreg:$0x1] =	wrdreg $0xFFFFFFFF  }
0x25: {  	[dreg:$0x0] =	wrdreg $0x60  }
0x26: {  	[dreg:$0x2] =	wrdreg s2  }
0x27: {  	[dreg:$0x3] =	wrdreg s25  }
0x28: {  	[dreg:$0x4] =	wrdreg $0x9  }
0x29: {  	_ =	task.clear_ibuf [dreg:s7], $0x5FFFF;
	_ =	strace $0x90000046  }
0x2a: {  	s29 =	simm.s32 $0x9;
	_ =	strace $0x80000048  }
0x2b: {  	_ =	swait.ge [sflag:s29], $0x1  }
0x2c: {  	[sflag:s29] =	ssyncadd.s32 $0xFFFFFFFF  }
0x2d: {  	_ =	strace $0x90000048  }
0x2e: {  	_ =	sfence  }
0x2f: {  	s30 =	sld [smem:$0x0];
	_ =	sdelay $0x2  }
0x30: {  	s31 =	sshll.u32 s1, $0xD;
	s1 =	sshrl.u32 s1, $0x2  }
0x31: {  	s3 =	sand.u32 $0x4000, s31;
	s1 =	sadd.s32 s1, s30  }
0x32: {  	s0 =	sor.u32 s3, s0;
	s1 =	sshll.u32 s1, $0x11  }
0x33: {  	s0 =	sor.u32 s1, s0  }
0x34: {  	s0 =	sadd.s32 $0x8F2B, s0  }
0x35: {  	[sflag:s0] =	ssyncadd.remote.s32 $0x1  }
0x36: {  	_ =	sfence.sel $0xFFFF  }
0x37: {  	[dreg:$0x0] =	wrdreg $0xFFFFFFFF;
	(pc) =	sbr.abs _section_cstart, $3  }
0x38: {  	[dreg:$0x1] =	wrdreg $0xFFFFFFFF  }
0x39: {  	_ =	task.clear_ibuf [dreg:s7], $0x2FFFF;
	_ =	strace $0x9FFFFFFF  }
0x3a: {  	(tm) =	ssettm $0x7FFFFFFF  }
0x3b: {  	_ =	shalt  }
tec
execute0_lowered:
.L_overlay_start_1:
0x0: {  	(tag) =	ssettag $0x1  }
0x1: {  	s0 =	srdreg.scid  }
0x2: {  	s1 =	sshll.u32 s0, $0x4  }
0x3: {  	s2 =	rddreg [dreg:$0x0];
	s0 =	stileid.u32;
	s1 =	sand.u32 $0x10, s1  }
0x4: {  	s4 =	rddreg [dreg:$0x1];
	s7 =	simm.s32 $0x1;
	s1 =	sor.u32 s0, s1  }
0x5: {  	s8 =	simm.s32 $0x2;
	s9 =	simm.s32 $0x0;
	s3 =	sshll.u32 s1, $0x2  }
0x6: {  	s12 =	simm.s32 $0x0;
	s11 =	simm.s32 $0x0;
	s6 =	ssub.s32 $0x2A00, s3  }
.Ltmp0:
0x7: {  	s4 =	sadd.s32 $0x200, s4;
	s5 =	sand.u32 $0x7C, s6;
	(pc) =	sbr.rel .LBB1_1-.Ltmp0, $4  }
0x8: {  	s1 =	rddreg [dreg:$0x2];
	_ =	strace $0x80000047;
	p0 =	sne.s32 s5, $0x0  }
0x9: {  	s6 =	sshrl.u32 s6, $0x7;
	s5 =	simm.s32 $0x1;
	s7 =	simm.s32 @!p0 $0x0  }
0xa: {  	s10 =	smov.u32 s3;
	[sflag:s5] =	ssyncpa.u1 $0x0;
	s6 =	sadd.s32 s7, s6  }
0xb: {  	[sflag:s8] =	ssyncpa.u1 $0x0;
	s8 =	simm.s32 $0x0;
	s7 =	sadd.s32 $0x1, s6  }
.LBB1_9:
0xc: {  	s14 =	sadd.s32 $0x80, s10  }
0xd: {  	p1 =	sgt.s32 s14, $0x29FF  }
0xe: {  	s14 =	smov.u32 @p1 s3;
	p1 =	sne.s32 s11, s7  }
.Ltmp1:
0xf: {  	p0 =	slt.u32 s11, $0x2;
	(pc) =	sbr.rel @!p1 .LBB1_10-.Ltmp1, $4  }
0x10: {  	s13 =	simm.s32 @!p0 $0x2  }
0x11: {  	s15 =	sadd.s32 $0x1, s11;
	_ =	swait.ge @!p0 [sflag:s13], $0x4000  }
0x12: {  	s12 =	smov.u32 s10;
	s9 =	sadd.s32 $0x4000, s9;
	[sflag:s13] =	ssyncset.done @!p0 $0x0  }
0x13: {  	s11 =	smov.u32 s15;
	s10 =	smov.u32 s14;
	[sflag:s13] =	ssyncadd.s32 @!p0 $0xFFFFC000  }
.LBB1_1:
0x14: {  	p0 =	sge.u32 s11, s6  }
0x15: {  	s13 =	sxor.u32 @!p0 $0xFFFFFFFF, s11  }
0x16: {  	s31 =	sadd.s32 $0xFFFFFFFF, s11;
	s14 =	sshll.u32 @!p0 s10, $0x9;
	s13 =	sshll.u32 @!p0 s13, $0xE  }
0x17: {  	s15 =	simm.s32 @!p0 $0x0;
	s14 =	sadd.s32 @!p0 s2, s14;
	s13 =	sand.u32 @!p0 $0x4000, s13  }
0x18: {  	[tilespmem:s13], [sflag:$0x1] =	stream.linear.gather @!p0 [hbm4b:s14+s15], $0x4000, $0x38;
	[tilespmem:$0x10000] =	vst v63  }
0x19: {  	p0 =	sge.u32 s31, s6  }
.Ltmp2:
0x1a: {  	_ = 	snop;
	(pc) =	sbr.rel @p0 .LBB1_9-.Ltmp2, $1  }
0x1b: {  	_ =	sdelay $0x3  }
0x1c: {  	s14 =	sand.u32 $0x4000, s9  }
0x1d: {  	_ =	swait.ge [sflag:s5], $0x4000;
	s15 =	sshll.u32 s11, $0xE;
	s16 =	simm.s32 $0x0  }
0x1e: {  	s13 =	sor.u32 $0x40, s14;
	[sflag:s5] =	ssyncset.done $0x0;
	s15 =	sand.u32 $0x4000, s15  }
0x1f: {  	s14 =	sor.u32 $0x8040, s14;
	[sflag:s5] =	ssyncadd.s32 $0xFFFFC000;
	s15 =	sor.u32 $0x8000, s15  }
.LBB1_3:
0x20: {  	s17 =	smov.u32 s14;
	s18 =	smov.u32 s13;
	s19 =	simm.s32 $0x0  }
.LBB1_4:
0x21: {  	v0 =	vmov s17;
	v2 =	vld [tilespmem:s18+$0x30]  }
0x22: {  	v4 =	vld [tilespmem:s18+$0xFFFFFFD0]  }
0x23: {  	v6 =	vld [tilespmem:s18+$0xFFFFFFE0]  }
0x24: {  	v7 =	vld [tilespmem:s18+$0xFFFFFFF0]  }
0x25: {  	s20 =	simm.s32 $0x0;
	v1 =	vld [tilespmem:s18+$0x0]  }
0x26: {  	v3 =	vld [tilespmem:s18+$0x10];
	[tilespmem:v0+s20+$0x30 ss:$0x1] =	vst.idx.msk $0xffff, v2  }
0x27: {  	v5 =	vld [tilespmem:s18+$0x20];
	[tilespmem:v0+s20+$0xFFFFFFD0 ss:$0x1] =	vst.idx.msk $0xffff, v4  }
0x28: {  	s21 =	sadd.s32 $0x80, s18;
	v2 =	vld [tilespmem:s18+$0xFFFFFFC0];
	[tilespmem:v0+s20+$0xFFFFFFE0 ss:$0x1] =	vst.idx.msk $0xffff, v6  }
0x29: {  	s22 =	simm.s32 $0x800;
	s23 =	simm.s32 $0x1000;
	v4 =	vld [tilespmem:s21+$0x30];
	[tilespmem:v0+s20+$0xFFFFFFF0 ss:$0x1] =	vst.idx.msk $0xffff, v7  }
.LBB1_5:
0x2a: {  	p0 =	sne.s32 s23, $0x3800;
	v6 =	vld [tilespmem:s21+$0xFFFFFFD0];
	[tilespmem:v0+s20+$0x0 ss:$0x1] =	vst.idx.msk $0xffff, v1  }
0x2b: {  	v7 =	vld [tilespmem:s21+$0xFFFFFFE0];
	[tilespmem:v0+s20+$0x10 ss:$0x1] =	vst.idx.msk $0xffff, v3  }
0x2c: {  	v8 =	vld [tilespmem:s21+$0xFFFFFFF0];
	[tilespmem:v0+s20+$0x20 ss:$0x1] =	vst.idx.msk $0xffff, v5  }
.Ltmp3:
0x2d: {  	v1 =	vld [tilespmem:s21+$0x0];
	[tilespmem:v0+s20+$0xFFFFFFC0 ss:$0x1] =	vst.idx.msk $0xffff, v2;
	s20 =	sshra.s32 s22, $0x2;
	s22 =	smov.u32 s23;
	(pc) =	sbr.rel @p0 .LBB1_5-.Ltmp3, $4  }
0x2e: {  	v3 =	vld [tilespmem:s21+$0x10];
	[tilespmem:v0+s20+$0x30 ss:$0x1] =	vst.idx.msk $0xffff, v4  }
0x2f: {  	[tilespmem:v0+s20+$0xFFFFFFD0 ss:$0x1] =	vst.idx.msk $0xffff, v6;
	v5 =	vld [tilespmem:s21+$0x20]  }
0x30: {  	v2 =	vld [tilespmem:s21+$0xFFFFFFC0];
	[tilespmem:v0+s20+$0xFFFFFFE0 ss:$0x1] =	vst.idx.msk $0xffff, v7;
	s21 =	sadd.s32 $0x80, s21  }
0x31: {  	s23 =	sadd.s32 $0x800, s23;
	v4 =	vld [tilespmem:s21+$0x30];
	[tilespmem:v0+s20+$0xFFFFFFF0 ss:$0x1] =	vst.idx.msk $0xffff, v8  }
0x32: {  	_ =	sdelay $0x3  }
0x33: {  	v6 =	vld [tilespmem:s21+$0xFFFFFFD0];
	[tilespmem:v0+s20+$0x0 ss:$0x1] =	vst.idx.msk $0xffff, v1  }
0x34: {  	v58 =	vld [tilespmem:s21+$0xFFFFFFE0];
	[tilespmem:v0+s20+$0x10 ss:$0x1] =	vst.idx.msk $0xffff, v3  }
0x35: {  	v59 =	vld [tilespmem:s21+$0xFFFFFFF0];
	[tilespmem:v0+s20+$0x20 ss:$0x1] =	vst.idx.msk $0xffff, v5  }
0x36: {  	s22 =	sshra.s32 s22, $0x2;
	v60 =	vld [tilespmem:s21+$0x0];
	[tilespmem:v0+s20+$0xFFFFFFC0 ss:$0x1] =	vst.idx.msk $0xffff, v2  }
0x37: {  	v61 =	vld [tilespmem:s21+$0x10];
	[tilespmem:v0+s22+$0x30 ss:$0x1] =	vst.idx.msk $0xffff, v4  }
0x38: {  	v62 =	vld [tilespmem:s21+$0x20];
	s19 =	sadd.s32 $0x1, s19;
	[tilespmem:v0+s22+$0xFFFFFFD0 ss:$0x1] =	vst.idx.msk $0xffff, v6  }
0x39: {  	v63 =	vld [tilespmem:s21+$0xFFFFFFC0];
	p0 =	sne.s32 s19, $0x4;
	[tilespmem:v0+s22+$0xFFFFFFE0 ss:$0x1] =	vst.idx.msk $0xffff, v58  }
.Ltmp4:
0x3a: {  	[tilespmem:v0+s22+$0xFFFFFFF0 ss:$0x1] =	vst.idx.msk $0xffff, v59;
	(pc) =	sbr.rel @p0 .LBB1_4-.Ltmp4, $4  }
0x3b: {  	[tilespmem:v0+s22+$0x0 ss:$0x1] =	vst.idx.msk $0xffff, v60  }
0x3c: {  	[tilespmem:v0+s22+$0x10 ss:$0x1] =	vst.idx.msk $0xffff, v61  }
0x3d: {  	[tilespmem:v0+s22+$0x20 ss:$0x1] =	vst.idx.msk $0xffff, v62  }
0x3e: {  	s18 =	sadd.s32 $0x400, s18;
	s17 =	sadd.s32 $0x80, s17;
	[tilespmem:v0+s22+$0xFFFFFFC0 ss:$0x1] =	vst.idx.msk $0xffff, v63  }
0x3f: {  	s16 =	sadd.s32 $0x1, s16  }
0x40: {  	p0 =	sne.s32 s16, $0x4  }
.Ltmp5:
0x41: {  	_ = 	snop;
	(pc) =	sbr.rel @p0 .LBB1_3-.Ltmp5, $2  }
0x42: {  	_ =	sdelay $0x2  }
0x43: {  	s13 =	sadd.s32 $0x1000, s13;
	s14 =	sadd.s32 $0x1000, s14  }
.Ltmp6:
0x44: {  	(pc) =	sbr.rel .LBB1_9-.Ltmp6, $4  }
0x45: {  	_ = 	snop  }
0x46: {  	s12 =	sshll.u32 s12, $0x9  }
0x47: {  	s12 =	sadd.s32 s4, s12  }
0x48: {  	[hbm4b:s12+s8] =	stream.linear.scatter [tilespmem:s15], [sflag:$0x2], $0x4000, $0x38;
	[tilespmem:$0x10000] =	vst v63  }
.LBB1_10:
0x49: {  	_ =	sfence.sel $0x180000  }
0x4a: {  	s2 =	simm.s32 $0x1;
	[bflag:$0x0] =	sbarrier.arrive $0xFFFF  }
0x4b: {  	s31 =	simm.s32 $0x2;
	[sflag:s2] =	ssyncpa.u1 $0x1  }
0x4c: {  	[sflag:s31] =	ssyncpa.u1 $0x1  }
0x4d: {  	p0 =	sne.s32 s0, $0x0;
	_ =	strace $0x90000047  }
0x4e: {  	s0 =	sadd.s32 @!p0 $0x100000, s1;
	[bflag:$0x2] =	sbarrier.arrive $0xFFFF  }
0x4f: {  	[sflag:s0] =	ssyncadd.tile.s32 @!p0 $0x1;
	_ =	shalt  }
.Lfunc_end1:
_tile_overlayer_lowered:
.L_overlay_start_2:
0x50: {  	(tag) =	ssettag $0x2  }
0x51: {  	s0 =	rddreg [dreg:$0x0];
	s2 =	stileid.u32  }
0x52: {  	s1 =	rddreg [dreg:$0x1];
	p0 =	sne.s32 s2, $0x0  }
0x53: {  	s3 =	rddreg [dreg:$0x2];
	[bflag:$0x3] =	sbarrier.arrive $0xFFFF;
	s2 =	simm.s32 @!p0 $0x1C01  }
0x54: {  	[timem:s3], [sflag:s2] =	dma.local @!p0 [hbm:s0], s1  }
0x55: {  	s0 =	simm.s32 @!p0 $0x1  }
0x56: {  	_ =	swait.ge @!p0 [sflag:s0], s1  }
0x57: {  	s1 =	ssub.s32 @!p0 $0x0, s1;
	[sflag:s0] =	ssyncset.done @!p0 $0x0  }
0x58: {  	[sflag:s0] =	ssyncadd.s32 @!p0 s1  }
0x59: {  	[bflag:$0x3] =	sbarrier.arrive $0xFFFF  }
0x5a: {  	_ =	shalt  }

</sc_bundles>
